<compile_context>
chip_gen: v7x
topology: tpu7x:2x2x1
jax: 0.10.2.dev20260603
libtpu: 0.0.44.dev20260713+nightly
codegen_flags: <defaults>
</compile_context>

<pallas_src>
import jax
import jax.numpy as jnp
from jax import lax
from jax.experimental import pallas as pl
from jax.experimental.pallas import tpu as pltpu
from jax.experimental.pallas import tpu_sc as plsc

N = 10000
E = 320000
LM = 768
H = 160
HH = 80
NR = 2
S = NR * N
R2 = 2 * N

NC, NS = 2, 16
CH = 80
EPT = E // NS
NCHUNK = EPT // CH
RPT = S // NS
CPT = E // (NC * NS)
SB = 50

BN = 1000


def _leaky(x):
    return jnp.where(x >= 0, x, 0.01 * x)



def _sc_mesh():
    return plsc.VectorSubcoreMesh(
        core_axis_name="c", subcore_axis_name="s",
        num_cores=NC, num_subcores=NS)


def _sc_params():
    return pltpu.CompilerParams(use_tc_tiling_on_sc=False)


def _spmem_writeout(shared, hbm_dst, rbase, width):
    for r in range(RPT // 125):
        sl = pl.ds(rbase + r * 125, 125)
        pltpu.sync_copy(shared.at[sl], hbm_dst.at[sl])


def _sc_count_body(key2, cnt_out, cnt, key_b, ones_b):
    c = lax.axis_index("c")
    s = lax.axis_index("s")

    zero16 = jnp.zeros((16,), jnp.float32)
    one16 = jnp.ones((16,), jnp.float32)

    def zinit(j, carry):
        ones_b[j, :] = zero16
        return carry
    lax.fori_loop(0, CH, zinit, 0)

    rbase = s * RPT
    for r in range(RPT // CH):
        pltpu.sync_copy(ones_b, cnt.at[pl.ds(rbase + r * CH, CH)])
    pltpu.sync_copy(ones_b.at[pl.ds(0, RPT - (RPT // CH) * CH)],
                    cnt.at[pl.ds(rbase + (RPT // CH) * CH,
                                 RPT - (RPT // CH) * CH)])

    def oinit(j, carry):
        ones_b[j, :] = one16
        return carry
    lax.fori_loop(0, CH, oinit, 0)

    plsc.subcore_barrier()

    crow0 = (c * (E // NC) + s * CPT) // CH
    pltpu.sync_copy(key2.at[pl.ds(crow0, CPT // CH)], key_b)

    def loop_body(ch, carry):
        pltpu.sync_copy(ones_b, cnt.at[key_b.at[ch]], add=True)
        return carry
    lax.fori_loop(0, CPT // CH, loop_body, 0)

    plsc.subcore_barrier()
    _spmem_writeout(cnt, cnt_out.at[c], rbase, 16)


_sc_counts = pl.kernel(
    _sc_count_body,
    out_type=jax.ShapeDtypeStruct((NC, S, 16), jnp.float32),
    mesh=_sc_mesh(),
    scratch_types=[
        pltpu.VMEM_SHARED((S, 16), jnp.float32),
        pltpu.VMEM((CPT // CH, CH), jnp.int32),
        pltpu.VMEM((CH, 16), jnp.float32),
    ],
    compiler_params=_sc_params(),
)


def _sc_sum_body(h2, gidx2, key2, sums, acc,
                 idx_b, key_b, row_a, row_b, row_c, sem_a, sem_b, sem_c):
    c = lax.axis_index("c")
    s = lax.axis_index("s")

    zero16 = jnp.zeros((16,), jnp.float32)

    def zinit(j, carry):
        for k in range(HH // 16):
            row_a[j, pl.ds(k * 16, 16)] = zero16
        return carry
    lax.fori_loop(0, CH, zinit, 0)

    rbase = s * RPT
    for r in range(RPT // CH):
        pltpu.sync_copy(row_a, acc.at[pl.ds(rbase + r * CH, CH)])
    pltpu.sync_copy(row_a.at[pl.ds(0, RPT - (RPT // CH) * CH)],
                    acc.at[pl.ds(rbase + (RPT // CH) * CH,
                                 RPT - (RPT // CH) * CH)])

    plsc.subcore_barrier()

    tile_row0 = s * NCHUNK

    def superblock(sb, carry):
        r0 = tile_row0 + sb * SB
        pltpu.sync_copy(gidx2.at[pl.ds(c * (E // CH) + r0, SB)], idx_b)
        pltpu.sync_copy(key2.at[pl.ds(r0, SB)], key_b)

        def fire(jj, rowr, sem):
            pltpu.async_copy(h2.at[idx_b.at[jj]], rowr, sem)

        def wait(jj, rowr, sem):
            pltpu.make_async_copy(h2.at[idx_b.at[jj]], rowr, sem).wait()

        def process(jj, rowr):
            pltpu.sync_copy(rowr, acc.at[key_b.at[jj]], add=True)

        bufs = ((row_a, sem_a), (row_b, sem_b), (row_c, sem_c))
        for k in range(3):
            fire(k, *bufs[k])

        def trio(j3, carry3):
            jj = 3 * j3
            for k in range(3):
                wait(jj + k, *bufs[k])
                process(jj + k, bufs[k][0])
                fire(jj + k + 3, *bufs[k])
            return carry3
        lax.fori_loop(0, (SB - 3) // 3, trio, 0)

        base = ((SB - 3) // 3) * 3
        for k in range(3):
            wait(base + k, *bufs[k])
            process(base + k, bufs[k][0])
            if base + k + 3 < SB:
                fire(base + k + 3, *bufs[k])
        for jj in range(base + 3, SB):
            k = jj % 3
            wait(jj, *bufs[k])
            process(jj, bufs[k][0])
        return carry
    lax.fori_loop(0, NCHUNK // SB, superblock, 0)

    plsc.subcore_barrier()
    _spmem_writeout(acc, sums.at[c], rbase, HH)


_sc_pass = pl.kernel(
    _sc_sum_body,
    out_type=jax.ShapeDtypeStruct((NC, S, HH), jnp.float32),
    mesh=_sc_mesh(),
    scratch_types=[
        pltpu.VMEM_SHARED((S, HH), jnp.float32),
        pltpu.VMEM((SB, CH), jnp.int32),
        pltpu.VMEM((SB, CH), jnp.int32),
        pltpu.VMEM((CH, HH), jnp.float32),
        pltpu.VMEM((CH, HH), jnp.float32),
        pltpu.VMEM((CH, HH), jnp.float32),
        pltpu.SemaphoreType.DMA,
        pltpu.SemaphoreType.DMA,
        pltpu.SemaphoreType.DMA,
    ],
    compiler_params=_sc_params(),
)



def _dot(a, b):
    return jnp.dot(a, b, preferred_element_type=jnp.float32,
                   precision=lax.Precision.DEFAULT)


def _enc_body(np_, nc_, de_, tw_, px_, WnT, bn, WcT, bc, WdT, bd, WtT, bt,
              WpT, bp, WiT, bi, h_out):
    n = _leaky(_dot(np_[...], WnT[...]) + bn[...])
    c = _leaky(_dot(nc_[...], WcT[...]) + bc[...])
    d = _leaky(_dot(de_[...], WdT[...]) + bd[...])
    t = _leaky(_dot(tw_[...], WtT[...]) + bt[...])
    p = _leaky(_dot(px_[...], WpT[...]) + bp[...])
    h0 = jnp.concatenate([n, c, d, t, p], axis=1)
    h_out[...] = _leaky(_dot(h0, WiT[...]) + bi[...])


def _encoder(np_a, nc_a, de_a, tw_a, px_a, WnT, bn, WcT, bc, WdT, bd,
             WtT, bt, WpT, bp, WiT, bi):
    row = lambda i: (i, 0)
    full = lambda i: (0, 0)
    specs = [
        pl.BlockSpec((BN, 6), row), pl.BlockSpec((BN, 11), row),
        pl.BlockSpec((BN, LM), row), pl.BlockSpec((BN, LM), row),
        pl.BlockSpec((BN, LM), row),
        pl.BlockSpec((6, 32), full), pl.BlockSpec((1, 32), full),
        pl.BlockSpec((11, 32), full), pl.BlockSpec((1, 32), full),
        pl.BlockSpec((LM, 32), full), pl.BlockSpec((1, 32), full),
        pl.BlockSpec((LM, 32), full), pl.BlockSpec((1, 32), full),
        pl.BlockSpec((LM, 32), full), pl.BlockSpec((1, 32), full),
        pl.BlockSpec((H, H), full), pl.BlockSpec((1, H), full),
    ]
    return pl.pallas_call(
        _enc_body,
        grid=(N // BN,),
        in_specs=specs,
        out_specs=pl.BlockSpec((BN, H), row),
        out_shape=jax.ShapeDtypeStruct((N, H), jnp.float32),
    )(np_a, nc_a, de_a, tw_a, px_a, WnT, bn, WcT, bc, WdT, bd, WtT, bt,
      WpT, bp, WiT, bi)


def _mix(h, sv, cv, root, W0, W1, cb):
    s0 = jnp.concatenate([sv[0, 0], sv[1, 0]], axis=1)
    s1 = jnp.concatenate([sv[0, 1], sv[1, 1]], axis=1)
    c0 = jnp.max(cv[0, 0], axis=1, keepdims=True) + jnp.max(cv[1, 0], axis=1, keepdims=True)
    c1 = jnp.max(cv[0, 1], axis=1, keepdims=True) + jnp.max(cv[1, 1], axis=1, keepdims=True)
    inv0 = 1.0 / jnp.maximum(c0, 1.0)
    inv1 = 1.0 / jnp.maximum(c1, 1.0)
    return (_dot(h[...], root[...]) + cb[...]
            + _dot(s0, W0[...]) * inv0
            + _dot(s1, W1[...]) * inv1)


def _combine_body(h, sv, cv, root, W0, W1, cb, out):
    out[...] = _mix(h, sv, cv, root, W0, W1, cb)


def _combine_specs():
    row = lambda i: (i, 0)
    return [
        pl.BlockSpec((BN, H), row),
        pl.BlockSpec((2, 2, BN, HH), lambda i: (0, 0, i, 0)),
        pl.BlockSpec((2, 2, BN, 16), lambda i: (0, 0, i, 0)),
        pl.BlockSpec((H, H), lambda i: (0, 0)),
        pl.BlockSpec((H, H), lambda i: (0, 0)),
        pl.BlockSpec((H, H), lambda i: (0, 0)),
        pl.BlockSpec((1, H), lambda i: (0, 0)),
    ]


def _combine(h, sv, cv, root, W0, W1, cb):
    return pl.pallas_call(
        _combine_body,
        grid=(N // BN,),
        in_specs=_combine_specs(),
        out_specs=pl.BlockSpec((BN, H), lambda i: (i, 0)),
        out_shape=jax.ShapeDtypeStruct((N, H), jnp.float32),
    )(h, sv, cv, root, W0, W1, cb)


def _final_body(h, sv, cv, root, W0, W1, cb, Wo1T, bo1, Wo2T, bo2,
                logits, em):
    g = _mix(h, sv, cv, root, W0, W1, cb)
    e = _leaky(_dot(g, Wo1T[...]) + bo1[...])
    em[...] = e
    logits[...] = _dot(e, Wo2T[...]) + bo2[...]


def _final(h, sv, cv, root, W0, W1, cb, Wo1T, bo1, Wo2T, bo2):
    full = lambda i: (0, 0)
    specs = _combine_specs() + [
        pl.BlockSpec((H, 80), full), pl.BlockSpec((1, 80), full),
        pl.BlockSpec((80, 2), full), pl.BlockSpec((1, 2), full),
    ]
    return pl.pallas_call(
        _final_body,
        grid=(N // BN,),
        in_specs=specs,
        out_specs=[pl.BlockSpec((BN, 2), lambda i: (i, 0)),
                   pl.BlockSpec((BN, 80), lambda i: (i, 0))],
        out_shape=[jax.ShapeDtypeStruct((N, 2), jnp.float32),
                   jax.ShapeDtypeStruct((N, 80), jnp.float32)],
    )(h, sv, cv, root, W0, W1, cb, Wo1T, bo1, Wo2T, bo2)



def kernel(pre_x, x, edge_index, edge_type, num_prop, num_category,
           des_tensor, tweet_tensor, Wn, bn, Wc, bc, Wd, bd, Wt, bt, Wp, bp,
           Wi, bi, W1, root1, cb1, W2, root2, cb2, Wo1, bo1, Wo2, bo2):
    src = edge_index[0]
    dst = edge_index[1]
    gidx2 = jnp.concatenate([src * 2, src * 2 + 1]).reshape(2 * E // CH, CH)
    key2 = (edge_type * N + dst).reshape(E // CH, CH)

    h0 = _encoder(num_prop, num_category, des_tensor, tweet_tensor, pre_x,
                  Wn.T, bn.reshape(1, -1), Wc.T, bc.reshape(1, -1),
                  Wd.T, bd.reshape(1, -1), Wt.T, bt.reshape(1, -1),
                  Wp.T, bp.reshape(1, -1), Wi.T, bi.reshape(1, -1))

    cnt2 = _sc_counts(key2)
    cv = cnt2.reshape(NC, NR, N, 16)
    sumsA = _sc_pass(h0.reshape(R2, HH), gidx2, key2)
    h1 = _combine(h0, sumsA.reshape(NC, NR, N, HH), cv,
                  root1, W1[0], W1[1], cb1.reshape(1, -1))

    sumsB = _sc_pass(h1.reshape(R2, HH), gidx2, key2)
    logits, em = _final(h1, sumsB.reshape(NC, NR, N, HH), cv,
                        root2, W2[0], W2[1], cb2.reshape(1, -1),
                        Wo1.T, bo1.reshape(1, -1), Wo2.T, bo2.reshape(1, -1))
    return (logits, em)

# --- scband reference (transcript-rebuilt; emitter-appended) ---
"""Pipeline reference for scband-rgcn-28432683499969 (READ-ONLY COPY).

The authoritative reference and input builder live on the scoring server;
editing this copy changes nothing except your own understanding.
"""

import jax, jax.numpy as jnp
import numpy as np

N = 10000
E = 320000
LM = 768
H = 160
NR = 2

def _leaky(x):
    return jnp.where(x >= 0, x, 0.01 * x)

def _rgcn_conv(x, edge_index, edge_type, W, root, bias):
    src = edge_index[0]
    dst = edge_index[1]
    out = x @ root + bias
    for r in range(NR):
        m = (edge_type == r).astype(x.dtype)
        msg = x[src] * m[:, None]
        s = jax.ops.segment_sum(msg, dst, num_segments=x.shape[0])
        cnt = jax.ops.segment_sum(m, dst, num_segments=x.shape[0])
        mean = s / jnp.maximum(cnt, 1.0)[:, None]
        out = out + mean @ W[r]
    return out

def setup_inputs(seed: int = 0):
    key = jax.random.key(seed)
    ks = jax.random.split(key, 32)
    inp = {}
    inp["pre_x"] = jax.random.normal(ks[0], (N, LM), dtype=jnp.float32)
    inp["x"] = jax.random.normal(ks[1], (N, H), dtype=jnp.float32)
    inp["edge_index"] = jax.random.randint(ks[2], (2, E), 0, N, dtype=jnp.int32)
    inp["edge_type"] = jax.random.randint(ks[3], (E,), 0, NR, dtype=jnp.int32)
    inp["num_prop"] = jax.random.normal(ks[4], (N, 6), dtype=jnp.float32)
    inp["num_category"] = jax.random.normal(ks[5], (N, 11), dtype=jnp.float32)
    inp["des_tensor"] = jax.random.normal(ks[6], (N, LM), dtype=jnp.float32)
    inp["tweet_tensor"] = jax.random.normal(ks[7], (N, LM), dtype=jnp.float32)
    def p(k, shape):
        return jax.random.normal(k, shape, dtype=jnp.float32) * 0.02
    inp["Wn"] = p(ks[8], (32, 6)); inp["bn"] = jnp.zeros((32,), jnp.float32)
    inp["Wc"] = p(ks[9], (32, 11)); inp["bc"] = jnp.zeros((32,), jnp.float32)
    inp["Wd"] = p(ks[10], (32, LM)); inp["bd"] = jnp.zeros((32,), jnp.float32)
    inp["Wt"] = p(ks[11], (32, LM)); inp["bt"] = jnp.zeros((32,), jnp.float32)
    inp["Wp"] = p(ks[12], (32, LM)); inp["bp"] = jnp.zeros((32,), jnp.float32)
    inp["Wi"] = p(ks[13], (H, H)); inp["bi"] = jnp.zeros((H,), jnp.float32)
    inp["W1"] = p(ks[14], (NR, H, H)); inp["root1"] = p(ks[15], (H, H)); inp["cb1"] = jnp.zeros((H,), jnp.float32)
    inp["W2"] = p(ks[16], (NR, H, H)); inp["root2"] = p(ks[17], (H, H)); inp["cb2"] = jnp.zeros((H,), jnp.float32)
    inp["Wo1"] = p(ks[18], (80, H)); inp["bo1"] = jnp.zeros((80,), jnp.float32)
    inp["Wo2"] = p(ks[19], (2, 80)); inp["bo2"] = jnp.zeros((2,), jnp.float32)
    return inp

def reference(pre_x, x, edge_index, edge_type, num_prop, num_category, des_tensor, tweet_tensor, Wn, bn, Wc, bc, Wd, bd, Wt, bt, Wp, bp, Wi, bi, W1, root1, cb1, W2, root2, cb2, Wo1, bo1, Wo2, bo2):
    n = _leaky(num_prop @ Wn.T + bn)
    c = _leaky(num_category @ Wc.T + bc)
    d = _leaky(des_tensor @ Wd.T + bd)
    tw = _leaky(tweet_tensor @ Wt.T + bt)
    pre_t = _leaky(pre_x @ Wp.T + bp)
    h = jnp.concatenate([n, c, d, tw, pre_t], axis=1)
    h = _leaky(h @ Wi.T + bi)
    h = _rgcn_conv(h, edge_index, edge_type, W1, root1, cb1)
    h = _rgcn_conv(h, edge_index, edge_type, W2, root2, cb2)
    em = _leaky(h @ Wo1.T + bo1)
    logits = em @ Wo2.T + bo2
    return (logits, em)

if __name__ == "__main__":
    import jax
    _d = setup_inputs()
    print(jax.jit(kernel)(*tuple(_d.values())))

</pallas_src>

<mosaic_0001>
#map = affine_map<(d0, d1) -> (0, 0)>
#map1 = affine_map<(d0, d1) -> (0, 0, 0)>
module attributes {stable_mosaic.version = 14 : i64} {
  func.func @_sc_sum_body(%arg0: i32, %arg1: i32, %arg2: memref<20000x80xf32, #tpu.memory_space<hbm>>, %arg3: memref<8000x80xi32, #tpu.memory_space<hbm>>, %arg4: memref<4000x80xi32, #tpu.memory_space<hbm>>, %arg5: memref<2x20000x80xf32, #tpu.memory_space<hbm>>, %arg6: memref<20000x80xf32, #tpu.memory_space<vmem_shared>>, %arg7: memref<50x80xi32, #tpu.memory_space<vmem>>, %arg8: memref<50x80xi32, #tpu.memory_space<vmem>>, %arg9: memref<80x80xf32, #tpu.memory_space<vmem>>, %arg10: memref<80x80xf32, #tpu.memory_space<vmem>>, %arg11: memref<80x80xf32, #tpu.memory_space<vmem>>, %arg12: memref<!tpu.dma_semaphore, #tpu.memory_space<semaphore_mem>>, %arg13: memref<!tpu.dma_semaphore, #tpu.memory_space<semaphore_mem>>, %arg14: memref<!tpu.dma_semaphore, #tpu.memory_space<semaphore_mem>>) attributes {dimension_semantics = [#tpu.dimension_semantics<core_parallel>, #tpu.dimension_semantics<subcore_parallel>], iteration_bounds = array<i64: 2, 16>, scalar_prefetch = 0 : i64, scratch_operands = 9 : i64, tpu.core_type = #tpu.core_type<sc_vector_subcore>, window_params = [{transform_indices = #map}, {transform_indices = #map}, {transform_indices = #map}, {transform_indices = #map1}]} {
    %broadcast_in_dim3A = arith.constant 0.000000e+00 : f32
    %broadcast_in_dim3A_0 = vector.broadcast %broadcast_in_dim3A : f32 to vector<16xf32>
    %scan3A = arith.constant 0 : i32
    %scan3A_1 = arith.constant 0 : i32
    %scan3A_2 = arith.constant 80 : i32
    %scan3A_3 = arith.addi %scan3A_1, %scan3A_2 : i32
    %scan3A_4 = arith.constant 1 : i32
    scf.for %scan3A_67 = %scan3A_1 to %scan3A_3 step %scan3A_4  : i32 {
      %swap3A = arith.index_cast %scan3A_67 : i32 to index
      %swap3A_68 = arith.constant 0 : index
      %swap3A_69 = tpu.vector_load %arg9[%swap3A, %swap3A_68] {strides = array<i32>} : memref<80x80xf32, #tpu.memory_space<vmem>>, vector<1x16xf32>,
      %swap3A_70 = vector.shape_cast %swap3A_69 : vector<1x16xf32> to vector<16xf32>
      %swap3A_71 = vector.shape_cast %broadcast_in_dim3A_0 : vector<16xf32> to vector<1x16xf32>
      tpu.vector_store %arg9[%swap3A, %swap3A_68], %swap3A_71 {strides = array<i32>} : memref<80x80xf32, #tpu.memory_space<vmem>>, vector<1x16xf32>,
      %swap3A_72 = arith.index_cast %scan3A_67 : i32 to index
      %swap3A_73 = arith.constant 16 : index
      %swap3A_74 = tpu.vector_load %arg9[%swap3A_72, %swap3A_73] {strides = array<i32>} : memref<80x80xf32, #tpu.memory_space<vmem>>, vector<1x16xf32>,
      %swap3A_75 = vector.shape_cast %swap3A_74 : vector<1x16xf32> to vector<16xf32>
      %swap3A_76 = vector.shape_cast %broadcast_in_dim3A_0 : vector<16xf32> to vector<1x16xf32>
      tpu.vector_store %arg9[%swap3A_72, %swap3A_73], %swap3A_76 {strides = array<i32>} : memref<80x80xf32, #tpu.memory_space<vmem>>, vector<1x16xf32>,
      %swap3A_77 = arith.index_cast %scan3A_67 : i32 to index
      %swap3A_78 = arith.constant 32 : index
      %swap3A_79 = tpu.vector_load %arg9[%swap3A_77, %swap3A_78] {strides = array<i32>} : memref<80x80xf32, #tpu.memory_space<vmem>>, vector<1x16xf32>,
      %swap3A_80 = vector.shape_cast %swap3A_79 : vector<1x16xf32> to vector<16xf32>
      %swap3A_81 = vector.shape_cast %broadcast_in_dim3A_0 : vector<16xf32> to vector<1x16xf32>
      tpu.vector_store %arg9[%swap3A_77, %swap3A_78], %swap3A_81 {strides = array<i32>} : memref<80x80xf32, #tpu.memory_space<vmem>>, vector<1x16xf32>,
      %swap3A_82 = arith.index_cast %scan3A_67 : i32 to index
      %swap3A_83 = arith.constant 48 : index
      %swap3A_84 = tpu.vector_load %arg9[%swap3A_82, %swap3A_83] {strides = array<i32>} : memref<80x80xf32, #tpu.memory_space<vmem>>, vector<1x16xf32>,
      %swap3A_85 = vector.shape_cast %swap3A_84 : vector<1x16xf32> to vector<16xf32>
      %swap3A_86 = vector.shape_cast %broadcast_in_dim3A_0 : vector<16xf32> to vector<1x16xf32>
      tpu.vector_store %arg9[%swap3A_82, %swap3A_83], %swap3A_86 {strides = array<i32>} : memref<80x80xf32, #tpu.memory_space<vmem>>, vector<1x16xf32>,
      %swap3A_87 = arith.index_cast %scan3A_67 : i32 to index
      %swap3A_88 = arith.constant 64 : index
      %swap3A_89 = tpu.vector_load %arg9[%swap3A_87, %swap3A_88] {strides = array<i32>} : memref<80x80xf32, #tpu.memory_space<vmem>>, vector<1x16xf32>,
      %swap3A_90 = vector.shape_cast %swap3A_89 : vector<1x16xf32> to vector<16xf32>
      %swap3A_91 = vector.shape_cast %broadcast_in_dim3A_0 : vector<16xf32> to vector<1x16xf32>
      tpu.vector_store %arg9[%swap3A_87, %swap3A_88], %swap3A_91 {strides = array<i32>} : memref<80x80xf32, #tpu.memory_space<vmem>>, vector<1x16xf32>,
    }
    %scan3A_5 = arith.constant 80 : i32
    %mul3A = arith.constant 1250 : i32
    %mul3A_6 = arith.muli %arg1, %mul3A : i32
    %add3A = arith.constant 0 : i32
    %add3A_7 = arith.addi %mul3A_6, %add3A : i32
    "tpu.region"() ({
      %run_scoped3A = tpu.sem_alloc : memref<!tpu.dma_semaphore, #tpu.memory_space<semaphore_mem>>
      %dma_start3A = arith.constant 0 : i32
      %dma_start3A_67 = tpu.memref_slice %arg6[%add3A_7, %dma_start3A] : memref<20000x80xf32, #tpu.memory_space<vmem_shared>> -> memref<80x80xf32, #tpu.memory_space<vmem_shared>>
      %dma_start3A_68 = arith.constant 0 : i32
      %dma_start3A_69 = tpu.memref_slice %arg6[%add3A_7, %dma_start3A_68] : memref<20000x80xf32, #tpu.memory_space<vmem_shared>> -> memref<80x80xf32, #tpu.memory_space<vmem_shared>>
      tpu.enqueue_dma source(%arg9 : memref<80x80xf32, #tpu.memory_space<vmem>>) target(%dma_start3A_69 : memref<80x80xf32, #tpu.memory_space<vmem_shared>>) target_semaphore(%run_scoped3A : memref<!tpu.dma_semaphore, #tpu.memory_space<semaphore_mem>>)
      %dma_wait3A = arith.constant 0 : i32
      %dma_wait3A_70 = tpu.memref_slice %arg6[%add3A_7, %dma_wait3A] : memref<20000x80xf32, #tpu.memory_space<vmem_shared>> -> memref<80x80xf32, #tpu.memory_space<vmem_shared>>
      %dma_wait3A_71 = arith.constant 0 : i32
      %dma_wait3A_72 = tpu.memref_slice %arg6[%add3A_7, %dma_wait3A_71] : memref<20000x80xf32, #tpu.memory_space<vmem_shared>> -> memref<80x80xf32, #tpu.memory_space<vmem_shared>>
      tpu.wait_dma2 semaphore(%run_scoped3A : memref<!tpu.dma_semaphore, #tpu.memory_space<semaphore_mem>>) src(%arg9 : memref<80x80xf32, #tpu.memory_space<vmem>>) dst(%dma_wait3A_72 : memref<80x80xf32, #tpu.memory_space<vmem_shared>>)
      tpu.yield
    }) : () -> ()
    %add3A_8 = arith.constant 80 : i32
    %add3A_9 = arith.addi %mul3A_6, %add3A_8 : i32
    "tpu.region"() ({
      %run_scoped3A = tpu.sem_alloc : memref<!tpu.dma_semaphore, #tpu.memory_space<semaphore_mem>>
      %dma_start3A = arith.constant 0 : i32
      %dma_start3A_67 = tpu.memref_slice %arg6[%add3A_9, %dma_start3A] : memref<20000x80xf32, #tpu.memory_space<vmem_shared>> -> memref<80x80xf32, #tpu.memory_space<vmem_shared>>
      %dma_start3A_68 = arith.constant 0 : i32
      %dma_start3A_69 = tpu.memref_slice %arg6[%add3A_9, %dma_start3A_68] : memref<20000x80xf32, #tpu.memory_space<vmem_shared>> -> memref<80x80xf32, #tpu.memory_space<vmem_shared>>
      tpu.enqueue_dma source(%arg9 : memref<80x80xf32, #tpu.memory_space<vmem>>) target(%dma_start3A_69 : memref<80x80xf32, #tpu.memory_space<vmem_shared>>) target_semaphore(%run_scoped3A : memref<!tpu.dma_semaphore, #tpu.memory_space<semaphore_mem>>)
      %dma_wait3A = arith.constant 0 : i32
      %dma_wait3A_70 = tpu.memref_slice %arg6[%add3A_9, %dma_wait3A] : memref<20000x80xf32, #tpu.memory_space<vmem_shared>> -> memref<80x80xf32, #tpu.memory_space<vmem_shared>>
      %dma_wait3A_71 = arith.constant 0 : i32
      %dma_wait3A_72 = tpu.memref_slice %arg6[%add3A_9, %dma_wait3A_71] : memref<20000x80xf32, #tpu.memory_space<vmem_shared>> -> memref<80x80xf32, #tpu.memory_space<vmem_shared>>
      tpu.wait_dma2 semaphore(%run_scoped3A : memref<!tpu.dma_semaphore, #tpu.memory_space<semaphore_mem>>) src(%arg9 : memref<80x80xf32, #tpu.memory_space<vmem>>) dst(%dma_wait3A_72 : memref<80x80xf32, #tpu.memory_space<vmem_shared>>)
      tpu.yield
    }) : () -> ()
    %add3A_10 = arith.constant 160 : i32
    %add3A_11 = arith.addi %mul3A_6, %add3A_10 : i32
    "tpu.region"() ({
      %run_scoped3A = tpu.sem_alloc : memref<!tpu.dma_semaphore, #tpu.memory_space<semaphore_mem>>
      %dma_start3A = arith.constant 0 : i32
      %dma_start3A_67 = tpu.memref_slice %arg6[%add3A_11, %dma_start3A] : memref<20000x80xf32, #tpu.memory_space<vmem_shared>> -> memref<80x80xf32, #tpu.memory_space<vmem_shared>>
      %dma_start3A_68 = arith.constant 0 : i32
      %dma_start3A_69 = tpu.memref_slice %arg6[%add3A_11, %dma_start3A_68] : memref<20000x80xf32, #tpu.memory_space<vmem_shared>> -> memref<80x80xf32, #tpu.memory_space<vmem_shared>>
      tpu.enqueue_dma source(%arg9 : memref<80x80xf32, #tpu.memory_space<vmem>>) target(%dma_start3A_69 : memref<80x80xf32, #tpu.memory_space<vmem_shared>>) target_semaphore(%run_scoped3A : memref<!tpu.dma_semaphore, #tpu.memory_space<semaphore_mem>>)
      %dma_wait3A = arith.constant 0 : i32
      %dma_wait3A_70 = tpu.memref_slice %arg6[%add3A_11, %dma_wait3A] : memref<20000x80xf32, #tpu.memory_space<vmem_shared>> -> memref<80x80xf32, #tpu.memory_space<vmem_shared>>
      %dma_wait3A_71 = arith.constant 0 : i32
      %dma_wait3A_72 = tpu.memref_slice %arg6[%add3A_11, %dma_wait3A_71] : memref<20000x80xf32, #tpu.memory_space<vmem_shared>> -> memref<80x80xf32, #tpu.memory_space<vmem_shared>>
      tpu.wait_dma2 semaphore(%run_scoped3A : memref<!tpu.dma_semaphore, #tpu.memory_space<semaphore_mem>>) src(%arg9 : memref<80x80xf32, #tpu.memory_space<vmem>>) dst(%dma_wait3A_72 : memref<80x80xf32, #tpu.memory_space<vmem_shared>>)
      tpu.yield
    }) : () -> ()
    %add3A_12 = arith.constant 240 : i32
    %add3A_13 = arith.addi %mul3A_6, %add3A_12 : i32
    "tpu.region"() ({
      %run_scoped3A = tpu.sem_alloc : memref<!tpu.dma_semaphore, #tpu.memory_space<semaphore_mem>>
      %dma_start3A = arith.constant 0 : i32
      %dma_start3A_67 = tpu.memref_slice %arg6[%add3A_13, %dma_start3A] : memref<20000x80xf32, #tpu.memory_space<vmem_shared>> -> memref<80x80xf32, #tpu.memory_space<vmem_shared>>
      %dma_start3A_68 = arith.constant 0 : i32
      %dma_start3A_69 = tpu.memref_slice %arg6[%add3A_13, %dma_start3A_68] : memref<20000x80xf32, #tpu.memory_space<vmem_shared>> -> memref<80x80xf32, #tpu.memory_space<vmem_shared>>
      tpu.enqueue_dma source(%arg9 : memref<80x80xf32, #tpu.memory_space<vmem>>) target(%dma_start3A_69 : memref<80x80xf32, #tpu.memory_space<vmem_shared>>) target_semaphore(%run_scoped3A : memref<!tpu.dma_semaphore, #tpu.memory_space<semaphore_mem>>)
      %dma_wait3A = arith.constant 0 : i32
      %dma_wait3A_70 = tpu.memref_slice %arg6[%add3A_13, %dma_wait3A] : memref<20000x80xf32, #tpu.memory_space<vmem_shared>> -> memref<80x80xf32, #tpu.memory_space<vmem_shared>>
      %dma_wait3A_71 = arith.constant 0 : i32
      %dma_wait3A_72 = tpu.memref_slice %arg6[%add3A_13, %dma_wait3A_71] : memref<20000x80xf32, #tpu.memory_space<vmem_shared>> -> memref<80x80xf32, #tpu.memory_space<vmem_shared>>
      tpu.wait_dma2 semaphore(%run_scoped3A : memref<!tpu.dma_semaphore, #tpu.memory_space<semaphore_mem>>) src(%arg9 : memref<80x80xf32, #tpu.memory_space<vmem>>) dst(%dma_wait3A_72 : memref<80x80xf32, #tpu.memory_space<vmem_shared>>)
      tpu.yield
    }) : () -> ()
    %add3A_14 = arith.constant 320 : i32
    %add3A_15 = arith.addi %mul3A_6, %add3A_14 : i32
    "tpu.region"() ({
      %run_scoped3A = tpu.sem_alloc : memref<!tpu.dma_semaphore, #tpu.memory_space<semaphore_mem>>
      %dma_start3A = arith.constant 0 : i32
      %dma_start3A_67 = tpu.memref_slice %arg6[%add3A_15, %dma_start3A] : memref<20000x80xf32, #tpu.memory_space<vmem_shared>> -> memref<80x80xf32, #tpu.memory_space<vmem_shared>>
      %dma_start3A_68 = arith.constant 0 : i32
      %dma_start3A_69 = tpu.memref_slice %arg6[%add3A_15, %dma_start3A_68] : memref<20000x80xf32, #tpu.memory_space<vmem_shared>> -> memref<80x80xf32, #tpu.memory_space<vmem_shared>>
      tpu.enqueue_dma source(%arg9 : memref<80x80xf32, #tpu.memory_space<vmem>>) target(%dma_start3A_69 : memref<80x80xf32, #tpu.memory_space<vmem_shared>>) target_semaphore(%run_scoped3A : memref<!tpu.dma_semaphore, #tpu.memory_space<semaphore_mem>>)
      %dma_wait3A = arith.constant 0 : i32
      %dma_wait3A_70 = tpu.memref_slice %arg6[%add3A_15, %dma_wait3A] : memref<20000x80xf32, #tpu.memory_space<vmem_shared>> -> memref<80x80xf32, #tpu.memory_space<vmem_shared>>
      %dma_wait3A_71 = arith.constant 0 : i32
      %dma_wait3A_72 = tpu.memref_slice %arg6[%add3A_15, %dma_wait3A_71] : memref<20000x80xf32, #tpu.memory_space<vmem_shared>> -> memref<80x80xf32, #tpu.memory_space<vmem_shared>>
      tpu.wait_dma2 semaphore(%run_scoped3A : memref<!tpu.dma_semaphore, #tpu.memory_space<semaphore_mem>>) src(%arg9 : memref<80x80xf32, #tpu.memory_space<vmem>>) dst(%dma_wait3A_72 : memref<80x80xf32, #tpu.memory_space<vmem_shared>>)
      tpu.yield
    }) : () -> ()
    %add3A_16 = arith.constant 400 : i32
    %add3A_17 = arith.addi %mul3A_6, %add3A_16 : i32
    "tpu.region"() ({
      %run_scoped3A = tpu.sem_alloc : memref<!tpu.dma_semaphore, #tpu.memory_space<semaphore_mem>>
      %dma_start3A = arith.constant 0 : i32
      %dma_start3A_67 = tpu.memref_slice %arg6[%add3A_17, %dma_start3A] : memref<20000x80xf32, #tpu.memory_space<vmem_shared>> -> memref<80x80xf32, #tpu.memory_space<vmem_shared>>
      %dma_start3A_68 = arith.constant 0 : i32
      %dma_start3A_69 = tpu.memref_slice %arg6[%add3A_17, %dma_start3A_68] : memref<20000x80xf32, #tpu.memory_space<vmem_shared>> -> memref<80x80xf32, #tpu.memory_space<vmem_shared>>
      tpu.enqueue_dma source(%arg9 : memref<80x80xf32, #tpu.memory_space<vmem>>) target(%dma_start3A_69 : memref<80x80xf32, #tpu.memory_space<vmem_shared>>) target_semaphore(%run_scoped3A : memref<!tpu.dma_semaphore, #tpu.memory_space<semaphore_mem>>)
      %dma_wait3A = arith.constant 0 : i32
      %dma_wait3A_70 = tpu.memref_slice %arg6[%add3A_17, %dma_wait3A] : memref<20000x80xf32, #tpu.memory_space<vmem_shared>> -> memref<80x80xf32, #tpu.memory_space<vmem_shared>>
      %dma_wait3A_71 = arith.constant 0 : i32
      %dma_wait3A_72 = tpu.memref_slice %arg6[%add3A_17, %dma_wait3A_71] : memref<20000x80xf32, #tpu.memory_space<vmem_shared>> -> memref<80x80xf32, #tpu.memory_space<vmem_shared>>
      tpu.wait_dma2 semaphore(%run_scoped3A : memref<!tpu.dma_semaphore, #tpu.memory_space<semaphore_mem>>) src(%arg9 : memref<80x80xf32, #tpu.memory_space<vmem>>) dst(%dma_wait3A_72 : memref<80x80xf32, #tpu.memory_space<vmem_shared>>)
      tpu.yield
    }) : () -> ()
    %add3A_18 = arith.constant 480 : i32
    %add3A_19 = arith.addi %mul3A_6, %add3A_18 : i32
    "tpu.region"() ({
      %run_scoped3A = tpu.sem_alloc : memref<!tpu.dma_semaphore, #tpu.memory_space<semaphore_mem>>
      %dma_start3A = arith.constant 0 : i32
      %dma_start3A_67 = tpu.memref_slice %arg6[%add3A_19, %dma_start3A] : memref<20000x80xf32, #tpu.memory_space<vmem_shared>> -> memref<80x80xf32, #tpu.memory_space<vmem_shared>>
      %dma_start3A_68 = arith.constant 0 : i32
      %dma_start3A_69 = tpu.memref_slice %arg6[%add3A_19, %dma_start3A_68] : memref<20000x80xf32, #tpu.memory_space<vmem_shared>> -> memref<80x80xf32, #tpu.memory_space<vmem_shared>>
      tpu.enqueue_dma source(%arg9 : memref<80x80xf32, #tpu.memory_space<vmem>>) target(%dma_start3A_69 : memref<80x80xf32, #tpu.memory_space<vmem_shared>>) target_semaphore(%run_scoped3A : memref<!tpu.dma_semaphore, #tpu.memory_space<semaphore_mem>>)
      %dma_wait3A = arith.constant 0 : i32
      %dma_wait3A_70 = tpu.memref_slice %arg6[%add3A_19, %dma_wait3A] : memref<20000x80xf32, #tpu.memory_space<vmem_shared>> -> memref<80x80xf32, #tpu.memory_space<vmem_shared>>
      %dma_wait3A_71 = arith.constant 0 : i32
      %dma_wait3A_72 = tpu.memref_slice %arg6[%add3A_19, %dma_wait3A_71] : memref<20000x80xf32, #tpu.memory_space<vmem_shared>> -> memref<80x80xf32, #tpu.memory_space<vmem_shared>>
      tpu.wait_dma2 semaphore(%run_scoped3A : memref<!tpu.dma_semaphore, #tpu.memory_space<semaphore_mem>>) src(%arg9 : memref<80x80xf32, #tpu.memory_space<vmem>>) dst(%dma_wait3A_72 : memref<80x80xf32, #tpu.memory_space<vmem_shared>>)
      tpu.yield
    }) : () -> ()
    %add3A_20 = arith.constant 560 : i32
    %add3A_21 = arith.addi %mul3A_6, %add3A_20 : i32
    "tpu.region"() ({
      %run_scoped3A = tpu.sem_alloc : memref<!tpu.dma_semaphore, #tpu.memory_space<semaphore_mem>>
      %dma_start3A = arith.constant 0 : i32
      %dma_start3A_67 = tpu.memref_slice %arg6[%add3A_21, %dma_start3A] : memref<20000x80xf32, #tpu.memory_space<vmem_shared>> -> memref<80x80xf32, #tpu.memory_space<vmem_shared>>
      %dma_start3A_68 = arith.constant 0 : i32
      %dma_start3A_69 = tpu.memref_slice %arg6[%add3A_21, %dma_start3A_68] : memref<20000x80xf32, #tpu.memory_space<vmem_shared>> -> memref<80x80xf32, #tpu.memory_space<vmem_shared>>
      tpu.enqueue_dma source(%arg9 : memref<80x80xf32, #tpu.memory_space<vmem>>) target(%dma_start3A_69 : memref<80x80xf32, #tpu.memory_space<vmem_shared>>) target_semaphore(%run_scoped3A : memref<!tpu.dma_semaphore, #tpu.memory_space<semaphore_mem>>)
      %dma_wait3A = arith.constant 0 : i32
      %dma_wait3A_70 = tpu.memref_slice %arg6[%add3A_21, %dma_wait3A] : memref<20000x80xf32, #tpu.memory_space<vmem_shared>> -> memref<80x80xf32, #tpu.memory_space<vmem_shared>>
      %dma_wait3A_71 = arith.constant 0 : i32
      %dma_wait3A_72 = tpu.memref_slice %arg6[%add3A_21, %dma_wait3A_71] : memref<20000x80xf32, #tpu.memory_space<vmem_shared>> -> memref<80x80xf32, #tpu.memory_space<vmem_shared>>
      tpu.wait_dma2 semaphore(%run_scoped3A : memref<!tpu.dma_semaphore, #tpu.memory_space<semaphore_mem>>) src(%arg9 : memref<80x80xf32, #tpu.memory_space<vmem>>) dst(%dma_wait3A_72 : memref<80x80xf32, #tpu.memory_space<vmem_shared>>)
      tpu.yield
    }) : () -> ()
    %add3A_22 = arith.constant 640 : i32
    %add3A_23 = arith.addi %mul3A_6, %add3A_22 : i32
    "tpu.region"() ({
      %run_scoped3A = tpu.sem_alloc : memref<!tpu.dma_semaphore, #tpu.memory_space<semaphore_mem>>
      %dma_start3A = arith.constant 0 : i32
      %dma_start3A_67 = tpu.memref_slice %arg6[%add3A_23, %dma_start3A] : memref<20000x80xf32, #tpu.memory_space<vmem_shared>> -> memref<80x80xf32, #tpu.memory_space<vmem_shared>>
      %dma_start3A_68 = arith.constant 0 : i32
      %dma_start3A_69 = tpu.memref_slice %arg6[%add3A_23, %dma_start3A_68] : memref<20000x80xf32, #tpu.memory_space<vmem_shared>> -> memref<80x80xf32, #tpu.memory_space<vmem_shared>>
      tpu.enqueue_dma source(%arg9 : memref<80x80xf32, #tpu.memory_space<vmem>>) target(%dma_start3A_69 : memref<80x80xf32, #tpu.memory_space<vmem_shared>>) target_semaphore(%run_scoped3A : memref<!tpu.dma_semaphore, #tpu.memory_space<semaphore_mem>>)
      %dma_wait3A = arith.constant 0 : i32
      %dma_wait3A_70 = tpu.memref_slice %arg6[%add3A_23, %dma_wait3A] : memref<20000x80xf32, #tpu.memory_space<vmem_shared>> -> memref<80x80xf32, #tpu.memory_space<vmem_shared>>
      %dma_wait3A_71 = arith.constant 0 : i32
      %dma_wait3A_72 = tpu.memref_slice %arg6[%add3A_23, %dma_wait3A_71] : memref<20000x80xf32, #tpu.memory_space<vmem_shared>> -> memref<80x80xf32, #tpu.memory_space<vmem_shared>>
      tpu.wait_dma2 semaphore(%run_scoped3A : memref<!tpu.dma_semaphore, #tpu.memory_space<semaphore_mem>>) src(%arg9 : memref<80x80xf32, #tpu.memory_space<vmem>>) dst(%dma_wait3A_72 : memref<80x80xf32, #tpu.memory_space<vmem_shared>>)
      tpu.yield
    }) : () -> ()
    %add3A_24 = arith.constant 720 : i32
    %add3A_25 = arith.addi %mul3A_6, %add3A_24 : i32
    "tpu.region"() ({
      %run_scoped3A = tpu.sem_alloc : memref<!tpu.dma_semaphore, #tpu.memory_space<semaphore_mem>>
      %dma_start3A = arith.constant 0 : i32
      %dma_start3A_67 = tpu.memref_slice %arg6[%add3A_25, %dma_start3A] : memref<20000x80xf32, #tpu.memory_space<vmem_shared>> -> memref<80x80xf32, #tpu.memory_space<vmem_shared>>
      %dma_start3A_68 = arith.constant 0 : i32
      %dma_start3A_69 = tpu.memref_slice %arg6[%add3A_25, %dma_start3A_68] : memref<20000x80xf32, #tpu.memory_space<vmem_shared>> -> memref<80x80xf32, #tpu.memory_space<vmem_shared>>
      tpu.enqueue_dma source(%arg9 : memref<80x80xf32, #tpu.memory_space<vmem>>) target(%dma_start3A_69 : memref<80x80xf32, #tpu.memory_space<vmem_shared>>) target_semaphore(%run_scoped3A : memref<!tpu.dma_semaphore, #tpu.memory_space<semaphore_mem>>)
      %dma_wait3A = arith.constant 0 : i32
      %dma_wait3A_70 = tpu.memref_slice %arg6[%add3A_25, %dma_wait3A] : memref<20000x80xf32, #tpu.memory_space<vmem_shared>> -> memref<80x80xf32, #tpu.memory_space<vmem_shared>>
      %dma_wait3A_71 = arith.constant 0 : i32
      %dma_wait3A_72 = tpu.memref_slice %arg6[%add3A_25, %dma_wait3A_71] : memref<20000x80xf32, #tpu.memory_space<vmem_shared>> -> memref<80x80xf32, #tpu.memory_space<vmem_shared>>
      tpu.wait_dma2 semaphore(%run_scoped3A : memref<!tpu.dma_semaphore, #tpu.memory_space<semaphore_mem>>) src(%arg9 : memref<80x80xf32, #tpu.memory_space<vmem>>) dst(%dma_wait3A_72 : memref<80x80xf32, #tpu.memory_space<vmem_shared>>)
      tpu.yield
    }) : () -> ()
    %add3A_26 = arith.constant 800 : i32
    %add3A_27 = arith.addi %mul3A_6, %add3A_26 : i32
    "tpu.region"() ({
      %run_scoped3A = tpu.sem_alloc : memref<!tpu.dma_semaphore, #tpu.memory_space<semaphore_mem>>
      %dma_start3A = arith.constant 0 : i32
      %dma_start3A_67 = tpu.memref_slice %arg6[%add3A_27, %dma_start3A] : memref<20000x80xf32, #tpu.memory_space<vmem_shared>> -> memref<80x80xf32, #tpu.memory_space<vmem_shared>>
      %dma_start3A_68 = arith.constant 0 : i32
      %dma_start3A_69 = tpu.memref_slice %arg6[%add3A_27, %dma_start3A_68] : memref<20000x80xf32, #tpu.memory_space<vmem_shared>> -> memref<80x80xf32, #tpu.memory_space<vmem_shared>>
      tpu.enqueue_dma source(%arg9 : memref<80x80xf32, #tpu.memory_space<vmem>>) target(%dma_start3A_69 : memref<80x80xf32, #tpu.memory_space<vmem_shared>>) target_semaphore(%run_scoped3A : memref<!tpu.dma_semaphore, #tpu.memory_space<semaphore_mem>>)
      %dma_wait3A = arith.constant 0 : i32
      %dma_wait3A_70 = tpu.memref_slice %arg6[%add3A_27, %dma_wait3A] : memref<20000x80xf32, #tpu.memory_space<vmem_shared>> -> memref<80x80xf32, #tpu.memory_space<vmem_shared>>
      %dma_wait3A_71 = arith.constant 0 : i32
      %dma_wait3A_72 = tpu.memref_slice %arg6[%add3A_27, %dma_wait3A_71] : memref<20000x80xf32, #tpu.memory_space<vmem_shared>> -> memref<80x80xf32, #tpu.memory_space<vmem_shared>>
      tpu.wait_dma2 semaphore(%run_scoped3A : memref<!tpu.dma_semaphore, #tpu.memory_space<semaphore_mem>>) src(%arg9 : memref<80x80xf32, #tpu.memory_space<vmem>>) dst(%dma_wait3A_72 : memref<80x80xf32, #tpu.memory_space<vmem_shared>>)
      tpu.yield
    }) : () -> ()
    %add3A_28 = arith.constant 880 : i32
    %add3A_29 = arith.addi %mul3A_6, %add3A_28 : i32
    "tpu.region"() ({
      %run_scoped3A = tpu.sem_alloc : memref<!tpu.dma_semaphore, #tpu.memory_space<semaphore_mem>>
      %dma_start3A = arith.constant 0 : i32
      %dma_start3A_67 = tpu.memref_slice %arg6[%add3A_29, %dma_start3A] : memref<20000x80xf32, #tpu.memory_space<vmem_shared>> -> memref<80x80xf32, #tpu.memory_space<vmem_shared>>
      %dma_start3A_68 = arith.constant 0 : i32
      %dma_start3A_69 = tpu.memref_slice %arg6[%add3A_29, %dma_start3A_68] : memref<20000x80xf32, #tpu.memory_space<vmem_shared>> -> memref<80x80xf32, #tpu.memory_space<vmem_shared>>
      tpu.enqueue_dma source(%arg9 : memref<80x80xf32, #tpu.memory_space<vmem>>) target(%dma_start3A_69 : memref<80x80xf32, #tpu.memory_space<vmem_shared>>) target_semaphore(%run_scoped3A : memref<!tpu.dma_semaphore, #tpu.memory_space<semaphore_mem>>)
      %dma_wait3A = arith.constant 0 : i32
      %dma_wait3A_70 = tpu.memref_slice %arg6[%add3A_29, %dma_wait3A] : memref<20000x80xf32, #tpu.memory_space<vmem_shared>> -> memref<80x80xf32, #tpu.memory_space<vmem_shared>>
      %dma_wait3A_71 = arith.constant 0 : i32
      %dma_wait3A_72 = tpu.memref_slice %arg6[%add3A_29, %dma_wait3A_71] : memref<20000x80xf32, #tpu.memory_space<vmem_shared>> -> memref<80x80xf32, #tpu.memory_space<vmem_shared>>
      tpu.wait_dma2 semaphore(%run_scoped3A : memref<!tpu.dma_semaphore, #tpu.memory_space<semaphore_mem>>) src(%arg9 : memref<80x80xf32, #tpu.memory_space<vmem>>) dst(%dma_wait3A_72 : memref<80x80xf32, #tpu.memory_space<vmem_shared>>)
      tpu.yield
    }) : () -> ()
    %add3A_30 = arith.constant 960 : i32
    %add3A_31 = arith.addi %mul3A_6, %add3A_30 : i32
    "tpu.region"() ({
      %run_scoped3A = tpu.sem_alloc : memref<!tpu.dma_semaphore, #tpu.memory_space<semaphore_mem>>
      %dma_start3A = arith.constant 0 : i32
      %dma_start3A_67 = tpu.memref_slice %arg6[%add3A_31, %dma_start3A] : memref<20000x80xf32, #tpu.memory_space<vmem_shared>> -> memref<80x80xf32, #tpu.memory_space<vmem_shared>>
      %dma_start3A_68 = arith.constant 0 : i32
      %dma_start3A_69 = tpu.memref_slice %arg6[%add3A_31, %dma_start3A_68] : memref<20000x80xf32, #tpu.memory_space<vmem_shared>> -> memref<80x80xf32, #tpu.memory_space<vmem_shared>>
      tpu.enqueue_dma source(%arg9 : memref<80x80xf32, #tpu.memory_space<vmem>>) target(%dma_start3A_69 : memref<80x80xf32, #tpu.memory_space<vmem_shared>>) target_semaphore(%run_scoped3A : memref<!tpu.dma_semaphore, #tpu.memory_space<semaphore_mem>>)
      %dma_wait3A = arith.constant 0 : i32
      %dma_wait3A_70 = tpu.memref_slice %arg6[%add3A_31, %dma_wait3A] : memref<20000x80xf32, #tpu.memory_space<vmem_shared>> -> memref<80x80xf32, #tpu.memory_space<vmem_shared>>
      %dma_wait3A_71 = arith.constant 0 : i32
      %dma_wait3A_72 = tpu.memref_slice %arg6[%add3A_31, %dma_wait3A_71] : memref<20000x80xf32, #tpu.memory_space<vmem_shared>> -> memref<80x80xf32, #tpu.memory_space<vmem_shared>>
      tpu.wait_dma2 semaphore(%run_scoped3A : memref<!tpu.dma_semaphore, #tpu.memory_space<semaphore_mem>>) src(%arg9 : memref<80x80xf32, #tpu.memory_space<vmem>>) dst(%dma_wait3A_72 : memref<80x80xf32, #tpu.memory_space<vmem_shared>>)
      tpu.yield
    }) : () -> ()
    %add3A_32 = arith.constant 1040 : i32
    %add3A_33 = arith.addi %mul3A_6, %add3A_32 : i32
    "tpu.region"() ({
      %run_scoped3A = tpu.sem_alloc : memref<!tpu.dma_semaphore, #tpu.memory_space<semaphore_mem>>
      %dma_start3A = arith.constant 0 : i32
      %dma_start3A_67 = tpu.memref_slice %arg6[%add3A_33, %dma_start3A] : memref<20000x80xf32, #tpu.memory_space<vmem_shared>> -> memref<80x80xf32, #tpu.memory_space<vmem_shared>>
      %dma_start3A_68 = arith.constant 0 : i32
      %dma_start3A_69 = tpu.memref_slice %arg6[%add3A_33, %dma_start3A_68] : memref<20000x80xf32, #tpu.memory_space<vmem_shared>> -> memref<80x80xf32, #tpu.memory_space<vmem_shared>>
      tpu.enqueue_dma source(%arg9 : memref<80x80xf32, #tpu.memory_space<vmem>>) target(%dma_start3A_69 : memref<80x80xf32, #tpu.memory_space<vmem_shared>>) target_semaphore(%run_scoped3A : memref<!tpu.dma_semaphore, #tpu.memory_space<semaphore_mem>>)
      %dma_wait3A = arith.constant 0 : i32
      %dma_wait3A_70 = tpu.memref_slice %arg6[%add3A_33, %dma_wait3A] : memref<20000x80xf32, #tpu.memory_space<vmem_shared>> -> memref<80x80xf32, #tpu.memory_space<vmem_shared>>
      %dma_wait3A_71 = arith.constant 0 : i32
      %dma_wait3A_72 = tpu.memref_slice %arg6[%add3A_33, %dma_wait3A_71] : memref<20000x80xf32, #tpu.memory_space<vmem_shared>> -> memref<80x80xf32, #tpu.memory_space<vmem_shared>>
      tpu.wait_dma2 semaphore(%run_scoped3A : memref<!tpu.dma_semaphore, #tpu.memory_space<semaphore_mem>>) src(%arg9 : memref<80x80xf32, #tpu.memory_space<vmem>>) dst(%dma_wait3A_72 : memref<80x80xf32, #tpu.memory_space<vmem_shared>>)
      tpu.yield
    }) : () -> ()
    %add3A_34 = arith.constant 1120 : i32
    %add3A_35 = arith.addi %mul3A_6, %add3A_34 : i32
    "tpu.region"() ({
      %run_scoped3A = tpu.sem_alloc : memref<!tpu.dma_semaphore, #tpu.memory_space<semaphore_mem>>
      %dma_start3A = arith.constant 0 : i32
      %dma_start3A_67 = tpu.memref_slice %arg6[%add3A_35, %dma_start3A] : memref<20000x80xf32, #tpu.memory_space<vmem_shared>> -> memref<80x80xf32, #tpu.memory_space<vmem_shared>>
      %dma_start3A_68 = arith.constant 0 : i32
      %dma_start3A_69 = tpu.memref_slice %arg6[%add3A_35, %dma_start3A_68] : memref<20000x80xf32, #tpu.memory_space<vmem_shared>> -> memref<80x80xf32, #tpu.memory_space<vmem_shared>>
      tpu.enqueue_dma source(%arg9 : memref<80x80xf32, #tpu.memory_space<vmem>>) target(%dma_start3A_69 : memref<80x80xf32, #tpu.memory_space<vmem_shared>>) target_semaphore(%run_scoped3A : memref<!tpu.dma_semaphore, #tpu.memory_space<semaphore_mem>>)
      %dma_wait3A = arith.constant 0 : i32
      %dma_wait3A_70 = tpu.memref_slice %arg6[%add3A_35, %dma_wait3A] : memref<20000x80xf32, #tpu.memory_space<vmem_shared>> -> memref<80x80xf32, #tpu.memory_space<vmem_shared>>
      %dma_wait3A_71 = arith.constant 0 : i32
      %dma_wait3A_72 = tpu.memref_slice %arg6[%add3A_35, %dma_wait3A_71] : memref<20000x80xf32, #tpu.memory_space<vmem_shared>> -> memref<80x80xf32, #tpu.memory_space<vmem_shared>>
      tpu.wait_dma2 semaphore(%run_scoped3A : memref<!tpu.dma_semaphore, #tpu.memory_space<semaphore_mem>>) src(%arg9 : memref<80x80xf32, #tpu.memory_space<vmem>>) dst(%dma_wait3A_72 : memref<80x80xf32, #tpu.memory_space<vmem_shared>>)
      tpu.yield
    }) : () -> ()
    %add3A_36 = arith.constant 1200 : i32
    %add3A_37 = arith.addi %mul3A_6, %add3A_36 : i32
    "tpu.region"() ({
      %run_scoped3A = tpu.sem_alloc : memref<!tpu.dma_semaphore, #tpu.memory_space<semaphore_mem>>
      %dma_start3A = arith.constant 0 : i32
      %dma_start3A_67 = arith.constant 0 : i32
      %dma_start3A_68 = tpu.memref_slice %arg9[%dma_start3A, %dma_start3A_67] : memref<80x80xf32, #tpu.memory_space<vmem>> -> memref<50x80xf32, #tpu.memory_space<vmem>>
      %dma_start3A_69 = arith.constant 0 : i32
      %dma_start3A_70 = tpu.memref_slice %arg6[%add3A_37, %dma_start3A_69] : memref<20000x80xf32, #tpu.memory_space<vmem_shared>> -> memref<50x80xf32, #tpu.memory_space<vmem_shared>>
      %dma_start3A_71 = arith.constant 0 : i32
      %dma_start3A_72 = tpu.memref_slice %arg6[%add3A_37, %dma_start3A_71] : memref<20000x80xf32, #tpu.memory_space<vmem_shared>> -> memref<50x80xf32, #tpu.memory_space<vmem_shared>>
      %dma_start3A_73 = arith.constant 0 : i32
      %dma_start3A_74 = arith.constant 0 : i32
      %dma_start3A_75 = tpu.memref_slice %arg9[%dma_start3A_73, %dma_start3A_74] : memref<80x80xf32, #tpu.memory_space<vmem>> -> memref<50x80xf32, #tpu.memory_space<vmem>>
      tpu.enqueue_dma source(%dma_start3A_75 : memref<50x80xf32, #tpu.memory_space<vmem>>) target(%dma_start3A_72 : memref<50x80xf32, #tpu.memory_space<vmem_shared>>) target_semaphore(%run_scoped3A : memref<!tpu.dma_semaphore, #tpu.memory_space<semaphore_mem>>)
      %dma_wait3A = arith.constant 0 : i32
      %dma_wait3A_76 = arith.constant 0 : i32
      %dma_wait3A_77 = tpu.memref_slice %arg9[%dma_wait3A, %dma_wait3A_76] : memref<80x80xf32, #tpu.memory_space<vmem>> -> memref<50x80xf32, #tpu.memory_space<vmem>>
      %dma_wait3A_78 = arith.constant 0 : i32
      %dma_wait3A_79 = tpu.memref_slice %arg6[%add3A_37, %dma_wait3A_78] : memref<20000x80xf32, #tpu.memory_space<vmem_shared>> -> memref<50x80xf32, #tpu.memory_space<vmem_shared>>
      %dma_wait3A_80 = arith.constant 0 : i32
      %dma_wait3A_81 = tpu.memref_slice %arg6[%add3A_37, %dma_wait3A_80] : memref<20000x80xf32, #tpu.memory_space<vmem_shared>> -> memref<50x80xf32, #tpu.memory_space<vmem_shared>>
      %dma_wait3A_82 = arith.constant 0 : i32
      %dma_wait3A_83 = arith.constant 0 : i32
      %dma_wait3A_84 = tpu.memref_slice %arg9[%dma_wait3A_82, %dma_wait3A_83] : memref<80x80xf32, #tpu.memory_space<vmem>> -> memref<50x80xf32, #tpu.memory_space<vmem>>
      tpu.wait_dma2 semaphore(%run_scoped3A : memref<!tpu.dma_semaphore, #tpu.memory_space<semaphore_mem>>) src(%dma_wait3A_84 : memref<50x80xf32, #tpu.memory_space<vmem>>) dst(%dma_wait3A_81 : memref<50x80xf32, #tpu.memory_space<vmem_shared>>)
      tpu.yield
    }) : () -> ()
    %barrier3A = arith.constant 0 : index
    tpu.barrier barrier_id(%barrier3A)
    %mul3A_38 = arith.constant 250 : i32
    %mul3A_39 = arith.muli %arg1, %mul3A_38 : i32
    %scan3A_40 = arith.constant 0 : i32
    %scan3A_41 = arith.constant 0 : i32
    %scan3A_42 = arith.constant 5 : i32
    %scan3A_43 = arith.addi %scan3A_41, %scan3A_42 : i32
    %scan3A_44 = arith.constant 1 : i32
    scf.for %scan3A_67 = %scan3A_41 to %scan3A_43 step %scan3A_44  : i32 {
      %mul3A_68 = arith.constant 50 : i32
      %mul3A_69 = arith.muli %scan3A_67, %mul3A_68 : i32
      %add3A_70 = arith.addi %mul3A_39, %mul3A_69 : i32
      %mul3A_71 = arith.constant 4000 : i32
      %mul3A_72 = arith.muli %arg0, %mul3A_71 : i32
      %add3A_73 = arith.addi %mul3A_72, %add3A_70 : i32
      "tpu.region"() ({
        %run_scoped3A_152 = tpu.sem_alloc : memref<!tpu.dma_semaphore, #tpu.memory_space<semaphore_mem>>
        %dma_start3A_153 = arith.constant 0 : i32
        %dma_start3A_154 = tpu.memref_slice %arg3[%add3A_73, %dma_start3A_153] : memref<8000x80xi32, #tpu.memory_space<hbm>> -> memref<50x80xi32, #tpu.memory_space<hbm>>
        %dma_start3A_155 = arith.constant 0 : i32
        %dma_start3A_156 = tpu.memref_slice %arg3[%add3A_73, %dma_start3A_155] : memref<8000x80xi32, #tpu.memory_space<hbm>> -> memref<50x80xi32, #tpu.memory_space<hbm>>
        tpu.enqueue_dma source(%dma_start3A_156 : memref<50x80xi32, #tpu.memory_space<hbm>>) target(%arg7 : memref<50x80xi32, #tpu.memory_space<vmem>>) target_semaphore(%run_scoped3A_152 : memref<!tpu.dma_semaphore, #tpu.memory_space<semaphore_mem>>)
        %dma_wait3A_157 = arith.constant 0 : i32
        %dma_wait3A_158 = tpu.memref_slice %arg3[%add3A_73, %dma_wait3A_157] : memref<8000x80xi32, #tpu.memory_space<hbm>> -> memref<50x80xi32, #tpu.memory_space<hbm>>
        %dma_wait3A_159 = arith.constant 0 : i32
        %dma_wait3A_160 = tpu.memref_slice %arg3[%add3A_73, %dma_wait3A_159] : memref<8000x80xi32, #tpu.memory_space<hbm>> -> memref<50x80xi32, #tpu.memory_space<hbm>>
        tpu.wait_dma2 semaphore(%run_scoped3A_152 : memref<!tpu.dma_semaphore, #tpu.memory_space<semaphore_mem>>) src(%dma_wait3A_160 : memref<50x80xi32, #tpu.memory_space<hbm>>) dst(%arg7 : memref<50x80xi32, #tpu.memory_space<vmem>>)
        tpu.yield
      }) : () -> ()
      "tpu.region"() ({
        %run_scoped3A_152 = tpu.sem_alloc : memref<!tpu.dma_semaphore, #tpu.memory_space<semaphore_mem>>
        %dma_start3A_153 = arith.constant 0 : i32
        %dma_start3A_154 = tpu.memref_slice %arg4[%add3A_70, %dma_start3A_153] : memref<4000x80xi32, #tpu.memory_space<hbm>> -> memref<50x80xi32, #tpu.memory_space<hbm>>
        %dma_start3A_155 = arith.constant 0 : i32
        %dma_start3A_156 = tpu.memref_slice %arg4[%add3A_70, %dma_start3A_155] : memref<4000x80xi32, #tpu.memory_space<hbm>> -> memref<50x80xi32, #tpu.memory_space<hbm>>
        tpu.enqueue_dma source(%dma_start3A_156 : memref<50x80xi32, #tpu.memory_space<hbm>>) target(%arg8 : memref<50x80xi32, #tpu.memory_space<vmem>>) target_semaphore(%run_scoped3A_152 : memref<!tpu.dma_semaphore, #tpu.memory_space<semaphore_mem>>)
        %dma_wait3A_157 = arith.constant 0 : i32
        %dma_wait3A_158 = tpu.memref_slice %arg4[%add3A_70, %dma_wait3A_157] : memref<4000x80xi32, #tpu.memory_space<hbm>> -> memref<50x80xi32, #tpu.memory_space<hbm>>
        %dma_wait3A_159 = arith.constant 0 : i32
        %dma_wait3A_160 = tpu.memref_slice %arg4[%add3A_70, %dma_wait3A_159] : memref<4000x80xi32, #tpu.memory_space<hbm>> -> memref<50x80xi32, #tpu.memory_space<hbm>>
        tpu.wait_dma2 semaphore(%run_scoped3A_152 : memref<!tpu.dma_semaphore, #tpu.memory_space<semaphore_mem>>) src(%dma_wait3A_160 : memref<50x80xi32, #tpu.memory_space<hbm>>) dst(%arg8 : memref<50x80xi32, #tpu.memory_space<vmem>>)
        tpu.yield
      }) : () -> ()
      %dma_start3A = arith.constant 0 : i32
      %dma_start3A_74 = arith.constant 0 : i32
      %dma_start3A_75 = tpu.memref_slice %arg7[%dma_start3A, %dma_start3A_74] : memref<50x80xi32, #tpu.memory_space<vmem>> -> memref<1x80xi32, #tpu.memory_space<vmem>>
      %dma_start3A_76 = tpu.memref_squeeze %dma_start3A_75 : memref<1x80xi32, #tpu.memory_space<vmem>> -> memref<80xi32, #tpu.memory_space<vmem>>
      %dma_start3A_77 = arith.constant 0 : i32
      %dma_start3A_78 = arith.constant 0 : i32
      %dma_start3A_79 = tpu.memref_slice %arg2[%dma_start3A_77, %dma_start3A_78] : memref<20000x80xf32, #tpu.memory_space<hbm>> -> memref<20000x80xf32, #tpu.memory_space<hbm>>
      tpu.enqueue_indirect_dma source(%dma_start3A_79 : memref<20000x80xf32, #tpu.memory_space<hbm>>) target(%arg9 : memref<80x80xf32, #tpu.memory_space<vmem>>) offsets(%dma_start3A_76 : memref<80xi32, #tpu.memory_space<vmem>>) semaphore(%arg12 : memref<!tpu.dma_semaphore, #tpu.memory_space<semaphore_mem>>)
      %dma_start3A_80 = arith.constant 1 : i32
      %dma_start3A_81 = arith.constant 0 : i32
      %dma_start3A_82 = tpu.memref_slice %arg7[%dma_start3A_80, %dma_start3A_81] : memref<50x80xi32, #tpu.memory_space<vmem>> -> memref<1x80xi32, #tpu.memory_space<vmem>>
      %dma_start3A_83 = tpu.memref_squeeze %dma_start3A_82 : memref<1x80xi32, #tpu.memory_space<vmem>> -> memref<80xi32, #tpu.memory_space<vmem>>
      %dma_start3A_84 = arith.constant 0 : i32
      %dma_start3A_85 = arith.constant 0 : i32
      %dma_start3A_86 = tpu.memref_slice %arg2[%dma_start3A_84, %dma_start3A_85] : memref<20000x80xf32, #tpu.memory_space<hbm>> -> memref<20000x80xf32, #tpu.memory_space<hbm>>
      tpu.enqueue_indirect_dma source(%dma_start3A_86 : memref<20000x80xf32, #tpu.memory_space<hbm>>) target(%arg10 : memref<80x80xf32, #tpu.memory_space<vmem>>) offsets(%dma_start3A_83 : memref<80xi32, #tpu.memory_space<vmem>>) semaphore(%arg13 : memref<!tpu.dma_semaphore, #tpu.memory_space<semaphore_mem>>)
      %dma_start3A_87 = arith.constant 2 : i32
      %dma_start3A_88 = arith.constant 0 : i32
      %dma_start3A_89 = tpu.memref_slice %arg7[%dma_start3A_87, %dma_start3A_88] : memref<50x80xi32, #tpu.memory_space<vmem>> -> memref<1x80xi32, #tpu.memory_space<vmem>>
      %dma_start3A_90 = tpu.memref_squeeze %dma_start3A_89 : memref<1x80xi32, #tpu.memory_space<vmem>> -> memref<80xi32, #tpu.memory_space<vmem>>
      %dma_start3A_91 = arith.constant 0 : i32
      %dma_start3A_92 = arith.constant 0 : i32
      %dma_start3A_93 = tpu.memref_slice %arg2[%dma_start3A_91, %dma_start3A_92] : memref<20000x80xf32, #tpu.memory_space<hbm>> -> memref<20000x80xf32, #tpu.memory_space<hbm>>
      tpu.enqueue_indirect_dma source(%dma_start3A_93 : memref<20000x80xf32, #tpu.memory_space<hbm>>) target(%arg11 : memref<80x80xf32, #tpu.memory_space<vmem>>) offsets(%dma_start3A_90 : memref<80xi32, #tpu.memory_space<vmem>>) semaphore(%arg14 : memref<!tpu.dma_semaphore, #tpu.memory_space<semaphore_mem>>)
      %scan3A_94 = arith.constant 0 : i32
      %scan3A_95 = arith.constant 0 : i32
      %scan3A_96 = arith.constant 15 : i32
      %scan3A_97 = arith.addi %scan3A_95, %scan3A_96 : i32
      %scan3A_98 = arith.constant 1 : i32
      scf.for %scan3A_152 = %scan3A_95 to %scan3A_97 step %scan3A_98  : i32 {
        %mul3A_153 = arith.constant 3 : i32
        %mul3A_154 = arith.muli %mul3A_153, %scan3A_152 : i32
        %add3A_155 = arith.constant 0 : i32
        %add3A_156 = arith.addi %mul3A_154, %add3A_155 : i32
        %dma_wait3A_157 = arith.constant 0 : i32
        %dma_wait3A_158 = tpu.memref_slice %arg7[%add3A_156, %dma_wait3A_157] : memref<50x80xi32, #tpu.memory_space<vmem>> -> memref<1x80xi32, #tpu.memory_space<vmem>>
        %dma_wait3A_159 = tpu.memref_squeeze %dma_wait3A_158 : memref<1x80xi32, #tpu.memory_space<vmem>> -> memref<80xi32, #tpu.memory_space<vmem>>
        %dma_wait3A_160 = arith.constant 0 : i32
        %dma_wait3A_161 = arith.constant 0 : i32
        %dma_wait3A_162 = tpu.memref_slice %arg2[%dma_wait3A_160, %dma_wait3A_161] : memref<20000x80xf32, #tpu.memory_space<hbm>> -> memref<20000x80xf32, #tpu.memory_space<hbm>>
        tpu.wait_indirect_dma semaphore(%arg12 : memref<!tpu.dma_semaphore, #tpu.memory_space<semaphore_mem>>) src(%dma_wait3A_162 : memref<20000x80xf32, #tpu.memory_space<hbm>>) dst(%arg9 : memref<80x80xf32, #tpu.memory_space<vmem>>)
        %add3A_163 = arith.constant 0 : i32
        %add3A_164 = arith.addi %mul3A_154, %add3A_163 : i32
        "tpu.region"() ({
          %run_scoped3A_215 = tpu.sem_alloc : memref<!tpu.dma_semaphore, #tpu.memory_space<semaphore_mem>>
          %dma_start3A_216 = arith.constant 0 : i32
          %dma_start3A_217 = tpu.memref_slice %arg8[%add3A_164, %dma_start3A_216] : memref<50x80xi32, #tpu.memory_space<vmem>> -> memref<1x80xi32, #tpu.memory_space<vmem>>
          %dma_start3A_218 = tpu.memref_squeeze %dma_start3A_217 : memref<1x80xi32, #tpu.memory_space<vmem>> -> memref<80xi32, #tpu.memory_space<vmem>>
          %dma_start3A_219 = arith.constant 0 : i32
          %dma_start3A_220 = arith.constant 0 : i32
          %dma_start3A_221 = tpu.memref_slice %arg6[%dma_start3A_219, %dma_start3A_220] : memref<20000x80xf32, #tpu.memory_space<vmem_shared>> -> memref<20000x80xf32, #tpu.memory_space<vmem_shared>>
          tpu.enqueue_indirect_dma source(%arg9 : memref<80x80xf32, #tpu.memory_space<vmem>>) target(%dma_start3A_221 : memref<20000x80xf32, #tpu.memory_space<vmem_shared>>) offsets(%dma_start3A_218 : memref<80xi32, #tpu.memory_space<vmem>>) semaphore(%run_scoped3A_215 : memref<!tpu.dma_semaphore, #tpu.memory_space<semaphore_mem>>) {add = true}
          %dma_wait3A_222 = arith.constant 0 : i32
          %dma_wait3A_223 = tpu.memref_slice %arg8[%add3A_164, %dma_wait3A_222] : memref<50x80xi32, #tpu.memory_space<vmem>> -> memref<1x80xi32, #tpu.memory_space<vmem>>
          %dma_wait3A_224 = tpu.memref_squeeze %dma_wait3A_223 : memref<1x80xi32, #tpu.memory_space<vmem>> -> memref<80xi32, #tpu.memory_space<vmem>>
          %dma_wait3A_225 = arith.constant 0 : i32
          %dma_wait3A_226 = arith.constant 0 : i32
          %dma_wait3A_227 = tpu.memref_slice %arg6[%dma_wait3A_225, %dma_wait3A_226] : memref<20000x80xf32, #tpu.memory_space<vmem_shared>> -> memref<20000x80xf32, #tpu.memory_space<vmem_shared>>
          tpu.wait_indirect_dma semaphore(%run_scoped3A_215 : memref<!tpu.dma_semaphore, #tpu.memory_space<semaphore_mem>>) src(%arg9 : memref<80x80xf32, #tpu.memory_space<vmem>>) dst(%dma_wait3A_227 : memref<20000x80xf32, #tpu.memory_space<vmem_shared>>)
          tpu.yield
        }) : () -> ()
        %add3A_165 = arith.constant 0 : i32
        %add3A_166 = arith.addi %mul3A_154, %add3A_165 : i32
        %add3A_167 = arith.constant 3 : i32
        %add3A_168 = arith.addi %add3A_166, %add3A_167 : i32
        %dma_start3A_169 = arith.constant 0 : i32
        %dma_start3A_170 = tpu.memref_slice %arg7[%add3A_168, %dma_start3A_169] : memref<50x80xi32, #tpu.memory_space<vmem>> -> memref<1x80xi32, #tpu.memory_space<vmem>>
        %dma_start3A_171 = tpu.memref_squeeze %dma_start3A_170 : memref<1x80xi32, #tpu.memory_space<vmem>> -> memref<80xi32, #tpu.memory_space<vmem>>
        %dma_start3A_172 = arith.constant 0 : i32
        %dma_start3A_173 = arith.constant 0 : i32
        %dma_start3A_174 = tpu.memref_slice %arg2[%dma_start3A_172, %dma_start3A_173] : memref<20000x80xf32, #tpu.memory_space<hbm>> -> memref<20000x80xf32, #tpu.memory_space<hbm>>
        tpu.enqueue_indirect_dma source(%dma_start3A_174 : memref<20000x80xf32, #tpu.memory_space<hbm>>) target(%arg9 : memref<80x80xf32, #tpu.memory_space<vmem>>) offsets(%dma_start3A_171 : memref<80xi32, #tpu.memory_space<vmem>>) semaphore(%arg12 : memref<!tpu.dma_semaphore, #tpu.memory_space<semaphore_mem>>)
        %add3A_175 = arith.constant 1 : i32
        %add3A_176 = arith.addi %mul3A_154, %add3A_175 : i32
        %dma_wait3A_177 = arith.constant 0 : i32
        %dma_wait3A_178 = tpu.memref_slice %arg7[%add3A_176, %dma_wait3A_177] : memref<50x80xi32, #tpu.memory_space<vmem>> -> memref<1x80xi32, #tpu.memory_space<vmem>>
        %dma_wait3A_179 = tpu.memref_squeeze %dma_wait3A_178 : memref<1x80xi32, #tpu.memory_space<vmem>> -> memref<80xi32, #tpu.memory_space<vmem>>
        %dma_wait3A_180 = arith.constant 0 : i32
        %dma_wait3A_181 = arith.constant 0 : i32
        %dma_wait3A_182 = tpu.memref_slice %arg2[%dma_wait3A_180, %dma_wait3A_181] : memref<20000x80xf32, #tpu.memory_space<hbm>> -> memref<20000x80xf32, #tpu.memory_space<hbm>>
        tpu.wait_indirect_dma semaphore(%arg13 : memref<!tpu.dma_semaphore, #tpu.memory_space<semaphore_mem>>) src(%dma_wait3A_182 : memref<20000x80xf32, #tpu.memory_space<hbm>>) dst(%arg10 : memref<80x80xf32, #tpu.memory_space<vmem>>)
        %add3A_183 = arith.constant 1 : i32
        %add3A_184 = arith.addi %mul3A_154, %add3A_183 : i32
        "tpu.region"() ({
          %run_scoped3A_215 = tpu.sem_alloc : memref<!tpu.dma_semaphore, #tpu.memory_space<semaphore_mem>>
          %dma_start3A_216 = arith.constant 0 : i32
          %dma_start3A_217 = tpu.memref_slice %arg8[%add3A_184, %dma_start3A_216] : memref<50x80xi32, #tpu.memory_space<vmem>> -> memref<1x80xi32, #tpu.memory_space<vmem>>
          %dma_start3A_218 = tpu.memref_squeeze %dma_start3A_217 : memref<1x80xi32, #tpu.memory_space<vmem>> -> memref<80xi32, #tpu.memory_space<vmem>>
          %dma_start3A_219 = arith.constant 0 : i32
          %dma_start3A_220 = arith.constant 0 : i32
          %dma_start3A_221 = tpu.memref_slice %arg6[%dma_start3A_219, %dma_start3A_220] : memref<20000x80xf32, #tpu.memory_space<vmem_shared>> -> memref<20000x80xf32, #tpu.memory_space<vmem_shared>>
          tpu.enqueue_indirect_dma source(%arg10 : memref<80x80xf32, #tpu.memory_space<vmem>>) target(%dma_start3A_221 : memref<20000x80xf32, #tpu.memory_space<vmem_shared>>) offsets(%dma_start3A_218 : memref<80xi32, #tpu.memory_space<vmem>>) semaphore(%run_scoped3A_215 : memref<!tpu.dma_semaphore, #tpu.memory_space<semaphore_mem>>) {add = true}
          %dma_wait3A_222 = arith.constant 0 : i32
          %dma_wait3A_223 = tpu.memref_slice %arg8[%add3A_184, %dma_wait3A_222] : memref<50x80xi32, #tpu.memory_space<vmem>> -> memref<1x80xi32, #tpu.memory_space<vmem>>
          %dma_wait3A_224 = tpu.memref_squeeze %dma_wait3A_223 : memref<1x80xi32, #tpu.memory_space<vmem>> -> memref<80xi32, #tpu.memory_space<vmem>>
          %dma_wait3A_225 = arith.constant 0 : i32
          %dma_wait3A_226 = arith.constant 0 : i32
          %dma_wait3A_227 = tpu.memref_slice %arg6[%dma_wait3A_225, %dma_wait3A_226] : memref<20000x80xf32, #tpu.memory_space<vmem_shared>> -> memref<20000x80xf32, #tpu.memory_space<vmem_shared>>
          tpu.wait_indirect_dma semaphore(%run_scoped3A_215 : memref<!tpu.dma_semaphore, #tpu.memory_space<semaphore_mem>>) src(%arg10 : memref<80x80xf32, #tpu.memory_space<vmem>>) dst(%dma_wait3A_227 : memref<20000x80xf32, #tpu.memory_space<vmem_shared>>)
          tpu.yield
        }) : () -> ()
        %add3A_185 = arith.constant 1 : i32
        %add3A_186 = arith.addi %mul3A_154, %add3A_185 : i32
        %add3A_187 = arith.constant 3 : i32
        %add3A_188 = arith.addi %add3A_186, %add3A_187 : i32
        %dma_start3A_189 = arith.constant 0 : i32
        %dma_start3A_190 = tpu.memref_slice %arg7[%add3A_188, %dma_start3A_189] : memref<50x80xi32, #tpu.memory_space<vmem>> -> memref<1x80xi32, #tpu.memory_space<vmem>>
        %dma_start3A_191 = tpu.memref_squeeze %dma_start3A_190 : memref<1x80xi32, #tpu.memory_space<vmem>> -> memref<80xi32, #tpu.memory_space<vmem>>
        %dma_start3A_192 = arith.constant 0 : i32
        %dma_start3A_193 = arith.constant 0 : i32
        %dma_start3A_194 = tpu.memref_slice %arg2[%dma_start3A_192, %dma_start3A_193] : memref<20000x80xf32, #tpu.memory_space<hbm>> -> memref<20000x80xf32, #tpu.memory_space<hbm>>
        tpu.enqueue_indirect_dma source(%dma_start3A_194 : memref<20000x80xf32, #tpu.memory_space<hbm>>) target(%arg10 : memref<80x80xf32, #tpu.memory_space<vmem>>) offsets(%dma_start3A_191 : memref<80xi32, #tpu.memory_space<vmem>>) semaphore(%arg13 : memref<!tpu.dma_semaphore, #tpu.memory_space<semaphore_mem>>)
        %add3A_195 = arith.constant 2 : i32
        %add3A_196 = arith.addi %mul3A_154, %add3A_195 : i32
        %dma_wait3A_197 = arith.constant 0 : i32
        %dma_wait3A_198 = tpu.memref_slice %arg7[%add3A_196, %dma_wait3A_197] : memref<50x80xi32, #tpu.memory_space<vmem>> -> memref<1x80xi32, #tpu.memory_space<vmem>>
        %dma_wait3A_199 = tpu.memref_squeeze %dma_wait3A_198 : memref<1x80xi32, #tpu.memory_space<vmem>> -> memref<80xi32, #tpu.memory_space<vmem>>
        %dma_wait3A_200 = arith.constant 0 : i32
        %dma_wait3A_201 = arith.constant 0 : i32
        %dma_wait3A_202 = tpu.memref_slice %arg2[%dma_wait3A_200, %dma_wait3A_201] : memref<20000x80xf32, #tpu.memory_space<hbm>> -> memref<20000x80xf32, #tpu.memory_space<hbm>>
        tpu.wait_indirect_dma semaphore(%arg14 : memref<!tpu.dma_semaphore, #tpu.memory_space<semaphore_mem>>) src(%dma_wait3A_202 : memref<20000x80xf32, #tpu.memory_space<hbm>>) dst(%arg11 : memref<80x80xf32, #tpu.memory_space<vmem>>)
        %add3A_203 = arith.constant 2 : i32
        %add3A_204 = arith.addi %mul3A_154, %add3A_203 : i32
        "tpu.region"() ({
          %run_scoped3A_215 = tpu.sem_alloc : memref<!tpu.dma_semaphore, #tpu.memory_space<semaphore_mem>>
          %dma_start3A_216 = arith.constant 0 : i32
          %dma_start3A_217 = tpu.memref_slice %arg8[%add3A_204, %dma_start3A_216] : memref<50x80xi32, #tpu.memory_space<vmem>> -> memref<1x80xi32, #tpu.memory_space<vmem>>
          %dma_start3A_218 = tpu.memref_squeeze %dma_start3A_217 : memref<1x80xi32, #tpu.memory_space<vmem>> -> memref<80xi32, #tpu.memory_space<vmem>>
          %dma_start3A_219 = arith.constant 0 : i32
          %dma_start3A_220 = arith.constant 0 : i32
          %dma_start3A_221 = tpu.memref_slice %arg6[%dma_start3A_219, %dma_start3A_220] : memref<20000x80xf32, #tpu.memory_space<vmem_shared>> -> memref<20000x80xf32, #tpu.memory_space<vmem_shared>>
          tpu.enqueue_indirect_dma source(%arg11 : memref<80x80xf32, #tpu.memory_space<vmem>>) target(%dma_start3A_221 : memref<20000x80xf32, #tpu.memory_space<vmem_shared>>) offsets(%dma_start3A_218 : memref<80xi32, #tpu.memory_space<vmem>>) semaphore(%run_scoped3A_215 : memref<!tpu.dma_semaphore, #tpu.memory_space<semaphore_mem>>) {add = true}
          %dma_wait3A_222 = arith.constant 0 : i32
          %dma_wait3A_223 = tpu.memref_slice %arg8[%add3A_204, %dma_wait3A_222] : memref<50x80xi32, #tpu.memory_space<vmem>> -> memref<1x80xi32, #tpu.memory_space<vmem>>
          %dma_wait3A_224 = tpu.memref_squeeze %dma_wait3A_223 : memref<1x80xi32, #tpu.memory_space<vmem>> -> memref<80xi32, #tpu.memory_space<vmem>>
          %dma_wait3A_225 = arith.constant 0 : i32
          %dma_wait3A_226 = arith.constant 0 : i32
          %dma_wait3A_227 = tpu.memref_slice %arg6[%dma_wait3A_225, %dma_wait3A_226] : memref<20000x80xf32, #tpu.memory_space<vmem_shared>> -> memref<20000x80xf32, #tpu.memory_space<vmem_shared>>
          tpu.wait_indirect_dma semaphore(%run_scoped3A_215 : memref<!tpu.dma_semaphore, #tpu.memory_space<semaphore_mem>>) src(%arg11 : memref<80x80xf32, #tpu.memory_space<vmem>>) dst(%dma_wait3A_227 : memref<20000x80xf32, #tpu.memory_space<vmem_shared>>)
          tpu.yield
        }) : () -> ()
        %add3A_205 = arith.constant 2 : i32
        %add3A_206 = arith.addi %mul3A_154, %add3A_205 : i32
        %add3A_207 = arith.constant 3 : i32
        %add3A_208 = arith.addi %add3A_206, %add3A_207 : i32
        %dma_start3A_209 = arith.constant 0 : i32
        %dma_start3A_210 = tpu.memref_slice %arg7[%add3A_208, %dma_start3A_209] : memref<50x80xi32, #tpu.memory_space<vmem>> -> memref<1x80xi32, #tpu.memory_space<vmem>>
        %dma_start3A_211 = tpu.memref_squeeze %dma_start3A_210 : memref<1x80xi32, #tpu.memory_space<vmem>> -> memref<80xi32, #tpu.memory_space<vmem>>
        %dma_start3A_212 = arith.constant 0 : i32
        %dma_start3A_213 = arith.constant 0 : i32
        %dma_start3A_214 = tpu.memref_slice %arg2[%dma_start3A_212, %dma_start3A_213] : memref<20000x80xf32, #tpu.memory_space<hbm>> -> memref<20000x80xf32, #tpu.memory_space<hbm>>
        tpu.enqueue_indirect_dma source(%dma_start3A_214 : memref<20000x80xf32, #tpu.memory_space<hbm>>) target(%arg11 : memref<80x80xf32, #tpu.memory_space<vmem>>) offsets(%dma_start3A_211 : memref<80xi32, #tpu.memory_space<vmem>>) semaphore(%arg14 : memref<!tpu.dma_semaphore, #tpu.memory_space<semaphore_mem>>)
      }
      %scan3A_99 = arith.constant 15 : i32
      %dma_wait3A = arith.constant 45 : i32
      %dma_wait3A_100 = arith.constant 0 : i32
      %dma_wait3A_101 = tpu.memref_slice %arg7[%dma_wait3A, %dma_wait3A_100] : memref<50x80xi32, #tpu.memory_space<vmem>> -> memref<1x80xi32, #tpu.memory_space<vmem>>
      %dma_wait3A_102 = tpu.memref_squeeze %dma_wait3A_101 : memref<1x80xi32, #tpu.memory_space<vmem>> -> memref<80xi32, #tpu.memory_space<vmem>>
      %dma_wait3A_103 = arith.constant 0 : i32
      %dma_wait3A_104 = arith.constant 0 : i32
      %dma_wait3A_105 = tpu.memref_slice %arg2[%dma_wait3A_103, %dma_wait3A_104] : memref<20000x80xf32, #tpu.memory_space<hbm>> -> memref<20000x80xf32, #tpu.memory_space<hbm>>
      tpu.wait_indirect_dma semaphore(%arg12 : memref<!tpu.dma_semaphore, #tpu.memory_space<semaphore_mem>>) src(%dma_wait3A_105 : memref<20000x80xf32, #tpu.memory_space<hbm>>) dst(%arg9 : memref<80x80xf32, #tpu.memory_space<vmem>>)
      %run_scoped3A = arith.constant 45 : i32
      "tpu.region"() ({
        %run_scoped3A_152 = tpu.sem_alloc : memref<!tpu.dma_semaphore, #tpu.memory_space<semaphore_mem>>
        %dma_start3A_153 = arith.constant 0 : i32
        %dma_start3A_154 = tpu.memref_slice %arg8[%run_scoped3A, %dma_start3A_153] : memref<50x80xi32, #tpu.memory_space<vmem>> -> memref<1x80xi32, #tpu.memory_space<vmem>>
        %dma_start3A_155 = tpu.memref_squeeze %dma_start3A_154 : memref<1x80xi32, #tpu.memory_space<vmem>> -> memref<80xi32, #tpu.memory_space<vmem>>
        %dma_start3A_156 = arith.constant 0 : i32
        %dma_start3A_157 = arith.constant 0 : i32
        %dma_start3A_158 = tpu.memref_slice %arg6[%dma_start3A_156, %dma_start3A_157] : memref<20000x80xf32, #tpu.memory_space<vmem_shared>> -> memref<20000x80xf32, #tpu.memory_space<vmem_shared>>
        tpu.enqueue_indirect_dma source(%arg9 : memref<80x80xf32, #tpu.memory_space<vmem>>) target(%dma_start3A_158 : memref<20000x80xf32, #tpu.memory_space<vmem_shared>>) offsets(%dma_start3A_155 : memref<80xi32, #tpu.memory_space<vmem>>) semaphore(%run_scoped3A_152 : memref<!tpu.dma_semaphore, #tpu.memory_space<semaphore_mem>>) {add = true}
        %dma_wait3A_159 = arith.constant 0 : i32
        %dma_wait3A_160 = tpu.memref_slice %arg8[%run_scoped3A, %dma_wait3A_159] : memref<50x80xi32, #tpu.memory_space<vmem>> -> memref<1x80xi32, #tpu.memory_space<vmem>>
        %dma_wait3A_161 = tpu.memref_squeeze %dma_wait3A_160 : memref<1x80xi32, #tpu.memory_space<vmem>> -> memref<80xi32, #tpu.memory_space<vmem>>
        %dma_wait3A_162 = arith.constant 0 : i32
        %dma_wait3A_163 = arith.constant 0 : i32
        %dma_wait3A_164 = tpu.memref_slice %arg6[%dma_wait3A_162, %dma_wait3A_163] : memref<20000x80xf32, #tpu.memory_space<vmem_shared>> -> memref<20000x80xf32, #tpu.memory_space<vmem_shared>>
        tpu.wait_indirect_dma semaphore(%run_scoped3A_152 : memref<!tpu.dma_semaphore, #tpu.memory_space<semaphore_mem>>) src(%arg9 : memref<80x80xf32, #tpu.memory_space<vmem>>) dst(%dma_wait3A_164 : memref<20000x80xf32, #tpu.memory_space<vmem_shared>>)
        tpu.yield
      }) : () -> ()
      %dma_start3A_106 = arith.constant 48 : i32
      %dma_start3A_107 = arith.constant 0 : i32
      %dma_start3A_108 = tpu.memref_slice %arg7[%dma_start3A_106, %dma_start3A_107] : memref<50x80xi32, #tpu.memory_space<vmem>> -> memref<1x80xi32, #tpu.memory_space<vmem>>
      %dma_start3A_109 = tpu.memref_squeeze %dma_start3A_108 : memref<1x80xi32, #tpu.memory_space<vmem>> -> memref<80xi32, #tpu.memory_space<vmem>>
      %dma_start3A_110 = arith.constant 0 : i32
      %dma_start3A_111 = arith.constant 0 : i32
      %dma_start3A_112 = tpu.memref_slice %arg2[%dma_start3A_110, %dma_start3A_111] : memref<20000x80xf32, #tpu.memory_space<hbm>> -> memref<20000x80xf32, #tpu.memory_space<hbm>>
      tpu.enqueue_indirect_dma source(%dma_start3A_112 : memref<20000x80xf32, #tpu.memory_space<hbm>>) target(%arg9 : memref<80x80xf32, #tpu.memory_space<vmem>>) offsets(%dma_start3A_109 : memref<80xi32, #tpu.memory_space<vmem>>) semaphore(%arg12 : memref<!tpu.dma_semaphore, #tpu.memory_space<semaphore_mem>>)
      %dma_wait3A_113 = arith.constant 46 : i32
      %dma_wait3A_114 = arith.constant 0 : i32
      %dma_wait3A_115 = tpu.memref_slice %arg7[%dma_wait3A_113, %dma_wait3A_114] : memref<50x80xi32, #tpu.memory_space<vmem>> -> memref<1x80xi32, #tpu.memory_space<vmem>>
      %dma_wait3A_116 = tpu.memref_squeeze %dma_wait3A_115 : memref<1x80xi32, #tpu.memory_space<vmem>> -> memref<80xi32, #tpu.memory_space<vmem>>
      %dma_wait3A_117 = arith.constant 0 : i32
      %dma_wait3A_118 = arith.constant 0 : i32
      %dma_wait3A_119 = tpu.memref_slice %arg2[%dma_wait3A_117, %dma_wait3A_118] : memref<20000x80xf32, #tpu.memory_space<hbm>> -> memref<20000x80xf32, #tpu.memory_space<hbm>>
      tpu.wait_indirect_dma semaphore(%arg13 : memref<!tpu.dma_semaphore, #tpu.memory_space<semaphore_mem>>) src(%dma_wait3A_119 : memref<20000x80xf32, #tpu.memory_space<hbm>>) dst(%arg10 : memref<80x80xf32, #tpu.memory_space<vmem>>)
      %run_scoped3A_120 = arith.constant 46 : i32
      "tpu.region"() ({
        %run_scoped3A_152 = tpu.sem_alloc : memref<!tpu.dma_semaphore, #tpu.memory_space<semaphore_mem>>
        %dma_start3A_153 = arith.constant 0 : i32
        %dma_start3A_154 = tpu.memref_slice %arg8[%run_scoped3A_120, %dma_start3A_153] : memref<50x80xi32, #tpu.memory_space<vmem>> -> memref<1x80xi32, #tpu.memory_space<vmem>>
        %dma_start3A_155 = tpu.memref_squeeze %dma_start3A_154 : memref<1x80xi32, #tpu.memory_space<vmem>> -> memref<80xi32, #tpu.memory_space<vmem>>
        %dma_start3A_156 = arith.constant 0 : i32
        %dma_start3A_157 = arith.constant 0 : i32
        %dma_start3A_158 = tpu.memref_slice %arg6[%dma_start3A_156, %dma_start3A_157] : memref<20000x80xf32, #tpu.memory_space<vmem_shared>> -> memref<20000x80xf32, #tpu.memory_space<vmem_shared>>
        tpu.enqueue_indirect_dma source(%arg10 : memref<80x80xf32, #tpu.memory_space<vmem>>) target(%dma_start3A_158 : memref<20000x80xf32, #tpu.memory_space<vmem_shared>>) offsets(%dma_start3A_155 : memref<80xi32, #tpu.memory_space<vmem>>) semaphore(%run_scoped3A_152 : memref<!tpu.dma_semaphore, #tpu.memory_space<semaphore_mem>>) {add = true}
        %dma_wait3A_159 = arith.constant 0 : i32
        %dma_wait3A_160 = tpu.memref_slice %arg8[%run_scoped3A_120, %dma_wait3A_159] : memref<50x80xi32, #tpu.memory_space<vmem>> -> memref<1x80xi32, #tpu.memory_space<vmem>>
        %dma_wait3A_161 = tpu.memref_squeeze %dma_wait3A_160 : memref<1x80xi32, #tpu.memory_space<vmem>> -> memref<80xi32, #tpu.memory_space<vmem>>
        %dma_wait3A_162 = arith.constant 0 : i32
        %dma_wait3A_163 = arith.constant 0 : i32
        %dma_wait3A_164 = tpu.memref_slice %arg6[%dma_wait3A_162, %dma_wait3A_163] : memref<20000x80xf32, #tpu.memory_space<vmem_shared>> -> memref<20000x80xf32, #tpu.memory_space<vmem_shared>>
        tpu.wait_indirect_dma semaphore(%run_scoped3A_152 : memref<!tpu.dma_semaphore, #tpu.memory_space<semaphore_mem>>) src(%arg10 : memref<80x80xf32, #tpu.memory_space<vmem>>) dst(%dma_wait3A_164 : memref<20000x80xf32, #tpu.memory_space<vmem_shared>>)
        tpu.yield
      }) : () -> ()
      %dma_start3A_121 = arith.constant 49 : i32
      %dma_start3A_122 = arith.constant 0 : i32
      %dma_start3A_123 = tpu.memref_slice %arg7[%dma_start3A_121, %dma_start3A_122] : memref<50x80xi32, #tpu.memory_space<vmem>> -> memref<1x80xi32, #tpu.memory_space<vmem>>
      %dma_start3A_124 = tpu.memref_squeeze %dma_start3A_123 : memref<1x80xi32, #tpu.memory_space<vmem>> -> memref<80xi32, #tpu.memory_space<vmem>>
      %dma_start3A_125 = arith.constant 0 : i32
      %dma_start3A_126 = arith.constant 0 : i32
      %dma_start3A_127 = tpu.memref_slice %arg2[%dma_start3A_125, %dma_start3A_126] : memref<20000x80xf32, #tpu.memory_space<hbm>> -> memref<20000x80xf32, #tpu.memory_space<hbm>>
      tpu.enqueue_indirect_dma source(%dma_start3A_127 : memref<20000x80xf32, #tpu.memory_space<hbm>>) target(%arg10 : memref<80x80xf32, #tpu.memory_space<vmem>>) offsets(%dma_start3A_124 : memref<80xi32, #tpu.memory_space<vmem>>) semaphore(%arg13 : memref<!tpu.dma_semaphore, #tpu.memory_space<semaphore_mem>>)
      %dma_wait3A_128 = arith.constant 47 : i32
      %dma_wait3A_129 = arith.constant 0 : i32
      %dma_wait3A_130 = tpu.memref_slice %arg7[%dma_wait3A_128, %dma_wait3A_129] : memref<50x80xi32, #tpu.memory_space<vmem>> -> memref<1x80xi32, #tpu.memory_space<vmem>>
      %dma_wait3A_131 = tpu.memref_squeeze %dma_wait3A_130 : memref<1x80xi32, #tpu.memory_space<vmem>> -> memref<80xi32, #tpu.memory_space<vmem>>
      %dma_wait3A_132 = arith.constant 0 : i32
      %dma_wait3A_133 = arith.constant 0 : i32
      %dma_wait3A_134 = tpu.memref_slice %arg2[%dma_wait3A_132, %dma_wait3A_133] : memref<20000x80xf32, #tpu.memory_space<hbm>> -> memref<20000x80xf32, #tpu.memory_space<hbm>>
      tpu.wait_indirect_dma semaphore(%arg14 : memref<!tpu.dma_semaphore, #tpu.memory_space<semaphore_mem>>) src(%dma_wait3A_134 : memref<20000x80xf32, #tpu.memory_space<hbm>>) dst(%arg11 : memref<80x80xf32, #tpu.memory_space<vmem>>)
      %run_scoped3A_135 = arith.constant 47 : i32
      "tpu.region"() ({
        %run_scoped3A_152 = tpu.sem_alloc : memref<!tpu.dma_semaphore, #tpu.memory_space<semaphore_mem>>
        %dma_start3A_153 = arith.constant 0 : i32
        %dma_start3A_154 = tpu.memref_slice %arg8[%run_scoped3A_135, %dma_start3A_153] : memref<50x80xi32, #tpu.memory_space<vmem>> -> memref<1x80xi32, #tpu.memory_space<vmem>>
        %dma_start3A_155 = tpu.memref_squeeze %dma_start3A_154 : memref<1x80xi32, #tpu.memory_space<vmem>> -> memref<80xi32, #tpu.memory_space<vmem>>
        %dma_start3A_156 = arith.constant 0 : i32
        %dma_start3A_157 = arith.constant 0 : i32
        %dma_start3A_158 = tpu.memref_slice %arg6[%dma_start3A_156, %dma_start3A_157] : memref<20000x80xf32, #tpu.memory_space<vmem_shared>> -> memref<20000x80xf32, #tpu.memory_space<vmem_shared>>
        tpu.enqueue_indirect_dma source(%arg11 : memref<80x80xf32, #tpu.memory_space<vmem>>) target(%dma_start3A_158 : memref<20000x80xf32, #tpu.memory_space<vmem_shared>>) offsets(%dma_start3A_155 : memref<80xi32, #tpu.memory_space<vmem>>) semaphore(%run_scoped3A_152 : memref<!tpu.dma_semaphore, #tpu.memory_space<semaphore_mem>>) {add = true}
        %dma_wait3A_159 = arith.constant 0 : i32
        %dma_wait3A_160 = tpu.memref_slice %arg8[%run_scoped3A_135, %dma_wait3A_159] : memref<50x80xi32, #tpu.memory_space<vmem>> -> memref<1x80xi32, #tpu.memory_space<vmem>>
        %dma_wait3A_161 = tpu.memref_squeeze %dma_wait3A_160 : memref<1x80xi32, #tpu.memory_space<vmem>> -> memref<80xi32, #tpu.memory_space<vmem>>
        %dma_wait3A_162 = arith.constant 0 : i32
        %dma_wait3A_163 = arith.constant 0 : i32
        %dma_wait3A_164 = tpu.memref_slice %arg6[%dma_wait3A_162, %dma_wait3A_163] : memref<20000x80xf32, #tpu.memory_space<vmem_shared>> -> memref<20000x80xf32, #tpu.memory_space<vmem_shared>>
        tpu.wait_indirect_dma semaphore(%run_scoped3A_152 : memref<!tpu.dma_semaphore, #tpu.memory_space<semaphore_mem>>) src(%arg11 : memref<80x80xf32, #tpu.memory_space<vmem>>) dst(%dma_wait3A_164 : memref<20000x80xf32, #tpu.memory_space<vmem_shared>>)
        tpu.yield
      }) : () -> ()
      %dma_wait3A_136 = arith.constant 48 : i32
      %dma_wait3A_137 = arith.constant 0 : i32
      %dma_wait3A_138 = tpu.memref_slice %arg7[%dma_wait3A_136, %dma_wait3A_137] : memref<50x80xi32, #tpu.memory_space<vmem>> -> memref<1x80xi32, #tpu.memory_space<vmem>>
      %dma_wait3A_139 = tpu.memref_squeeze %dma_wait3A_138 : memref<1x80xi32, #tpu.memory_space<vmem>> -> memref<80xi32, #tpu.memory_space<vmem>>
      %dma_wait3A_140 = arith.constant 0 : i32
      %dma_wait3A_141 = arith.constant 0 : i32
      %dma_wait3A_142 = tpu.memref_slice %arg2[%dma_wait3A_140, %dma_wait3A_141] : memref<20000x80xf32, #tpu.memory_space<hbm>> -> memref<20000x80xf32, #tpu.memory_space<hbm>>
      tpu.wait_indirect_dma semaphore(%arg12 : memref<!tpu.dma_semaphore, #tpu.memory_space<semaphore_mem>>) src(%dma_wait3A_142 : memref<20000x80xf32, #tpu.memory_space<hbm>>) dst(%arg9 : memref<80x80xf32, #tpu.memory_space<vmem>>)
      %run_scoped3A_143 = arith.constant 48 : i32
      "tpu.region"() ({
        %run_scoped3A_152 = tpu.sem_alloc : memref<!tpu.dma_semaphore, #tpu.memory_space<semaphore_mem>>
        %dma_start3A_153 = arith.constant 0 : i32
        %dma_start3A_154 = tpu.memref_slice %arg8[%run_scoped3A_143, %dma_start3A_153] : memref<50x80xi32, #tpu.memory_space<vmem>> -> memref<1x80xi32, #tpu.memory_space<vmem>>
        %dma_start3A_155 = tpu.memref_squeeze %dma_start3A_154 : memref<1x80xi32, #tpu.memory_space<vmem>> -> memref<80xi32, #tpu.memory_space<vmem>>
        %dma_start3A_156 = arith.constant 0 : i32
        %dma_start3A_157 = arith.constant 0 : i32
        %dma_start3A_158 = tpu.memref_slice %arg6[%dma_start3A_156, %dma_start3A_157] : memref<20000x80xf32, #tpu.memory_space<vmem_shared>> -> memref<20000x80xf32, #tpu.memory_space<vmem_shared>>
        tpu.enqueue_indirect_dma source(%arg9 : memref<80x80xf32, #tpu.memory_space<vmem>>) target(%dma_start3A_158 : memref<20000x80xf32, #tpu.memory_space<vmem_shared>>) offsets(%dma_start3A_155 : memref<80xi32, #tpu.memory_space<vmem>>) semaphore(%run_scoped3A_152 : memref<!tpu.dma_semaphore, #tpu.memory_space<semaphore_mem>>) {add = true}
        %dma_wait3A_159 = arith.constant 0 : i32
        %dma_wait3A_160 = tpu.memref_slice %arg8[%run_scoped3A_143, %dma_wait3A_159] : memref<50x80xi32, #tpu.memory_space<vmem>> -> memref<1x80xi32, #tpu.memory_space<vmem>>
        %dma_wait3A_161 = tpu.memref_squeeze %dma_wait3A_160 : memref<1x80xi32, #tpu.memory_space<vmem>> -> memref<80xi32, #tpu.memory_space<vmem>>
        %dma_wait3A_162 = arith.constant 0 : i32
        %dma_wait3A_163 = arith.constant 0 : i32
        %dma_wait3A_164 = tpu.memref_slice %arg6[%dma_wait3A_162, %dma_wait3A_163] : memref<20000x80xf32, #tpu.memory_space<vmem_shared>> -> memref<20000x80xf32, #tpu.memory_space<vmem_shared>>
        tpu.wait_indirect_dma semaphore(%run_scoped3A_152 : memref<!tpu.dma_semaphore, #tpu.memory_space<semaphore_mem>>) src(%arg9 : memref<80x80xf32, #tpu.memory_space<vmem>>) dst(%dma_wait3A_164 : memref<20000x80xf32, #tpu.memory_space<vmem_shared>>)
        tpu.yield
      }) : () -> ()
      %dma_wait3A_144 = arith.constant 49 : i32
      %dma_wait3A_145 = arith.constant 0 : i32
      %dma_wait3A_146 = tpu.memref_slice %arg7[%dma_wait3A_144, %dma_wait3A_145] : memref<50x80xi32, #tpu.memory_space<vmem>> -> memref<1x80xi32, #tpu.memory_space<vmem>>
      %dma_wait3A_147 = tpu.memref_squeeze %dma_wait3A_146 : memref<1x80xi32, #tpu.memory_space<vmem>> -> memref<80xi32, #tpu.memory_space<vmem>>
      %dma_wait3A_148 = arith.constant 0 : i32
      %dma_wait3A_149 = arith.constant 0 : i32
      %dma_wait3A_150 = tpu.memref_slice %arg2[%dma_wait3A_148, %dma_wait3A_149] : memref<20000x80xf32, #tpu.memory_space<hbm>> -> memref<20000x80xf32, #tpu.memory_space<hbm>>
      tpu.wait_indirect_dma semaphore(%arg13 : memref<!tpu.dma_semaphore, #tpu.memory_space<semaphore_mem>>) src(%dma_wait3A_150 : memref<20000x80xf32, #tpu.memory_space<hbm>>) dst(%arg10 : memref<80x80xf32, #tpu.memory_space<vmem>>)
      %run_scoped3A_151 = arith.constant 49 : i32
      "tpu.region"() ({
        %run_scoped3A_152 = tpu.sem_alloc : memref<!tpu.dma_semaphore, #tpu.memory_space<semaphore_mem>>
        %dma_start3A_153 = arith.constant 0 : i32
        %dma_start3A_154 = tpu.memref_slice %arg8[%run_scoped3A_151, %dma_start3A_153] : memref<50x80xi32, #tpu.memory_space<vmem>> -> memref<1x80xi32, #tpu.memory_space<vmem>>
        %dma_start3A_155 = tpu.memref_squeeze %dma_start3A_154 : memref<1x80xi32, #tpu.memory_space<vmem>> -> memref<80xi32, #tpu.memory_space<vmem>>
        %dma_start3A_156 = arith.constant 0 : i32
        %dma_start3A_157 = arith.constant 0 : i32
        %dma_start3A_158 = tpu.memref_slice %arg6[%dma_start3A_156, %dma_start3A_157] : memref<20000x80xf32, #tpu.memory_space<vmem_shared>> -> memref<20000x80xf32, #tpu.memory_space<vmem_shared>>
        tpu.enqueue_indirect_dma source(%arg10 : memref<80x80xf32, #tpu.memory_space<vmem>>) target(%dma_start3A_158 : memref<20000x80xf32, #tpu.memory_space<vmem_shared>>) offsets(%dma_start3A_155 : memref<80xi32, #tpu.memory_space<vmem>>) semaphore(%run_scoped3A_152 : memref<!tpu.dma_semaphore, #tpu.memory_space<semaphore_mem>>) {add = true}
        %dma_wait3A_159 = arith.constant 0 : i32
        %dma_wait3A_160 = tpu.memref_slice %arg8[%run_scoped3A_151, %dma_wait3A_159] : memref<50x80xi32, #tpu.memory_space<vmem>> -> memref<1x80xi32, #tpu.memory_space<vmem>>
        %dma_wait3A_161 = tpu.memref_squeeze %dma_wait3A_160 : memref<1x80xi32, #tpu.memory_space<vmem>> -> memref<80xi32, #tpu.memory_space<vmem>>
        %dma_wait3A_162 = arith.constant 0 : i32
        %dma_wait3A_163 = arith.constant 0 : i32
        %dma_wait3A_164 = tpu.memref_slice %arg6[%dma_wait3A_162, %dma_wait3A_163] : memref<20000x80xf32, #tpu.memory_space<vmem_shared>> -> memref<20000x80xf32, #tpu.memory_space<vmem_shared>>
        tpu.wait_indirect_dma semaphore(%run_scoped3A_152 : memref<!tpu.dma_semaphore, #tpu.memory_space<semaphore_mem>>) src(%arg10 : memref<80x80xf32, #tpu.memory_space<vmem>>) dst(%dma_wait3A_164 : memref<20000x80xf32, #tpu.memory_space<vmem_shared>>)
        tpu.yield
      }) : () -> ()
    }
    %scan3A_45 = arith.constant 5 : i32
    %barrier3A_46 = arith.constant 0 : index
    tpu.barrier barrier_id(%barrier3A_46)
    %add3A_47 = arith.constant 0 : i32
    %add3A_48 = arith.addi %mul3A_6, %add3A_47 : i32
    "tpu.region"() ({
      %run_scoped3A = tpu.sem_alloc : memref<!tpu.dma_semaphore, #tpu.memory_space<semaphore_mem>>
      %dma_start3A = arith.constant 0 : i32
      %dma_start3A_67 = arith.constant 0 : i32
      %dma_start3A_68 = tpu.memref_slice %arg5[%arg0, %dma_start3A, %dma_start3A_67] : memref<2x20000x80xf32, #tpu.memory_space<hbm>> -> memref<1x20000x80xf32, #tpu.memory_space<hbm>>
      %dma_start3A_69 = tpu.memref_squeeze %dma_start3A_68 : memref<1x20000x80xf32, #tpu.memory_space<hbm>> -> memref<20000x80xf32, #tpu.memory_space<hbm>>
      %dma_start3A_70 = arith.constant 0 : i32
      %dma_start3A_71 = tpu.memref_slice %dma_start3A_69[%add3A_48, %dma_start3A_70] : memref<20000x80xf32, #tpu.memory_space<hbm>> -> memref<125x80xf32, #tpu.memory_space<hbm>>
      %dma_start3A_72 = arith.constant 0 : i32
      %dma_start3A_73 = tpu.memref_slice %arg6[%add3A_48, %dma_start3A_72] : memref<20000x80xf32, #tpu.memory_space<vmem_shared>> -> memref<125x80xf32, #tpu.memory_space<vmem_shared>>
      tpu.enqueue_dma source(%dma_start3A_73 : memref<125x80xf32, #tpu.memory_space<vmem_shared>>) target(%dma_start3A_71 : memref<125x80xf32, #tpu.memory_space<hbm>>) target_semaphore(%run_scoped3A : memref<!tpu.dma_semaphore, #tpu.memory_space<semaphore_mem>>)
      %dma_wait3A = arith.constant 0 : i32
      %dma_wait3A_74 = arith.constant 0 : i32
      %dma_wait3A_75 = tpu.memref_slice %arg5[%arg0, %dma_wait3A, %dma_wait3A_74] : memref<2x20000x80xf32, #tpu.memory_space<hbm>> -> memref<1x20000x80xf32, #tpu.memory_space<hbm>>
      %dma_wait3A_76 = tpu.memref_squeeze %dma_wait3A_75 : memref<1x20000x80xf32, #tpu.memory_space<hbm>> -> memref<20000x80xf32, #tpu.memory_space<hbm>>
      %dma_wait3A_77 = arith.constant 0 : i32
      %dma_wait3A_78 = tpu.memref_slice %dma_wait3A_76[%add3A_48, %dma_wait3A_77] : memref<20000x80xf32, #tpu.memory_space<hbm>> -> memref<125x80xf32, #tpu.memory_space<hbm>>
      %dma_wait3A_79 = arith.constant 0 : i32
      %dma_wait3A_80 = tpu.memref_slice %arg6[%add3A_48, %dma_wait3A_79] : memref<20000x80xf32, #tpu.memory_space<vmem_shared>> -> memref<125x80xf32, #tpu.memory_space<vmem_shared>>
      tpu.wait_dma2 semaphore(%run_scoped3A : memref<!tpu.dma_semaphore, #tpu.memory_space<semaphore_mem>>) src(%dma_wait3A_80 : memref<125x80xf32, #tpu.memory_space<vmem_shared>>) dst(%dma_wait3A_78 : memref<125x80xf32, #tpu.memory_space<hbm>>)
      tpu.yield
    }) : () -> ()
    %add3A_49 = arith.constant 125 : i32
    %add3A_50 = arith.addi %mul3A_6, %add3A_49 : i32
    "tpu.region"() ({
      %run_scoped3A = tpu.sem_alloc : memref<!tpu.dma_semaphore, #tpu.memory_space<semaphore_mem>>
      %dma_start3A = arith.constant 0 : i32
      %dma_start3A_67 = arith.constant 0 : i32
      %dma_start3A_68 = tpu.memref_slice %arg5[%arg0, %dma_start3A, %dma_start3A_67] : memref<2x20000x80xf32, #tpu.memory_space<hbm>> -> memref<1x20000x80xf32, #tpu.memory_space<hbm>>
      %dma_start3A_69 = tpu.memref_squeeze %dma_start3A_68 : memref<1x20000x80xf32, #tpu.memory_space<hbm>> -> memref<20000x80xf32, #tpu.memory_space<hbm>>
      %dma_start3A_70 = arith.constant 0 : i32
      %dma_start3A_71 = tpu.memref_slice %dma_start3A_69[%add3A_50, %dma_start3A_70] : memref<20000x80xf32, #tpu.memory_space<hbm>> -> memref<125x80xf32, #tpu.memory_space<hbm>>
      %dma_start3A_72 = arith.constant 0 : i32
      %dma_start3A_73 = tpu.memref_slice %arg6[%add3A_50, %dma_start3A_72] : memref<20000x80xf32, #tpu.memory_space<vmem_shared>> -> memref<125x80xf32, #tpu.memory_space<vmem_shared>>
      tpu.enqueue_dma source(%dma_start3A_73 : memref<125x80xf32, #tpu.memory_space<vmem_shared>>) target(%dma_start3A_71 : memref<125x80xf32, #tpu.memory_space<hbm>>) target_semaphore(%run_scoped3A : memref<!tpu.dma_semaphore, #tpu.memory_space<semaphore_mem>>)
      %dma_wait3A = arith.constant 0 : i32
      %dma_wait3A_74 = arith.constant 0 : i32
      %dma_wait3A_75 = tpu.memref_slice %arg5[%arg0, %dma_wait3A, %dma_wait3A_74] : memref<2x20000x80xf32, #tpu.memory_space<hbm>> -> memref<1x20000x80xf32, #tpu.memory_space<hbm>>
      %dma_wait3A_76 = tpu.memref_squeeze %dma_wait3A_75 : memref<1x20000x80xf32, #tpu.memory_space<hbm>> -> memref<20000x80xf32, #tpu.memory_space<hbm>>
      %dma_wait3A_77 = arith.constant 0 : i32
      %dma_wait3A_78 = tpu.memref_slice %dma_wait3A_76[%add3A_50, %dma_wait3A_77] : memref<20000x80xf32, #tpu.memory_space<hbm>> -> memref<125x80xf32, #tpu.memory_space<hbm>>
      %dma_wait3A_79 = arith.constant 0 : i32
      %dma_wait3A_80 = tpu.memref_slice %arg6[%add3A_50, %dma_wait3A_79] : memref<20000x80xf32, #tpu.memory_space<vmem_shared>> -> memref<125x80xf32, #tpu.memory_space<vmem_shared>>
      tpu.wait_dma2 semaphore(%run_scoped3A : memref<!tpu.dma_semaphore, #tpu.memory_space<semaphore_mem>>) src(%dma_wait3A_80 : memref<125x80xf32, #tpu.memory_space<vmem_shared>>) dst(%dma_wait3A_78 : memref<125x80xf32, #tpu.memory_space<hbm>>)
      tpu.yield
    }) : () -> ()
    %add3A_51 = arith.constant 250 : i32
    %add3A_52 = arith.addi %mul3A_6, %add3A_51 : i32
    "tpu.region"() ({
      %run_scoped3A = tpu.sem_alloc : memref<!tpu.dma_semaphore, #tpu.memory_space<semaphore_mem>>
      %dma_start3A = arith.constant 0 : i32
      %dma_start3A_67 = arith.constant 0 : i32
      %dma_start3A_68 = tpu.memref_slice %arg5[%arg0, %dma_start3A, %dma_start3A_67] : memref<2x20000x80xf32, #tpu.memory_space<hbm>> -> memref<1x20000x80xf32, #tpu.memory_space<hbm>>
      %dma_start3A_69 = tpu.memref_squeeze %dma_start3A_68 : memref<1x20000x80xf32, #tpu.memory_space<hbm>> -> memref<20000x80xf32, #tpu.memory_space<hbm>>
      %dma_start3A_70 = arith.constant 0 : i32
      %dma_start3A_71 = tpu.memref_slice %dma_start3A_69[%add3A_52, %dma_start3A_70] : memref<20000x80xf32, #tpu.memory_space<hbm>> -> memref<125x80xf32, #tpu.memory_space<hbm>>
      %dma_start3A_72 = arith.constant 0 : i32
      %dma_start3A_73 = tpu.memref_slice %arg6[%add3A_52, %dma_start3A_72] : memref<20000x80xf32, #tpu.memory_space<vmem_shared>> -> memref<125x80xf32, #tpu.memory_space<vmem_shared>>
      tpu.enqueue_dma source(%dma_start3A_73 : memref<125x80xf32, #tpu.memory_space<vmem_shared>>) target(%dma_start3A_71 : memref<125x80xf32, #tpu.memory_space<hbm>>) target_semaphore(%run_scoped3A : memref<!tpu.dma_semaphore, #tpu.memory_space<semaphore_mem>>)
      %dma_wait3A = arith.constant 0 : i32
      %dma_wait3A_74 = arith.constant 0 : i32
      %dma_wait3A_75 = tpu.memref_slice %arg5[%arg0, %dma_wait3A, %dma_wait3A_74] : memref<2x20000x80xf32, #tpu.memory_space<hbm>> -> memref<1x20000x80xf32, #tpu.memory_space<hbm>>
      %dma_wait3A_76 = tpu.memref_squeeze %dma_wait3A_75 : memref<1x20000x80xf32, #tpu.memory_space<hbm>> -> memref<20000x80xf32, #tpu.memory_space<hbm>>
      %dma_wait3A_77 = arith.constant 0 : i32
      %dma_wait3A_78 = tpu.memref_slice %dma_wait3A_76[%add3A_52, %dma_wait3A_77] : memref<20000x80xf32, #tpu.memory_space<hbm>> -> memref<125x80xf32, #tpu.memory_space<hbm>>
      %dma_wait3A_79 = arith.constant 0 : i32
      %dma_wait3A_80 = tpu.memref_slice %arg6[%add3A_52, %dma_wait3A_79] : memref<20000x80xf32, #tpu.memory_space<vmem_shared>> -> memref<125x80xf32, #tpu.memory_space<vmem_shared>>
      tpu.wait_dma2 semaphore(%run_scoped3A : memref<!tpu.dma_semaphore, #tpu.memory_space<semaphore_mem>>) src(%dma_wait3A_80 : memref<125x80xf32, #tpu.memory_space<vmem_shared>>) dst(%dma_wait3A_78 : memref<125x80xf32, #tpu.memory_space<hbm>>)
      tpu.yield
    }) : () -> ()
    %add3A_53 = arith.constant 375 : i32
    %add3A_54 = arith.addi %mul3A_6, %add3A_53 : i32
    "tpu.region"() ({
      %run_scoped3A = tpu.sem_alloc : memref<!tpu.dma_semaphore, #tpu.memory_space<semaphore_mem>>
      %dma_start3A = arith.constant 0 : i32
      %dma_start3A_67 = arith.constant 0 : i32
      %dma_start3A_68 = tpu.memref_slice %arg5[%arg0, %dma_start3A, %dma_start3A_67] : memref<2x20000x80xf32, #tpu.memory_space<hbm>> -> memref<1x20000x80xf32, #tpu.memory_space<hbm>>
      %dma_start3A_69 = tpu.memref_squeeze %dma_start3A_68 : memref<1x20000x80xf32, #tpu.memory_space<hbm>> -> memref<20000x80xf32, #tpu.memory_space<hbm>>
      %dma_start3A_70 = arith.constant 0 : i32
      %dma_start3A_71 = tpu.memref_slice %dma_start3A_69[%add3A_54, %dma_start3A_70] : memref<20000x80xf32, #tpu.memory_space<hbm>> -> memref<125x80xf32, #tpu.memory_space<hbm>>
      %dma_start3A_72 = arith.constant 0 : i32
      %dma_start3A_73 = tpu.memref_slice %arg6[%add3A_54, %dma_start3A_72] : memref<20000x80xf32, #tpu.memory_space<vmem_shared>> -> memref<125x80xf32, #tpu.memory_space<vmem_shared>>
      tpu.enqueue_dma source(%dma_start3A_73 : memref<125x80xf32, #tpu.memory_space<vmem_shared>>) target(%dma_start3A_71 : memref<125x80xf32, #tpu.memory_space<hbm>>) target_semaphore(%run_scoped3A : memref<!tpu.dma_semaphore, #tpu.memory_space<semaphore_mem>>)
      %dma_wait3A = arith.constant 0 : i32
      %dma_wait3A_74 = arith.constant 0 : i32
      %dma_wait3A_75 = tpu.memref_slice %arg5[%arg0, %dma_wait3A, %dma_wait3A_74] : memref<2x20000x80xf32, #tpu.memory_space<hbm>> -> memref<1x20000x80xf32, #tpu.memory_space<hbm>>
      %dma_wait3A_76 = tpu.memref_squeeze %dma_wait3A_75 : memref<1x20000x80xf32, #tpu.memory_space<hbm>> -> memref<20000x80xf32, #tpu.memory_space<hbm>>
      %dma_wait3A_77 = arith.constant 0 : i32
      %dma_wait3A_78 = tpu.memref_slice %dma_wait3A_76[%add3A_54, %dma_wait3A_77] : memref<20000x80xf32, #tpu.memory_space<hbm>> -> memref<125x80xf32, #tpu.memory_space<hbm>>
      %dma_wait3A_79 = arith.constant 0 : i32
      %dma_wait3A_80 = tpu.memref_slice %arg6[%add3A_54, %dma_wait3A_79] : memref<20000x80xf32, #tpu.memory_space<vmem_shared>> -> memref<125x80xf32, #tpu.memory_space<vmem_shared>>
      tpu.wait_dma2 semaphore(%run_scoped3A : memref<!tpu.dma_semaphore, #tpu.memory_space<semaphore_mem>>) src(%dma_wait3A_80 : memref<125x80xf32, #tpu.memory_space<vmem_shared>>) dst(%dma_wait3A_78 : memref<125x80xf32, #tpu.memory_space<hbm>>)
      tpu.yield
    }) : () -> ()
    %add3A_55 = arith.constant 500 : i32
    %add3A_56 = arith.addi %mul3A_6, %add3A_55 : i32
    "tpu.region"() ({
      %run_scoped3A = tpu.sem_alloc : memref<!tpu.dma_semaphore, #tpu.memory_space<semaphore_mem>>
      %dma_start3A = arith.constant 0 : i32
      %dma_start3A_67 = arith.constant 0 : i32
      %dma_start3A_68 = tpu.memref_slice %arg5[%arg0, %dma_start3A, %dma_start3A_67] : memref<2x20000x80xf32, #tpu.memory_space<hbm>> -> memref<1x20000x80xf32, #tpu.memory_space<hbm>>
      %dma_start3A_69 = tpu.memref_squeeze %dma_start3A_68 : memref<1x20000x80xf32, #tpu.memory_space<hbm>> -> memref<20000x80xf32, #tpu.memory_space<hbm>>
      %dma_start3A_70 = arith.constant 0 : i32
      %dma_start3A_71 = tpu.memref_slice %dma_start3A_69[%add3A_56, %dma_start3A_70] : memref<20000x80xf32, #tpu.memory_space<hbm>> -> memref<125x80xf32, #tpu.memory_space<hbm>>
      %dma_start3A_72 = arith.constant 0 : i32
      %dma_start3A_73 = tpu.memref_slice %arg6[%add3A_56, %dma_start3A_72] : memref<20000x80xf32, #tpu.memory_space<vmem_shared>> -> memref<125x80xf32, #tpu.memory_space<vmem_shared>>
      tpu.enqueue_dma source(%dma_start3A_73 : memref<125x80xf32, #tpu.memory_space<vmem_shared>>) target(%dma_start3A_71 : memref<125x80xf32, #tpu.memory_space<hbm>>) target_semaphore(%run_scoped3A : memref<!tpu.dma_semaphore, #tpu.memory_space<semaphore_mem>>)
      %dma_wait3A = arith.constant 0 : i32
      %dma_wait3A_74 = arith.constant 0 : i32
      %dma_wait3A_75 = tpu.memref_slice %arg5[%arg0, %dma_wait3A, %dma_wait3A_74] : memref<2x20000x80xf32, #tpu.memory_space<hbm>> -> memref<1x20000x80xf32, #tpu.memory_space<hbm>>
      %dma_wait3A_76 = tpu.memref_squeeze %dma_wait3A_75 : memref<1x20000x80xf32, #tpu.memory_space<hbm>> -> memref<20000x80xf32, #tpu.memory_space<hbm>>
      %dma_wait3A_77 = arith.constant 0 : i32
      %dma_wait3A_78 = tpu.memref_slice %dma_wait3A_76[%add3A_56, %dma_wait3A_77] : memref<20000x80xf32, #tpu.memory_space<hbm>> -> memref<125x80xf32, #tpu.memory_space<hbm>>
      %dma_wait3A_79 = arith.constant 0 : i32
      %dma_wait3A_80 = tpu.memref_slice %arg6[%add3A_56, %dma_wait3A_79] : memref<20000x80xf32, #tpu.memory_space<vmem_shared>> -> memref<125x80xf32, #tpu.memory_space<vmem_shared>>
      tpu.wait_dma2 semaphore(%run_scoped3A : memref<!tpu.dma_semaphore, #tpu.memory_space<semaphore_mem>>) src(%dma_wait3A_80 : memref<125x80xf32, #tpu.memory_space<vmem_shared>>) dst(%dma_wait3A_78 : memref<125x80xf32, #tpu.memory_space<hbm>>)
      tpu.yield
    }) : () -> ()
    %add3A_57 = arith.constant 625 : i32
    %add3A_58 = arith.addi %mul3A_6, %add3A_57 : i32
    "tpu.region"() ({
      %run_scoped3A = tpu.sem_alloc : memref<!tpu.dma_semaphore, #tpu.memory_space<semaphore_mem>>
      %dma_start3A = arith.constant 0 : i32
      %dma_start3A_67 = arith.constant 0 : i32
      %dma_start3A_68 = tpu.memref_slice %arg5[%arg0, %dma_start3A, %dma_start3A_67] : memref<2x20000x80xf32, #tpu.memory_space<hbm>> -> memref<1x20000x80xf32, #tpu.memory_space<hbm>>
      %dma_start3A_69 = tpu.memref_squeeze %dma_start3A_68 : memref<1x20000x80xf32, #tpu.memory_space<hbm>> -> memref<20000x80xf32, #tpu.memory_space<hbm>>
      %dma_start3A_70 = arith.constant 0 : i32
      %dma_start3A_71 = tpu.memref_slice %dma_start3A_69[%add3A_58, %dma_start3A_70] : memref<20000x80xf32, #tpu.memory_space<hbm>> -> memref<125x80xf32, #tpu.memory_space<hbm>>
      %dma_start3A_72 = arith.constant 0 : i32
      %dma_start3A_73 = tpu.memref_slice %arg6[%add3A_58, %dma_start3A_72] : memref<20000x80xf32, #tpu.memory_space<vmem_shared>> -> memref<125x80xf32, #tpu.memory_space<vmem_shared>>
      tpu.enqueue_dma source(%dma_start3A_73 : memref<125x80xf32, #tpu.memory_space<vmem_shared>>) target(%dma_start3A_71 : memref<125x80xf32, #tpu.memory_space<hbm>>) target_semaphore(%run_scoped3A : memref<!tpu.dma_semaphore, #tpu.memory_space<semaphore_mem>>)
      %dma_wait3A = arith.constant 0 : i32
      %dma_wait3A_74 = arith.constant 0 : i32
      %dma_wait3A_75 = tpu.memref_slice %arg5[%arg0, %dma_wait3A, %dma_wait3A_74] : memref<2x20000x80xf32, #tpu.memory_space<hbm>> -> memref<1x20000x80xf32, #tpu.memory_space<hbm>>
      %dma_wait3A_76 = tpu.memref_squeeze %dma_wait3A_75 : memref<1x20000x80xf32, #tpu.memory_space<hbm>> -> memref<20000x80xf32, #tpu.memory_space<hbm>>
      %dma_wait3A_77 = arith.constant 0 : i32
      %dma_wait3A_78 = tpu.memref_slice %dma_wait3A_76[%add3A_58, %dma_wait3A_77] : memref<20000x80xf32, #tpu.memory_space<hbm>> -> memref<125x80xf32, #tpu.memory_space<hbm>>
      %dma_wait3A_79 = arith.constant 0 : i32
      %dma_wait3A_80 = tpu.memref_slice %arg6[%add3A_58, %dma_wait3A_79] : memref<20000x80xf32, #tpu.memory_space<vmem_shared>> -> memref<125x80xf32, #tpu.memory_space<vmem_shared>>
      tpu.wait_dma2 semaphore(%run_scoped3A : memref<!tpu.dma_semaphore, #tpu.memory_space<semaphore_mem>>) src(%dma_wait3A_80 : memref<125x80xf32, #tpu.memory_space<vmem_shared>>) dst(%dma_wait3A_78 : memref<125x80xf32, #tpu.memory_space<hbm>>)
      tpu.yield
    }) : () -> ()
    %add3A_59 = arith.constant 750 : i32
    %add3A_60 = arith.addi %mul3A_6, %add3A_59 : i32
    "tpu.region"() ({
      %run_scoped3A = tpu.sem_alloc : memref<!tpu.dma_semaphore, #tpu.memory_space<semaphore_mem>>
      %dma_start3A = arith.constant 0 : i32
      %dma_start3A_67 = arith.constant 0 : i32
      %dma_start3A_68 = tpu.memref_slice %arg5[%arg0, %dma_start3A, %dma_start3A_67] : memref<2x20000x80xf32, #tpu.memory_space<hbm>> -> memref<1x20000x80xf32, #tpu.memory_space<hbm>>
      %dma_start3A_69 = tpu.memref_squeeze %dma_start3A_68 : memref<1x20000x80xf32, #tpu.memory_space<hbm>> -> memref<20000x80xf32, #tpu.memory_space<hbm>>
      %dma_start3A_70 = arith.constant 0 : i32
      %dma_start3A_71 = tpu.memref_slice %dma_start3A_69[%add3A_60, %dma_start3A_70] : memref<20000x80xf32, #tpu.memory_space<hbm>> -> memref<125x80xf32, #tpu.memory_space<hbm>>
      %dma_start3A_72 = arith.constant 0 : i32
      %dma_start3A_73 = tpu.memref_slice %arg6[%add3A_60, %dma_start3A_72] : memref<20000x80xf32, #tpu.memory_space<vmem_shared>> -> memref<125x80xf32, #tpu.memory_space<vmem_shared>>
      tpu.enqueue_dma source(%dma_start3A_73 : memref<125x80xf32, #tpu.memory_space<vmem_shared>>) target(%dma_start3A_71 : memref<125x80xf32, #tpu.memory_space<hbm>>) target_semaphore(%run_scoped3A : memref<!tpu.dma_semaphore, #tpu.memory_space<semaphore_mem>>)
      %dma_wait3A = arith.constant 0 : i32
      %dma_wait3A_74 = arith.constant 0 : i32
      %dma_wait3A_75 = tpu.memref_slice %arg5[%arg0, %dma_wait3A, %dma_wait3A_74] : memref<2x20000x80xf32, #tpu.memory_space<hbm>> -> memref<1x20000x80xf32, #tpu.memory_space<hbm>>
      %dma_wait3A_76 = tpu.memref_squeeze %dma_wait3A_75 : memref<1x20000x80xf32, #tpu.memory_space<hbm>> -> memref<20000x80xf32, #tpu.memory_space<hbm>>
      %dma_wait3A_77 = arith.constant 0 : i32
      %dma_wait3A_78 = tpu.memref_slice %dma_wait3A_76[%add3A_60, %dma_wait3A_77] : memref<20000x80xf32, #tpu.memory_space<hbm>> -> memref<125x80xf32, #tpu.memory_space<hbm>>
      %dma_wait3A_79 = arith.constant 0 : i32
      %dma_wait3A_80 = tpu.memref_slice %arg6[%add3A_60, %dma_wait3A_79] : memref<20000x80xf32, #tpu.memory_space<vmem_shared>> -> memref<125x80xf32, #tpu.memory_space<vmem_shared>>
      tpu.wait_dma2 semaphore(%run_scoped3A : memref<!tpu.dma_semaphore, #tpu.memory_space<semaphore_mem>>) src(%dma_wait3A_80 : memref<125x80xf32, #tpu.memory_space<vmem_shared>>) dst(%dma_wait3A_78 : memref<125x80xf32, #tpu.memory_space<hbm>>)
      tpu.yield
    }) : () -> ()
    %add3A_61 = arith.constant 875 : i32
    %add3A_62 = arith.addi %mul3A_6, %add3A_61 : i32
    "tpu.region"() ({
      %run_scoped3A = tpu.sem_alloc : memref<!tpu.dma_semaphore, #tpu.memory_space<semaphore_mem>>
      %dma_start3A = arith.constant 0 : i32
      %dma_start3A_67 = arith.constant 0 : i32
      %dma_start3A_68 = tpu.memref_slice %arg5[%arg0, %dma_start3A, %dma_start3A_67] : memref<2x20000x80xf32, #tpu.memory_space<hbm>> -> memref<1x20000x80xf32, #tpu.memory_space<hbm>>
      %dma_start3A_69 = tpu.memref_squeeze %dma_start3A_68 : memref<1x20000x80xf32, #tpu.memory_space<hbm>> -> memref<20000x80xf32, #tpu.memory_space<hbm>>
      %dma_start3A_70 = arith.constant 0 : i32
      %dma_start3A_71 = tpu.memref_slice %dma_start3A_69[%add3A_62, %dma_start3A_70] : memref<20000x80xf32, #tpu.memory_space<hbm>> -> memref<125x80xf32, #tpu.memory_space<hbm>>
      %dma_start3A_72 = arith.constant 0 : i32
      %dma_start3A_73 = tpu.memref_slice %arg6[%add3A_62, %dma_start3A_72] : memref<20000x80xf32, #tpu.memory_space<vmem_shared>> -> memref<125x80xf32, #tpu.memory_space<vmem_shared>>
      tpu.enqueue_dma source(%dma_start3A_73 : memref<125x80xf32, #tpu.memory_space<vmem_shared>>) target(%dma_start3A_71 : memref<125x80xf32, #tpu.memory_space<hbm>>) target_semaphore(%run_scoped3A : memref<!tpu.dma_semaphore, #tpu.memory_space<semaphore_mem>>)
      %dma_wait3A = arith.constant 0 : i32
      %dma_wait3A_74 = arith.constant 0 : i32
      %dma_wait3A_75 = tpu.memref_slice %arg5[%arg0, %dma_wait3A, %dma_wait3A_74] : memref<2x20000x80xf32, #tpu.memory_space<hbm>> -> memref<1x20000x80xf32, #tpu.memory_space<hbm>>
      %dma_wait3A_76 = tpu.memref_squeeze %dma_wait3A_75 : memref<1x20000x80xf32, #tpu.memory_space<hbm>> -> memref<20000x80xf32, #tpu.memory_space<hbm>>
      %dma_wait3A_77 = arith.constant 0 : i32
      %dma_wait3A_78 = tpu.memref_slice %dma_wait3A_76[%add3A_62, %dma_wait3A_77] : memref<20000x80xf32, #tpu.memory_space<hbm>> -> memref<125x80xf32, #tpu.memory_space<hbm>>
      %dma_wait3A_79 = arith.constant 0 : i32
      %dma_wait3A_80 = tpu.memref_slice %arg6[%add3A_62, %dma_wait3A_79] : memref<20000x80xf32, #tpu.memory_space<vmem_shared>> -> memref<125x80xf32, #tpu.memory_space<vmem_shared>>
      tpu.wait_dma2 semaphore(%run_scoped3A : memref<!tpu.dma_semaphore, #tpu.memory_space<semaphore_mem>>) src(%dma_wait3A_80 : memref<125x80xf32, #tpu.memory_space<vmem_shared>>) dst(%dma_wait3A_78 : memref<125x80xf32, #tpu.memory_space<hbm>>)
      tpu.yield
    }) : () -> ()
    %add3A_63 = arith.constant 1000 : i32
    %add3A_64 = arith.addi %mul3A_6, %add3A_63 : i32
    "tpu.region"() ({
      %run_scoped3A = tpu.sem_alloc : memref<!tpu.dma_semaphore, #tpu.memory_space<semaphore_mem>>
      %dma_start3A = arith.constant 0 : i32
      %dma_start3A_67 = arith.constant 0 : i32
      %dma_start3A_68 = tpu.memref_slice %arg5[%arg0, %dma_start3A, %dma_start3A_67] : memref<2x20000x80xf32, #tpu.memory_space<hbm>> -> memref<1x20000x80xf32, #tpu.memory_space<hbm>>
      %dma_start3A_69 = tpu.memref_squeeze %dma_start3A_68 : memref<1x20000x80xf32, #tpu.memory_space<hbm>> -> memref<20000x80xf32, #tpu.memory_space<hbm>>
      %dma_start3A_70 = arith.constant 0 : i32
      %dma_start3A_71 = tpu.memref_slice %dma_start3A_69[%add3A_64, %dma_start3A_70] : memref<20000x80xf32, #tpu.memory_space<hbm>> -> memref<125x80xf32, #tpu.memory_space<hbm>>
      %dma_start3A_72 = arith.constant 0 : i32
      %dma_start3A_73 = tpu.memref_slice %arg6[%add3A_64, %dma_start3A_72] : memref<20000x80xf32, #tpu.memory_space<vmem_shared>> -> memref<125x80xf32, #tpu.memory_space<vmem_shared>>
      tpu.enqueue_dma source(%dma_start3A_73 : memref<125x80xf32, #tpu.memory_space<vmem_shared>>) target(%dma_start3A_71 : memref<125x80xf32, #tpu.memory_space<hbm>>) target_semaphore(%run_scoped3A : memref<!tpu.dma_semaphore, #tpu.memory_space<semaphore_mem>>)
      %dma_wait3A = arith.constant 0 : i32
      %dma_wait3A_74 = arith.constant 0 : i32
      %dma_wait3A_75 = tpu.memref_slice %arg5[%arg0, %dma_wait3A, %dma_wait3A_74] : memref<2x20000x80xf32, #tpu.memory_space<hbm>> -> memref<1x20000x80xf32, #tpu.memory_space<hbm>>
      %dma_wait3A_76 = tpu.memref_squeeze %dma_wait3A_75 : memref<1x20000x80xf32, #tpu.memory_space<hbm>> -> memref<20000x80xf32, #tpu.memory_space<hbm>>
      %dma_wait3A_77 = arith.constant 0 : i32
      %dma_wait3A_78 = tpu.memref_slice %dma_wait3A_76[%add3A_64, %dma_wait3A_77] : memref<20000x80xf32, #tpu.memory_space<hbm>> -> memref<125x80xf32, #tpu.memory_space<hbm>>
      %dma_wait3A_79 = arith.constant 0 : i32
      %dma_wait3A_80 = tpu.memref_slice %arg6[%add3A_64, %dma_wait3A_79] : memref<20000x80xf32, #tpu.memory_space<vmem_shared>> -> memref<125x80xf32, #tpu.memory_space<vmem_shared>>
      tpu.wait_dma2 semaphore(%run_scoped3A : memref<!tpu.dma_semaphore, #tpu.memory_space<semaphore_mem>>) src(%dma_wait3A_80 : memref<125x80xf32, #tpu.memory_space<vmem_shared>>) dst(%dma_wait3A_78 : memref<125x80xf32, #tpu.memory_space<hbm>>)
      tpu.yield
    }) : () -> ()
    %add3A_65 = arith.constant 1125 : i32
    %add3A_66 = arith.addi %mul3A_6, %add3A_65 : i32
    "tpu.region"() ({
      %run_scoped3A = tpu.sem_alloc : memref<!tpu.dma_semaphore, #tpu.memory_space<semaphore_mem>>
      %dma_start3A = arith.constant 0 : i32
      %dma_start3A_67 = arith.constant 0 : i32
      %dma_start3A_68 = tpu.memref_slice %arg5[%arg0, %dma_start3A, %dma_start3A_67] : memref<2x20000x80xf32, #tpu.memory_space<hbm>> -> memref<1x20000x80xf32, #tpu.memory_space<hbm>>
      %dma_start3A_69 = tpu.memref_squeeze %dma_start3A_68 : memref<1x20000x80xf32, #tpu.memory_space<hbm>> -> memref<20000x80xf32, #tpu.memory_space<hbm>>
      %dma_start3A_70 = arith.constant 0 : i32
      %dma_start3A_71 = tpu.memref_slice %dma_start3A_69[%add3A_66, %dma_start3A_70] : memref<20000x80xf32, #tpu.memory_space<hbm>> -> memref<125x80xf32, #tpu.memory_space<hbm>>
      %dma_start3A_72 = arith.constant 0 : i32
      %dma_start3A_73 = tpu.memref_slice %arg6[%add3A_66, %dma_start3A_72] : memref<20000x80xf32, #tpu.memory_space<vmem_shared>> -> memref<125x80xf32, #tpu.memory_space<vmem_shared>>
      tpu.enqueue_dma source(%dma_start3A_73 : memref<125x80xf32, #tpu.memory_space<vmem_shared>>) target(%dma_start3A_71 : memref<125x80xf32, #tpu.memory_space<hbm>>) target_semaphore(%run_scoped3A : memref<!tpu.dma_semaphore, #tpu.memory_space<semaphore_mem>>)
      %dma_wait3A = arith.constant 0 : i32
      %dma_wait3A_74 = arith.constant 0 : i32
      %dma_wait3A_75 = tpu.memref_slice %arg5[%arg0, %dma_wait3A, %dma_wait3A_74] : memref<2x20000x80xf32, #tpu.memory_space<hbm>> -> memref<1x20000x80xf32, #tpu.memory_space<hbm>>
      %dma_wait3A_76 = tpu.memref_squeeze %dma_wait3A_75 : memref<1x20000x80xf32, #tpu.memory_space<hbm>> -> memref<20000x80xf32, #tpu.memory_space<hbm>>
      %dma_wait3A_77 = arith.constant 0 : i32
      %dma_wait3A_78 = tpu.memref_slice %dma_wait3A_76[%add3A_66, %dma_wait3A_77] : memref<20000x80xf32, #tpu.memory_space<hbm>> -> memref<125x80xf32, #tpu.memory_space<hbm>>
      %dma_wait3A_79 = arith.constant 0 : i32
      %dma_wait3A_80 = tpu.memref_slice %arg6[%add3A_66, %dma_wait3A_79] : memref<20000x80xf32, #tpu.memory_space<vmem_shared>> -> memref<125x80xf32, #tpu.memory_space<vmem_shared>>
      tpu.wait_dma2 semaphore(%run_scoped3A : memref<!tpu.dma_semaphore, #tpu.memory_space<semaphore_mem>>) src(%dma_wait3A_80 : memref<125x80xf32, #tpu.memory_space<vmem_shared>>) dst(%dma_wait3A_78 : memref<125x80xf32, #tpu.memory_space<hbm>>)
      tpu.yield
    }) : () -> ()
    return
  }
}

#map = affine_map<(d0, d1) -> (0, 0)>
#map1 = affine_map<(d0, d1) -> (0, 0, 0)>
module attributes {stable_mosaic.version = 14 : i64} {
  func.func @_sc_count_body(%arg0: i32, %arg1: i32, %arg2: memref<4000x80xi32, #tpu.memory_space<hbm>>, %arg3: memref<2x20000x16xf32, #tpu.memory_space<hbm>>, %arg4: memref<20000x16xf32, #tpu.memory_space<vmem_shared>>, %arg5: memref<125x80xi32, #tpu.memory_space<vmem>>, %arg6: memref<80x16xf32, #tpu.memory_space<vmem>>) attributes {dimension_semantics = [#tpu.dimension_semantics<core_parallel>, #tpu.dimension_semantics<subcore_parallel>], iteration_bounds = array<i64: 2, 16>, scalar_prefetch = 0 : i64, scratch_operands = 3 : i64, tpu.core_type = #tpu.core_type<sc_vector_subcore>, window_params = [{transform_indices = #map}, {transform_indices = #map1}]} {
    %broadcast_in_dim3A = arith.constant 0.000000e+00 : f32
    %broadcast_in_dim3A_0 = vector.broadcast %broadcast_in_dim3A : f32 to vector<16xf32>
    %broadcast_in_dim3A_1 = arith.constant 1.000000e+00 : f32
    %broadcast_in_dim3A_2 = vector.broadcast %broadcast_in_dim3A_1 : f32 to vector<16xf32>
    %scan3A = arith.constant 0 : i32
    %scan3A_3 = arith.constant 0 : i32
    %scan3A_4 = arith.constant 80 : i32
    %scan3A_5 = arith.addi %scan3A_3, %scan3A_4 : i32
    %scan3A_6 = arith.constant 1 : i32
    scf.for %scan3A_94 = %scan3A_3 to %scan3A_5 step %scan3A_6  : i32 {
      %swap3A = arith.index_cast %scan3A_94 : i32 to index
      %swap3A_95 = arith.constant 0 : index
      %swap3A_96 = tpu.vector_load %arg6[%swap3A, %swap3A_95] {strides = array<i32>} : memref<80x16xf32, #tpu.memory_space<vmem>>, vector<1x16xf32>,
      %swap3A_97 = vector.shape_cast %swap3A_96 : vector<1x16xf32> to vector<16xf32>
      %swap3A_98 = vector.shape_cast %broadcast_in_dim3A_0 : vector<16xf32> to vector<1x16xf32>
      tpu.vector_store %arg6[%swap3A, %swap3A_95], %swap3A_98 {strides = array<i32>} : memref<80x16xf32, #tpu.memory_space<vmem>>, vector<1x16xf32>,
    }
    %scan3A_7 = arith.constant 80 : i32
    %mul3A = arith.constant 1250 : i32
    %mul3A_8 = arith.muli %arg1, %mul3A : i32
    %add3A = arith.constant 0 : i32
    %add3A_9 = arith.addi %mul3A_8, %add3A : i32
    "tpu.region"() ({
      %run_scoped3A = tpu.sem_alloc : memref<!tpu.dma_semaphore, #tpu.memory_space<semaphore_mem>>
      %dma_start3A = arith.constant 0 : i32
      %dma_start3A_94 = tpu.memref_slice %arg4[%add3A_9, %dma_start3A] : memref<20000x16xf32, #tpu.memory_space<vmem_shared>> -> memref<80x16xf32, #tpu.memory_space<vmem_shared>>
      %dma_start3A_95 = arith.constant 0 : i32
      %dma_start3A_96 = tpu.memref_slice %arg4[%add3A_9, %dma_start3A_95] : memref<20000x16xf32, #tpu.memory_space<vmem_shared>> -> memref<80x16xf32, #tpu.memory_space<vmem_shared>>
      tpu.enqueue_dma source(%arg6 : memref<80x16xf32, #tpu.memory_space<vmem>>) target(%dma_start3A_96 : memref<80x16xf32, #tpu.memory_space<vmem_shared>>) target_semaphore(%run_scoped3A : memref<!tpu.dma_semaphore, #tpu.memory_space<semaphore_mem>>)
      %dma_wait3A = arith.constant 0 : i32
      %dma_wait3A_97 = tpu.memref_slice %arg4[%add3A_9, %dma_wait3A] : memref<20000x16xf32, #tpu.memory_space<vmem_shared>> -> memref<80x16xf32, #tpu.memory_space<vmem_shared>>
      %dma_wait3A_98 = arith.constant 0 : i32
      %dma_wait3A_99 = tpu.memref_slice %arg4[%add3A_9, %dma_wait3A_98] : memref<20000x16xf32, #tpu.memory_space<vmem_shared>> -> memref<80x16xf32, #tpu.memory_space<vmem_shared>>
      tpu.wait_dma2 semaphore(%run_scoped3A : memref<!tpu.dma_semaphore, #tpu.memory_space<semaphore_mem>>) src(%arg6 : memref<80x16xf32, #tpu.memory_space<vmem>>) dst(%dma_wait3A_99 : memref<80x16xf32, #tpu.memory_space<vmem_shared>>)
      tpu.yield
    }) : () -> ()
    %add3A_10 = arith.constant 80 : i32
    %add3A_11 = arith.addi %mul3A_8, %add3A_10 : i32
    "tpu.region"() ({
      %run_scoped3A = tpu.sem_alloc : memref<!tpu.dma_semaphore, #tpu.memory_space<semaphore_mem>>
      %dma_start3A = arith.constant 0 : i32
      %dma_start3A_94 = tpu.memref_slice %arg4[%add3A_11, %dma_start3A] : memref<20000x16xf32, #tpu.memory_space<vmem_shared>> -> memref<80x16xf32, #tpu.memory_space<vmem_shared>>
      %dma_start3A_95 = arith.constant 0 : i32
      %dma_start3A_96 = tpu.memref_slice %arg4[%add3A_11, %dma_start3A_95] : memref<20000x16xf32, #tpu.memory_space<vmem_shared>> -> memref<80x16xf32, #tpu.memory_space<vmem_shared>>
      tpu.enqueue_dma source(%arg6 : memref<80x16xf32, #tpu.memory_space<vmem>>) target(%dma_start3A_96 : memref<80x16xf32, #tpu.memory_space<vmem_shared>>) target_semaphore(%run_scoped3A : memref<!tpu.dma_semaphore, #tpu.memory_space<semaphore_mem>>)
      %dma_wait3A = arith.constant 0 : i32
      %dma_wait3A_97 = tpu.memref_slice %arg4[%add3A_11, %dma_wait3A] : memref<20000x16xf32, #tpu.memory_space<vmem_shared>> -> memref<80x16xf32, #tpu.memory_space<vmem_shared>>
      %dma_wait3A_98 = arith.constant 0 : i32
      %dma_wait3A_99 = tpu.memref_slice %arg4[%add3A_11, %dma_wait3A_98] : memref<20000x16xf32, #tpu.memory_space<vmem_shared>> -> memref<80x16xf32, #tpu.memory_space<vmem_shared>>
      tpu.wait_dma2 semaphore(%run_scoped3A : memref<!tpu.dma_semaphore, #tpu.memory_space<semaphore_mem>>) src(%arg6 : memref<80x16xf32, #tpu.memory_space<vmem>>) dst(%dma_wait3A_99 : memref<80x16xf32, #tpu.memory_space<vmem_shared>>)
      tpu.yield
    }) : () -> ()
    %add3A_12 = arith.constant 160 : i32
    %add3A_13 = arith.addi %mul3A_8, %add3A_12 : i32
    "tpu.region"() ({
      %run_scoped3A = tpu.sem_alloc : memref<!tpu.dma_semaphore, #tpu.memory_space<semaphore_mem>>
      %dma_start3A = arith.constant 0 : i32
      %dma_start3A_94 = tpu.memref_slice %arg4[%add3A_13, %dma_start3A] : memref<20000x16xf32, #tpu.memory_space<vmem_shared>> -> memref<80x16xf32, #tpu.memory_space<vmem_shared>>
      %dma_start3A_95 = arith.constant 0 : i32
      %dma_start3A_96 = tpu.memref_slice %arg4[%add3A_13, %dma_start3A_95] : memref<20000x16xf32, #tpu.memory_space<vmem_shared>> -> memref<80x16xf32, #tpu.memory_space<vmem_shared>>
      tpu.enqueue_dma source(%arg6 : memref<80x16xf32, #tpu.memory_space<vmem>>) target(%dma_start3A_96 : memref<80x16xf32, #tpu.memory_space<vmem_shared>>) target_semaphore(%run_scoped3A : memref<!tpu.dma_semaphore, #tpu.memory_space<semaphore_mem>>)
      %dma_wait3A = arith.constant 0 : i32
      %dma_wait3A_97 = tpu.memref_slice %arg4[%add3A_13, %dma_wait3A] : memref<20000x16xf32, #tpu.memory_space<vmem_shared>> -> memref<80x16xf32, #tpu.memory_space<vmem_shared>>
      %dma_wait3A_98 = arith.constant 0 : i32
      %dma_wait3A_99 = tpu.memref_slice %arg4[%add3A_13, %dma_wait3A_98] : memref<20000x16xf32, #tpu.memory_space<vmem_shared>> -> memref<80x16xf32, #tpu.memory_space<vmem_shared>>
      tpu.wait_dma2 semaphore(%run_scoped3A : memref<!tpu.dma_semaphore, #tpu.memory_space<semaphore_mem>>) src(%arg6 : memref<80x16xf32, #tpu.memory_space<vmem>>) dst(%dma_wait3A_99 : memref<80x16xf32, #tpu.memory_space<vmem_shared>>)
      tpu.yield
    }) : () -> ()
    %add3A_14 = arith.constant 240 : i32
    %add3A_15 = arith.addi %mul3A_8, %add3A_14 : i32
    "tpu.region"() ({
      %run_scoped3A = tpu.sem_alloc : memref<!tpu.dma_semaphore, #tpu.memory_space<semaphore_mem>>
      %dma_start3A = arith.constant 0 : i32
      %dma_start3A_94 = tpu.memref_slice %arg4[%add3A_15, %dma_start3A] : memref<20000x16xf32, #tpu.memory_space<vmem_shared>> -> memref<80x16xf32, #tpu.memory_space<vmem_shared>>
      %dma_start3A_95 = arith.constant 0 : i32
      %dma_start3A_96 = tpu.memref_slice %arg4[%add3A_15, %dma_start3A_95] : memref<20000x16xf32, #tpu.memory_space<vmem_shared>> -> memref<80x16xf32, #tpu.memory_space<vmem_shared>>
      tpu.enqueue_dma source(%arg6 : memref<80x16xf32, #tpu.memory_space<vmem>>) target(%dma_start3A_96 : memref<80x16xf32, #tpu.memory_space<vmem_shared>>) target_semaphore(%run_scoped3A : memref<!tpu.dma_semaphore, #tpu.memory_space<semaphore_mem>>)
      %dma_wait3A = arith.constant 0 : i32
      %dma_wait3A_97 = tpu.memref_slice %arg4[%add3A_15, %dma_wait3A] : memref<20000x16xf32, #tpu.memory_space<vmem_shared>> -> memref<80x16xf32, #tpu.memory_space<vmem_shared>>
      %dma_wait3A_98 = arith.constant 0 : i32
      %dma_wait3A_99 = tpu.memref_slice %arg4[%add3A_15, %dma_wait3A_98] : memref<20000x16xf32, #tpu.memory_space<vmem_shared>> -> memref<80x16xf32, #tpu.memory_space<vmem_shared>>
      tpu.wait_dma2 semaphore(%run_scoped3A : memref<!tpu.dma_semaphore, #tpu.memory_space<semaphore_mem>>) src(%arg6 : memref<80x16xf32, #tpu.memory_space<vmem>>) dst(%dma_wait3A_99 : memref<80x16xf32, #tpu.memory_space<vmem_shared>>)
      tpu.yield
    }) : () -> ()
    %add3A_16 = arith.constant 320 : i32
    %add3A_17 = arith.addi %mul3A_8, %add3A_16 : i32
    "tpu.region"() ({
      %run_scoped3A = tpu.sem_alloc : memref<!tpu.dma_semaphore, #tpu.memory_space<semaphore_mem>>
      %dma_start3A = arith.constant 0 : i32
      %dma_start3A_94 = tpu.memref_slice %arg4[%add3A_17, %dma_start3A] : memref<20000x16xf32, #tpu.memory_space<vmem_shared>> -> memref<80x16xf32, #tpu.memory_space<vmem_shared>>
      %dma_start3A_95 = arith.constant 0 : i32
      %dma_start3A_96 = tpu.memref_slice %arg4[%add3A_17, %dma_start3A_95] : memref<20000x16xf32, #tpu.memory_space<vmem_shared>> -> memref<80x16xf32, #tpu.memory_space<vmem_shared>>
      tpu.enqueue_dma source(%arg6 : memref<80x16xf32, #tpu.memory_space<vmem>>) target(%dma_start3A_96 : memref<80x16xf32, #tpu.memory_space<vmem_shared>>) target_semaphore(%run_scoped3A : memref<!tpu.dma_semaphore, #tpu.memory_space<semaphore_mem>>)
      %dma_wait3A = arith.constant 0 : i32
      %dma_wait3A_97 = tpu.memref_slice %arg4[%add3A_17, %dma_wait3A] : memref<20000x16xf32, #tpu.memory_space<vmem_shared>> -> memref<80x16xf32, #tpu.memory_space<vmem_shared>>
      %dma_wait3A_98 = arith.constant 0 : i32
      %dma_wait3A_99 = tpu.memref_slice %arg4[%add3A_17, %dma_wait3A_98] : memref<20000x16xf32, #tpu.memory_space<vmem_shared>> -> memref<80x16xf32, #tpu.memory_space<vmem_shared>>
      tpu.wait_dma2 semaphore(%run_scoped3A : memref<!tpu.dma_semaphore, #tpu.memory_space<semaphore_mem>>) src(%arg6 : memref<80x16xf32, #tpu.memory_space<vmem>>) dst(%dma_wait3A_99 : memref<80x16xf32, #tpu.memory_space<vmem_shared>>)
      tpu.yield
    }) : () -> ()
    %add3A_18 = arith.constant 400 : i32
    %add3A_19 = arith.addi %mul3A_8, %add3A_18 : i32
    "tpu.region"() ({
      %run_scoped3A = tpu.sem_alloc : memref<!tpu.dma_semaphore, #tpu.memory_space<semaphore_mem>>
      %dma_start3A = arith.constant 0 : i32
      %dma_start3A_94 = tpu.memref_slice %arg4[%add3A_19, %dma_start3A] : memref<20000x16xf32, #tpu.memory_space<vmem_shared>> -> memref<80x16xf32, #tpu.memory_space<vmem_shared>>
      %dma_start3A_95 = arith.constant 0 : i32
      %dma_start3A_96 = tpu.memref_slice %arg4[%add3A_19, %dma_start3A_95] : memref<20000x16xf32, #tpu.memory_space<vmem_shared>> -> memref<80x16xf32, #tpu.memory_space<vmem_shared>>
      tpu.enqueue_dma source(%arg6 : memref<80x16xf32, #tpu.memory_space<vmem>>) target(%dma_start3A_96 : memref<80x16xf32, #tpu.memory_space<vmem_shared>>) target_semaphore(%run_scoped3A : memref<!tpu.dma_semaphore, #tpu.memory_space<semaphore_mem>>)
      %dma_wait3A = arith.constant 0 : i32
      %dma_wait3A_97 = tpu.memref_slice %arg4[%add3A_19, %dma_wait3A] : memref<20000x16xf32, #tpu.memory_space<vmem_shared>> -> memref<80x16xf32, #tpu.memory_space<vmem_shared>>
      %dma_wait3A_98 = arith.constant 0 : i32
      %dma_wait3A_99 = tpu.memref_slice %arg4[%add3A_19, %dma_wait3A_98] : memref<20000x16xf32, #tpu.memory_space<vmem_shared>> -> memref<80x16xf32, #tpu.memory_space<vmem_shared>>
      tpu.wait_dma2 semaphore(%run_scoped3A : memref<!tpu.dma_semaphore, #tpu.memory_space<semaphore_mem>>) src(%arg6 : memref<80x16xf32, #tpu.memory_space<vmem>>) dst(%dma_wait3A_99 : memref<80x16xf32, #tpu.memory_space<vmem_shared>>)
      tpu.yield
    }) : () -> ()
    %add3A_20 = arith.constant 480 : i32
    %add3A_21 = arith.addi %mul3A_8, %add3A_20 : i32
    "tpu.region"() ({
      %run_scoped3A = tpu.sem_alloc : memref<!tpu.dma_semaphore, #tpu.memory_space<semaphore_mem>>
      %dma_start3A = arith.constant 0 : i32
      %dma_start3A_94 = tpu.memref_slice %arg4[%add3A_21, %dma_start3A] : memref<20000x16xf32, #tpu.memory_space<vmem_shared>> -> memref<80x16xf32, #tpu.memory_space<vmem_shared>>
      %dma_start3A_95 = arith.constant 0 : i32
      %dma_start3A_96 = tpu.memref_slice %arg4[%add3A_21, %dma_start3A_95] : memref<20000x16xf32, #tpu.memory_space<vmem_shared>> -> memref<80x16xf32, #tpu.memory_space<vmem_shared>>
      tpu.enqueue_dma source(%arg6 : memref<80x16xf32, #tpu.memory_space<vmem>>) target(%dma_start3A_96 : memref<80x16xf32, #tpu.memory_space<vmem_shared>>) target_semaphore(%run_scoped3A : memref<!tpu.dma_semaphore, #tpu.memory_space<semaphore_mem>>)
      %dma_wait3A = arith.constant 0 : i32
      %dma_wait3A_97 = tpu.memref_slice %arg4[%add3A_21, %dma_wait3A] : memref<20000x16xf32, #tpu.memory_space<vmem_shared>> -> memref<80x16xf32, #tpu.memory_space<vmem_shared>>
      %dma_wait3A_98 = arith.constant 0 : i32
      %dma_wait3A_99 = tpu.memref_slice %arg4[%add3A_21, %dma_wait3A_98] : memref<20000x16xf32, #tpu.memory_space<vmem_shared>> -> memref<80x16xf32, #tpu.memory_space<vmem_shared>>
      tpu.wait_dma2 semaphore(%run_scoped3A : memref<!tpu.dma_semaphore, #tpu.memory_space<semaphore_mem>>) src(%arg6 : memref<80x16xf32, #tpu.memory_space<vmem>>) dst(%dma_wait3A_99 : memref<80x16xf32, #tpu.memory_space<vmem_shared>>)
      tpu.yield
    }) : () -> ()
    %add3A_22 = arith.constant 560 : i32
    %add3A_23 = arith.addi %mul3A_8, %add3A_22 : i32
    "tpu.region"() ({
      %run_scoped3A = tpu.sem_alloc : memref<!tpu.dma_semaphore, #tpu.memory_space<semaphore_mem>>
      %dma_start3A = arith.constant 0 : i32
      %dma_start3A_94 = tpu.memref_slice %arg4[%add3A_23, %dma_start3A] : memref<20000x16xf32, #tpu.memory_space<vmem_shared>> -> memref<80x16xf32, #tpu.memory_space<vmem_shared>>
      %dma_start3A_95 = arith.constant 0 : i32
      %dma_start3A_96 = tpu.memref_slice %arg4[%add3A_23, %dma_start3A_95] : memref<20000x16xf32, #tpu.memory_space<vmem_shared>> -> memref<80x16xf32, #tpu.memory_space<vmem_shared>>
      tpu.enqueue_dma source(%arg6 : memref<80x16xf32, #tpu.memory_space<vmem>>) target(%dma_start3A_96 : memref<80x16xf32, #tpu.memory_space<vmem_shared>>) target_semaphore(%run_scoped3A : memref<!tpu.dma_semaphore, #tpu.memory_space<semaphore_mem>>)
      %dma_wait3A = arith.constant 0 : i32
      %dma_wait3A_97 = tpu.memref_slice %arg4[%add3A_23, %dma_wait3A] : memref<20000x16xf32, #tpu.memory_space<vmem_shared>> -> memref<80x16xf32, #tpu.memory_space<vmem_shared>>
      %dma_wait3A_98 = arith.constant 0 : i32
      %dma_wait3A_99 = tpu.memref_slice %arg4[%add3A_23, %dma_wait3A_98] : memref<20000x16xf32, #tpu.memory_space<vmem_shared>> -> memref<80x16xf32, #tpu.memory_space<vmem_shared>>
      tpu.wait_dma2 semaphore(%run_scoped3A : memref<!tpu.dma_semaphore, #tpu.memory_space<semaphore_mem>>) src(%arg6 : memref<80x16xf32, #tpu.memory_space<vmem>>) dst(%dma_wait3A_99 : memref<80x16xf32, #tpu.memory_space<vmem_shared>>)
      tpu.yield
    }) : () -> ()
    %add3A_24 = arith.constant 640 : i32
    %add3A_25 = arith.addi %mul3A_8, %add3A_24 : i32
    "tpu.region"() ({
      %run_scoped3A = tpu.sem_alloc : memref<!tpu.dma_semaphore, #tpu.memory_space<semaphore_mem>>
      %dma_start3A = arith.constant 0 : i32
      %dma_start3A_94 = tpu.memref_slice %arg4[%add3A_25, %dma_start3A] : memref<20000x16xf32, #tpu.memory_space<vmem_shared>> -> memref<80x16xf32, #tpu.memory_space<vmem_shared>>
      %dma_start3A_95 = arith.constant 0 : i32
      %dma_start3A_96 = tpu.memref_slice %arg4[%add3A_25, %dma_start3A_95] : memref<20000x16xf32, #tpu.memory_space<vmem_shared>> -> memref<80x16xf32, #tpu.memory_space<vmem_shared>>
      tpu.enqueue_dma source(%arg6 : memref<80x16xf32, #tpu.memory_space<vmem>>) target(%dma_start3A_96 : memref<80x16xf32, #tpu.memory_space<vmem_shared>>) target_semaphore(%run_scoped3A : memref<!tpu.dma_semaphore, #tpu.memory_space<semaphore_mem>>)
      %dma_wait3A = arith.constant 0 : i32
      %dma_wait3A_97 = tpu.memref_slice %arg4[%add3A_25, %dma_wait3A] : memref<20000x16xf32, #tpu.memory_space<vmem_shared>> -> memref<80x16xf32, #tpu.memory_space<vmem_shared>>
      %dma_wait3A_98 = arith.constant 0 : i32
      %dma_wait3A_99 = tpu.memref_slice %arg4[%add3A_25, %dma_wait3A_98] : memref<20000x16xf32, #tpu.memory_space<vmem_shared>> -> memref<80x16xf32, #tpu.memory_space<vmem_shared>>
      tpu.wait_dma2 semaphore(%run_scoped3A : memref<!tpu.dma_semaphore, #tpu.memory_space<semaphore_mem>>) src(%arg6 : memref<80x16xf32, #tpu.memory_space<vmem>>) dst(%dma_wait3A_99 : memref<80x16xf32, #tpu.memory_space<vmem_shared>>)
      tpu.yield
    }) : () -> ()
    %add3A_26 = arith.constant 720 : i32
    %add3A_27 = arith.addi %mul3A_8, %add3A_26 : i32
    "tpu.region"() ({
      %run_scoped3A = tpu.sem_alloc : memref<!tpu.dma_semaphore, #tpu.memory_space<semaphore_mem>>
      %dma_start3A = arith.constant 0 : i32
      %dma_start3A_94 = tpu.memref_slice %arg4[%add3A_27, %dma_start3A] : memref<20000x16xf32, #tpu.memory_space<vmem_shared>> -> memref<80x16xf32, #tpu.memory_space<vmem_shared>>
      %dma_start3A_95 = arith.constant 0 : i32
      %dma_start3A_96 = tpu.memref_slice %arg4[%add3A_27, %dma_start3A_95] : memref<20000x16xf32, #tpu.memory_space<vmem_shared>> -> memref<80x16xf32, #tpu.memory_space<vmem_shared>>
      tpu.enqueue_dma source(%arg6 : memref<80x16xf32, #tpu.memory_space<vmem>>) target(%dma_start3A_96 : memref<80x16xf32, #tpu.memory_space<vmem_shared>>) target_semaphore(%run_scoped3A : memref<!tpu.dma_semaphore, #tpu.memory_space<semaphore_mem>>)
      %dma_wait3A = arith.constant 0 : i32
      %dma_wait3A_97 = tpu.memref_slice %arg4[%add3A_27, %dma_wait3A] : memref<20000x16xf32, #tpu.memory_space<vmem_shared>> -> memref<80x16xf32, #tpu.memory_space<vmem_shared>>
      %dma_wait3A_98 = arith.constant 0 : i32
      %dma_wait3A_99 = tpu.memref_slice %arg4[%add3A_27, %dma_wait3A_98] : memref<20000x16xf32, #tpu.memory_space<vmem_shared>> -> memref<80x16xf32, #tpu.memory_space<vmem_shared>>
      tpu.wait_dma2 semaphore(%run_scoped3A : memref<!tpu.dma_semaphore, #tpu.memory_space<semaphore_mem>>) src(%arg6 : memref<80x16xf32, #tpu.memory_space<vmem>>) dst(%dma_wait3A_99 : memref<80x16xf32, #tpu.memory_space<vmem_shared>>)
      tpu.yield
    }) : () -> ()
    %add3A_28 = arith.constant 800 : i32
    %add3A_29 = arith.addi %mul3A_8, %add3A_28 : i32
    "tpu.region"() ({
      %run_scoped3A = tpu.sem_alloc : memref<!tpu.dma_semaphore, #tpu.memory_space<semaphore_mem>>
      %dma_start3A = arith.constant 0 : i32
      %dma_start3A_94 = tpu.memref_slice %arg4[%add3A_29, %dma_start3A] : memref<20000x16xf32, #tpu.memory_space<vmem_shared>> -> memref<80x16xf32, #tpu.memory_space<vmem_shared>>
      %dma_start3A_95 = arith.constant 0 : i32
      %dma_start3A_96 = tpu.memref_slice %arg4[%add3A_29, %dma_start3A_95] : memref<20000x16xf32, #tpu.memory_space<vmem_shared>> -> memref<80x16xf32, #tpu.memory_space<vmem_shared>>
      tpu.enqueue_dma source(%arg6 : memref<80x16xf32, #tpu.memory_space<vmem>>) target(%dma_start3A_96 : memref<80x16xf32, #tpu.memory_space<vmem_shared>>) target_semaphore(%run_scoped3A : memref<!tpu.dma_semaphore, #tpu.memory_space<semaphore_mem>>)
      %dma_wait3A = arith.constant 0 : i32
      %dma_wait3A_97 = tpu.memref_slice %arg4[%add3A_29, %dma_wait3A] : memref<20000x16xf32, #tpu.memory_space<vmem_shared>> -> memref<80x16xf32, #tpu.memory_space<vmem_shared>>
      %dma_wait3A_98 = arith.constant 0 : i32
      %dma_wait3A_99 = tpu.memref_slice %arg4[%add3A_29, %dma_wait3A_98] : memref<20000x16xf32, #tpu.memory_space<vmem_shared>> -> memref<80x16xf32, #tpu.memory_space<vmem_shared>>
      tpu.wait_dma2 semaphore(%run_scoped3A : memref<!tpu.dma_semaphore, #tpu.memory_space<semaphore_mem>>) src(%arg6 : memref<80x16xf32, #tpu.memory_space<vmem>>) dst(%dma_wait3A_99 : memref<80x16xf32, #tpu.memory_space<vmem_shared>>)
      tpu.yield
    }) : () -> ()
    %add3A_30 = arith.constant 880 : i32
    %add3A_31 = arith.addi %mul3A_8, %add3A_30 : i32
    "tpu.region"() ({
      %run_scoped3A = tpu.sem_alloc : memref<!tpu.dma_semaphore, #tpu.memory_space<semaphore_mem>>
      %dma_start3A = arith.constant 0 : i32
      %dma_start3A_94 = tpu.memref_slice %arg4[%add3A_31, %dma_start3A] : memref<20000x16xf32, #tpu.memory_space<vmem_shared>> -> memref<80x16xf32, #tpu.memory_space<vmem_shared>>
      %dma_start3A_95 = arith.constant 0 : i32
      %dma_start3A_96 = tpu.memref_slice %arg4[%add3A_31, %dma_start3A_95] : memref<20000x16xf32, #tpu.memory_space<vmem_shared>> -> memref<80x16xf32, #tpu.memory_space<vmem_shared>>
      tpu.enqueue_dma source(%arg6 : memref<80x16xf32, #tpu.memory_space<vmem>>) target(%dma_start3A_96 : memref<80x16xf32, #tpu.memory_space<vmem_shared>>) target_semaphore(%run_scoped3A : memref<!tpu.dma_semaphore, #tpu.memory_space<semaphore_mem>>)
      %dma_wait3A = arith.constant 0 : i32
      %dma_wait3A_97 = tpu.memref_slice %arg4[%add3A_31, %dma_wait3A] : memref<20000x16xf32, #tpu.memory_space<vmem_shared>> -> memref<80x16xf32, #tpu.memory_space<vmem_shared>>
      %dma_wait3A_98 = arith.constant 0 : i32
      %dma_wait3A_99 = tpu.memref_slice %arg4[%add3A_31, %dma_wait3A_98] : memref<20000x16xf32, #tpu.memory_space<vmem_shared>> -> memref<80x16xf32, #tpu.memory_space<vmem_shared>>
      tpu.wait_dma2 semaphore(%run_scoped3A : memref<!tpu.dma_semaphore, #tpu.memory_space<semaphore_mem>>) src(%arg6 : memref<80x16xf32, #tpu.memory_space<vmem>>) dst(%dma_wait3A_99 : memref<80x16xf32, #tpu.memory_space<vmem_shared>>)
      tpu.yield
    }) : () -> ()
    %add3A_32 = arith.constant 960 : i32
    %add3A_33 = arith.addi %mul3A_8, %add3A_32 : i32
    "tpu.region"() ({
      %run_scoped3A = tpu.sem_alloc : memref<!tpu.dma_semaphore, #tpu.memory_space<semaphore_mem>>
      %dma_start3A = arith.constant 0 : i32
      %dma_start3A_94 = tpu.memref_slice %arg4[%add3A_33, %dma_start3A] : memref<20000x16xf32, #tpu.memory_space<vmem_shared>> -> memref<80x16xf32, #tpu.memory_space<vmem_shared>>
      %dma_start3A_95 = arith.constant 0 : i32
      %dma_start3A_96 = tpu.memref_slice %arg4[%add3A_33, %dma_start3A_95] : memref<20000x16xf32, #tpu.memory_space<vmem_shared>> -> memref<80x16xf32, #tpu.memory_space<vmem_shared>>
      tpu.enqueue_dma source(%arg6 : memref<80x16xf32, #tpu.memory_space<vmem>>) target(%dma_start3A_96 : memref<80x16xf32, #tpu.memory_space<vmem_shared>>) target_semaphore(%run_scoped3A : memref<!tpu.dma_semaphore, #tpu.memory_space<semaphore_mem>>)
      %dma_wait3A = arith.constant 0 : i32
      %dma_wait3A_97 = tpu.memref_slice %arg4[%add3A_33, %dma_wait3A] : memref<20000x16xf32, #tpu.memory_space<vmem_shared>> -> memref<80x16xf32, #tpu.memory_space<vmem_shared>>
      %dma_wait3A_98 = arith.constant 0 : i32
      %dma_wait3A_99 = tpu.memref_slice %arg4[%add3A_33, %dma_wait3A_98] : memref<20000x16xf32, #tpu.memory_space<vmem_shared>> -> memref<80x16xf32, #tpu.memory_space<vmem_shared>>
      tpu.wait_dma2 semaphore(%run_scoped3A : memref<!tpu.dma_semaphore, #tpu.memory_space<semaphore_mem>>) src(%arg6 : memref<80x16xf32, #tpu.memory_space<vmem>>) dst(%dma_wait3A_99 : memref<80x16xf32, #tpu.memory_space<vmem_shared>>)
      tpu.yield
    }) : () -> ()
    %add3A_34 = arith.constant 1040 : i32
    %add3A_35 = arith.addi %mul3A_8, %add3A_34 : i32
    "tpu.region"() ({
      %run_scoped3A = tpu.sem_alloc : memref<!tpu.dma_semaphore, #tpu.memory_space<semaphore_mem>>
      %dma_start3A = arith.constant 0 : i32
      %dma_start3A_94 = tpu.memref_slice %arg4[%add3A_35, %dma_start3A] : memref<20000x16xf32, #tpu.memory_space<vmem_shared>> -> memref<80x16xf32, #tpu.memory_space<vmem_shared>>
      %dma_start3A_95 = arith.constant 0 : i32
      %dma_start3A_96 = tpu.memref_slice %arg4[%add3A_35, %dma_start3A_95] : memref<20000x16xf32, #tpu.memory_space<vmem_shared>> -> memref<80x16xf32, #tpu.memory_space<vmem_shared>>
      tpu.enqueue_dma source(%arg6 : memref<80x16xf32, #tpu.memory_space<vmem>>) target(%dma_start3A_96 : memref<80x16xf32, #tpu.memory_space<vmem_shared>>) target_semaphore(%run_scoped3A : memref<!tpu.dma_semaphore, #tpu.memory_space<semaphore_mem>>)
      %dma_wait3A = arith.constant 0 : i32
      %dma_wait3A_97 = tpu.memref_slice %arg4[%add3A_35, %dma_wait3A] : memref<20000x16xf32, #tpu.memory_space<vmem_shared>> -> memref<80x16xf32, #tpu.memory_space<vmem_shared>>
      %dma_wait3A_98 = arith.constant 0 : i32
      %dma_wait3A_99 = tpu.memref_slice %arg4[%add3A_35, %dma_wait3A_98] : memref<20000x16xf32, #tpu.memory_space<vmem_shared>> -> memref<80x16xf32, #tpu.memory_space<vmem_shared>>
      tpu.wait_dma2 semaphore(%run_scoped3A : memref<!tpu.dma_semaphore, #tpu.memory_space<semaphore_mem>>) src(%arg6 : memref<80x16xf32, #tpu.memory_space<vmem>>) dst(%dma_wait3A_99 : memref<80x16xf32, #tpu.memory_space<vmem_shared>>)
      tpu.yield
    }) : () -> ()
    %add3A_36 = arith.constant 1120 : i32
    %add3A_37 = arith.addi %mul3A_8, %add3A_36 : i32
    "tpu.region"() ({
      %run_scoped3A = tpu.sem_alloc : memref<!tpu.dma_semaphore, #tpu.memory_space<semaphore_mem>>
      %dma_start3A = arith.constant 0 : i32
      %dma_start3A_94 = tpu.memref_slice %arg4[%add3A_37, %dma_start3A] : memref<20000x16xf32, #tpu.memory_space<vmem_shared>> -> memref<80x16xf32, #tpu.memory_space<vmem_shared>>
      %dma_start3A_95 = arith.constant 0 : i32
      %dma_start3A_96 = tpu.memref_slice %arg4[%add3A_37, %dma_start3A_95] : memref<20000x16xf32, #tpu.memory_space<vmem_shared>> -> memref<80x16xf32, #tpu.memory_space<vmem_shared>>
      tpu.enqueue_dma source(%arg6 : memref<80x16xf32, #tpu.memory_space<vmem>>) target(%dma_start3A_96 : memref<80x16xf32, #tpu.memory_space<vmem_shared>>) target_semaphore(%run_scoped3A : memref<!tpu.dma_semaphore, #tpu.memory_space<semaphore_mem>>)
      %dma_wait3A = arith.constant 0 : i32
      %dma_wait3A_97 = tpu.memref_slice %arg4[%add3A_37, %dma_wait3A] : memref<20000x16xf32, #tpu.memory_space<vmem_shared>> -> memref<80x16xf32, #tpu.memory_space<vmem_shared>>
      %dma_wait3A_98 = arith.constant 0 : i32
      %dma_wait3A_99 = tpu.memref_slice %arg4[%add3A_37, %dma_wait3A_98] : memref<20000x16xf32, #tpu.memory_space<vmem_shared>> -> memref<80x16xf32, #tpu.memory_space<vmem_shared>>
      tpu.wait_dma2 semaphore(%run_scoped3A : memref<!tpu.dma_semaphore, #tpu.memory_space<semaphore_mem>>) src(%arg6 : memref<80x16xf32, #tpu.memory_space<vmem>>) dst(%dma_wait3A_99 : memref<80x16xf32, #tpu.memory_space<vmem_shared>>)
      tpu.yield
    }) : () -> ()
    %add3A_38 = arith.constant 1200 : i32
    %add3A_39 = arith.addi %mul3A_8, %add3A_38 : i32
    "tpu.region"() ({
      %run_scoped3A = tpu.sem_alloc : memref<!tpu.dma_semaphore, #tpu.memory_space<semaphore_mem>>
      %dma_start3A = arith.constant 0 : i32
      %dma_start3A_94 = arith.constant 0 : i32
      %dma_start3A_95 = tpu.memref_slice %arg6[%dma_start3A, %dma_start3A_94] : memref<80x16xf32, #tpu.memory_space<vmem>> -> memref<50x16xf32, #tpu.memory_space<vmem>>
      %dma_start3A_96 = arith.constant 0 : i32
      %dma_start3A_97 = tpu.memref_slice %arg4[%add3A_39, %dma_start3A_96] : memref<20000x16xf32, #tpu.memory_space<vmem_shared>> -> memref<50x16xf32, #tpu.memory_space<vmem_shared>>
      %dma_start3A_98 = arith.constant 0 : i32
      %dma_start3A_99 = tpu.memref_slice %arg4[%add3A_39, %dma_start3A_98] : memref<20000x16xf32, #tpu.memory_space<vmem_shared>> -> memref<50x16xf32, #tpu.memory_space<vmem_shared>>
      %dma_start3A_100 = arith.constant 0 : i32
      %dma_start3A_101 = arith.constant 0 : i32
      %dma_start3A_102 = tpu.memref_slice %arg6[%dma_start3A_100, %dma_start3A_101] : memref<80x16xf32, #tpu.memory_space<vmem>> -> memref<50x16xf32, #tpu.memory_space<vmem>>
      tpu.enqueue_dma source(%dma_start3A_102 : memref<50x16xf32, #tpu.memory_space<vmem>>) target(%dma_start3A_99 : memref<50x16xf32, #tpu.memory_space<vmem_shared>>) target_semaphore(%run_scoped3A : memref<!tpu.dma_semaphore, #tpu.memory_space<semaphore_mem>>)
      %dma_wait3A = arith.constant 0 : i32
      %dma_wait3A_103 = arith.constant 0 : i32
      %dma_wait3A_104 = tpu.memref_slice %arg6[%dma_wait3A, %dma_wait3A_103] : memref<80x16xf32, #tpu.memory_space<vmem>> -> memref<50x16xf32, #tpu.memory_space<vmem>>
      %dma_wait3A_105 = arith.constant 0 : i32
      %dma_wait3A_106 = tpu.memref_slice %arg4[%add3A_39, %dma_wait3A_105] : memref<20000x16xf32, #tpu.memory_space<vmem_shared>> -> memref<50x16xf32, #tpu.memory_space<vmem_shared>>
      %dma_wait3A_107 = arith.constant 0 : i32
      %dma_wait3A_108 = tpu.memref_slice %arg4[%add3A_39, %dma_wait3A_107] : memref<20000x16xf32, #tpu.memory_space<vmem_shared>> -> memref<50x16xf32, #tpu.memory_space<vmem_shared>>
      %dma_wait3A_109 = arith.constant 0 : i32
      %dma_wait3A_110 = arith.constant 0 : i32
      %dma_wait3A_111 = tpu.memref_slice %arg6[%dma_wait3A_109, %dma_wait3A_110] : memref<80x16xf32, #tpu.memory_space<vmem>> -> memref<50x16xf32, #tpu.memory_space<vmem>>
      tpu.wait_dma2 semaphore(%run_scoped3A : memref<!tpu.dma_semaphore, #tpu.memory_space<semaphore_mem>>) src(%dma_wait3A_111 : memref<50x16xf32, #tpu.memory_space<vmem>>) dst(%dma_wait3A_108 : memref<50x16xf32, #tpu.memory_space<vmem_shared>>)
      tpu.yield
    }) : () -> ()
    %scan3A_40 = arith.constant 0 : i32
    %scan3A_41 = arith.constant 0 : i32
    %scan3A_42 = arith.constant 80 : i32
    %scan3A_43 = arith.addi %scan3A_41, %scan3A_42 : i32
    %scan3A_44 = arith.constant 1 : i32
    scf.for %scan3A_94 = %scan3A_41 to %scan3A_43 step %scan3A_44  : i32 {
      %swap3A = arith.index_cast %scan3A_94 : i32 to index
      %swap3A_95 = arith.constant 0 : index
      %swap3A_96 = tpu.vector_load %arg6[%swap3A, %swap3A_95] {strides = array<i32>} : memref<80x16xf32, #tpu.memory_space<vmem>>, vector<1x16xf32>,
      %swap3A_97 = vector.shape_cast %swap3A_96 : vector<1x16xf32> to vector<16xf32>
      %swap3A_98 = vector.shape_cast %broadcast_in_dim3A_2 : vector<16xf32> to vector<1x16xf32>
      tpu.vector_store %arg6[%swap3A, %swap3A_95], %swap3A_98 {strides = array<i32>} : memref<80x16xf32, #tpu.memory_space<vmem>>, vector<1x16xf32>,
    }
    %scan3A_45 = arith.constant 80 : i32
    %barrier3A = arith.constant 0 : index
    tpu.barrier barrier_id(%barrier3A)
    %mul3A_46 = arith.constant 160000 : i32
    %mul3A_47 = arith.muli %arg0, %mul3A_46 : i32
    %mul3A_48 = arith.constant 10000 : i32
    %mul3A_49 = arith.muli %arg1, %mul3A_48 : i32
    %add3A_50 = arith.addi %mul3A_47, %mul3A_49 : i32
    %jit3A = arith.constant 80 : i32
    %div3A = arith.divsi %add3A_50, %jit3A : i32
    %sign3A = arith.constant 0 : i32
    %sign3A_51 = arith.cmpi sgt, %add3A_50, %sign3A : i32
    %sign3A_52 = arith.extui %sign3A_51 : i1 to i32
    %sign3A_53 = arith.constant 0 : i32
    %sign3A_54 = arith.cmpi slt, %add3A_50, %sign3A_53 : i32
    %sign3A_55 = arith.extui %sign3A_54 : i1 to i32
    %sign3A_56 = arith.subi %sign3A_52, %sign3A_55 : i32
    %sign3A_57 = arith.constant 0 : i32
    %sign3A_58 = arith.cmpi sgt, %jit3A, %sign3A_57 : i32
    %sign3A_59 = arith.extui %sign3A_58 : i1 to i32
    %sign3A_60 = arith.constant 0 : i32
    %sign3A_61 = arith.cmpi slt, %jit3A, %sign3A_60 : i32
    %sign3A_62 = arith.extui %sign3A_61 : i1 to i32
    %sign3A_63 = arith.subi %sign3A_59, %sign3A_62 : i32
    %ne3A = arith.cmpi ne, %sign3A_56, %sign3A_63 : i32
    %rem3A = arith.remsi %add3A_50, %jit3A : i32
    %ne3A_64 = arith.constant 0 : i32
    %ne3A_65 = arith.cmpi ne, %rem3A, %ne3A_64 : i32
    %and3A = arith.andi %ne3A, %ne3A_65 : i1
    %sub3A = arith.constant 1 : i32
    %sub3A_66 = arith.subi %div3A, %sub3A : i32
    %select_n3A = arith.select %and3A, %sub3A_66, %div3A : i32
    "tpu.region"() ({
      %run_scoped3A = tpu.sem_alloc : memref<!tpu.dma_semaphore, #tpu.memory_space<semaphore_mem>>
      %dma_start3A = arith.constant 0 : i32
      %dma_start3A_94 = tpu.memref_slice %arg2[%select_n3A, %dma_start3A] : memref<4000x80xi32, #tpu.memory_space<hbm>> -> memref<125x80xi32, #tpu.memory_space<hbm>>
      %dma_start3A_95 = arith.constant 0 : i32
      %dma_start3A_96 = tpu.memref_slice %arg2[%select_n3A, %dma_start3A_95] : memref<4000x80xi32, #tpu.memory_space<hbm>> -> memref<125x80xi32, #tpu.memory_space<hbm>>
      tpu.enqueue_dma source(%dma_start3A_96 : memref<125x80xi32, #tpu.memory_space<hbm>>) target(%arg5 : memref<125x80xi32, #tpu.memory_space<vmem>>) target_semaphore(%run_scoped3A : memref<!tpu.dma_semaphore, #tpu.memory_space<semaphore_mem>>)
      %dma_wait3A = arith.constant 0 : i32
      %dma_wait3A_97 = tpu.memref_slice %arg2[%select_n3A, %dma_wait3A] : memref<4000x80xi32, #tpu.memory_space<hbm>> -> memref<125x80xi32, #tpu.memory_space<hbm>>
      %dma_wait3A_98 = arith.constant 0 : i32
      %dma_wait3A_99 = tpu.memref_slice %arg2[%select_n3A, %dma_wait3A_98] : memref<4000x80xi32, #tpu.memory_space<hbm>> -> memref<125x80xi32, #tpu.memory_space<hbm>>
      tpu.wait_dma2 semaphore(%run_scoped3A : memref<!tpu.dma_semaphore, #tpu.memory_space<semaphore_mem>>) src(%dma_wait3A_99 : memref<125x80xi32, #tpu.memory_space<hbm>>) dst(%arg5 : memref<125x80xi32, #tpu.memory_space<vmem>>)
      tpu.yield
    }) : () -> ()
    %scan3A_67 = arith.constant 0 : i32
    %scan3A_68 = arith.constant 0 : i32
    %scan3A_69 = arith.constant 125 : i32
    %scan3A_70 = arith.addi %scan3A_68, %scan3A_69 : i32
    %scan3A_71 = arith.constant 1 : i32
    scf.for %scan3A_94 = %scan3A_68 to %scan3A_70 step %scan3A_71  : i32 {
      "tpu.region"() ({
        %run_scoped3A = tpu.sem_alloc : memref<!tpu.dma_semaphore, #tpu.memory_space<semaphore_mem>>
        %dma_start3A = arith.constant 0 : i32
        %dma_start3A_95 = tpu.memref_slice %arg5[%scan3A_94, %dma_start3A] : memref<125x80xi32, #tpu.memory_space<vmem>> -> memref<1x80xi32, #tpu.memory_space<vmem>>
        %dma_start3A_96 = tpu.memref_squeeze %dma_start3A_95 : memref<1x80xi32, #tpu.memory_space<vmem>> -> memref<80xi32, #tpu.memory_space<vmem>>
        %dma_start3A_97 = arith.constant 0 : i32
        %dma_start3A_98 = arith.constant 0 : i32
        %dma_start3A_99 = tpu.memref_slice %arg4[%dma_start3A_97, %dma_start3A_98] : memref<20000x16xf32, #tpu.memory_space<vmem_shared>> -> memref<20000x16xf32, #tpu.memory_space<vmem_shared>>
        tpu.enqueue_indirect_dma source(%arg6 : memref<80x16xf32, #tpu.memory_space<vmem>>) target(%dma_start3A_99 : memref<20000x16xf32, #tpu.memory_space<vmem_shared>>) offsets(%dma_start3A_96 : memref<80xi32, #tpu.memory_space<vmem>>) semaphore(%run_scoped3A : memref<!tpu.dma_semaphore, #tpu.memory_space<semaphore_mem>>) {add = true}
        %dma_wait3A = arith.constant 0 : i32
        %dma_wait3A_100 = tpu.memref_slice %arg5[%scan3A_94, %dma_wait3A] : memref<125x80xi32, #tpu.memory_space<vmem>> -> memref<1x80xi32, #tpu.memory_space<vmem>>
        %dma_wait3A_101 = tpu.memref_squeeze %dma_wait3A_100 : memref<1x80xi32, #tpu.memory_space<vmem>> -> memref<80xi32, #tpu.memory_space<vmem>>
        %dma_wait3A_102 = arith.constant 0 : i32
        %dma_wait3A_103 = arith.constant 0 : i32
        %dma_wait3A_104 = tpu.memref_slice %arg4[%dma_wait3A_102, %dma_wait3A_103] : memref<20000x16xf32, #tpu.memory_space<vmem_shared>> -> memref<20000x16xf32, #tpu.memory_space<vmem_shared>>
        tpu.wait_indirect_dma semaphore(%run_scoped3A : memref<!tpu.dma_semaphore, #tpu.memory_space<semaphore_mem>>) src(%arg6 : memref<80x16xf32, #tpu.memory_space<vmem>>) dst(%dma_wait3A_104 : memref<20000x16xf32, #tpu.memory_space<vmem_shared>>)
        tpu.yield
      }) : () -> ()
    }
    %scan3A_72 = arith.constant 125 : i32
    %barrier3A_73 = arith.constant 0 : index
    tpu.barrier barrier_id(%barrier3A_73)
    %add3A_74 = arith.constant 0 : i32
    %add3A_75 = arith.addi %mul3A_8, %add3A_74 : i32
    "tpu.region"() ({
      %run_scoped3A = tpu.sem_alloc : memref<!tpu.dma_semaphore, #tpu.memory_space<semaphore_mem>>
      %dma_start3A = arith.constant 0 : i32
      %dma_start3A_94 = arith.constant 0 : i32
      %dma_start3A_95 = tpu.memref_slice %arg3[%arg0, %dma_start3A, %dma_start3A_94] : memref<2x20000x16xf32, #tpu.memory_space<hbm>> -> memref<1x20000x16xf32, #tpu.memory_space<hbm>>
      %dma_start3A_96 = tpu.memref_squeeze %dma_start3A_95 : memref<1x20000x16xf32, #tpu.memory_space<hbm>> -> memref<20000x16xf32, #tpu.memory_space<hbm>>
      %dma_start3A_97 = arith.constant 0 : i32
      %dma_start3A_98 = tpu.memref_slice %dma_start3A_96[%add3A_75, %dma_start3A_97] : memref<20000x16xf32, #tpu.memory_space<hbm>> -> memref<125x16xf32, #tpu.memory_space<hbm>>
      %dma_start3A_99 = arith.constant 0 : i32
      %dma_start3A_100 = tpu.memref_slice %arg4[%add3A_75, %dma_start3A_99] : memref<20000x16xf32, #tpu.memory_space<vmem_shared>> -> memref<125x16xf32, #tpu.memory_space<vmem_shared>>
      tpu.enqueue_dma source(%dma_start3A_100 : memref<125x16xf32, #tpu.memory_space<vmem_shared>>) target(%dma_start3A_98 : memref<125x16xf32, #tpu.memory_space<hbm>>) target_semaphore(%run_scoped3A : memref<!tpu.dma_semaphore, #tpu.memory_space<semaphore_mem>>)
      %dma_wait3A = arith.constant 0 : i32
      %dma_wait3A_101 = arith.constant 0 : i32
      %dma_wait3A_102 = tpu.memref_slice %arg3[%arg0, %dma_wait3A, %dma_wait3A_101] : memref<2x20000x16xf32, #tpu.memory_space<hbm>> -> memref<1x20000x16xf32, #tpu.memory_space<hbm>>
      %dma_wait3A_103 = tpu.memref_squeeze %dma_wait3A_102 : memref<1x20000x16xf32, #tpu.memory_space<hbm>> -> memref<20000x16xf32, #tpu.memory_space<hbm>>
      %dma_wait3A_104 = arith.constant 0 : i32
      %dma_wait3A_105 = tpu.memref_slice %dma_wait3A_103[%add3A_75, %dma_wait3A_104] : memref<20000x16xf32, #tpu.memory_space<hbm>> -> memref<125x16xf32, #tpu.memory_space<hbm>>
      %dma_wait3A_106 = arith.constant 0 : i32
      %dma_wait3A_107 = tpu.memref_slice %arg4[%add3A_75, %dma_wait3A_106] : memref<20000x16xf32, #tpu.memory_space<vmem_shared>> -> memref<125x16xf32, #tpu.memory_space<vmem_shared>>
      tpu.wait_dma2 semaphore(%run_scoped3A : memref<!tpu.dma_semaphore, #tpu.memory_space<semaphore_mem>>) src(%dma_wait3A_107 : memref<125x16xf32, #tpu.memory_space<vmem_shared>>) dst(%dma_wait3A_105 : memref<125x16xf32, #tpu.memory_space<hbm>>)
      tpu.yield
    }) : () -> ()
    %add3A_76 = arith.constant 125 : i32
    %add3A_77 = arith.addi %mul3A_8, %add3A_76 : i32
    "tpu.region"() ({
      %run_scoped3A = tpu.sem_alloc : memref<!tpu.dma_semaphore, #tpu.memory_space<semaphore_mem>>
      %dma_start3A = arith.constant 0 : i32
      %dma_start3A_94 = arith.constant 0 : i32
      %dma_start3A_95 = tpu.memref_slice %arg3[%arg0, %dma_start3A, %dma_start3A_94] : memref<2x20000x16xf32, #tpu.memory_space<hbm>> -> memref<1x20000x16xf32, #tpu.memory_space<hbm>>
      %dma_start3A_96 = tpu.memref_squeeze %dma_start3A_95 : memref<1x20000x16xf32, #tpu.memory_space<hbm>> -> memref<20000x16xf32, #tpu.memory_space<hbm>>
      %dma_start3A_97 = arith.constant 0 : i32
      %dma_start3A_98 = tpu.memref_slice %dma_start3A_96[%add3A_77, %dma_start3A_97] : memref<20000x16xf32, #tpu.memory_space<hbm>> -> memref<125x16xf32, #tpu.memory_space<hbm>>
      %dma_start3A_99 = arith.constant 0 : i32
      %dma_start3A_100 = tpu.memref_slice %arg4[%add3A_77, %dma_start3A_99] : memref<20000x16xf32, #tpu.memory_space<vmem_shared>> -> memref<125x16xf32, #tpu.memory_space<vmem_shared>>
      tpu.enqueue_dma source(%dma_start3A_100 : memref<125x16xf32, #tpu.memory_space<vmem_shared>>) target(%dma_start3A_98 : memref<125x16xf32, #tpu.memory_space<hbm>>) target_semaphore(%run_scoped3A : memref<!tpu.dma_semaphore, #tpu.memory_space<semaphore_mem>>)
      %dma_wait3A = arith.constant 0 : i32
      %dma_wait3A_101 = arith.constant 0 : i32
      %dma_wait3A_102 = tpu.memref_slice %arg3[%arg0, %dma_wait3A, %dma_wait3A_101] : memref<2x20000x16xf32, #tpu.memory_space<hbm>> -> memref<1x20000x16xf32, #tpu.memory_space<hbm>>
      %dma_wait3A_103 = tpu.memref_squeeze %dma_wait3A_102 : memref<1x20000x16xf32, #tpu.memory_space<hbm>> -> memref<20000x16xf32, #tpu.memory_space<hbm>>
      %dma_wait3A_104 = arith.constant 0 : i32
      %dma_wait3A_105 = tpu.memref_slice %dma_wait3A_103[%add3A_77, %dma_wait3A_104] : memref<20000x16xf32, #tpu.memory_space<hbm>> -> memref<125x16xf32, #tpu.memory_space<hbm>>
      %dma_wait3A_106 = arith.constant 0 : i32
      %dma_wait3A_107 = tpu.memref_slice %arg4[%add3A_77, %dma_wait3A_106] : memref<20000x16xf32, #tpu.memory_space<vmem_shared>> -> memref<125x16xf32, #tpu.memory_space<vmem_shared>>
      tpu.wait_dma2 semaphore(%run_scoped3A : memref<!tpu.dma_semaphore, #tpu.memory_space<semaphore_mem>>) src(%dma_wait3A_107 : memref<125x16xf32, #tpu.memory_space<vmem_shared>>) dst(%dma_wait3A_105 : memref<125x16xf32, #tpu.memory_space<hbm>>)
      tpu.yield
    }) : () -> ()
    %add3A_78 = arith.constant 250 : i32
    %add3A_79 = arith.addi %mul3A_8, %add3A_78 : i32
    "tpu.region"() ({
      %run_scoped3A = tpu.sem_alloc : memref<!tpu.dma_semaphore, #tpu.memory_space<semaphore_mem>>
      %dma_start3A = arith.constant 0 : i32
      %dma_start3A_94 = arith.constant 0 : i32
      %dma_start3A_95 = tpu.memref_slice %arg3[%arg0, %dma_start3A, %dma_start3A_94] : memref<2x20000x16xf32, #tpu.memory_space<hbm>> -> memref<1x20000x16xf32, #tpu.memory_space<hbm>>
      %dma_start3A_96 = tpu.memref_squeeze %dma_start3A_95 : memref<1x20000x16xf32, #tpu.memory_space<hbm>> -> memref<20000x16xf32, #tpu.memory_space<hbm>>
      %dma_start3A_97 = arith.constant 0 : i32
      %dma_start3A_98 = tpu.memref_slice %dma_start3A_96[%add3A_79, %dma_start3A_97] : memref<20000x16xf32, #tpu.memory_space<hbm>> -> memref<125x16xf32, #tpu.memory_space<hbm>>
      %dma_start3A_99 = arith.constant 0 : i32
      %dma_start3A_100 = tpu.memref_slice %arg4[%add3A_79, %dma_start3A_99] : memref<20000x16xf32, #tpu.memory_space<vmem_shared>> -> memref<125x16xf32, #tpu.memory_space<vmem_shared>>
      tpu.enqueue_dma source(%dma_start3A_100 : memref<125x16xf32, #tpu.memory_space<vmem_shared>>) target(%dma_start3A_98 : memref<125x16xf32, #tpu.memory_space<hbm>>) target_semaphore(%run_scoped3A : memref<!tpu.dma_semaphore, #tpu.memory_space<semaphore_mem>>)
      %dma_wait3A = arith.constant 0 : i32
      %dma_wait3A_101 = arith.constant 0 : i32
      %dma_wait3A_102 = tpu.memref_slice %arg3[%arg0, %dma_wait3A, %dma_wait3A_101] : memref<2x20000x16xf32, #tpu.memory_space<hbm>> -> memref<1x20000x16xf32, #tpu.memory_space<hbm>>
      %dma_wait3A_103 = tpu.memref_squeeze %dma_wait3A_102 : memref<1x20000x16xf32, #tpu.memory_space<hbm>> -> memref<20000x16xf32, #tpu.memory_space<hbm>>
      %dma_wait3A_104 = arith.constant 0 : i32
      %dma_wait3A_105 = tpu.memref_slice %dma_wait3A_103[%add3A_79, %dma_wait3A_104] : memref<20000x16xf32, #tpu.memory_space<hbm>> -> memref<125x16xf32, #tpu.memory_space<hbm>>
      %dma_wait3A_106 = arith.constant 0 : i32
      %dma_wait3A_107 = tpu.memref_slice %arg4[%add3A_79, %dma_wait3A_106] : memref<20000x16xf32, #tpu.memory_space<vmem_shared>> -> memref<125x16xf32, #tpu.memory_space<vmem_shared>>
      tpu.wait_dma2 semaphore(%run_scoped3A : memref<!tpu.dma_semaphore, #tpu.memory_space<semaphore_mem>>) src(%dma_wait3A_107 : memref<125x16xf32, #tpu.memory_space<vmem_shared>>) dst(%dma_wait3A_105 : memref<125x16xf32, #tpu.memory_space<hbm>>)
      tpu.yield
    }) : () -> ()
    %add3A_80 = arith.constant 375 : i32
    %add3A_81 = arith.addi %mul3A_8, %add3A_80 : i32
    "tpu.region"() ({
      %run_scoped3A = tpu.sem_alloc : memref<!tpu.dma_semaphore, #tpu.memory_space<semaphore_mem>>
      %dma_start3A = arith.constant 0 : i32
      %dma_start3A_94 = arith.constant 0 : i32
      %dma_start3A_95 = tpu.memref_slice %arg3[%arg0, %dma_start3A, %dma_start3A_94] : memref<2x20000x16xf32, #tpu.memory_space<hbm>> -> memref<1x20000x16xf32, #tpu.memory_space<hbm>>
      %dma_start3A_96 = tpu.memref_squeeze %dma_start3A_95 : memref<1x20000x16xf32, #tpu.memory_space<hbm>> -> memref<20000x16xf32, #tpu.memory_space<hbm>>
      %dma_start3A_97 = arith.constant 0 : i32
      %dma_start3A_98 = tpu.memref_slice %dma_start3A_96[%add3A_81, %dma_start3A_97] : memref<20000x16xf32, #tpu.memory_space<hbm>> -> memref<125x16xf32, #tpu.memory_space<hbm>>
      %dma_start3A_99 = arith.constant 0 : i32
      %dma_start3A_100 = tpu.memref_slice %arg4[%add3A_81, %dma_start3A_99] : memref<20000x16xf32, #tpu.memory_space<vmem_shared>> -> memref<125x16xf32, #tpu.memory_space<vmem_shared>>
      tpu.enqueue_dma source(%dma_start3A_100 : memref<125x16xf32, #tpu.memory_space<vmem_shared>>) target(%dma_start3A_98 : memref<125x16xf32, #tpu.memory_space<hbm>>) target_semaphore(%run_scoped3A : memref<!tpu.dma_semaphore, #tpu.memory_space<semaphore_mem>>)
      %dma_wait3A = arith.constant 0 : i32
      %dma_wait3A_101 = arith.constant 0 : i32
      %dma_wait3A_102 = tpu.memref_slice %arg3[%arg0, %dma_wait3A, %dma_wait3A_101] : memref<2x20000x16xf32, #tpu.memory_space<hbm>> -> memref<1x20000x16xf32, #tpu.memory_space<hbm>>
      %dma_wait3A_103 = tpu.memref_squeeze %dma_wait3A_102 : memref<1x20000x16xf32, #tpu.memory_space<hbm>> -> memref<20000x16xf32, #tpu.memory_space<hbm>>
      %dma_wait3A_104 = arith.constant 0 : i32
      %dma_wait3A_105 = tpu.memref_slice %dma_wait3A_103[%add3A_81, %dma_wait3A_104] : memref<20000x16xf32, #tpu.memory_space<hbm>> -> memref<125x16xf32, #tpu.memory_space<hbm>>
      %dma_wait3A_106 = arith.constant 0 : i32
      %dma_wait3A_107 = tpu.memref_slice %arg4[%add3A_81, %dma_wait3A_106] : memref<20000x16xf32, #tpu.memory_space<vmem_shared>> -> memref<125x16xf32, #tpu.memory_space<vmem_shared>>
      tpu.wait_dma2 semaphore(%run_scoped3A : memref<!tpu.dma_semaphore, #tpu.memory_space<semaphore_mem>>) src(%dma_wait3A_107 : memref<125x16xf32, #tpu.memory_space<vmem_shared>>) dst(%dma_wait3A_105 : memref<125x16xf32, #tpu.memory_space<hbm>>)
      tpu.yield
    }) : () -> ()
    %add3A_82 = arith.constant 500 : i32
    %add3A_83 = arith.addi %mul3A_8, %add3A_82 : i32
    "tpu.region"() ({
      %run_scoped3A = tpu.sem_alloc : memref<!tpu.dma_semaphore, #tpu.memory_space<semaphore_mem>>
      %dma_start3A = arith.constant 0 : i32
      %dma_start3A_94 = arith.constant 0 : i32
      %dma_start3A_95 = tpu.memref_slice %arg3[%arg0, %dma_start3A, %dma_start3A_94] : memref<2x20000x16xf32, #tpu.memory_space<hbm>> -> memref<1x20000x16xf32, #tpu.memory_space<hbm>>
      %dma_start3A_96 = tpu.memref_squeeze %dma_start3A_95 : memref<1x20000x16xf32, #tpu.memory_space<hbm>> -> memref<20000x16xf32, #tpu.memory_space<hbm>>
      %dma_start3A_97 = arith.constant 0 : i32
      %dma_start3A_98 = tpu.memref_slice %dma_start3A_96[%add3A_83, %dma_start3A_97] : memref<20000x16xf32, #tpu.memory_space<hbm>> -> memref<125x16xf32, #tpu.memory_space<hbm>>
      %dma_start3A_99 = arith.constant 0 : i32
      %dma_start3A_100 = tpu.memref_slice %arg4[%add3A_83, %dma_start3A_99] : memref<20000x16xf32, #tpu.memory_space<vmem_shared>> -> memref<125x16xf32, #tpu.memory_space<vmem_shared>>
      tpu.enqueue_dma source(%dma_start3A_100 : memref<125x16xf32, #tpu.memory_space<vmem_shared>>) target(%dma_start3A_98 : memref<125x16xf32, #tpu.memory_space<hbm>>) target_semaphore(%run_scoped3A : memref<!tpu.dma_semaphore, #tpu.memory_space<semaphore_mem>>)
      %dma_wait3A = arith.constant 0 : i32
      %dma_wait3A_101 = arith.constant 0 : i32
      %dma_wait3A_102 = tpu.memref_slice %arg3[%arg0, %dma_wait3A, %dma_wait3A_101] : memref<2x20000x16xf32, #tpu.memory_space<hbm>> -> memref<1x20000x16xf32, #tpu.memory_space<hbm>>
      %dma_wait3A_103 = tpu.memref_squeeze %dma_wait3A_102 : memref<1x20000x16xf32, #tpu.memory_space<hbm>> -> memref<20000x16xf32, #tpu.memory_space<hbm>>
      %dma_wait3A_104 = arith.constant 0 : i32
      %dma_wait3A_105 = tpu.memref_slice %dma_wait3A_103[%add3A_83, %dma_wait3A_104] : memref<20000x16xf32, #tpu.memory_space<hbm>> -> memref<125x16xf32, #tpu.memory_space<hbm>>
      %dma_wait3A_106 = arith.constant 0 : i32
      %dma_wait3A_107 = tpu.memref_slice %arg4[%add3A_83, %dma_wait3A_106] : memref<20000x16xf32, #tpu.memory_space<vmem_shared>> -> memref<125x16xf32, #tpu.memory_space<vmem_shared>>
      tpu.wait_dma2 semaphore(%run_scoped3A : memref<!tpu.dma_semaphore, #tpu.memory_space<semaphore_mem>>) src(%dma_wait3A_107 : memref<125x16xf32, #tpu.memory_space<vmem_shared>>) dst(%dma_wait3A_105 : memref<125x16xf32, #tpu.memory_space<hbm>>)
      tpu.yield
    }) : () -> ()
    %add3A_84 = arith.constant 625 : i32
    %add3A_85 = arith.addi %mul3A_8, %add3A_84 : i32
    "tpu.region"() ({
      %run_scoped3A = tpu.sem_alloc : memref<!tpu.dma_semaphore, #tpu.memory_space<semaphore_mem>>
      %dma_start3A = arith.constant 0 : i32
      %dma_start3A_94 = arith.constant 0 : i32
      %dma_start3A_95 = tpu.memref_slice %arg3[%arg0, %dma_start3A, %dma_start3A_94] : memref<2x20000x16xf32, #tpu.memory_space<hbm>> -> memref<1x20000x16xf32, #tpu.memory_space<hbm>>
      %dma_start3A_96 = tpu.memref_squeeze %dma_start3A_95 : memref<1x20000x16xf32, #tpu.memory_space<hbm>> -> memref<20000x16xf32, #tpu.memory_space<hbm>>
      %dma_start3A_97 = arith.constant 0 : i32
      %dma_start3A_98 = tpu.memref_slice %dma_start3A_96[%add3A_85, %dma_start3A_97] : memref<20000x16xf32, #tpu.memory_space<hbm>> -> memref<125x16xf32, #tpu.memory_space<hbm>>
      %dma_start3A_99 = arith.constant 0 : i32
      %dma_start3A_100 = tpu.memref_slice %arg4[%add3A_85, %dma_start3A_99] : memref<20000x16xf32, #tpu.memory_space<vmem_shared>> -> memref<125x16xf32, #tpu.memory_space<vmem_shared>>
      tpu.enqueue_dma source(%dma_start3A_100 : memref<125x16xf32, #tpu.memory_space<vmem_shared>>) target(%dma_start3A_98 : memref<125x16xf32, #tpu.memory_space<hbm>>) target_semaphore(%run_scoped3A : memref<!tpu.dma_semaphore, #tpu.memory_space<semaphore_mem>>)
      %dma_wait3A = arith.constant 0 : i32
      %dma_wait3A_101 = arith.constant 0 : i32
      %dma_wait3A_102 = tpu.memref_slice %arg3[%arg0, %dma_wait3A, %dma_wait3A_101] : memref<2x20000x16xf32, #tpu.memory_space<hbm>> -> memref<1x20000x16xf32, #tpu.memory_space<hbm>>
      %dma_wait3A_103 = tpu.memref_squeeze %dma_wait3A_102 : memref<1x20000x16xf32, #tpu.memory_space<hbm>> -> memref<20000x16xf32, #tpu.memory_space<hbm>>
      %dma_wait3A_104 = arith.constant 0 : i32
      %dma_wait3A_105 = tpu.memref_slice %dma_wait3A_103[%add3A_85, %dma_wait3A_104] : memref<20000x16xf32, #tpu.memory_space<hbm>> -> memref<125x16xf32, #tpu.memory_space<hbm>>
      %dma_wait3A_106 = arith.constant 0 : i32
      %dma_wait3A_107 = tpu.memref_slice %arg4[%add3A_85, %dma_wait3A_106] : memref<20000x16xf32, #tpu.memory_space<vmem_shared>> -> memref<125x16xf32, #tpu.memory_space<vmem_shared>>
      tpu.wait_dma2 semaphore(%run_scoped3A : memref<!tpu.dma_semaphore, #tpu.memory_space<semaphore_mem>>) src(%dma_wait3A_107 : memref<125x16xf32, #tpu.memory_space<vmem_shared>>) dst(%dma_wait3A_105 : memref<125x16xf32, #tpu.memory_space<hbm>>)
      tpu.yield
    }) : () -> ()
    %add3A_86 = arith.constant 750 : i32
    %add3A_87 = arith.addi %mul3A_8, %add3A_86 : i32
    "tpu.region"() ({
      %run_scoped3A = tpu.sem_alloc : memref<!tpu.dma_semaphore, #tpu.memory_space<semaphore_mem>>
      %dma_start3A = arith.constant 0 : i32
      %dma_start3A_94 = arith.constant 0 : i32
      %dma_start3A_95 = tpu.memref_slice %arg3[%arg0, %dma_start3A, %dma_start3A_94] : memref<2x20000x16xf32, #tpu.memory_space<hbm>> -> memref<1x20000x16xf32, #tpu.memory_space<hbm>>
      %dma_start3A_96 = tpu.memref_squeeze %dma_start3A_95 : memref<1x20000x16xf32, #tpu.memory_space<hbm>> -> memref<20000x16xf32, #tpu.memory_space<hbm>>
      %dma_start3A_97 = arith.constant 0 : i32
      %dma_start3A_98 = tpu.memref_slice %dma_start3A_96[%add3A_87, %dma_start3A_97] : memref<20000x16xf32, #tpu.memory_space<hbm>> -> memref<125x16xf32, #tpu.memory_space<hbm>>
      %dma_start3A_99 = arith.constant 0 : i32
      %dma_start3A_100 = tpu.memref_slice %arg4[%add3A_87, %dma_start3A_99] : memref<20000x16xf32, #tpu.memory_space<vmem_shared>> -> memref<125x16xf32, #tpu.memory_space<vmem_shared>>
      tpu.enqueue_dma source(%dma_start3A_100 : memref<125x16xf32, #tpu.memory_space<vmem_shared>>) target(%dma_start3A_98 : memref<125x16xf32, #tpu.memory_space<hbm>>) target_semaphore(%run_scoped3A : memref<!tpu.dma_semaphore, #tpu.memory_space<semaphore_mem>>)
      %dma_wait3A = arith.constant 0 : i32
      %dma_wait3A_101 = arith.constant 0 : i32
      %dma_wait3A_102 = tpu.memref_slice %arg3[%arg0, %dma_wait3A, %dma_wait3A_101] : memref<2x20000x16xf32, #tpu.memory_space<hbm>> -> memref<1x20000x16xf32, #tpu.memory_space<hbm>>
      %dma_wait3A_103 = tpu.memref_squeeze %dma_wait3A_102 : memref<1x20000x16xf32, #tpu.memory_space<hbm>> -> memref<20000x16xf32, #tpu.memory_space<hbm>>
      %dma_wait3A_104 = arith.constant 0 : i32
      %dma_wait3A_105 = tpu.memref_slice %dma_wait3A_103[%add3A_87, %dma_wait3A_104] : memref<20000x16xf32, #tpu.memory_space<hbm>> -> memref<125x16xf32, #tpu.memory_space<hbm>>
      %dma_wait3A_106 = arith.constant 0 : i32
      %dma_wait3A_107 = tpu.memref_slice %arg4[%add3A_87, %dma_wait3A_106] : memref<20000x16xf32, #tpu.memory_space<vmem_shared>> -> memref<125x16xf32, #tpu.memory_space<vmem_shared>>
      tpu.wait_dma2 semaphore(%run_scoped3A : memref<!tpu.dma_semaphore, #tpu.memory_space<semaphore_mem>>) src(%dma_wait3A_107 : memref<125x16xf32, #tpu.memory_space<vmem_shared>>) dst(%dma_wait3A_105 : memref<125x16xf32, #tpu.memory_space<hbm>>)
      tpu.yield
    }) : () -> ()
    %add3A_88 = arith.constant 875 : i32
    %add3A_89 = arith.addi %mul3A_8, %add3A_88 : i32
    "tpu.region"() ({
      %run_scoped3A = tpu.sem_alloc : memref<!tpu.dma_semaphore, #tpu.memory_space<semaphore_mem>>
      %dma_start3A = arith.constant 0 : i32
      %dma_start3A_94 = arith.constant 0 : i32
      %dma_start3A_95 = tpu.memref_slice %arg3[%arg0, %dma_start3A, %dma_start3A_94] : memref<2x20000x16xf32, #tpu.memory_space<hbm>> -> memref<1x20000x16xf32, #tpu.memory_space<hbm>>
      %dma_start3A_96 = tpu.memref_squeeze %dma_start3A_95 : memref<1x20000x16xf32, #tpu.memory_space<hbm>> -> memref<20000x16xf32, #tpu.memory_space<hbm>>
      %dma_start3A_97 = arith.constant 0 : i32
      %dma_start3A_98 = tpu.memref_slice %dma_start3A_96[%add3A_89, %dma_start3A_97] : memref<20000x16xf32, #tpu.memory_space<hbm>> -> memref<125x16xf32, #tpu.memory_space<hbm>>
      %dma_start3A_99 = arith.constant 0 : i32
      %dma_start3A_100 = tpu.memref_slice %arg4[%add3A_89, %dma_start3A_99] : memref<20000x16xf32, #tpu.memory_space<vmem_shared>> -> memref<125x16xf32, #tpu.memory_space<vmem_shared>>
      tpu.enqueue_dma source(%dma_start3A_100 : memref<125x16xf32, #tpu.memory_space<vmem_shared>>) target(%dma_start3A_98 : memref<125x16xf32, #tpu.memory_space<hbm>>) target_semaphore(%run_scoped3A : memref<!tpu.dma_semaphore, #tpu.memory_space<semaphore_mem>>)
      %dma_wait3A = arith.constant 0 : i32
      %dma_wait3A_101 = arith.constant 0 : i32
      %dma_wait3A_102 = tpu.memref_slice %arg3[%arg0, %dma_wait3A, %dma_wait3A_101] : memref<2x20000x16xf32, #tpu.memory_space<hbm>> -> memref<1x20000x16xf32, #tpu.memory_space<hbm>>
      %dma_wait3A_103 = tpu.memref_squeeze %dma_wait3A_102 : memref<1x20000x16xf32, #tpu.memory_space<hbm>> -> memref<20000x16xf32, #tpu.memory_space<hbm>>
      %dma_wait3A_104 = arith.constant 0 : i32
      %dma_wait3A_105 = tpu.memref_slice %dma_wait3A_103[%add3A_89, %dma_wait3A_104] : memref<20000x16xf32, #tpu.memory_space<hbm>> -> memref<125x16xf32, #tpu.memory_space<hbm>>
      %dma_wait3A_106 = arith.constant 0 : i32
      %dma_wait3A_107 = tpu.memref_slice %arg4[%add3A_89, %dma_wait3A_106] : memref<20000x16xf32, #tpu.memory_space<vmem_shared>> -> memref<125x16xf32, #tpu.memory_space<vmem_shared>>
      tpu.wait_dma2 semaphore(%run_scoped3A : memref<!tpu.dma_semaphore, #tpu.memory_space<semaphore_mem>>) src(%dma_wait3A_107 : memref<125x16xf32, #tpu.memory_space<vmem_shared>>) dst(%dma_wait3A_105 : memref<125x16xf32, #tpu.memory_space<hbm>>)
      tpu.yield
    }) : () -> ()
    %add3A_90 = arith.constant 1000 : i32
    %add3A_91 = arith.addi %mul3A_8, %add3A_90 : i32
    "tpu.region"() ({
      %run_scoped3A = tpu.sem_alloc : memref<!tpu.dma_semaphore, #tpu.memory_space<semaphore_mem>>
      %dma_start3A = arith.constant 0 : i32
      %dma_start3A_94 = arith.constant 0 : i32
      %dma_start3A_95 = tpu.memref_slice %arg3[%arg0, %dma_start3A, %dma_start3A_94] : memref<2x20000x16xf32, #tpu.memory_space<hbm>> -> memref<1x20000x16xf32, #tpu.memory_space<hbm>>
      %dma_start3A_96 = tpu.memref_squeeze %dma_start3A_95 : memref<1x20000x16xf32, #tpu.memory_space<hbm>> -> memref<20000x16xf32, #tpu.memory_space<hbm>>
      %dma_start3A_97 = arith.constant 0 : i32
      %dma_start3A_98 = tpu.memref_slice %dma_start3A_96[%add3A_91, %dma_start3A_97] : memref<20000x16xf32, #tpu.memory_space<hbm>> -> memref<125x16xf32, #tpu.memory_space<hbm>>
      %dma_start3A_99 = arith.constant 0 : i32
      %dma_start3A_100 = tpu.memref_slice %arg4[%add3A_91, %dma_start3A_99] : memref<20000x16xf32, #tpu.memory_space<vmem_shared>> -> memref<125x16xf32, #tpu.memory_space<vmem_shared>>
      tpu.enqueue_dma source(%dma_start3A_100 : memref<125x16xf32, #tpu.memory_space<vmem_shared>>) target(%dma_start3A_98 : memref<125x16xf32, #tpu.memory_space<hbm>>) target_semaphore(%run_scoped3A : memref<!tpu.dma_semaphore, #tpu.memory_space<semaphore_mem>>)
      %dma_wait3A = arith.constant 0 : i32
      %dma_wait3A_101 = arith.constant 0 : i32
      %dma_wait3A_102 = tpu.memref_slice %arg3[%arg0, %dma_wait3A, %dma_wait3A_101] : memref<2x20000x16xf32, #tpu.memory_space<hbm>> -> memref<1x20000x16xf32, #tpu.memory_space<hbm>>
      %dma_wait3A_103 = tpu.memref_squeeze %dma_wait3A_102 : memref<1x20000x16xf32, #tpu.memory_space<hbm>> -> memref<20000x16xf32, #tpu.memory_space<hbm>>
      %dma_wait3A_104 = arith.constant 0 : i32
      %dma_wait3A_105 = tpu.memref_slice %dma_wait3A_103[%add3A_91, %dma_wait3A_104] : memref<20000x16xf32, #tpu.memory_space<hbm>> -> memref<125x16xf32, #tpu.memory_space<hbm>>
      %dma_wait3A_106 = arith.constant 0 : i32
      %dma_wait3A_107 = tpu.memref_slice %arg4[%add3A_91, %dma_wait3A_106] : memref<20000x16xf32, #tpu.memory_space<vmem_shared>> -> memref<125x16xf32, #tpu.memory_space<vmem_shared>>
      tpu.wait_dma2 semaphore(%run_scoped3A : memref<!tpu.dma_semaphore, #tpu.memory_space<semaphore_mem>>) src(%dma_wait3A_107 : memref<125x16xf32, #tpu.memory_space<vmem_shared>>) dst(%dma_wait3A_105 : memref<125x16xf32, #tpu.memory_space<hbm>>)
      tpu.yield
    }) : () -> ()
    %add3A_92 = arith.constant 1125 : i32
    %add3A_93 = arith.addi %mul3A_8, %add3A_92 : i32
    "tpu.region"() ({
      %run_scoped3A = tpu.sem_alloc : memref<!tpu.dma_semaphore, #tpu.memory_space<semaphore_mem>>
      %dma_start3A = arith.constant 0 : i32
      %dma_start3A_94 = arith.constant 0 : i32
      %dma_start3A_95 = tpu.memref_slice %arg3[%arg0, %dma_start3A, %dma_start3A_94] : memref<2x20000x16xf32, #tpu.memory_space<hbm>> -> memref<1x20000x16xf32, #tpu.memory_space<hbm>>
      %dma_start3A_96 = tpu.memref_squeeze %dma_start3A_95 : memref<1x20000x16xf32, #tpu.memory_space<hbm>> -> memref<20000x16xf32, #tpu.memory_space<hbm>>
      %dma_start3A_97 = arith.constant 0 : i32
      %dma_start3A_98 = tpu.memref_slice %dma_start3A_96[%add3A_93, %dma_start3A_97] : memref<20000x16xf32, #tpu.memory_space<hbm>> -> memref<125x16xf32, #tpu.memory_space<hbm>>
      %dma_start3A_99 = arith.constant 0 : i32
      %dma_start3A_100 = tpu.memref_slice %arg4[%add3A_93, %dma_start3A_99] : memref<20000x16xf32, #tpu.memory_space<vmem_shared>> -> memref<125x16xf32, #tpu.memory_space<vmem_shared>>
      tpu.enqueue_dma source(%dma_start3A_100 : memref<125x16xf32, #tpu.memory_space<vmem_shared>>) target(%dma_start3A_98 : memref<125x16xf32, #tpu.memory_space<hbm>>) target_semaphore(%run_scoped3A : memref<!tpu.dma_semaphore, #tpu.memory_space<semaphore_mem>>)
      %dma_wait3A = arith.constant 0 : i32
      %dma_wait3A_101 = arith.constant 0 : i32
      %dma_wait3A_102 = tpu.memref_slice %arg3[%arg0, %dma_wait3A, %dma_wait3A_101] : memref<2x20000x16xf32, #tpu.memory_space<hbm>> -> memref<1x20000x16xf32, #tpu.memory_space<hbm>>
      %dma_wait3A_103 = tpu.memref_squeeze %dma_wait3A_102 : memref<1x20000x16xf32, #tpu.memory_space<hbm>> -> memref<20000x16xf32, #tpu.memory_space<hbm>>
      %dma_wait3A_104 = arith.constant 0 : i32
      %dma_wait3A_105 = tpu.memref_slice %dma_wait3A_103[%add3A_93, %dma_wait3A_104] : memref<20000x16xf32, #tpu.memory_space<hbm>> -> memref<125x16xf32, #tpu.memory_space<hbm>>
      %dma_wait3A_106 = arith.constant 0 : i32
      %dma_wait3A_107 = tpu.memref_slice %arg4[%add3A_93, %dma_wait3A_106] : memref<20000x16xf32, #tpu.memory_space<vmem_shared>> -> memref<125x16xf32, #tpu.memory_space<vmem_shared>>
      tpu.wait_dma2 semaphore(%run_scoped3A : memref<!tpu.dma_semaphore, #tpu.memory_space<semaphore_mem>>) src(%dma_wait3A_107 : memref<125x16xf32, #tpu.memory_space<vmem_shared>>) dst(%dma_wait3A_105 : memref<125x16xf32, #tpu.memory_space<hbm>>)
      tpu.yield
    }) : () -> ()
    return
  }
}

#map = affine_map<(d0, d1) -> (0, 0)>
#map1 = affine_map<(d0, d1) -> (0, 0, 0)>
module attributes {stable_mosaic.version = 14 : i64} {
  func.func @_sc_sum_body(%arg0: i32, %arg1: i32, %arg2: memref<20000x80xf32, #tpu.memory_space<hbm>>, %arg3: memref<8000x80xi32, #tpu.memory_space<hbm>>, %arg4: memref<4000x80xi32, #tpu.memory_space<hbm>>, %arg5: memref<2x20000x80xf32, #tpu.memory_space<hbm>>, %arg6: memref<20000x80xf32, #tpu.memory_space<vmem_shared>>, %arg7: memref<50x80xi32, #tpu.memory_space<vmem>>, %arg8: memref<50x80xi32, #tpu.memory_space<vmem>>, %arg9: memref<80x80xf32, #tpu.memory_space<vmem>>, %arg10: memref<80x80xf32, #tpu.memory_space<vmem>>, %arg11: memref<80x80xf32, #tpu.memory_space<vmem>>, %arg12: memref<!tpu.dma_semaphore, #tpu.memory_space<semaphore_mem>>, %arg13: memref<!tpu.dma_semaphore, #tpu.memory_space<semaphore_mem>>, %arg14: memref<!tpu.dma_semaphore, #tpu.memory_space<semaphore_mem>>) attributes {dimension_semantics = [#tpu.dimension_semantics<core_parallel>, #tpu.dimension_semantics<subcore_parallel>], iteration_bounds = array<i64: 2, 16>, scalar_prefetch = 0 : i64, scratch_operands = 9 : i64, tpu.core_type = #tpu.core_type<sc_vector_subcore>, window_params = [{transform_indices = #map}, {transform_indices = #map}, {transform_indices = #map}, {transform_indices = #map1}]} {
    %broadcast_in_dim3A = arith.constant 0.000000e+00 : f32
    %broadcast_in_dim3A_0 = vector.broadcast %broadcast_in_dim3A : f32 to vector<16xf32>
    %scan3A = arith.constant 0 : i32
    %scan3A_1 = arith.constant 0 : i32
    %scan3A_2 = arith.constant 80 : i32
    %scan3A_3 = arith.addi %scan3A_1, %scan3A_2 : i32
    %scan3A_4 = arith.constant 1 : i32
    scf.for %scan3A_67 = %scan3A_1 to %scan3A_3 step %scan3A_4  : i32 {
      %swap3A = arith.index_cast %scan3A_67 : i32 to index
      %swap3A_68 = arith.constant 0 : index
      %swap3A_69 = tpu.vector_load %arg9[%swap3A, %swap3A_68] {strides = array<i32>} : memref<80x80xf32, #tpu.memory_space<vmem>>, vector<1x16xf32>,
      %swap3A_70 = vector.shape_cast %swap3A_69 : vector<1x16xf32> to vector<16xf32>
      %swap3A_71 = vector.shape_cast %broadcast_in_dim3A_0 : vector<16xf32> to vector<1x16xf32>
      tpu.vector_store %arg9[%swap3A, %swap3A_68], %swap3A_71 {strides = array<i32>} : memref<80x80xf32, #tpu.memory_space<vmem>>, vector<1x16xf32>,
      %swap3A_72 = arith.index_cast %scan3A_67 : i32 to index
      %swap3A_73 = arith.constant 16 : index
      %swap3A_74 = tpu.vector_load %arg9[%swap3A_72, %swap3A_73] {strides = array<i32>} : memref<80x80xf32, #tpu.memory_space<vmem>>, vector<1x16xf32>,
      %swap3A_75 = vector.shape_cast %swap3A_74 : vector<1x16xf32> to vector<16xf32>
      %swap3A_76 = vector.shape_cast %broadcast_in_dim3A_0 : vector<16xf32> to vector<1x16xf32>
      tpu.vector_store %arg9[%swap3A_72, %swap3A_73], %swap3A_76 {strides = array<i32>} : memref<80x80xf32, #tpu.memory_space<vmem>>, vector<1x16xf32>,
      %swap3A_77 = arith.index_cast %scan3A_67 : i32 to index
      %swap3A_78 = arith.constant 32 : index
      %swap3A_79 = tpu.vector_load %arg9[%swap3A_77, %swap3A_78] {strides = array<i32>} : memref<80x80xf32, #tpu.memory_space<vmem>>, vector<1x16xf32>,
      %swap3A_80 = vector.shape_cast %swap3A_79 : vector<1x16xf32> to vector<16xf32>
      %swap3A_81 = vector.shape_cast %broadcast_in_dim3A_0 : vector<16xf32> to vector<1x16xf32>
      tpu.vector_store %arg9[%swap3A_77, %swap3A_78], %swap3A_81 {strides = array<i32>} : memref<80x80xf32, #tpu.memory_space<vmem>>, vector<1x16xf32>,
      %swap3A_82 = arith.index_cast %scan3A_67 : i32 to index
      %swap3A_83 = arith.constant 48 : index
      %swap3A_84 = tpu.vector_load %arg9[%swap3A_82, %swap3A_83] {strides = array<i32>} : memref<80x80xf32, #tpu.memory_space<vmem>>, vector<1x16xf32>,
      %swap3A_85 = vector.shape_cast %swap3A_84 : vector<1x16xf32> to vector<16xf32>
      %swap3A_86 = vector.shape_cast %broadcast_in_dim3A_0 : vector<16xf32> to vector<1x16xf32>
      tpu.vector_store %arg9[%swap3A_82, %swap3A_83], %swap3A_86 {strides = array<i32>} : memref<80x80xf32, #tpu.memory_space<vmem>>, vector<1x16xf32>,
      %swap3A_87 = arith.index_cast %scan3A_67 : i32 to index
      %swap3A_88 = arith.constant 64 : index
      %swap3A_89 = tpu.vector_load %arg9[%swap3A_87, %swap3A_88] {strides = array<i32>} : memref<80x80xf32, #tpu.memory_space<vmem>>, vector<1x16xf32>,
      %swap3A_90 = vector.shape_cast %swap3A_89 : vector<1x16xf32> to vector<16xf32>
      %swap3A_91 = vector.shape_cast %broadcast_in_dim3A_0 : vector<16xf32> to vector<1x16xf32>
      tpu.vector_store %arg9[%swap3A_87, %swap3A_88], %swap3A_91 {strides = array<i32>} : memref<80x80xf32, #tpu.memory_space<vmem>>, vector<1x16xf32>,
    }
    %scan3A_5 = arith.constant 80 : i32
    %mul3A = arith.constant 1250 : i32
    %mul3A_6 = arith.muli %arg1, %mul3A : i32
    %add3A = arith.constant 0 : i32
    %add3A_7 = arith.addi %mul3A_6, %add3A : i32
    "tpu.region"() ({
      %run_scoped3A = tpu.sem_alloc : memref<!tpu.dma_semaphore, #tpu.memory_space<semaphore_mem>>
      %dma_start3A = arith.constant 0 : i32
      %dma_start3A_67 = tpu.memref_slice %arg6[%add3A_7, %dma_start3A] : memref<20000x80xf32, #tpu.memory_space<vmem_shared>> -> memref<80x80xf32, #tpu.memory_space<vmem_shared>>
      %dma_start3A_68 = arith.constant 0 : i32
      %dma_start3A_69 = tpu.memref_slice %arg6[%add3A_7, %dma_start3A_68] : memref<20000x80xf32, #tpu.memory_space<vmem_shared>> -> memref<80x80xf32, #tpu.memory_space<vmem_shared>>
      tpu.enqueue_dma source(%arg9 : memref<80x80xf32, #tpu.memory_space<vmem>>) target(%dma_start3A_69 : memref<80x80xf32, #tpu.memory_space<vmem_shared>>) target_semaphore(%run_scoped3A : memref<!tpu.dma_semaphore, #tpu.memory_space<semaphore_mem>>)
      %dma_wait3A = arith.constant 0 : i32
      %dma_wait3A_70 = tpu.memref_slice %arg6[%add3A_7, %dma_wait3A] : memref<20000x80xf32, #tpu.memory_space<vmem_shared>> -> memref<80x80xf32, #tpu.memory_space<vmem_shared>>
      %dma_wait3A_71 = arith.constant 0 : i32
      %dma_wait3A_72 = tpu.memref_slice %arg6[%add3A_7, %dma_wait3A_71] : memref<20000x80xf32, #tpu.memory_space<vmem_shared>> -> memref<80x80xf32, #tpu.memory_space<vmem_shared>>
      tpu.wait_dma2 semaphore(%run_scoped3A : memref<!tpu.dma_semaphore, #tpu.memory_space<semaphore_mem>>) src(%arg9 : memref<80x80xf32, #tpu.memory_space<vmem>>) dst(%dma_wait3A_72 : memref<80x80xf32, #tpu.memory_space<vmem_shared>>)
      tpu.yield
    }) : () -> ()
    %add3A_8 = arith.constant 80 : i32
    %add3A_9 = arith.addi %mul3A_6, %add3A_8 : i32
    "tpu.region"() ({
      %run_scoped3A = tpu.sem_alloc : memref<!tpu.dma_semaphore, #tpu.memory_space<semaphore_mem>>
      %dma_start3A = arith.constant 0 : i32
      %dma_start3A_67 = tpu.memref_slice %arg6[%add3A_9, %dma_start3A] : memref<20000x80xf32, #tpu.memory_space<vmem_shared>> -> memref<80x80xf32, #tpu.memory_space<vmem_shared>>
      %dma_start3A_68 = arith.constant 0 : i32
      %dma_start3A_69 = tpu.memref_slice %arg6[%add3A_9, %dma_start3A_68] : memref<20000x80xf32, #tpu.memory_space<vmem_shared>> -> memref<80x80xf32, #tpu.memory_space<vmem_shared>>
      tpu.enqueue_dma source(%arg9 : memref<80x80xf32, #tpu.memory_space<vmem>>) target(%dma_start3A_69 : memref<80x80xf32, #tpu.memory_space<vmem_shared>>) target_semaphore(%run_scoped3A : memref<!tpu.dma_semaphore, #tpu.memory_space<semaphore_mem>>)
      %dma_wait3A = arith.constant 0 : i32
      %dma_wait3A_70 = tpu.memref_slice %arg6[%add3A_9, %dma_wait3A] : memref<20000x80xf32, #tpu.memory_space<vmem_shared>> -> memref<80x80xf32, #tpu.memory_space<vmem_shared>>
      %dma_wait3A_71 = arith.constant 0 : i32
      %dma_wait3A_72 = tpu.memref_slice %arg6[%add3A_9, %dma_wait3A_71] : memref<20000x80xf32, #tpu.memory_space<vmem_shared>> -> memref<80x80xf32, #tpu.memory_space<vmem_shared>>
      tpu.wait_dma2 semaphore(%run_scoped3A : memref<!tpu.dma_semaphore, #tpu.memory_space<semaphore_mem>>) src(%arg9 : memref<80x80xf32, #tpu.memory_space<vmem>>) dst(%dma_wait3A_72 : memref<80x80xf32, #tpu.memory_space<vmem_shared>>)
      tpu.yield
    }) : () -> ()
    %add3A_10 = arith.constant 160 : i32
    %add3A_11 = arith.addi %mul3A_6, %add3A_10 : i32
    "tpu.region"() ({
      %run_scoped3A = tpu.sem_alloc : memref<!tpu.dma_semaphore, #tpu.memory_space<semaphore_mem>>
      %dma_start3A = arith.constant 0 : i32
      %dma_start3A_67 = tpu.memref_slice %arg6[%add3A_11, %dma_start3A] : memref<20000x80xf32, #tpu.memory_space<vmem_shared>> -> memref<80x80xf32, #tpu.memory_space<vmem_shared>>
      %dma_start3A_68 = arith.constant 0 : i32
      %dma_start3A_69 = tpu.memref_slice %arg6[%add3A_11, %dma_start3A_68] : memref<20000x80xf32, #tpu.memory_space<vmem_shared>> -> memref<80x80xf32, #tpu.memory_space<vmem_shared>>
      tpu.enqueue_dma source(%arg9 : memref<80x80xf32, #tpu.memory_space<vmem>>) target(%dma_start3A_69 : memref<80x80xf32, #tpu.memory_space<vmem_shared>>) target_semaphore(%run_scoped3A : memref<!tpu.dma_semaphore, #tpu.memory_space<semaphore_mem>>)
      %dma_wait3A = arith.constant 0 : i32
      %dma_wait3A_70 = tpu.memref_slice %arg6[%add3A_11, %dma_wait3A] : memref<20000x80xf32, #tpu.memory_space<vmem_shared>> -> memref<80x80xf32, #tpu.memory_space<vmem_shared>>
      %dma_wait3A_71 = arith.constant 0 : i32
      %dma_wait3A_72 = tpu.memref_slice %arg6[%add3A_11, %dma_wait3A_71] : memref<20000x80xf32, #tpu.memory_space<vmem_shared>> -> memref<80x80xf32, #tpu.memory_space<vmem_shared>>
      tpu.wait_dma2 semaphore(%run_scoped3A : memref<!tpu.dma_semaphore, #tpu.memory_space<semaphore_mem>>) src(%arg9 : memref<80x80xf32, #tpu.memory_space<vmem>>) dst(%dma_wait3A_72 : memref<80x80xf32, #tpu.memory_space<vmem_shared>>)
      tpu.yield
    }) : () -> ()
    %add3A_12 = arith.constant 240 : i32
    %add3A_13 = arith.addi %mul3A_6, %add3A_12 : i32
    "tpu.region"() ({
      %run_scoped3A = tpu.sem_alloc : memref<!tpu.dma_semaphore, #tpu.memory_space<semaphore_mem>>
      %dma_start3A = arith.constant 0 : i32
      %dma_start3A_67 = tpu.memref_slice %arg6[%add3A_13, %dma_start3A] : memref<20000x80xf32, #tpu.memory_space<vmem_shared>> -> memref<80x80xf32, #tpu.memory_space<vmem_shared>>
      %dma_start3A_68 = arith.constant 0 : i32
      %dma_start3A_69 = tpu.memref_slice %arg6[%add3A_13, %dma_start3A_68] : memref<20000x80xf32, #tpu.memory_space<vmem_shared>> -> memref<80x80xf32, #tpu.memory_space<vmem_shared>>
      tpu.enqueue_dma source(%arg9 : memref<80x80xf32, #tpu.memory_space<vmem>>) target(%dma_start3A_69 : memref<80x80xf32, #tpu.memory_space<vmem_shared>>) target_semaphore(%run_scoped3A : memref<!tpu.dma_semaphore, #tpu.memory_space<semaphore_mem>>)
      %dma_wait3A = arith.constant 0 : i32
      %dma_wait3A_70 = tpu.memref_slice %arg6[%add3A_13, %dma_wait3A] : memref<20000x80xf32, #tpu.memory_space<vmem_shared>> -> memref<80x80xf32, #tpu.memory_space<vmem_shared>>
      %dma_wait3A_71 = arith.constant 0 : i32
      %dma_wait3A_72 = tpu.memref_slice %arg6[%add3A_13, %dma_wait3A_71] : memref<20000x80xf32, #tpu.memory_space<vmem_shared>> -> memref<80x80xf32, #tpu.memory_space<vmem_shared>>
      tpu.wait_dma2 semaphore(%run_scoped3A : memref<!tpu.dma_semaphore, #tpu.memory_space<semaphore_mem>>) src(%arg9 : memref<80x80xf32, #tpu.memory_space<vmem>>) dst(%dma_wait3A_72 : memref<80x80xf32, #tpu.memory_space<vmem_shared>>)
      tpu.yield
    }) : () -> ()
    %add3A_14 = arith.constant 320 : i32
    %add3A_15 = arith.addi %mul3A_6, %add3A_14 : i32
    "tpu.region"() ({
      %run_scoped3A = tpu.sem_alloc : memref<!tpu.dma_semaphore, #tpu.memory_space<semaphore_mem>>
      %dma_start3A = arith.constant 0 : i32
      %dma_start3A_67 = tpu.memref_slice %arg6[%add3A_15, %dma_start3A] : memref<20000x80xf32, #tpu.memory_space<vmem_shared>> -> memref<80x80xf32, #tpu.memory_space<vmem_shared>>
      %dma_start3A_68 = arith.constant 0 : i32
      %dma_start3A_69 = tpu.memref_slice %arg6[%add3A_15, %dma_start3A_68] : memref<20000x80xf32, #tpu.memory_space<vmem_shared>> -> memref<80x80xf32, #tpu.memory_space<vmem_shared>>
      tpu.enqueue_dma source(%arg9 : memref<80x80xf32, #tpu.memory_space<vmem>>) target(%dma_start3A_69 : memref<80x80xf32, #tpu.memory_space<vmem_shared>>) target_semaphore(%run_scoped3A : memref<!tpu.dma_semaphore, #tpu.memory_space<semaphore_mem>>)
      %dma_wait3A = arith.constant 0 : i32
      %dma_wait3A_70 = tpu.memref_slice %arg6[%add3A_15, %dma_wait3A] : memref<20000x80xf32, #tpu.memory_space<vmem_shared>> -> memref<80x80xf32, #tpu.memory_space<vmem_shared>>
      %dma_wait3A_71 = arith.constant 0 : i32
      %dma_wait3A_72 = tpu.memref_slice %arg6[%add3A_15, %dma_wait3A_71] : memref<20000x80xf32, #tpu.memory_space<vmem_shared>> -> memref<80x80xf32, #tpu.memory_space<vmem_shared>>
      tpu.wait_dma2 semaphore(%run_scoped3A : memref<!tpu.dma_semaphore, #tpu.memory_space<semaphore_mem>>) src(%arg9 : memref<80x80xf32, #tpu.memory_space<vmem>>) dst(%dma_wait3A_72 : memref<80x80xf32, #tpu.memory_space<vmem_shared>>)
      tpu.yield
    }) : () -> ()
    %add3A_16 = arith.constant 400 : i32
    %add3A_17 = arith.addi %mul3A_6, %add3A_16 : i32
    "tpu.region"() ({
      %run_scoped3A = tpu.sem_alloc : memref<!tpu.dma_semaphore, #tpu.memory_space<semaphore_mem>>
      %dma_start3A = arith.constant 0 : i32
      %dma_start3A_67 = tpu.memref_slice %arg6[%add3A_17, %dma_start3A] : memref<20000x80xf32, #tpu.memory_space<vmem_shared>> -> memref<80x80xf32, #tpu.memory_space<vmem_shared>>
      %dma_start3A_68 = arith.constant 0 : i32
      %dma_start3A_69 = tpu.memref_slice %arg6[%add3A_17, %dma_start3A_68] : memref<20000x80xf32, #tpu.memory_space<vmem_shared>> -> memref<80x80xf32, #tpu.memory_space<vmem_shared>>
      tpu.enqueue_dma source(%arg9 : memref<80x80xf32, #tpu.memory_space<vmem>>) target(%dma_start3A_69 : memref<80x80xf32, #tpu.memory_space<vmem_shared>>) target_semaphore(%run_scoped3A : memref<!tpu.dma_semaphore, #tpu.memory_space<semaphore_mem>>)
      %dma_wait3A = arith.constant 0 : i32
      %dma_wait3A_70 = tpu.memref_slice %arg6[%add3A_17, %dma_wait3A] : memref<20000x80xf32, #tpu.memory_space<vmem_shared>> -> memref<80x80xf32, #tpu.memory_space<vmem_shared>>
      %dma_wait3A_71 = arith.constant 0 : i32
      %dma_wait3A_72 = tpu.memref_slice %arg6[%add3A_17, %dma_wait3A_71] : memref<20000x80xf32, #tpu.memory_space<vmem_shared>> -> memref<80x80xf32, #tpu.memory_space<vmem_shared>>
      tpu.wait_dma2 semaphore(%run_scoped3A : memref<!tpu.dma_semaphore, #tpu.memory_space<semaphore_mem>>) src(%arg9 : memref<80x80xf32, #tpu.memory_space<vmem>>) dst(%dma_wait3A_72 : memref<80x80xf32, #tpu.memory_space<vmem_shared>>)
      tpu.yield
    }) : () -> ()
    %add3A_18 = arith.constant 480 : i32
    %add3A_19 = arith.addi %mul3A_6, %add3A_18 : i32
    "tpu.region"() ({
      %run_scoped3A = tpu.sem_alloc : memref<!tpu.dma_semaphore, #tpu.memory_space<semaphore_mem>>
      %dma_start3A = arith.constant 0 : i32
      %dma_start3A_67 = tpu.memref_slice %arg6[%add3A_19, %dma_start3A] : memref<20000x80xf32, #tpu.memory_space<vmem_shared>> -> memref<80x80xf32, #tpu.memory_space<vmem_shared>>
      %dma_start3A_68 = arith.constant 0 : i32
      %dma_start3A_69 = tpu.memref_slice %arg6[%add3A_19, %dma_start3A_68] : memref<20000x80xf32, #tpu.memory_space<vmem_shared>> -> memref<80x80xf32, #tpu.memory_space<vmem_shared>>
      tpu.enqueue_dma source(%arg9 : memref<80x80xf32, #tpu.memory_space<vmem>>) target(%dma_start3A_69 : memref<80x80xf32, #tpu.memory_space<vmem_shared>>) target_semaphore(%run_scoped3A : memref<!tpu.dma_semaphore, #tpu.memory_space<semaphore_mem>>)
      %dma_wait3A = arith.constant 0 : i32
      %dma_wait3A_70 = tpu.memref_slice %arg6[%add3A_19, %dma_wait3A] : memref<20000x80xf32, #tpu.memory_space<vmem_shared>> -> memref<80x80xf32, #tpu.memory_space<vmem_shared>>
      %dma_wait3A_71 = arith.constant 0 : i32
      %dma_wait3A_72 = tpu.memref_slice %arg6[%add3A_19, %dma_wait3A_71] : memref<20000x80xf32, #tpu.memory_space<vmem_shared>> -> memref<80x80xf32, #tpu.memory_space<vmem_shared>>
      tpu.wait_dma2 semaphore(%run_scoped3A : memref<!tpu.dma_semaphore, #tpu.memory_space<semaphore_mem>>) src(%arg9 : memref<80x80xf32, #tpu.memory_space<vmem>>) dst(%dma_wait3A_72 : memref<80x80xf32, #tpu.memory_space<vmem_shared>>)
      tpu.yield
    }) : () -> ()
    %add3A_20 = arith.constant 560 : i32
    %add3A_21 = arith.addi %mul3A_6, %add3A_20 : i32
    "tpu.region"() ({
      %run_scoped3A = tpu.sem_alloc : memref<!tpu.dma_semaphore, #tpu.memory_space<semaphore_mem>>
      %dma_start3A = arith.constant 0 : i32
      %dma_start3A_67 = tpu.memref_slice %arg6[%add3A_21, %dma_start3A] : memref<20000x80xf32, #tpu.memory_space<vmem_shared>> -> memref<80x80xf32, #tpu.memory_space<vmem_shared>>
      %dma_start3A_68 = arith.constant 0 : i32
      %dma_start3A_69 = tpu.memref_slice %arg6[%add3A_21, %dma_start3A_68] : memref<20000x80xf32, #tpu.memory_space<vmem_shared>> -> memref<80x80xf32, #tpu.memory_space<vmem_shared>>
      tpu.enqueue_dma source(%arg9 : memref<80x80xf32, #tpu.memory_space<vmem>>) target(%dma_start3A_69 : memref<80x80xf32, #tpu.memory_space<vmem_shared>>) target_semaphore(%run_scoped3A : memref<!tpu.dma_semaphore, #tpu.memory_space<semaphore_mem>>)
      %dma_wait3A = arith.constant 0 : i32
      %dma_wait3A_70 = tpu.memref_slice %arg6[%add3A_21, %dma_wait3A] : memref<20000x80xf32, #tpu.memory_space<vmem_shared>> -> memref<80x80xf32, #tpu.memory_space<vmem_shared>>
      %dma_wait3A_71 = arith.constant 0 : i32
      %dma_wait3A_72 = tpu.memref_slice %arg6[%add3A_21, %dma_wait3A_71] : memref<20000x80xf32, #tpu.memory_space<vmem_shared>> -> memref<80x80xf32, #tpu.memory_space<vmem_shared>>
      tpu.wait_dma2 semaphore(%run_scoped3A : memref<!tpu.dma_semaphore, #tpu.memory_space<semaphore_mem>>) src(%arg9 : memref<80x80xf32, #tpu.memory_space<vmem>>) dst(%dma_wait3A_72 : memref<80x80xf32, #tpu.memory_space<vmem_shared>>)
      tpu.yield
    }) : () -> ()
    %add3A_22 = arith.constant 640 : i32
    %add3A_23 = arith.addi %mul3A_6, %add3A_22 : i32
    "tpu.region"() ({
      %run_scoped3A = tpu.sem_alloc : memref<!tpu.dma_semaphore, #tpu.memory_space<semaphore_mem>>
      %dma_start3A = arith.constant 0 : i32
      %dma_start3A_67 = tpu.memref_slice %arg6[%add3A_23, %dma_start3A] : memref<20000x80xf32, #tpu.memory_space<vmem_shared>> -> memref<80x80xf32, #tpu.memory_space<vmem_shared>>
      %dma_start3A_68 = arith.constant 0 : i32
      %dma_start3A_69 = tpu.memref_slice %arg6[%add3A_23, %dma_start3A_68] : memref<20000x80xf32, #tpu.memory_space<vmem_shared>> -> memref<80x80xf32, #tpu.memory_space<vmem_shared>>
      tpu.enqueue_dma source(%arg9 : memref<80x80xf32, #tpu.memory_space<vmem>>) target(%dma_start3A_69 : memref<80x80xf32, #tpu.memory_space<vmem_shared>>) target_semaphore(%run_scoped3A : memref<!tpu.dma_semaphore, #tpu.memory_space<semaphore_mem>>)
      %dma_wait3A = arith.constant 0 : i32
      %dma_wait3A_70 = tpu.memref_slice %arg6[%add3A_23, %dma_wait3A] : memref<20000x80xf32, #tpu.memory_space<vmem_shared>> -> memref<80x80xf32, #tpu.memory_space<vmem_shared>>
      %dma_wait3A_71 = arith.constant 0 : i32
      %dma_wait3A_72 = tpu.memref_slice %arg6[%add3A_23, %dma_wait3A_71] : memref<20000x80xf32, #tpu.memory_space<vmem_shared>> -> memref<80x80xf32, #tpu.memory_space<vmem_shared>>
      tpu.wait_dma2 semaphore(%run_scoped3A : memref<!tpu.dma_semaphore, #tpu.memory_space<semaphore_mem>>) src(%arg9 : memref<80x80xf32, #tpu.memory_space<vmem>>) dst(%dma_wait3A_72 : memref<80x80xf32, #tpu.memory_space<vmem_shared>>)
      tpu.yield
    }) : () -> ()
    %add3A_24 = arith.constant 720 : i32
    %add3A_25 = arith.addi %mul3A_6, %add3A_24 : i32
    "tpu.region"() ({
      %run_scoped3A = tpu.sem_alloc : memref<!tpu.dma_semaphore, #tpu.memory_space<semaphore_mem>>
      %dma_start3A = arith.constant 0 : i32
      %dma_start3A_67 = tpu.memref_slice %arg6[%add3A_25, %dma_start3A] : memref<20000x80xf32, #tpu.memory_space<vmem_shared>> -> memref<80x80xf32, #tpu.memory_space<vmem_shared>>
      %dma_start3A_68 = arith.constant 0 : i32
      %dma_start3A_69 = tpu.memref_slice %arg6[%add3A_25, %dma_start3A_68] : memref<20000x80xf32, #tpu.memory_space<vmem_shared>> -> memref<80x80xf32, #tpu.memory_space<vmem_shared>>
      tpu.enqueue_dma source(%arg9 : memref<80x80xf32, #tpu.memory_space<vmem>>) target(%dma_start3A_69 : memref<80x80xf32, #tpu.memory_space<vmem_shared>>) target_semaphore(%run_scoped3A : memref<!tpu.dma_semaphore, #tpu.memory_space<semaphore_mem>>)
      %dma_wait3A = arith.constant 0 : i32
      %dma_wait3A_70 = tpu.memref_slice %arg6[%add3A_25, %dma_wait3A] : memref<20000x80xf32, #tpu.memory_space<vmem_shared>> -> memref<80x80xf32, #tpu.memory_space<vmem_shared>>
      %dma_wait3A_71 = arith.constant 0 : i32
      %dma_wait3A_72 = tpu.memref_slice %arg6[%add3A_25, %dma_wait3A_71] : memref<20000x80xf32, #tpu.memory_space<vmem_shared>> -> memref<80x80xf32, #tpu.memory_space<vmem_shared>>
      tpu.wait_dma2 semaphore(%run_scoped3A : memref<!tpu.dma_semaphore, #tpu.memory_space<semaphore_mem>>) src(%arg9 : memref<80x80xf32, #tpu.memory_space<vmem>>) dst(%dma_wait3A_72 : memref<80x80xf32, #tpu.memory_space<vmem_shared>>)
      tpu.yield
    }) : () -> ()
    %add3A_26 = arith.constant 800 : i32
    %add3A_27 = arith.addi %mul3A_6, %add3A_26 : i32
    "tpu.region"() ({
      %run_scoped3A = tpu.sem_alloc : memref<!tpu.dma_semaphore, #tpu.memory_space<semaphore_mem>>
      %dma_start3A = arith.constant 0 : i32
      %dma_start3A_67 = tpu.memref_slice %arg6[%add3A_27, %dma_start3A] : memref<20000x80xf32, #tpu.memory_space<vmem_shared>> -> memref<80x80xf32, #tpu.memory_space<vmem_shared>>
      %dma_start3A_68 = arith.constant 0 : i32
      %dma_start3A_69 = tpu.memref_slice %arg6[%add3A_27, %dma_start3A_68] : memref<20000x80xf32, #tpu.memory_space<vmem_shared>> -> memref<80x80xf32, #tpu.memory_space<vmem_shared>>
      tpu.enqueue_dma source(%arg9 : memref<80x80xf32, #tpu.memory_space<vmem>>) target(%dma_start3A_69 : memref<80x80xf32, #tpu.memory_space<vmem_shared>>) target_semaphore(%run_scoped3A : memref<!tpu.dma_semaphore, #tpu.memory_space<semaphore_mem>>)
      %dma_wait3A = arith.constant 0 : i32
      %dma_wait3A_70 = tpu.memref_slice %arg6[%add3A_27, %dma_wait3A] : memref<20000x80xf32, #tpu.memory_space<vmem_shared>> -> memref<80x80xf32, #tpu.memory_space<vmem_shared>>
      %dma_wait3A_71 = arith.constant 0 : i32
      %dma_wait3A_72 = tpu.memref_slice %arg6[%add3A_27, %dma_wait3A_71] : memref<20000x80xf32, #tpu.memory_space<vmem_shared>> -> memref<80x80xf32, #tpu.memory_space<vmem_shared>>
      tpu.wait_dma2 semaphore(%run_scoped3A : memref<!tpu.dma_semaphore, #tpu.memory_space<semaphore_mem>>) src(%arg9 : memref<80x80xf32, #tpu.memory_space<vmem>>) dst(%dma_wait3A_72 : memref<80x80xf32, #tpu.memory_space<vmem_shared>>)
      tpu.yield
    }) : () -> ()
    %add3A_28 = arith.constant 880 : i32
    %add3A_29 = arith.addi %mul3A_6, %add3A_28 : i32
    "tpu.region"() ({
      %run_scoped3A = tpu.sem_alloc : memref<!tpu.dma_semaphore, #tpu.memory_space<semaphore_mem>>
      %dma_start3A = arith.constant 0 : i32
      %dma_start3A_67 = tpu.memref_slice %arg6[%add3A_29, %dma_start3A] : memref<20000x80xf32, #tpu.memory_space<vmem_shared>> -> memref<80x80xf32, #tpu.memory_space<vmem_shared>>
      %dma_start3A_68 = arith.constant 0 : i32
      %dma_start3A_69 = tpu.memref_slice %arg6[%add3A_29, %dma_start3A_68] : memref<20000x80xf32, #tpu.memory_space<vmem_shared>> -> memref<80x80xf32, #tpu.memory_space<vmem_shared>>
      tpu.enqueue_dma source(%arg9 : memref<80x80xf32, #tpu.memory_space<vmem>>) target(%dma_start3A_69 : memref<80x80xf32, #tpu.memory_space<vmem_shared>>) target_semaphore(%run_scoped3A : memref<!tpu.dma_semaphore, #tpu.memory_space<semaphore_mem>>)
      %dma_wait3A = arith.constant 0 : i32
      %dma_wait3A_70 = tpu.memref_slice %arg6[%add3A_29, %dma_wait3A] : memref<20000x80xf32, #tpu.memory_space<vmem_shared>> -> memref<80x80xf32, #tpu.memory_space<vmem_shared>>
      %dma_wait3A_71 = arith.constant 0 : i32
      %dma_wait3A_72 = tpu.memref_slice %arg6[%add3A_29, %dma_wait3A_71] : memref<20000x80xf32, #tpu.memory_space<vmem_shared>> -> memref<80x80xf32, #tpu.memory_space<vmem_shared>>
      tpu.wait_dma2 semaphore(%run_scoped3A : memref<!tpu.dma_semaphore, #tpu.memory_space<semaphore_mem>>) src(%arg9 : memref<80x80xf32, #tpu.memory_space<vmem>>) dst(%dma_wait3A_72 : memref<80x80xf32, #tpu.memory_space<vmem_shared>>)
      tpu.yield
    }) : () -> ()
    %add3A_30 = arith.constant 960 : i32
    %add3A_31 = arith.addi %mul3A_6, %add3A_30 : i32
    "tpu.region"() ({
      %run_scoped3A = tpu.sem_alloc : memref<!tpu.dma_semaphore, #tpu.memory_space<semaphore_mem>>
      %dma_start3A = arith.constant 0 : i32
      %dma_start3A_67 = tpu.memref_slice %arg6[%add3A_31, %dma_start3A] : memref<20000x80xf32, #tpu.memory_space<vmem_shared>> -> memref<80x80xf32, #tpu.memory_space<vmem_shared>>
      %dma_start3A_68 = arith.constant 0 : i32
      %dma_start3A_69 = tpu.memref_slice %arg6[%add3A_31, %dma_start3A_68] : memref<20000x80xf32, #tpu.memory_space<vmem_shared>> -> memref<80x80xf32, #tpu.memory_space<vmem_shared>>
      tpu.enqueue_dma source(%arg9 : memref<80x80xf32, #tpu.memory_space<vmem>>) target(%dma_start3A_69 : memref<80x80xf32, #tpu.memory_space<vmem_shared>>) target_semaphore(%run_scoped3A : memref<!tpu.dma_semaphore, #tpu.memory_space<semaphore_mem>>)
      %dma_wait3A = arith.constant 0 : i32
      %dma_wait3A_70 = tpu.memref_slice %arg6[%add3A_31, %dma_wait3A] : memref<20000x80xf32, #tpu.memory_space<vmem_shared>> -> memref<80x80xf32, #tpu.memory_space<vmem_shared>>
      %dma_wait3A_71 = arith.constant 0 : i32
      %dma_wait3A_72 = tpu.memref_slice %arg6[%add3A_31, %dma_wait3A_71] : memref<20000x80xf32, #tpu.memory_space<vmem_shared>> -> memref<80x80xf32, #tpu.memory_space<vmem_shared>>
      tpu.wait_dma2 semaphore(%run_scoped3A : memref<!tpu.dma_semaphore, #tpu.memory_space<semaphore_mem>>) src(%arg9 : memref<80x80xf32, #tpu.memory_space<vmem>>) dst(%dma_wait3A_72 : memref<80x80xf32, #tpu.memory_space<vmem_shared>>)
      tpu.yield
    }) : () -> ()
    %add3A_32 = arith.constant 1040 : i32
    %add3A_33 = arith.addi %mul3A_6, %add3A_32 : i32
    "tpu.region"() ({
      %run_scoped3A = tpu.sem_alloc : memref<!tpu.dma_semaphore, #tpu.memory_space<semaphore_mem>>
      %dma_start3A = arith.constant 0 : i32
      %dma_start3A_67 = tpu.memref_slice %arg6[%add3A_33, %dma_start3A] : memref<20000x80xf32, #tpu.memory_space<vmem_shared>> -> memref<80x80xf32, #tpu.memory_space<vmem_shared>>
      %dma_start3A_68 = arith.constant 0 : i32
      %dma_start3A_69 = tpu.memref_slice %arg6[%add3A_33, %dma_start3A_68] : memref<20000x80xf32, #tpu.memory_space<vmem_shared>> -> memref<80x80xf32, #tpu.memory_space<vmem_shared>>
      tpu.enqueue_dma source(%arg9 : memref<80x80xf32, #tpu.memory_space<vmem>>) target(%dma_start3A_69 : memref<80x80xf32, #tpu.memory_space<vmem_shared>>) target_semaphore(%run_scoped3A : memref<!tpu.dma_semaphore, #tpu.memory_space<semaphore_mem>>)
      %dma_wait3A = arith.constant 0 : i32
      %dma_wait3A_70 = tpu.memref_slice %arg6[%add3A_33, %dma_wait3A] : memref<20000x80xf32, #tpu.memory_space<vmem_shared>> -> memref<80x80xf32, #tpu.memory_space<vmem_shared>>
      %dma_wait3A_71 = arith.constant 0 : i32
      %dma_wait3A_72 = tpu.memref_slice %arg6[%add3A_33, %dma_wait3A_71] : memref<20000x80xf32, #tpu.memory_space<vmem_shared>> -> memref<80x80xf32, #tpu.memory_space<vmem_shared>>
      tpu.wait_dma2 semaphore(%run_scoped3A : memref<!tpu.dma_semaphore, #tpu.memory_space<semaphore_mem>>) src(%arg9 : memref<80x80xf32, #tpu.memory_space<vmem>>) dst(%dma_wait3A_72 : memref<80x80xf32, #tpu.memory_space<vmem_shared>>)
      tpu.yield
    }) : () -> ()
    %add3A_34 = arith.constant 1120 : i32
    %add3A_35 = arith.addi %mul3A_6, %add3A_34 : i32
    "tpu.region"() ({
      %run_scoped3A = tpu.sem_alloc : memref<!tpu.dma_semaphore, #tpu.memory_space<semaphore_mem>>
      %dma_start3A = arith.constant 0 : i32
      %dma_start3A_67 = tpu.memref_slice %arg6[%add3A_35, %dma_start3A] : memref<20000x80xf32, #tpu.memory_space<vmem_shared>> -> memref<80x80xf32, #tpu.memory_space<vmem_shared>>
      %dma_start3A_68 = arith.constant 0 : i32
      %dma_start3A_69 = tpu.memref_slice %arg6[%add3A_35, %dma_start3A_68] : memref<20000x80xf32, #tpu.memory_space<vmem_shared>> -> memref<80x80xf32, #tpu.memory_space<vmem_shared>>
      tpu.enqueue_dma source(%arg9 : memref<80x80xf32, #tpu.memory_space<vmem>>) target(%dma_start3A_69 : memref<80x80xf32, #tpu.memory_space<vmem_shared>>) target_semaphore(%run_scoped3A : memref<!tpu.dma_semaphore, #tpu.memory_space<semaphore_mem>>)
      %dma_wait3A = arith.constant 0 : i32
      %dma_wait3A_70 = tpu.memref_slice %arg6[%add3A_35, %dma_wait3A] : memref<20000x80xf32, #tpu.memory_space<vmem_shared>> -> memref<80x80xf32, #tpu.memory_space<vmem_shared>>
      %dma_wait3A_71 = arith.constant 0 : i32
      %dma_wait3A_72 = tpu.memref_slice %arg6[%add3A_35, %dma_wait3A_71] : memref<20000x80xf32, #tpu.memory_space<vmem_shared>> -> memref<80x80xf32, #tpu.memory_space<vmem_shared>>
      tpu.wait_dma2 semaphore(%run_scoped3A : memref<!tpu.dma_semaphore, #tpu.memory_space<semaphore_mem>>) src(%arg9 : memref<80x80xf32, #tpu.memory_space<vmem>>) dst(%dma_wait3A_72 : memref<80x80xf32, #tpu.memory_space<vmem_shared>>)
      tpu.yield
    }) : () -> ()
    %add3A_36 = arith.constant 1200 : i32
    %add3A_37 = arith.addi %mul3A_6, %add3A_36 : i32
    "tpu.region"() ({
      %run_scoped3A = tpu.sem_alloc : memref<!tpu.dma_semaphore, #tpu.memory_space<semaphore_mem>>
      %dma_start3A = arith.constant 0 : i32
      %dma_start3A_67 = arith.constant 0 : i32
      %dma_start3A_68 = tpu.memref_slice %arg9[%dma_start3A, %dma_start3A_67] : memref<80x80xf32, #tpu.memory_space<vmem>> -> memref<50x80xf32, #tpu.memory_space<vmem>>
      %dma_start3A_69 = arith.constant 0 : i32
      %dma_start3A_70 = tpu.memref_slice %arg6[%add3A_37, %dma_start3A_69] : memref<20000x80xf32, #tpu.memory_space<vmem_shared>> -> memref<50x80xf32, #tpu.memory_space<vmem_shared>>
      %dma_start3A_71 = arith.constant 0 : i32
      %dma_start3A_72 = tpu.memref_slice %arg6[%add3A_37, %dma_start3A_71] : memref<20000x80xf32, #tpu.memory_space<vmem_shared>> -> memref<50x80xf32, #tpu.memory_space<vmem_shared>>
      %dma_start3A_73 = arith.constant 0 : i32
      %dma_start3A_74 = arith.constant 0 : i32
      %dma_start3A_75 = tpu.memref_slice %arg9[%dma_start3A_73, %dma_start3A_74] : memref<80x80xf32, #tpu.memory_space<vmem>> -> memref<50x80xf32, #tpu.memory_space<vmem>>
      tpu.enqueue_dma source(%dma_start3A_75 : memref<50x80xf32, #tpu.memory_space<vmem>>) target(%dma_start3A_72 : memref<50x80xf32, #tpu.memory_space<vmem_shared>>) target_semaphore(%run_scoped3A : memref<!tpu.dma_semaphore, #tpu.memory_space<semaphore_mem>>)
      %dma_wait3A = arith.constant 0 : i32
      %dma_wait3A_76 = arith.constant 0 : i32
      %dma_wait3A_77 = tpu.memref_slice %arg9[%dma_wait3A, %dma_wait3A_76] : memref<80x80xf32, #tpu.memory_space<vmem>> -> memref<50x80xf32, #tpu.memory_space<vmem>>
      %dma_wait3A_78 = arith.constant 0 : i32
      %dma_wait3A_79 = tpu.memref_slice %arg6[%add3A_37, %dma_wait3A_78] : memref<20000x80xf32, #tpu.memory_space<vmem_shared>> -> memref<50x80xf32, #tpu.memory_space<vmem_shared>>
      %dma_wait3A_80 = arith.constant 0 : i32
      %dma_wait3A_81 = tpu.memref_slice %arg6[%add3A_37, %dma_wait3A_80] : memref<20000x80xf32, #tpu.memory_space<vmem_shared>> -> memref<50x80xf32, #tpu.memory_space<vmem_shared>>
      %dma_wait3A_82 = arith.constant 0 : i32
      %dma_wait3A_83 = arith.constant 0 : i32
      %dma_wait3A_84 = tpu.memref_slice %arg9[%dma_wait3A_82, %dma_wait3A_83] : memref<80x80xf32, #tpu.memory_space<vmem>> -> memref<50x80xf32, #tpu.memory_space<vmem>>
      tpu.wait_dma2 semaphore(%run_scoped3A : memref<!tpu.dma_semaphore, #tpu.memory_space<semaphore_mem>>) src(%dma_wait3A_84 : memref<50x80xf32, #tpu.memory_space<vmem>>) dst(%dma_wait3A_81 : memref<50x80xf32, #tpu.memory_space<vmem_shared>>)
      tpu.yield
    }) : () -> ()
    %barrier3A = arith.constant 0 : index
    tpu.barrier barrier_id(%barrier3A)
    %mul3A_38 = arith.constant 250 : i32
    %mul3A_39 = arith.muli %arg1, %mul3A_38 : i32
    %scan3A_40 = arith.constant 0 : i32
    %scan3A_41 = arith.constant 0 : i32
    %scan3A_42 = arith.constant 5 : i32
    %scan3A_43 = arith.addi %scan3A_41, %scan3A_42 : i32
    %scan3A_44 = arith.constant 1 : i32
    scf.for %scan3A_67 = %scan3A_41 to %scan3A_43 step %scan3A_44  : i32 {
      %mul3A_68 = arith.constant 50 : i32
      %mul3A_69 = arith.muli %scan3A_67, %mul3A_68 : i32
      %add3A_70 = arith.addi %mul3A_39, %mul3A_69 : i32
      %mul3A_71 = arith.constant 4000 : i32
      %mul3A_72 = arith.muli %arg0, %mul3A_71 : i32
      %add3A_73 = arith.addi %mul3A_72, %add3A_70 : i32
      "tpu.region"() ({
        %run_scoped3A_152 = tpu.sem_alloc : memref<!tpu.dma_semaphore, #tpu.memory_space<semaphore_mem>>
        %dma_start3A_153 = arith.constant 0 : i32
        %dma_start3A_154 = tpu.memref_slice %arg3[%add3A_73, %dma_start3A_153] : memref<8000x80xi32, #tpu.memory_space<hbm>> -> memref<50x80xi32, #tpu.memory_space<hbm>>
        %dma_start3A_155 = arith.constant 0 : i32
        %dma_start3A_156 = tpu.memref_slice %arg3[%add3A_73, %dma_start3A_155] : memref<8000x80xi32, #tpu.memory_space<hbm>> -> memref<50x80xi32, #tpu.memory_space<hbm>>
        tpu.enqueue_dma source(%dma_start3A_156 : memref<50x80xi32, #tpu.memory_space<hbm>>) target(%arg7 : memref<50x80xi32, #tpu.memory_space<vmem>>) target_semaphore(%run_scoped3A_152 : memref<!tpu.dma_semaphore, #tpu.memory_space<semaphore_mem>>)
        %dma_wait3A_157 = arith.constant 0 : i32
        %dma_wait3A_158 = tpu.memref_slice %arg3[%add3A_73, %dma_wait3A_157] : memref<8000x80xi32, #tpu.memory_space<hbm>> -> memref<50x80xi32, #tpu.memory_space<hbm>>
        %dma_wait3A_159 = arith.constant 0 : i32
        %dma_wait3A_160 = tpu.memref_slice %arg3[%add3A_73, %dma_wait3A_159] : memref<8000x80xi32, #tpu.memory_space<hbm>> -> memref<50x80xi32, #tpu.memory_space<hbm>>
        tpu.wait_dma2 semaphore(%run_scoped3A_152 : memref<!tpu.dma_semaphore, #tpu.memory_space<semaphore_mem>>) src(%dma_wait3A_160 : memref<50x80xi32, #tpu.memory_space<hbm>>) dst(%arg7 : memref<50x80xi32, #tpu.memory_space<vmem>>)
        tpu.yield
      }) : () -> ()
      "tpu.region"() ({
        %run_scoped3A_152 = tpu.sem_alloc : memref<!tpu.dma_semaphore, #tpu.memory_space<semaphore_mem>>
        %dma_start3A_153 = arith.constant 0 : i32
        %dma_start3A_154 = tpu.memref_slice %arg4[%add3A_70, %dma_start3A_153] : memref<4000x80xi32, #tpu.memory_space<hbm>> -> memref<50x80xi32, #tpu.memory_space<hbm>>
        %dma_start3A_155 = arith.constant 0 : i32
        %dma_start3A_156 = tpu.memref_slice %arg4[%add3A_70, %dma_start3A_155] : memref<4000x80xi32, #tpu.memory_space<hbm>> -> memref<50x80xi32, #tpu.memory_space<hbm>>
        tpu.enqueue_dma source(%dma_start3A_156 : memref<50x80xi32, #tpu.memory_space<hbm>>) target(%arg8 : memref<50x80xi32, #tpu.memory_space<vmem>>) target_semaphore(%run_scoped3A_152 : memref<!tpu.dma_semaphore, #tpu.memory_space<semaphore_mem>>)
        %dma_wait3A_157 = arith.constant 0 : i32
        %dma_wait3A_158 = tpu.memref_slice %arg4[%add3A_70, %dma_wait3A_157] : memref<4000x80xi32, #tpu.memory_space<hbm>> -> memref<50x80xi32, #tpu.memory_space<hbm>>
        %dma_wait3A_159 = arith.constant 0 : i32
        %dma_wait3A_160 = tpu.memref_slice %arg4[%add3A_70, %dma_wait3A_159] : memref<4000x80xi32, #tpu.memory_space<hbm>> -> memref<50x80xi32, #tpu.memory_space<hbm>>
        tpu.wait_dma2 semaphore(%run_scoped3A_152 : memref<!tpu.dma_semaphore, #tpu.memory_space<semaphore_mem>>) src(%dma_wait3A_160 : memref<50x80xi32, #tpu.memory_space<hbm>>) dst(%arg8 : memref<50x80xi32, #tpu.memory_space<vmem>>)
        tpu.yield
      }) : () -> ()
      %dma_start3A = arith.constant 0 : i32
      %dma_start3A_74 = arith.constant 0 : i32
      %dma_start3A_75 = tpu.memref_slice %arg7[%dma_start3A, %dma_start3A_74] : memref<50x80xi32, #tpu.memory_space<vmem>> -> memref<1x80xi32, #tpu.memory_space<vmem>>
      %dma_start3A_76 = tpu.memref_squeeze %dma_start3A_75 : memref<1x80xi32, #tpu.memory_space<vmem>> -> memref<80xi32, #tpu.memory_space<vmem>>
      %dma_start3A_77 = arith.constant 0 : i32
      %dma_start3A_78 = arith.constant 0 : i32
      %dma_start3A_79 = tpu.memref_slice %arg2[%dma_start3A_77, %dma_start3A_78] : memref<20000x80xf32, #tpu.memory_space<hbm>> -> memref<20000x80xf32, #tpu.memory_space<hbm>>
      tpu.enqueue_indirect_dma source(%dma_start3A_79 : memref<20000x80xf32, #tpu.memory_space<hbm>>) target(%arg9 : memref<80x80xf32, #tpu.memory_space<vmem>>) offsets(%dma_start3A_76 : memref<80xi32, #tpu.memory_space<vmem>>) semaphore(%arg12 : memref<!tpu.dma_semaphore, #tpu.memory_space<semaphore_mem>>)
      %dma_start3A_80 = arith.constant 1 : i32
      %dma_start3A_81 = arith.constant 0 : i32
      %dma_start3A_82 = tpu.memref_slice %arg7[%dma_start3A_80, %dma_start3A_81] : memref<50x80xi32, #tpu.memory_space<vmem>> -> memref<1x80xi32, #tpu.memory_space<vmem>>
      %dma_start3A_83 = tpu.memref_squeeze %dma_start3A_82 : memref<1x80xi32, #tpu.memory_space<vmem>> -> memref<80xi32, #tpu.memory_space<vmem>>
      %dma_start3A_84 = arith.constant 0 : i32
      %dma_start3A_85 = arith.constant 0 : i32
      %dma_start3A_86 = tpu.memref_slice %arg2[%dma_start3A_84, %dma_start3A_85] : memref<20000x80xf32, #tpu.memory_space<hbm>> -> memref<20000x80xf32, #tpu.memory_space<hbm>>
      tpu.enqueue_indirect_dma source(%dma_start3A_86 : memref<20000x80xf32, #tpu.memory_space<hbm>>) target(%arg10 : memref<80x80xf32, #tpu.memory_space<vmem>>) offsets(%dma_start3A_83 : memref<80xi32, #tpu.memory_space<vmem>>) semaphore(%arg13 : memref<!tpu.dma_semaphore, #tpu.memory_space<semaphore_mem>>)
      %dma_start3A_87 = arith.constant 2 : i32
      %dma_start3A_88 = arith.constant 0 : i32
      %dma_start3A_89 = tpu.memref_slice %arg7[%dma_start3A_87, %dma_start3A_88] : memref<50x80xi32, #tpu.memory_space<vmem>> -> memref<1x80xi32, #tpu.memory_space<vmem>>
      %dma_start3A_90 = tpu.memref_squeeze %dma_start3A_89 : memref<1x80xi32, #tpu.memory_space<vmem>> -> memref<80xi32, #tpu.memory_space<vmem>>
      %dma_start3A_91 = arith.constant 0 : i32
      %dma_start3A_92 = arith.constant 0 : i32
      %dma_start3A_93 = tpu.memref_slice %arg2[%dma_start3A_91, %dma_start3A_92] : memref<20000x80xf32, #tpu.memory_space<hbm>> -> memref<20000x80xf32, #tpu.memory_space<hbm>>
      tpu.enqueue_indirect_dma source(%dma_start3A_93 : memref<20000x80xf32, #tpu.memory_space<hbm>>) target(%arg11 : memref<80x80xf32, #tpu.memory_space<vmem>>) offsets(%dma_start3A_90 : memref<80xi32, #tpu.memory_space<vmem>>) semaphore(%arg14 : memref<!tpu.dma_semaphore, #tpu.memory_space<semaphore_mem>>)
      %scan3A_94 = arith.constant 0 : i32
      %scan3A_95 = arith.constant 0 : i32
      %scan3A_96 = arith.constant 15 : i32
      %scan3A_97 = arith.addi %scan3A_95, %scan3A_96 : i32
      %scan3A_98 = arith.constant 1 : i32
      scf.for %scan3A_152 = %scan3A_95 to %scan3A_97 step %scan3A_98  : i32 {
        %mul3A_153 = arith.constant 3 : i32
        %mul3A_154 = arith.muli %mul3A_153, %scan3A_152 : i32
        %add3A_155 = arith.constant 0 : i32
        %add3A_156 = arith.addi %mul3A_154, %add3A_155 : i32
        %dma_wait3A_157 = arith.constant 0 : i32
        %dma_wait3A_158 = tpu.memref_slice %arg7[%add3A_156, %dma_wait3A_157] : memref<50x80xi32, #tpu.memory_space<vmem>> -> memref<1x80xi32, #tpu.memory_space<vmem>>
        %dma_wait3A_159 = tpu.memref_squeeze %dma_wait3A_158 : memref<1x80xi32, #tpu.memory_space<vmem>> -> memref<80xi32, #tpu.memory_space<vmem>>
        %dma_wait3A_160 = arith.constant 0 : i32
        %dma_wait3A_161 = arith.constant 0 : i32
        %dma_wait3A_162 = tpu.memref_slice %arg2[%dma_wait3A_160, %dma_wait3A_161] : memref<20000x80xf32, #tpu.memory_space<hbm>> -> memref<20000x80xf32, #tpu.memory_space<hbm>>
        tpu.wait_indirect_dma semaphore(%arg12 : memref<!tpu.dma_semaphore, #tpu.memory_space<semaphore_mem>>) src(%dma_wait3A_162 : memref<20000x80xf32, #tpu.memory_space<hbm>>) dst(%arg9 : memref<80x80xf32, #tpu.memory_space<vmem>>)
        %add3A_163 = arith.constant 0 : i32
        %add3A_164 = arith.addi %mul3A_154, %add3A_163 : i32
        "tpu.region"() ({
          %run_scoped3A_215 = tpu.sem_alloc : memref<!tpu.dma_semaphore, #tpu.memory_space<semaphore_mem>>
          %dma_start3A_216 = arith.constant 0 : i32
          %dma_start3A_217 = tpu.memref_slice %arg8[%add3A_164, %dma_start3A_216] : memref<50x80xi32, #tpu.memory_space<vmem>> -> memref<1x80xi32, #tpu.memory_space<vmem>>
          %dma_start3A_218 = tpu.memref_squeeze %dma_start3A_217 : memref<1x80xi32, #tpu.memory_space<vmem>> -> memref<80xi32, #tpu.memory_space<vmem>>
          %dma_start3A_219 = arith.constant 0 : i32
          %dma_start3A_220 = arith.constant 0 : i32
          %dma_start3A_221 = tpu.memref_slice %arg6[%dma_start3A_219, %dma_start3A_220] : memref<20000x80xf32, #tpu.memory_space<vmem_shared>> -> memref<20000x80xf32, #tpu.memory_space<vmem_shared>>
          tpu.enqueue_indirect_dma source(%arg9 : memref<80x80xf32, #tpu.memory_space<vmem>>) target(%dma_start3A_221 : memref<20000x80xf32, #tpu.memory_space<vmem_shared>>) offsets(%dma_start3A_218 : memref<80xi32, #tpu.memory_space<vmem>>) semaphore(%run_scoped3A_215 : memref<!tpu.dma_semaphore, #tpu.memory_space<semaphore_mem>>) {add = true}
          %dma_wait3A_222 = arith.constant 0 : i32
          %dma_wait3A_223 = tpu.memref_slice %arg8[%add3A_164, %dma_wait3A_222] : memref<50x80xi32, #tpu.memory_space<vmem>> -> memref<1x80xi32, #tpu.memory_space<vmem>>
          %dma_wait3A_224 = tpu.memref_squeeze %dma_wait3A_223 : memref<1x80xi32, #tpu.memory_space<vmem>> -> memref<80xi32, #tpu.memory_space<vmem>>
          %dma_wait3A_225 = arith.constant 0 : i32
          %dma_wait3A_226 = arith.constant 0 : i32
          %dma_wait3A_227 = tpu.memref_slice %arg6[%dma_wait3A_225, %dma_wait3A_226] : memref<20000x80xf32, #tpu.memory_space<vmem_shared>> -> memref<20000x80xf32, #tpu.memory_space<vmem_shared>>
          tpu.wait_indirect_dma semaphore(%run_scoped3A_215 : memref<!tpu.dma_semaphore, #tpu.memory_space<semaphore_mem>>) src(%arg9 : memref<80x80xf32, #tpu.memory_space<vmem>>) dst(%dma_wait3A_227 : memref<20000x80xf32, #tpu.memory_space<vmem_shared>>)
          tpu.yield
        }) : () -> ()
        %add3A_165 = arith.constant 0 : i32
        %add3A_166 = arith.addi %mul3A_154, %add3A_165 : i32
        %add3A_167 = arith.constant 3 : i32
        %add3A_168 = arith.addi %add3A_166, %add3A_167 : i32
        %dma_start3A_169 = arith.constant 0 : i32
        %dma_start3A_170 = tpu.memref_slice %arg7[%add3A_168, %dma_start3A_169] : memref<50x80xi32, #tpu.memory_space<vmem>> -> memref<1x80xi32, #tpu.memory_space<vmem>>
        %dma_start3A_171 = tpu.memref_squeeze %dma_start3A_170 : memref<1x80xi32, #tpu.memory_space<vmem>> -> memref<80xi32, #tpu.memory_space<vmem>>
        %dma_start3A_172 = arith.constant 0 : i32
        %dma_start3A_173 = arith.constant 0 : i32
        %dma_start3A_174 = tpu.memref_slice %arg2[%dma_start3A_172, %dma_start3A_173] : memref<20000x80xf32, #tpu.memory_space<hbm>> -> memref<20000x80xf32, #tpu.memory_space<hbm>>
        tpu.enqueue_indirect_dma source(%dma_start3A_174 : memref<20000x80xf32, #tpu.memory_space<hbm>>) target(%arg9 : memref<80x80xf32, #tpu.memory_space<vmem>>) offsets(%dma_start3A_171 : memref<80xi32, #tpu.memory_space<vmem>>) semaphore(%arg12 : memref<!tpu.dma_semaphore, #tpu.memory_space<semaphore_mem>>)
        %add3A_175 = arith.constant 1 : i32
        %add3A_176 = arith.addi %mul3A_154, %add3A_175 : i32
        %dma_wait3A_177 = arith.constant 0 : i32
        %dma_wait3A_178 = tpu.memref_slice %arg7[%add3A_176, %dma_wait3A_177] : memref<50x80xi32, #tpu.memory_space<vmem>> -> memref<1x80xi32, #tpu.memory_space<vmem>>
        %dma_wait3A_179 = tpu.memref_squeeze %dma_wait3A_178 : memref<1x80xi32, #tpu.memory_space<vmem>> -> memref<80xi32, #tpu.memory_space<vmem>>
        %dma_wait3A_180 = arith.constant 0 : i32
        %dma_wait3A_181 = arith.constant 0 : i32
        %dma_wait3A_182 = tpu.memref_slice %arg2[%dma_wait3A_180, %dma_wait3A_181] : memref<20000x80xf32, #tpu.memory_space<hbm>> -> memref<20000x80xf32, #tpu.memory_space<hbm>>
        tpu.wait_indirect_dma semaphore(%arg13 : memref<!tpu.dma_semaphore, #tpu.memory_space<semaphore_mem>>) src(%dma_wait3A_182 : memref<20000x80xf32, #tpu.memory_space<hbm>>) dst(%arg10 : memref<80x80xf32, #tpu.memory_space<vmem>>)
        %add3A_183 = arith.constant 1 : i32
        %add3A_184 = arith.addi %mul3A_154, %add3A_183 : i32
        "tpu.region"() ({
          %run_scoped3A_215 = tpu.sem_alloc : memref<!tpu.dma_semaphore, #tpu.memory_space<semaphore_mem>>
          %dma_start3A_216 = arith.constant 0 : i32
          %dma_start3A_217 = tpu.memref_slice %arg8[%add3A_184, %dma_start3A_216] : memref<50x80xi32, #tpu.memory_space<vmem>> -> memref<1x80xi32, #tpu.memory_space<vmem>>
          %dma_start3A_218 = tpu.memref_squeeze %dma_start3A_217 : memref<1x80xi32, #tpu.memory_space<vmem>> -> memref<80xi32, #tpu.memory_space<vmem>>
          %dma_start3A_219 = arith.constant 0 : i32
          %dma_start3A_220 = arith.constant 0 : i32
          %dma_start3A_221 = tpu.memref_slice %arg6[%dma_start3A_219, %dma_start3A_220] : memref<20000x80xf32, #tpu.memory_space<vmem_shared>> -> memref<20000x80xf32, #tpu.memory_space<vmem_shared>>
          tpu.enqueue_indirect_dma source(%arg10 : memref<80x80xf32, #tpu.memory_space<vmem>>) target(%dma_start3A_221 : memref<20000x80xf32, #tpu.memory_space<vmem_shared>>) offsets(%dma_start3A_218 : memref<80xi32, #tpu.memory_space<vmem>>) semaphore(%run_scoped3A_215 : memref<!tpu.dma_semaphore, #tpu.memory_space<semaphore_mem>>) {add = true}
          %dma_wait3A_222 = arith.constant 0 : i32
          %dma_wait3A_223 = tpu.memref_slice %arg8[%add3A_184, %dma_wait3A_222] : memref<50x80xi32, #tpu.memory_space<vmem>> -> memref<1x80xi32, #tpu.memory_space<vmem>>
          %dma_wait3A_224 = tpu.memref_squeeze %dma_wait3A_223 : memref<1x80xi32, #tpu.memory_space<vmem>> -> memref<80xi32, #tpu.memory_space<vmem>>
          %dma_wait3A_225 = arith.constant 0 : i32
          %dma_wait3A_226 = arith.constant 0 : i32
          %dma_wait3A_227 = tpu.memref_slice %arg6[%dma_wait3A_225, %dma_wait3A_226] : memref<20000x80xf32, #tpu.memory_space<vmem_shared>> -> memref<20000x80xf32, #tpu.memory_space<vmem_shared>>
          tpu.wait_indirect_dma semaphore(%run_scoped3A_215 : memref<!tpu.dma_semaphore, #tpu.memory_space<semaphore_mem>>) src(%arg10 : memref<80x80xf32, #tpu.memory_space<vmem>>) dst(%dma_wait3A_227 : memref<20000x80xf32, #tpu.memory_space<vmem_shared>>)
          tpu.yield
        }) : () -> ()
        %add3A_185 = arith.constant 1 : i32
        %add3A_186 = arith.addi %mul3A_154, %add3A_185 : i32
        %add3A_187 = arith.constant 3 : i32
        %add3A_188 = arith.addi %add3A_186, %add3A_187 : i32
        %dma_start3A_189 = arith.constant 0 : i32
        %dma_start3A_190 = tpu.memref_slice %arg7[%add3A_188, %dma_start3A_189] : memref<50x80xi32, #tpu.memory_space<vmem>> -> memref<1x80xi32, #tpu.memory_space<vmem>>
        %dma_start3A_191 = tpu.memref_squeeze %dma_start3A_190 : memref<1x80xi32, #tpu.memory_space<vmem>> -> memref<80xi32, #tpu.memory_space<vmem>>
        %dma_start3A_192 = arith.constant 0 : i32
        %dma_start3A_193 = arith.constant 0 : i32
        %dma_start3A_194 = tpu.memref_slice %arg2[%dma_start3A_192, %dma_start3A_193] : memref<20000x80xf32, #tpu.memory_space<hbm>> -> memref<20000x80xf32, #tpu.memory_space<hbm>>
        tpu.enqueue_indirect_dma source(%dma_start3A_194 : memref<20000x80xf32, #tpu.memory_space<hbm>>) target(%arg10 : memref<80x80xf32, #tpu.memory_space<vmem>>) offsets(%dma_start3A_191 : memref<80xi32, #tpu.memory_space<vmem>>) semaphore(%arg13 : memref<!tpu.dma_semaphore, #tpu.memory_space<semaphore_mem>>)
        %add3A_195 = arith.constant 2 : i32
        %add3A_196 = arith.addi %mul3A_154, %add3A_195 : i32
        %dma_wait3A_197 = arith.constant 0 : i32
        %dma_wait3A_198 = tpu.memref_slice %arg7[%add3A_196, %dma_wait3A_197] : memref<50x80xi32, #tpu.memory_space<vmem>> -> memref<1x80xi32, #tpu.memory_space<vmem>>
        %dma_wait3A_199 = tpu.memref_squeeze %dma_wait3A_198 : memref<1x80xi32, #tpu.memory_space<vmem>> -> memref<80xi32, #tpu.memory_space<vmem>>
        %dma_wait3A_200 = arith.constant 0 : i32
        %dma_wait3A_201 = arith.constant 0 : i32
        %dma_wait3A_202 = tpu.memref_slice %arg2[%dma_wait3A_200, %dma_wait3A_201] : memref<20000x80xf32, #tpu.memory_space<hbm>> -> memref<20000x80xf32, #tpu.memory_space<hbm>>
        tpu.wait_indirect_dma semaphore(%arg14 : memref<!tpu.dma_semaphore, #tpu.memory_space<semaphore_mem>>) src(%dma_wait3A_202 : memref<20000x80xf32, #tpu.memory_space<hbm>>) dst(%arg11 : memref<80x80xf32, #tpu.memory_space<vmem>>)
        %add3A_203 = arith.constant 2 : i32
        %add3A_204 = arith.addi %mul3A_154, %add3A_203 : i32
        "tpu.region"() ({
          %run_scoped3A_215 = tpu.sem_alloc : memref<!tpu.dma_semaphore, #tpu.memory_space<semaphore_mem>>
          %dma_start3A_216 = arith.constant 0 : i32
          %dma_start3A_217 = tpu.memref_slice %arg8[%add3A_204, %dma_start3A_216] : memref<50x80xi32, #tpu.memory_space<vmem>> -> memref<1x80xi32, #tpu.memory_space<vmem>>
          %dma_start3A_218 = tpu.memref_squeeze %dma_start3A_217 : memref<1x80xi32, #tpu.memory_space<vmem>> -> memref<80xi32, #tpu.memory_space<vmem>>
          %dma_start3A_219 = arith.constant 0 : i32
          %dma_start3A_220 = arith.constant 0 : i32
          %dma_start3A_221 = tpu.memref_slice %arg6[%dma_start3A_219, %dma_start3A_220] : memref<20000x80xf32, #tpu.memory_space<vmem_shared>> -> memref<20000x80xf32, #tpu.memory_space<vmem_shared>>
          tpu.enqueue_indirect_dma source(%arg11 : memref<80x80xf32, #tpu.memory_space<vmem>>) target(%dma_start3A_221 : memref<20000x80xf32, #tpu.memory_space<vmem_shared>>) offsets(%dma_start3A_218 : memref<80xi32, #tpu.memory_space<vmem>>) semaphore(%run_scoped3A_215 : memref<!tpu.dma_semaphore, #tpu.memory_space<semaphore_mem>>) {add = true}
          %dma_wait3A_222 = arith.constant 0 : i32
          %dma_wait3A_223 = tpu.memref_slice %arg8[%add3A_204, %dma_wait3A_222] : memref<50x80xi32, #tpu.memory_space<vmem>> -> memref<1x80xi32, #tpu.memory_space<vmem>>
          %dma_wait3A_224 = tpu.memref_squeeze %dma_wait3A_223 : memref<1x80xi32, #tpu.memory_space<vmem>> -> memref<80xi32, #tpu.memory_space<vmem>>
          %dma_wait3A_225 = arith.constant 0 : i32
          %dma_wait3A_226 = arith.constant 0 : i32
          %dma_wait3A_227 = tpu.memref_slice %arg6[%dma_wait3A_225, %dma_wait3A_226] : memref<20000x80xf32, #tpu.memory_space<vmem_shared>> -> memref<20000x80xf32, #tpu.memory_space<vmem_shared>>
          tpu.wait_indirect_dma semaphore(%run_scoped3A_215 : memref<!tpu.dma_semaphore, #tpu.memory_space<semaphore_mem>>) src(%arg11 : memref<80x80xf32, #tpu.memory_space<vmem>>) dst(%dma_wait3A_227 : memref<20000x80xf32, #tpu.memory_space<vmem_shared>>)
          tpu.yield
        }) : () -> ()
        %add3A_205 = arith.constant 2 : i32
        %add3A_206 = arith.addi %mul3A_154, %add3A_205 : i32
        %add3A_207 = arith.constant 3 : i32
        %add3A_208 = arith.addi %add3A_206, %add3A_207 : i32
        %dma_start3A_209 = arith.constant 0 : i32
        %dma_start3A_210 = tpu.memref_slice %arg7[%add3A_208, %dma_start3A_209] : memref<50x80xi32, #tpu.memory_space<vmem>> -> memref<1x80xi32, #tpu.memory_space<vmem>>
        %dma_start3A_211 = tpu.memref_squeeze %dma_start3A_210 : memref<1x80xi32, #tpu.memory_space<vmem>> -> memref<80xi32, #tpu.memory_space<vmem>>
        %dma_start3A_212 = arith.constant 0 : i32
        %dma_start3A_213 = arith.constant 0 : i32
        %dma_start3A_214 = tpu.memref_slice %arg2[%dma_start3A_212, %dma_start3A_213] : memref<20000x80xf32, #tpu.memory_space<hbm>> -> memref<20000x80xf32, #tpu.memory_space<hbm>>
        tpu.enqueue_indirect_dma source(%dma_start3A_214 : memref<20000x80xf32, #tpu.memory_space<hbm>>) target(%arg11 : memref<80x80xf32, #tpu.memory_space<vmem>>) offsets(%dma_start3A_211 : memref<80xi32, #tpu.memory_space<vmem>>) semaphore(%arg14 : memref<!tpu.dma_semaphore, #tpu.memory_space<semaphore_mem>>)
      }
      %scan3A_99 = arith.constant 15 : i32
      %dma_wait3A = arith.constant 45 : i32
      %dma_wait3A_100 = arith.constant 0 : i32
      %dma_wait3A_101 = tpu.memref_slice %arg7[%dma_wait3A, %dma_wait3A_100] : memref<50x80xi32, #tpu.memory_space<vmem>> -> memref<1x80xi32, #tpu.memory_space<vmem>>
      %dma_wait3A_102 = tpu.memref_squeeze %dma_wait3A_101 : memref<1x80xi32, #tpu.memory_space<vmem>> -> memref<80xi32, #tpu.memory_space<vmem>>
      %dma_wait3A_103 = arith.constant 0 : i32
      %dma_wait3A_104 = arith.constant 0 : i32
      %dma_wait3A_105 = tpu.memref_slice %arg2[%dma_wait3A_103, %dma_wait3A_104] : memref<20000x80xf32, #tpu.memory_space<hbm>> -> memref<20000x80xf32, #tpu.memory_space<hbm>>
      tpu.wait_indirect_dma semaphore(%arg12 : memref<!tpu.dma_semaphore, #tpu.memory_space<semaphore_mem>>) src(%dma_wait3A_105 : memref<20000x80xf32, #tpu.memory_space<hbm>>) dst(%arg9 : memref<80x80xf32, #tpu.memory_space<vmem>>)
      %run_scoped3A = arith.constant 45 : i32
      "tpu.region"() ({
        %run_scoped3A_152 = tpu.sem_alloc : memref<!tpu.dma_semaphore, #tpu.memory_space<semaphore_mem>>
        %dma_start3A_153 = arith.constant 0 : i32
        %dma_start3A_154 = tpu.memref_slice %arg8[%run_scoped3A, %dma_start3A_153] : memref<50x80xi32, #tpu.memory_space<vmem>> -> memref<1x80xi32, #tpu.memory_space<vmem>>
        %dma_start3A_155 = tpu.memref_squeeze %dma_start3A_154 : memref<1x80xi32, #tpu.memory_space<vmem>> -> memref<80xi32, #tpu.memory_space<vmem>>
        %dma_start3A_156 = arith.constant 0 : i32
        %dma_start3A_157 = arith.constant 0 : i32
        %dma_start3A_158 = tpu.memref_slice %arg6[%dma_start3A_156, %dma_start3A_157] : memref<20000x80xf32, #tpu.memory_space<vmem_shared>> -> memref<20000x80xf32, #tpu.memory_space<vmem_shared>>
        tpu.enqueue_indirect_dma source(%arg9 : memref<80x80xf32, #tpu.memory_space<vmem>>) target(%dma_start3A_158 : memref<20000x80xf32, #tpu.memory_space<vmem_shared>>) offsets(%dma_start3A_155 : memref<80xi32, #tpu.memory_space<vmem>>) semaphore(%run_scoped3A_152 : memref<!tpu.dma_semaphore, #tpu.memory_space<semaphore_mem>>) {add = true}
        %dma_wait3A_159 = arith.constant 0 : i32
        %dma_wait3A_160 = tpu.memref_slice %arg8[%run_scoped3A, %dma_wait3A_159] : memref<50x80xi32, #tpu.memory_space<vmem>> -> memref<1x80xi32, #tpu.memory_space<vmem>>
        %dma_wait3A_161 = tpu.memref_squeeze %dma_wait3A_160 : memref<1x80xi32, #tpu.memory_space<vmem>> -> memref<80xi32, #tpu.memory_space<vmem>>
        %dma_wait3A_162 = arith.constant 0 : i32
        %dma_wait3A_163 = arith.constant 0 : i32
        %dma_wait3A_164 = tpu.memref_slice %arg6[%dma_wait3A_162, %dma_wait3A_163] : memref<20000x80xf32, #tpu.memory_space<vmem_shared>> -> memref<20000x80xf32, #tpu.memory_space<vmem_shared>>
        tpu.wait_indirect_dma semaphore(%run_scoped3A_152 : memref<!tpu.dma_semaphore, #tpu.memory_space<semaphore_mem>>) src(%arg9 : memref<80x80xf32, #tpu.memory_space<vmem>>) dst(%dma_wait3A_164 : memref<20000x80xf32, #tpu.memory_space<vmem_shared>>)
        tpu.yield
      }) : () -> ()
      %dma_start3A_106 = arith.constant 48 : i32
      %dma_start3A_107 = arith.constant 0 : i32
      %dma_start3A_108 = tpu.memref_slice %arg7[%dma_start3A_106, %dma_start3A_107] : memref<50x80xi32, #tpu.memory_space<vmem>> -> memref<1x80xi32, #tpu.memory_space<vmem>>
      %dma_start3A_109 = tpu.memref_squeeze %dma_start3A_108 : memref<1x80xi32, #tpu.memory_space<vmem>> -> memref<80xi32, #tpu.memory_space<vmem>>
      %dma_start3A_110 = arith.constant 0 : i32
      %dma_start3A_111 = arith.constant 0 : i32
      %dma_start3A_112 = tpu.memref_slice %arg2[%dma_start3A_110, %dma_start3A_111] : memref<20000x80xf32, #tpu.memory_space<hbm>> -> memref<20000x80xf32, #tpu.memory_space<hbm>>
      tpu.enqueue_indirect_dma source(%dma_start3A_112 : memref<20000x80xf32, #tpu.memory_space<hbm>>) target(%arg9 : memref<80x80xf32, #tpu.memory_space<vmem>>) offsets(%dma_start3A_109 : memref<80xi32, #tpu.memory_space<vmem>>) semaphore(%arg12 : memref<!tpu.dma_semaphore, #tpu.memory_space<semaphore_mem>>)
      %dma_wait3A_113 = arith.constant 46 : i32
      %dma_wait3A_114 = arith.constant 0 : i32
      %dma_wait3A_115 = tpu.memref_slice %arg7[%dma_wait3A_113, %dma_wait3A_114] : memref<50x80xi32, #tpu.memory_space<vmem>> -> memref<1x80xi32, #tpu.memory_space<vmem>>
      %dma_wait3A_116 = tpu.memref_squeeze %dma_wait3A_115 : memref<1x80xi32, #tpu.memory_space<vmem>> -> memref<80xi32, #tpu.memory_space<vmem>>
      %dma_wait3A_117 = arith.constant 0 : i32
      %dma_wait3A_118 = arith.constant 0 : i32
      %dma_wait3A_119 = tpu.memref_slice %arg2[%dma_wait3A_117, %dma_wait3A_118] : memref<20000x80xf32, #tpu.memory_space<hbm>> -> memref<20000x80xf32, #tpu.memory_space<hbm>>
      tpu.wait_indirect_dma semaphore(%arg13 : memref<!tpu.dma_semaphore, #tpu.memory_space<semaphore_mem>>) src(%dma_wait3A_119 : memref<20000x80xf32, #tpu.memory_space<hbm>>) dst(%arg10 : memref<80x80xf32, #tpu.memory_space<vmem>>)
      %run_scoped3A_120 = arith.constant 46 : i32
      "tpu.region"() ({
        %run_scoped3A_152 = tpu.sem_alloc : memref<!tpu.dma_semaphore, #tpu.memory_space<semaphore_mem>>
        %dma_start3A_153 = arith.constant 0 : i32
        %dma_start3A_154 = tpu.memref_slice %arg8[%run_scoped3A_120, %dma_start3A_153] : memref<50x80xi32, #tpu.memory_space<vmem>> -> memref<1x80xi32, #tpu.memory_space<vmem>>
        %dma_start3A_155 = tpu.memref_squeeze %dma_start3A_154 : memref<1x80xi32, #tpu.memory_space<vmem>> -> memref<80xi32, #tpu.memory_space<vmem>>
        %dma_start3A_156 = arith.constant 0 : i32
        %dma_start3A_157 = arith.constant 0 : i32
        %dma_start3A_158 = tpu.memref_slice %arg6[%dma_start3A_156, %dma_start3A_157] : memref<20000x80xf32, #tpu.memory_space<vmem_shared>> -> memref<20000x80xf32, #tpu.memory_space<vmem_shared>>
        tpu.enqueue_indirect_dma source(%arg10 : memref<80x80xf32, #tpu.memory_space<vmem>>) target(%dma_start3A_158 : memref<20000x80xf32, #tpu.memory_space<vmem_shared>>) offsets(%dma_start3A_155 : memref<80xi32, #tpu.memory_space<vmem>>) semaphore(%run_scoped3A_152 : memref<!tpu.dma_semaphore, #tpu.memory_space<semaphore_mem>>) {add = true}
        %dma_wait3A_159 = arith.constant 0 : i32
        %dma_wait3A_160 = tpu.memref_slice %arg8[%run_scoped3A_120, %dma_wait3A_159] : memref<50x80xi32, #tpu.memory_space<vmem>> -> memref<1x80xi32, #tpu.memory_space<vmem>>
        %dma_wait3A_161 = tpu.memref_squeeze %dma_wait3A_160 : memref<1x80xi32, #tpu.memory_space<vmem>> -> memref<80xi32, #tpu.memory_space<vmem>>
        %dma_wait3A_162 = arith.constant 0 : i32
        %dma_wait3A_163 = arith.constant 0 : i32
        %dma_wait3A_164 = tpu.memref_slice %arg6[%dma_wait3A_162, %dma_wait3A_163] : memref<20000x80xf32, #tpu.memory_space<vmem_shared>> -> memref<20000x80xf32, #tpu.memory_space<vmem_shared>>
        tpu.wait_indirect_dma semaphore(%run_scoped3A_152 : memref<!tpu.dma_semaphore, #tpu.memory_space<semaphore_mem>>) src(%arg10 : memref<80x80xf32, #tpu.memory_space<vmem>>) dst(%dma_wait3A_164 : memref<20000x80xf32, #tpu.memory_space<vmem_shared>>)
        tpu.yield
      }) : () -> ()
      %dma_start3A_121 = arith.constant 49 : i32
      %dma_start3A_122 = arith.constant 0 : i32
      %dma_start3A_123 = tpu.memref_slice %arg7[%dma_start3A_121, %dma_start3A_122] : memref<50x80xi32, #tpu.memory_space<vmem>> -> memref<1x80xi32, #tpu.memory_space<vmem>>
      %dma_start3A_124 = tpu.memref_squeeze %dma_start3A_123 : memref<1x80xi32, #tpu.memory_space<vmem>> -> memref<80xi32, #tpu.memory_space<vmem>>
      %dma_start3A_125 = arith.constant 0 : i32
      %dma_start3A_126 = arith.constant 0 : i32
      %dma_start3A_127 = tpu.memref_slice %arg2[%dma_start3A_125, %dma_start3A_126] : memref<20000x80xf32, #tpu.memory_space<hbm>> -> memref<20000x80xf32, #tpu.memory_space<hbm>>
      tpu.enqueue_indirect_dma source(%dma_start3A_127 : memref<20000x80xf32, #tpu.memory_space<hbm>>) target(%arg10 : memref<80x80xf32, #tpu.memory_space<vmem>>) offsets(%dma_start3A_124 : memref<80xi32, #tpu.memory_space<vmem>>) semaphore(%arg13 : memref<!tpu.dma_semaphore, #tpu.memory_space<semaphore_mem>>)
      %dma_wait3A_128 = arith.constant 47 : i32
      %dma_wait3A_129 = arith.constant 0 : i32
      %dma_wait3A_130 = tpu.memref_slice %arg7[%dma_wait3A_128, %dma_wait3A_129] : memref<50x80xi32, #tpu.memory_space<vmem>> -> memref<1x80xi32, #tpu.memory_space<vmem>>
      %dma_wait3A_131 = tpu.memref_squeeze %dma_wait3A_130 : memref<1x80xi32, #tpu.memory_space<vmem>> -> memref<80xi32, #tpu.memory_space<vmem>>
      %dma_wait3A_132 = arith.constant 0 : i32
      %dma_wait3A_133 = arith.constant 0 : i32
      %dma_wait3A_134 = tpu.memref_slice %arg2[%dma_wait3A_132, %dma_wait3A_133] : memref<20000x80xf32, #tpu.memory_space<hbm>> -> memref<20000x80xf32, #tpu.memory_space<hbm>>
      tpu.wait_indirect_dma semaphore(%arg14 : memref<!tpu.dma_semaphore, #tpu.memory_space<semaphore_mem>>) src(%dma_wait3A_134 : memref<20000x80xf32, #tpu.memory_space<hbm>>) dst(%arg11 : memref<80x80xf32, #tpu.memory_space<vmem>>)
      %run_scoped3A_135 = arith.constant 47 : i32
      "tpu.region"() ({
        %run_scoped3A_152 = tpu.sem_alloc : memref<!tpu.dma_semaphore, #tpu.memory_space<semaphore_mem>>
        %dma_start3A_153 = arith.constant 0 : i32
        %dma_start3A_154 = tpu.memref_slice %arg8[%run_scoped3A_135, %dma_start3A_153] : memref<50x80xi32, #tpu.memory_space<vmem>> -> memref<1x80xi32, #tpu.memory_space<vmem>>
        %dma_start3A_155 = tpu.memref_squeeze %dma_start3A_154 : memref<1x80xi32, #tpu.memory_space<vmem>> -> memref<80xi32, #tpu.memory_space<vmem>>
        %dma_start3A_156 = arith.constant 0 : i32
        %dma_start3A_157 = arith.constant 0 : i32
        %dma_start3A_158 = tpu.memref_slice %arg6[%dma_start3A_156, %dma_start3A_157] : memref<20000x80xf32, #tpu.memory_space<vmem_shared>> -> memref<20000x80xf32, #tpu.memory_space<vmem_shared>>
        tpu.enqueue_indirect_dma source(%arg11 : memref<80x80xf32, #tpu.memory_space<vmem>>) target(%dma_start3A_158 : memref<20000x80xf32, #tpu.memory_space<vmem_shared>>) offsets(%dma_start3A_155 : memref<80xi32, #tpu.memory_space<vmem>>) semaphore(%run_scoped3A_152 : memref<!tpu.dma_semaphore, #tpu.memory_space<semaphore_mem>>) {add = true}
        %dma_wait3A_159 = arith.constant 0 : i32
        %dma_wait3A_160 = tpu.memref_slice %arg8[%run_scoped3A_135, %dma_wait3A_159] : memref<50x80xi32, #tpu.memory_space<vmem>> -> memref<1x80xi32, #tpu.memory_space<vmem>>
        %dma_wait3A_161 = tpu.memref_squeeze %dma_wait3A_160 : memref<1x80xi32, #tpu.memory_space<vmem>> -> memref<80xi32, #tpu.memory_space<vmem>>
        %dma_wait3A_162 = arith.constant 0 : i32
        %dma_wait3A_163 = arith.constant 0 : i32
        %dma_wait3A_164 = tpu.memref_slice %arg6[%dma_wait3A_162, %dma_wait3A_163] : memref<20000x80xf32, #tpu.memory_space<vmem_shared>> -> memref<20000x80xf32, #tpu.memory_space<vmem_shared>>
        tpu.wait_indirect_dma semaphore(%run_scoped3A_152 : memref<!tpu.dma_semaphore, #tpu.memory_space<semaphore_mem>>) src(%arg11 : memref<80x80xf32, #tpu.memory_space<vmem>>) dst(%dma_wait3A_164 : memref<20000x80xf32, #tpu.memory_space<vmem_shared>>)
        tpu.yield
      }) : () -> ()
      %dma_wait3A_136 = arith.constant 48 : i32
      %dma_wait3A_137 = arith.constant 0 : i32
      %dma_wait3A_138 = tpu.memref_slice %arg7[%dma_wait3A_136, %dma_wait3A_137] : memref<50x80xi32, #tpu.memory_space<vmem>> -> memref<1x80xi32, #tpu.memory_space<vmem>>
      %dma_wait3A_139 = tpu.memref_squeeze %dma_wait3A_138 : memref<1x80xi32, #tpu.memory_space<vmem>> -> memref<80xi32, #tpu.memory_space<vmem>>
      %dma_wait3A_140 = arith.constant 0 : i32
      %dma_wait3A_141 = arith.constant 0 : i32
      %dma_wait3A_142 = tpu.memref_slice %arg2[%dma_wait3A_140, %dma_wait3A_141] : memref<20000x80xf32, #tpu.memory_space<hbm>> -> memref<20000x80xf32, #tpu.memory_space<hbm>>
      tpu.wait_indirect_dma semaphore(%arg12 : memref<!tpu.dma_semaphore, #tpu.memory_space<semaphore_mem>>) src(%dma_wait3A_142 : memref<20000x80xf32, #tpu.memory_space<hbm>>) dst(%arg9 : memref<80x80xf32, #tpu.memory_space<vmem>>)
      %run_scoped3A_143 = arith.constant 48 : i32
      "tpu.region"() ({
        %run_scoped3A_152 = tpu.sem_alloc : memref<!tpu.dma_semaphore, #tpu.memory_space<semaphore_mem>>
        %dma_start3A_153 = arith.constant 0 : i32
        %dma_start3A_154 = tpu.memref_slice %arg8[%run_scoped3A_143, %dma_start3A_153] : memref<50x80xi32, #tpu.memory_space<vmem>> -> memref<1x80xi32, #tpu.memory_space<vmem>>
        %dma_start3A_155 = tpu.memref_squeeze %dma_start3A_154 : memref<1x80xi32, #tpu.memory_space<vmem>> -> memref<80xi32, #tpu.memory_space<vmem>>
        %dma_start3A_156 = arith.constant 0 : i32
        %dma_start3A_157 = arith.constant 0 : i32
        %dma_start3A_158 = tpu.memref_slice %arg6[%dma_start3A_156, %dma_start3A_157] : memref<20000x80xf32, #tpu.memory_space<vmem_shared>> -> memref<20000x80xf32, #tpu.memory_space<vmem_shared>>
        tpu.enqueue_indirect_dma source(%arg9 : memref<80x80xf32, #tpu.memory_space<vmem>>) target(%dma_start3A_158 : memref<20000x80xf32, #tpu.memory_space<vmem_shared>>) offsets(%dma_start3A_155 : memref<80xi32, #tpu.memory_space<vmem>>) semaphore(%run_scoped3A_152 : memref<!tpu.dma_semaphore, #tpu.memory_space<semaphore_mem>>) {add = true}
        %dma_wait3A_159 = arith.constant 0 : i32
        %dma_wait3A_160 = tpu.memref_slice %arg8[%run_scoped3A_143, %dma_wait3A_159] : memref<50x80xi32, #tpu.memory_space<vmem>> -> memref<1x80xi32, #tpu.memory_space<vmem>>
        %dma_wait3A_161 = tpu.memref_squeeze %dma_wait3A_160 : memref<1x80xi32, #tpu.memory_space<vmem>> -> memref<80xi32, #tpu.memory_space<vmem>>
        %dma_wait3A_162 = arith.constant 0 : i32
        %dma_wait3A_163 = arith.constant 0 : i32
        %dma_wait3A_164 = tpu.memref_slice %arg6[%dma_wait3A_162, %dma_wait3A_163] : memref<20000x80xf32, #tpu.memory_space<vmem_shared>> -> memref<20000x80xf32, #tpu.memory_space<vmem_shared>>
        tpu.wait_indirect_dma semaphore(%run_scoped3A_152 : memref<!tpu.dma_semaphore, #tpu.memory_space<semaphore_mem>>) src(%arg9 : memref<80x80xf32, #tpu.memory_space<vmem>>) dst(%dma_wait3A_164 : memref<20000x80xf32, #tpu.memory_space<vmem_shared>>)
        tpu.yield
      }) : () -> ()
      %dma_wait3A_144 = arith.constant 49 : i32
      %dma_wait3A_145 = arith.constant 0 : i32
      %dma_wait3A_146 = tpu.memref_slice %arg7[%dma_wait3A_144, %dma_wait3A_145] : memref<50x80xi32, #tpu.memory_space<vmem>> -> memref<1x80xi32, #tpu.memory_space<vmem>>
      %dma_wait3A_147 = tpu.memref_squeeze %dma_wait3A_146 : memref<1x80xi32, #tpu.memory_space<vmem>> -> memref<80xi32, #tpu.memory_space<vmem>>
      %dma_wait3A_148 = arith.constant 0 : i32
      %dma_wait3A_149 = arith.constant 0 : i32
      %dma_wait3A_150 = tpu.memref_slice %arg2[%dma_wait3A_148, %dma_wait3A_149] : memref<20000x80xf32, #tpu.memory_space<hbm>> -> memref<20000x80xf32, #tpu.memory_space<hbm>>
      tpu.wait_indirect_dma semaphore(%arg13 : memref<!tpu.dma_semaphore, #tpu.memory_space<semaphore_mem>>) src(%dma_wait3A_150 : memref<20000x80xf32, #tpu.memory_space<hbm>>) dst(%arg10 : memref<80x80xf32, #tpu.memory_space<vmem>>)
      %run_scoped3A_151 = arith.constant 49 : i32
      "tpu.region"() ({
        %run_scoped3A_152 = tpu.sem_alloc : memref<!tpu.dma_semaphore, #tpu.memory_space<semaphore_mem>>
        %dma_start3A_153 = arith.constant 0 : i32
        %dma_start3A_154 = tpu.memref_slice %arg8[%run_scoped3A_151, %dma_start3A_153] : memref<50x80xi32, #tpu.memory_space<vmem>> -> memref<1x80xi32, #tpu.memory_space<vmem>>
        %dma_start3A_155 = tpu.memref_squeeze %dma_start3A_154 : memref<1x80xi32, #tpu.memory_space<vmem>> -> memref<80xi32, #tpu.memory_space<vmem>>
        %dma_start3A_156 = arith.constant 0 : i32
        %dma_start3A_157 = arith.constant 0 : i32
        %dma_start3A_158 = tpu.memref_slice %arg6[%dma_start3A_156, %dma_start3A_157] : memref<20000x80xf32, #tpu.memory_space<vmem_shared>> -> memref<20000x80xf32, #tpu.memory_space<vmem_shared>>
        tpu.enqueue_indirect_dma source(%arg10 : memref<80x80xf32, #tpu.memory_space<vmem>>) target(%dma_start3A_158 : memref<20000x80xf32, #tpu.memory_space<vmem_shared>>) offsets(%dma_start3A_155 : memref<80xi32, #tpu.memory_space<vmem>>) semaphore(%run_scoped3A_152 : memref<!tpu.dma_semaphore, #tpu.memory_space<semaphore_mem>>) {add = true}
        %dma_wait3A_159 = arith.constant 0 : i32
        %dma_wait3A_160 = tpu.memref_slice %arg8[%run_scoped3A_151, %dma_wait3A_159] : memref<50x80xi32, #tpu.memory_space<vmem>> -> memref<1x80xi32, #tpu.memory_space<vmem>>
        %dma_wait3A_161 = tpu.memref_squeeze %dma_wait3A_160 : memref<1x80xi32, #tpu.memory_space<vmem>> -> memref<80xi32, #tpu.memory_space<vmem>>
        %dma_wait3A_162 = arith.constant 0 : i32
        %dma_wait3A_163 = arith.constant 0 : i32
        %dma_wait3A_164 = tpu.memref_slice %arg6[%dma_wait3A_162, %dma_wait3A_163] : memref<20000x80xf32, #tpu.memory_space<vmem_shared>> -> memref<20000x80xf32, #tpu.memory_space<vmem_shared>>
        tpu.wait_indirect_dma semaphore(%run_scoped3A_152 : memref<!tpu.dma_semaphore, #tpu.memory_space<semaphore_mem>>) src(%arg10 : memref<80x80xf32, #tpu.memory_space<vmem>>) dst(%dma_wait3A_164 : memref<20000x80xf32, #tpu.memory_space<vmem_shared>>)
        tpu.yield
      }) : () -> ()
    }
    %scan3A_45 = arith.constant 5 : i32
    %barrier3A_46 = arith.constant 0 : index
    tpu.barrier barrier_id(%barrier3A_46)
    %add3A_47 = arith.constant 0 : i32
    %add3A_48 = arith.addi %mul3A_6, %add3A_47 : i32
    "tpu.region"() ({
      %run_scoped3A = tpu.sem_alloc : memref<!tpu.dma_semaphore, #tpu.memory_space<semaphore_mem>>
      %dma_start3A = arith.constant 0 : i32
      %dma_start3A_67 = arith.constant 0 : i32
      %dma_start3A_68 = tpu.memref_slice %arg5[%arg0, %dma_start3A, %dma_start3A_67] : memref<2x20000x80xf32, #tpu.memory_space<hbm>> -> memref<1x20000x80xf32, #tpu.memory_space<hbm>>
      %dma_start3A_69 = tpu.memref_squeeze %dma_start3A_68 : memref<1x20000x80xf32, #tpu.memory_space<hbm>> -> memref<20000x80xf32, #tpu.memory_space<hbm>>
      %dma_start3A_70 = arith.constant 0 : i32
      %dma_start3A_71 = tpu.memref_slice %dma_start3A_69[%add3A_48, %dma_start3A_70] : memref<20000x80xf32, #tpu.memory_space<hbm>> -> memref<125x80xf32, #tpu.memory_space<hbm>>
      %dma_start3A_72 = arith.constant 0 : i32
      %dma_start3A_73 = tpu.memref_slice %arg6[%add3A_48, %dma_start3A_72] : memref<20000x80xf32, #tpu.memory_space<vmem_shared>> -> memref<125x80xf32, #tpu.memory_space<vmem_shared>>
      tpu.enqueue_dma source(%dma_start3A_73 : memref<125x80xf32, #tpu.memory_space<vmem_shared>>) target(%dma_start3A_71 : memref<125x80xf32, #tpu.memory_space<hbm>>) target_semaphore(%run_scoped3A : memref<!tpu.dma_semaphore, #tpu.memory_space<semaphore_mem>>)
      %dma_wait3A = arith.constant 0 : i32
      %dma_wait3A_74 = arith.constant 0 : i32
      %dma_wait3A_75 = tpu.memref_slice %arg5[%arg0, %dma_wait3A, %dma_wait3A_74] : memref<2x20000x80xf32, #tpu.memory_space<hbm>> -> memref<1x20000x80xf32, #tpu.memory_space<hbm>>
      %dma_wait3A_76 = tpu.memref_squeeze %dma_wait3A_75 : memref<1x20000x80xf32, #tpu.memory_space<hbm>> -> memref<20000x80xf32, #tpu.memory_space<hbm>>
      %dma_wait3A_77 = arith.constant 0 : i32
      %dma_wait3A_78 = tpu.memref_slice %dma_wait3A_76[%add3A_48, %dma_wait3A_77] : memref<20000x80xf32, #tpu.memory_space<hbm>> -> memref<125x80xf32, #tpu.memory_space<hbm>>
      %dma_wait3A_79 = arith.constant 0 : i32
      %dma_wait3A_80 = tpu.memref_slice %arg6[%add3A_48, %dma_wait3A_79] : memref<20000x80xf32, #tpu.memory_space<vmem_shared>> -> memref<125x80xf32, #tpu.memory_space<vmem_shared>>
      tpu.wait_dma2 semaphore(%run_scoped3A : memref<!tpu.dma_semaphore, #tpu.memory_space<semaphore_mem>>) src(%dma_wait3A_80 : memref<125x80xf32, #tpu.memory_space<vmem_shared>>) dst(%dma_wait3A_78 : memref<125x80xf32, #tpu.memory_space<hbm>>)
      tpu.yield
    }) : () -> ()
    %add3A_49 = arith.constant 125 : i32
    %add3A_50 = arith.addi %mul3A_6, %add3A_49 : i32
    "tpu.region"() ({
      %run_scoped3A = tpu.sem_alloc : memref<!tpu.dma_semaphore, #tpu.memory_space<semaphore_mem>>
      %dma_start3A = arith.constant 0 : i32
      %dma_start3A_67 = arith.constant 0 : i32
      %dma_start3A_68 = tpu.memref_slice %arg5[%arg0, %dma_start3A, %dma_start3A_67] : memref<2x20000x80xf32, #tpu.memory_space<hbm>> -> memref<1x20000x80xf32, #tpu.memory_space<hbm>>
      %dma_start3A_69 = tpu.memref_squeeze %dma_start3A_68 : memref<1x20000x80xf32, #tpu.memory_space<hbm>> -> memref<20000x80xf32, #tpu.memory_space<hbm>>
      %dma_start3A_70 = arith.constant 0 : i32
      %dma_start3A_71 = tpu.memref_slice %dma_start3A_69[%add3A_50, %dma_start3A_70] : memref<20000x80xf32, #tpu.memory_space<hbm>> -> memref<125x80xf32, #tpu.memory_space<hbm>>
      %dma_start3A_72 = arith.constant 0 : i32
      %dma_start3A_73 = tpu.memref_slice %arg6[%add3A_50, %dma_start3A_72] : memref<20000x80xf32, #tpu.memory_space<vmem_shared>> -> memref<125x80xf32, #tpu.memory_space<vmem_shared>>
      tpu.enqueue_dma source(%dma_start3A_73 : memref<125x80xf32, #tpu.memory_space<vmem_shared>>) target(%dma_start3A_71 : memref<125x80xf32, #tpu.memory_space<hbm>>) target_semaphore(%run_scoped3A : memref<!tpu.dma_semaphore, #tpu.memory_space<semaphore_mem>>)
      %dma_wait3A = arith.constant 0 : i32
      %dma_wait3A_74 = arith.constant 0 : i32
      %dma_wait3A_75 = tpu.memref_slice %arg5[%arg0, %dma_wait3A, %dma_wait3A_74] : memref<2x20000x80xf32, #tpu.memory_space<hbm>> -> memref<1x20000x80xf32, #tpu.memory_space<hbm>>
      %dma_wait3A_76 = tpu.memref_squeeze %dma_wait3A_75 : memref<1x20000x80xf32, #tpu.memory_space<hbm>> -> memref<20000x80xf32, #tpu.memory_space<hbm>>
      %dma_wait3A_77 = arith.constant 0 : i32
      %dma_wait3A_78 = tpu.memref_slice %dma_wait3A_76[%add3A_50, %dma_wait3A_77] : memref<20000x80xf32, #tpu.memory_space<hbm>> -> memref<125x80xf32, #tpu.memory_space<hbm>>
      %dma_wait3A_79 = arith.constant 0 : i32
      %dma_wait3A_80 = tpu.memref_slice %arg6[%add3A_50, %dma_wait3A_79] : memref<20000x80xf32, #tpu.memory_space<vmem_shared>> -> memref<125x80xf32, #tpu.memory_space<vmem_shared>>
      tpu.wait_dma2 semaphore(%run_scoped3A : memref<!tpu.dma_semaphore, #tpu.memory_space<semaphore_mem>>) src(%dma_wait3A_80 : memref<125x80xf32, #tpu.memory_space<vmem_shared>>) dst(%dma_wait3A_78 : memref<125x80xf32, #tpu.memory_space<hbm>>)
      tpu.yield
    }) : () -> ()
    %add3A_51 = arith.constant 250 : i32
    %add3A_52 = arith.addi %mul3A_6, %add3A_51 : i32
    "tpu.region"() ({
      %run_scoped3A = tpu.sem_alloc : memref<!tpu.dma_semaphore, #tpu.memory_space<semaphore_mem>>
      %dma_start3A = arith.constant 0 : i32
      %dma_start3A_67 = arith.constant 0 : i32
      %dma_start3A_68 = tpu.memref_slice %arg5[%arg0, %dma_start3A, %dma_start3A_67] : memref<2x20000x80xf32, #tpu.memory_space<hbm>> -> memref<1x20000x80xf32, #tpu.memory_space<hbm>>
      %dma_start3A_69 = tpu.memref_squeeze %dma_start3A_68 : memref<1x20000x80xf32, #tpu.memory_space<hbm>> -> memref<20000x80xf32, #tpu.memory_space<hbm>>
      %dma_start3A_70 = arith.constant 0 : i32
      %dma_start3A_71 = tpu.memref_slice %dma_start3A_69[%add3A_52, %dma_start3A_70] : memref<20000x80xf32, #tpu.memory_space<hbm>> -> memref<125x80xf32, #tpu.memory_space<hbm>>
      %dma_start3A_72 = arith.constant 0 : i32
      %dma_start3A_73 = tpu.memref_slice %arg6[%add3A_52, %dma_start3A_72] : memref<20000x80xf32, #tpu.memory_space<vmem_shared>> -> memref<125x80xf32, #tpu.memory_space<vmem_shared>>
      tpu.enqueue_dma source(%dma_start3A_73 : memref<125x80xf32, #tpu.memory_space<vmem_shared>>) target(%dma_start3A_71 : memref<125x80xf32, #tpu.memory_space<hbm>>) target_semaphore(%run_scoped3A : memref<!tpu.dma_semaphore, #tpu.memory_space<semaphore_mem>>)
      %dma_wait3A = arith.constant 0 : i32
      %dma_wait3A_74 = arith.constant 0 : i32
      %dma_wait3A_75 = tpu.memref_slice %arg5[%arg0, %dma_wait3A, %dma_wait3A_74] : memref<2x20000x80xf32, #tpu.memory_space<hbm>> -> memref<1x20000x80xf32, #tpu.memory_space<hbm>>
      %dma_wait3A_76 = tpu.memref_squeeze %dma_wait3A_75 : memref<1x20000x80xf32, #tpu.memory_space<hbm>> -> memref<20000x80xf32, #tpu.memory_space<hbm>>
      %dma_wait3A_77 = arith.constant 0 : i32
      %dma_wait3A_78 = tpu.memref_slice %dma_wait3A_76[%add3A_52, %dma_wait3A_77] : memref<20000x80xf32, #tpu.memory_space<hbm>> -> memref<125x80xf32, #tpu.memory_space<hbm>>
      %dma_wait3A_79 = arith.constant 0 : i32
      %dma_wait3A_80 = tpu.memref_slice %arg6[%add3A_52, %dma_wait3A_79] : memref<20000x80xf32, #tpu.memory_space<vmem_shared>> -> memref<125x80xf32, #tpu.memory_space<vmem_shared>>
      tpu.wait_dma2 semaphore(%run_scoped3A : memref<!tpu.dma_semaphore, #tpu.memory_space<semaphore_mem>>) src(%dma_wait3A_80 : memref<125x80xf32, #tpu.memory_space<vmem_shared>>) dst(%dma_wait3A_78 : memref<125x80xf32, #tpu.memory_space<hbm>>)
      tpu.yield
    }) : () -> ()
    %add3A_53 = arith.constant 375 : i32
    %add3A_54 = arith.addi %mul3A_6, %add3A_53 : i32
    "tpu.region"() ({
      %run_scoped3A = tpu.sem_alloc : memref<!tpu.dma_semaphore, #tpu.memory_space<semaphore_mem>>
      %dma_start3A = arith.constant 0 : i32
      %dma_start3A_67 = arith.constant 0 : i32
      %dma_start3A_68 = tpu.memref_slice %arg5[%arg0, %dma_start3A, %dma_start3A_67] : memref<2x20000x80xf32, #tpu.memory_space<hbm>> -> memref<1x20000x80xf32, #tpu.memory_space<hbm>>
      %dma_start3A_69 = tpu.memref_squeeze %dma_start3A_68 : memref<1x20000x80xf32, #tpu.memory_space<hbm>> -> memref<20000x80xf32, #tpu.memory_space<hbm>>
      %dma_start3A_70 = arith.constant 0 : i32
      %dma_start3A_71 = tpu.memref_slice %dma_start3A_69[%add3A_54, %dma_start3A_70] : memref<20000x80xf32, #tpu.memory_space<hbm>> -> memref<125x80xf32, #tpu.memory_space<hbm>>
      %dma_start3A_72 = arith.constant 0 : i32
      %dma_start3A_73 = tpu.memref_slice %arg6[%add3A_54, %dma_start3A_72] : memref<20000x80xf32, #tpu.memory_space<vmem_shared>> -> memref<125x80xf32, #tpu.memory_space<vmem_shared>>
      tpu.enqueue_dma source(%dma_start3A_73 : memref<125x80xf32, #tpu.memory_space<vmem_shared>>) target(%dma_start3A_71 : memref<125x80xf32, #tpu.memory_space<hbm>>) target_semaphore(%run_scoped3A : memref<!tpu.dma_semaphore, #tpu.memory_space<semaphore_mem>>)
      %dma_wait3A = arith.constant 0 : i32
      %dma_wait3A_74 = arith.constant 0 : i32
      %dma_wait3A_75 = tpu.memref_slice %arg5[%arg0, %dma_wait3A, %dma_wait3A_74] : memref<2x20000x80xf32, #tpu.memory_space<hbm>> -> memref<1x20000x80xf32, #tpu.memory_space<hbm>>
      %dma_wait3A_76 = tpu.memref_squeeze %dma_wait3A_75 : memref<1x20000x80xf32, #tpu.memory_space<hbm>> -> memref<20000x80xf32, #tpu.memory_space<hbm>>
      %dma_wait3A_77 = arith.constant 0 : i32
      %dma_wait3A_78 = tpu.memref_slice %dma_wait3A_76[%add3A_54, %dma_wait3A_77] : memref<20000x80xf32, #tpu.memory_space<hbm>> -> memref<125x80xf32, #tpu.memory_space<hbm>>
      %dma_wait3A_79 = arith.constant 0 : i32
      %dma_wait3A_80 = tpu.memref_slice %arg6[%add3A_54, %dma_wait3A_79] : memref<20000x80xf32, #tpu.memory_space<vmem_shared>> -> memref<125x80xf32, #tpu.memory_space<vmem_shared>>
      tpu.wait_dma2 semaphore(%run_scoped3A : memref<!tpu.dma_semaphore, #tpu.memory_space<semaphore_mem>>) src(%dma_wait3A_80 : memref<125x80xf32, #tpu.memory_space<vmem_shared>>) dst(%dma_wait3A_78 : memref<125x80xf32, #tpu.memory_space<hbm>>)
      tpu.yield
    }) : () -> ()
    %add3A_55 = arith.constant 500 : i32
    %add3A_56 = arith.addi %mul3A_6, %add3A_55 : i32
    "tpu.region"() ({
      %run_scoped3A = tpu.sem_alloc : memref<!tpu.dma_semaphore, #tpu.memory_space<semaphore_mem>>
      %dma_start3A = arith.constant 0 : i32
      %dma_start3A_67 = arith.constant 0 : i32
      %dma_start3A_68 = tpu.memref_slice %arg5[%arg0, %dma_start3A, %dma_start3A_67] : memref<2x20000x80xf32, #tpu.memory_space<hbm>> -> memref<1x20000x80xf32, #tpu.memory_space<hbm>>
      %dma_start3A_69 = tpu.memref_squeeze %dma_start3A_68 : memref<1x20000x80xf32, #tpu.memory_space<hbm>> -> memref<20000x80xf32, #tpu.memory_space<hbm>>
      %dma_start3A_70 = arith.constant 0 : i32
      %dma_start3A_71 = tpu.memref_slice %dma_start3A_69[%add3A_56, %dma_start3A_70] : memref<20000x80xf32, #tpu.memory_space<hbm>> -> memref<125x80xf32, #tpu.memory_space<hbm>>
      %dma_start3A_72 = arith.constant 0 : i32
      %dma_start3A_73 = tpu.memref_slice %arg6[%add3A_56, %dma_start3A_72] : memref<20000x80xf32, #tpu.memory_space<vmem_shared>> -> memref<125x80xf32, #tpu.memory_space<vmem_shared>>
      tpu.enqueue_dma source(%dma_start3A_73 : memref<125x80xf32, #tpu.memory_space<vmem_shared>>) target(%dma_start3A_71 : memref<125x80xf32, #tpu.memory_space<hbm>>) target_semaphore(%run_scoped3A : memref<!tpu.dma_semaphore, #tpu.memory_space<semaphore_mem>>)
      %dma_wait3A = arith.constant 0 : i32
      %dma_wait3A_74 = arith.constant 0 : i32
      %dma_wait3A_75 = tpu.memref_slice %arg5[%arg0, %dma_wait3A, %dma_wait3A_74] : memref<2x20000x80xf32, #tpu.memory_space<hbm>> -> memref<1x20000x80xf32, #tpu.memory_space<hbm>>
      %dma_wait3A_76 = tpu.memref_squeeze %dma_wait3A_75 : memref<1x20000x80xf32, #tpu.memory_space<hbm>> -> memref<20000x80xf32, #tpu.memory_space<hbm>>
      %dma_wait3A_77 = arith.constant 0 : i32
      %dma_wait3A_78 = tpu.memref_slice %dma_wait3A_76[%add3A_56, %dma_wait3A_77] : memref<20000x80xf32, #tpu.memory_space<hbm>> -> memref<125x80xf32, #tpu.memory_space<hbm>>
      %dma_wait3A_79 = arith.constant 0 : i32
      %dma_wait3A_80 = tpu.memref_slice %arg6[%add3A_56, %dma_wait3A_79] : memref<20000x80xf32, #tpu.memory_space<vmem_shared>> -> memref<125x80xf32, #tpu.memory_space<vmem_shared>>
      tpu.wait_dma2 semaphore(%run_scoped3A : memref<!tpu.dma_semaphore, #tpu.memory_space<semaphore_mem>>) src(%dma_wait3A_80 : memref<125x80xf32, #tpu.memory_space<vmem_shared>>) dst(%dma_wait3A_78 : memref<125x80xf32, #tpu.memory_space<hbm>>)
      tpu.yield
    }) : () -> ()
    %add3A_57 = arith.constant 625 : i32
    %add3A_58 = arith.addi %mul3A_6, %add3A_57 : i32
    "tpu.region"() ({
      %run_scoped3A = tpu.sem_alloc : memref<!tpu.dma_semaphore, #tpu.memory_space<semaphore_mem>>
      %dma_start3A = arith.constant 0 : i32
      %dma_start3A_67 = arith.constant 0 : i32
      %dma_start3A_68 = tpu.memref_slice %arg5[%arg0, %dma_start3A, %dma_start3A_67] : memref<2x20000x80xf32, #tpu.memory_space<hbm>> -> memref<1x20000x80xf32, #tpu.memory_space<hbm>>
      %dma_start3A_69 = tpu.memref_squeeze %dma_start3A_68 : memref<1x20000x80xf32, #tpu.memory_space<hbm>> -> memref<20000x80xf32, #tpu.memory_space<hbm>>
      %dma_start3A_70 = arith.constant 0 : i32
      %dma_start3A_71 = tpu.memref_slice %dma_start3A_69[%add3A_58, %dma_start3A_70] : memref<20000x80xf32, #tpu.memory_space<hbm>> -> memref<125x80xf32, #tpu.memory_space<hbm>>
      %dma_start3A_72 = arith.constant 0 : i32
      %dma_start3A_73 = tpu.memref_slice %arg6[%add3A_58, %dma_start3A_72] : memref<20000x80xf32, #tpu.memory_space<vmem_shared>> -> memref<125x80xf32, #tpu.memory_space<vmem_shared>>
      tpu.enqueue_dma source(%dma_start3A_73 : memref<125x80xf32, #tpu.memory_space<vmem_shared>>) target(%dma_start3A_71 : memref<125x80xf32, #tpu.memory_space<hbm>>) target_semaphore(%run_scoped3A : memref<!tpu.dma_semaphore, #tpu.memory_space<semaphore_mem>>)
      %dma_wait3A = arith.constant 0 : i32
      %dma_wait3A_74 = arith.constant 0 : i32
      %dma_wait3A_75 = tpu.memref_slice %arg5[%arg0, %dma_wait3A, %dma_wait3A_74] : memref<2x20000x80xf32, #tpu.memory_space<hbm>> -> memref<1x20000x80xf32, #tpu.memory_space<hbm>>
      %dma_wait3A_76 = tpu.memref_squeeze %dma_wait3A_75 : memref<1x20000x80xf32, #tpu.memory_space<hbm>> -> memref<20000x80xf32, #tpu.memory_space<hbm>>
      %dma_wait3A_77 = arith.constant 0 : i32
      %dma_wait3A_78 = tpu.memref_slice %dma_wait3A_76[%add3A_58, %dma_wait3A_77] : memref<20000x80xf32, #tpu.memory_space<hbm>> -> memref<125x80xf32, #tpu.memory_space<hbm>>
      %dma_wait3A_79 = arith.constant 0 : i32
      %dma_wait3A_80 = tpu.memref_slice %arg6[%add3A_58, %dma_wait3A_79] : memref<20000x80xf32, #tpu.memory_space<vmem_shared>> -> memref<125x80xf32, #tpu.memory_space<vmem_shared>>
      tpu.wait_dma2 semaphore(%run_scoped3A : memref<!tpu.dma_semaphore, #tpu.memory_space<semaphore_mem>>) src(%dma_wait3A_80 : memref<125x80xf32, #tpu.memory_space<vmem_shared>>) dst(%dma_wait3A_78 : memref<125x80xf32, #tpu.memory_space<hbm>>)
      tpu.yield
    }) : () -> ()
    %add3A_59 = arith.constant 750 : i32
    %add3A_60 = arith.addi %mul3A_6, %add3A_59 : i32
    "tpu.region"() ({
      %run_scoped3A = tpu.sem_alloc : memref<!tpu.dma_semaphore, #tpu.memory_space<semaphore_mem>>
      %dma_start3A = arith.constant 0 : i32
      %dma_start3A_67 = arith.constant 0 : i32
      %dma_start3A_68 = tpu.memref_slice %arg5[%arg0, %dma_start3A, %dma_start3A_67] : memref<2x20000x80xf32, #tpu.memory_space<hbm>> -> memref<1x20000x80xf32, #tpu.memory_space<hbm>>
      %dma_start3A_69 = tpu.memref_squeeze %dma_start3A_68 : memref<1x20000x80xf32, #tpu.memory_space<hbm>> -> memref<20000x80xf32, #tpu.memory_space<hbm>>
      %dma_start3A_70 = arith.constant 0 : i32
      %dma_start3A_71 = tpu.memref_slice %dma_start3A_69[%add3A_60, %dma_start3A_70] : memref<20000x80xf32, #tpu.memory_space<hbm>> -> memref<125x80xf32, #tpu.memory_space<hbm>>
      %dma_start3A_72 = arith.constant 0 : i32
      %dma_start3A_73 = tpu.memref_slice %arg6[%add3A_60, %dma_start3A_72] : memref<20000x80xf32, #tpu.memory_space<vmem_shared>> -> memref<125x80xf32, #tpu.memory_space<vmem_shared>>
      tpu.enqueue_dma source(%dma_start3A_73 : memref<125x80xf32, #tpu.memory_space<vmem_shared>>) target(%dma_start3A_71 : memref<125x80xf32, #tpu.memory_space<hbm>>) target_semaphore(%run_scoped3A : memref<!tpu.dma_semaphore, #tpu.memory_space<semaphore_mem>>)
      %dma_wait3A = arith.constant 0 : i32
      %dma_wait3A_74 = arith.constant 0 : i32
      %dma_wait3A_75 = tpu.memref_slice %arg5[%arg0, %dma_wait3A, %dma_wait3A_74] : memref<2x20000x80xf32, #tpu.memory_space<hbm>> -> memref<1x20000x80xf32, #tpu.memory_space<hbm>>
      %dma_wait3A_76 = tpu.memref_squeeze %dma_wait3A_75 : memref<1x20000x80xf32, #tpu.memory_space<hbm>> -> memref<20000x80xf32, #tpu.memory_space<hbm>>
      %dma_wait3A_77 = arith.constant 0 : i32
      %dma_wait3A_78 = tpu.memref_slice %dma_wait3A_76[%add3A_60, %dma_wait3A_77] : memref<20000x80xf32, #tpu.memory_space<hbm>> -> memref<125x80xf32, #tpu.memory_space<hbm>>
      %dma_wait3A_79 = arith.constant 0 : i32
      %dma_wait3A_80 = tpu.memref_slice %arg6[%add3A_60, %dma_wait3A_79] : memref<20000x80xf32, #tpu.memory_space<vmem_shared>> -> memref<125x80xf32, #tpu.memory_space<vmem_shared>>
      tpu.wait_dma2 semaphore(%run_scoped3A : memref<!tpu.dma_semaphore, #tpu.memory_space<semaphore_mem>>) src(%dma_wait3A_80 : memref<125x80xf32, #tpu.memory_space<vmem_shared>>) dst(%dma_wait3A_78 : memref<125x80xf32, #tpu.memory_space<hbm>>)
      tpu.yield
    }) : () -> ()
    %add3A_61 = arith.constant 875 : i32
    %add3A_62 = arith.addi %mul3A_6, %add3A_61 : i32
    "tpu.region"() ({
      %run_scoped3A = tpu.sem_alloc : memref<!tpu.dma_semaphore, #tpu.memory_space<semaphore_mem>>
      %dma_start3A = arith.constant 0 : i32
      %dma_start3A_67 = arith.constant 0 : i32
      %dma_start3A_68 = tpu.memref_slice %arg5[%arg0, %dma_start3A, %dma_start3A_67] : memref<2x20000x80xf32, #tpu.memory_space<hbm>> -> memref<1x20000x80xf32, #tpu.memory_space<hbm>>
      %dma_start3A_69 = tpu.memref_squeeze %dma_start3A_68 : memref<1x20000x80xf32, #tpu.memory_space<hbm>> -> memref<20000x80xf32, #tpu.memory_space<hbm>>
      %dma_start3A_70 = arith.constant 0 : i32
      %dma_start3A_71 = tpu.memref_slice %dma_start3A_69[%add3A_62, %dma_start3A_70] : memref<20000x80xf32, #tpu.memory_space<hbm>> -> memref<125x80xf32, #tpu.memory_space<hbm>>
      %dma_start3A_72 = arith.constant 0 : i32
      %dma_start3A_73 = tpu.memref_slice %arg6[%add3A_62, %dma_start3A_72] : memref<20000x80xf32, #tpu.memory_space<vmem_shared>> -> memref<125x80xf32, #tpu.memory_space<vmem_shared>>
      tpu.enqueue_dma source(%dma_start3A_73 : memref<125x80xf32, #tpu.memory_space<vmem_shared>>) target(%dma_start3A_71 : memref<125x80xf32, #tpu.memory_space<hbm>>) target_semaphore(%run_scoped3A : memref<!tpu.dma_semaphore, #tpu.memory_space<semaphore_mem>>)
      %dma_wait3A = arith.constant 0 : i32
      %dma_wait3A_74 = arith.constant 0 : i32
      %dma_wait3A_75 = tpu.memref_slice %arg5[%arg0, %dma_wait3A, %dma_wait3A_74] : memref<2x20000x80xf32, #tpu.memory_space<hbm>> -> memref<1x20000x80xf32, #tpu.memory_space<hbm>>
      %dma_wait3A_76 = tpu.memref_squeeze %dma_wait3A_75 : memref<1x20000x80xf32, #tpu.memory_space<hbm>> -> memref<20000x80xf32, #tpu.memory_space<hbm>>
      %dma_wait3A_77 = arith.constant 0 : i32
      %dma_wait3A_78 = tpu.memref_slice %dma_wait3A_76[%add3A_62, %dma_wait3A_77] : memref<20000x80xf32, #tpu.memory_space<hbm>> -> memref<125x80xf32, #tpu.memory_space<hbm>>
      %dma_wait3A_79 = arith.constant 0 : i32
      %dma_wait3A_80 = tpu.memref_slice %arg6[%add3A_62, %dma_wait3A_79] : memref<20000x80xf32, #tpu.memory_space<vmem_shared>> -> memref<125x80xf32, #tpu.memory_space<vmem_shared>>
      tpu.wait_dma2 semaphore(%run_scoped3A : memref<!tpu.dma_semaphore, #tpu.memory_space<semaphore_mem>>) src(%dma_wait3A_80 : memref<125x80xf32, #tpu.memory_space<vmem_shared>>) dst(%dma_wait3A_78 : memref<125x80xf32, #tpu.memory_space<hbm>>)
      tpu.yield
    }) : () -> ()
    %add3A_63 = arith.constant 1000 : i32
    %add3A_64 = arith.addi %mul3A_6, %add3A_63 : i32
    "tpu.region"() ({
      %run_scoped3A = tpu.sem_alloc : memref<!tpu.dma_semaphore, #tpu.memory_space<semaphore_mem>>
      %dma_start3A = arith.constant 0 : i32
      %dma_start3A_67 = arith.constant 0 : i32
      %dma_start3A_68 = tpu.memref_slice %arg5[%arg0, %dma_start3A, %dma_start3A_67] : memref<2x20000x80xf32, #tpu.memory_space<hbm>> -> memref<1x20000x80xf32, #tpu.memory_space<hbm>>
      %dma_start3A_69 = tpu.memref_squeeze %dma_start3A_68 : memref<1x20000x80xf32, #tpu.memory_space<hbm>> -> memref<20000x80xf32, #tpu.memory_space<hbm>>
      %dma_start3A_70 = arith.constant 0 : i32
      %dma_start3A_71 = tpu.memref_slice %dma_start3A_69[%add3A_64, %dma_start3A_70] : memref<20000x80xf32, #tpu.memory_space<hbm>> -> memref<125x80xf32, #tpu.memory_space<hbm>>
      %dma_start3A_72 = arith.constant 0 : i32
      %dma_start3A_73 = tpu.memref_slice %arg6[%add3A_64, %dma_start3A_72] : memref<20000x80xf32, #tpu.memory_space<vmem_shared>> -> memref<125x80xf32, #tpu.memory_space<vmem_shared>>
      tpu.enqueue_dma source(%dma_start3A_73 : memref<125x80xf32, #tpu.memory_space<vmem_shared>>) target(%dma_start3A_71 : memref<125x80xf32, #tpu.memory_space<hbm>>) target_semaphore(%run_scoped3A : memref<!tpu.dma_semaphore, #tpu.memory_space<semaphore_mem>>)
      %dma_wait3A = arith.constant 0 : i32
      %dma_wait3A_74 = arith.constant 0 : i32
      %dma_wait3A_75 = tpu.memref_slice %arg5[%arg0, %dma_wait3A, %dma_wait3A_74] : memref<2x20000x80xf32, #tpu.memory_space<hbm>> -> memref<1x20000x80xf32, #tpu.memory_space<hbm>>
      %dma_wait3A_76 = tpu.memref_squeeze %dma_wait3A_75 : memref<1x20000x80xf32, #tpu.memory_space<hbm>> -> memref<20000x80xf32, #tpu.memory_space<hbm>>
      %dma_wait3A_77 = arith.constant 0 : i32
      %dma_wait3A_78 = tpu.memref_slice %dma_wait3A_76[%add3A_64, %dma_wait3A_77] : memref<20000x80xf32, #tpu.memory_space<hbm>> -> memref<125x80xf32, #tpu.memory_space<hbm>>
      %dma_wait3A_79 = arith.constant 0 : i32
      %dma_wait3A_80 = tpu.memref_slice %arg6[%add3A_64, %dma_wait3A_79] : memref<20000x80xf32, #tpu.memory_space<vmem_shared>> -> memref<125x80xf32, #tpu.memory_space<vmem_shared>>
      tpu.wait_dma2 semaphore(%run_scoped3A : memref<!tpu.dma_semaphore, #tpu.memory_space<semaphore_mem>>) src(%dma_wait3A_80 : memref<125x80xf32, #tpu.memory_space<vmem_shared>>) dst(%dma_wait3A_78 : memref<125x80xf32, #tpu.memory_space<hbm>>)
      tpu.yield
    }) : () -> ()
    %add3A_65 = arith.constant 1125 : i32
    %add3A_66 = arith.addi %mul3A_6, %add3A_65 : i32
    "tpu.region"() ({
      %run_scoped3A = tpu.sem_alloc : memref<!tpu.dma_semaphore, #tpu.memory_space<semaphore_mem>>
      %dma_start3A = arith.constant 0 : i32
      %dma_start3A_67 = arith.constant 0 : i32
      %dma_start3A_68 = tpu.memref_slice %arg5[%arg0, %dma_start3A, %dma_start3A_67] : memref<2x20000x80xf32, #tpu.memory_space<hbm>> -> memref<1x20000x80xf32, #tpu.memory_space<hbm>>
      %dma_start3A_69 = tpu.memref_squeeze %dma_start3A_68 : memref<1x20000x80xf32, #tpu.memory_space<hbm>> -> memref<20000x80xf32, #tpu.memory_space<hbm>>
      %dma_start3A_70 = arith.constant 0 : i32
      %dma_start3A_71 = tpu.memref_slice %dma_start3A_69[%add3A_66, %dma_start3A_70] : memref<20000x80xf32, #tpu.memory_space<hbm>> -> memref<125x80xf32, #tpu.memory_space<hbm>>
      %dma_start3A_72 = arith.constant 0 : i32
      %dma_start3A_73 = tpu.memref_slice %arg6[%add3A_66, %dma_start3A_72] : memref<20000x80xf32, #tpu.memory_space<vmem_shared>> -> memref<125x80xf32, #tpu.memory_space<vmem_shared>>
      tpu.enqueue_dma source(%dma_start3A_73 : memref<125x80xf32, #tpu.memory_space<vmem_shared>>) target(%dma_start3A_71 : memref<125x80xf32, #tpu.memory_space<hbm>>) target_semaphore(%run_scoped3A : memref<!tpu.dma_semaphore, #tpu.memory_space<semaphore_mem>>)
      %dma_wait3A = arith.constant 0 : i32
      %dma_wait3A_74 = arith.constant 0 : i32
      %dma_wait3A_75 = tpu.memref_slice %arg5[%arg0, %dma_wait3A, %dma_wait3A_74] : memref<2x20000x80xf32, #tpu.memory_space<hbm>> -> memref<1x20000x80xf32, #tpu.memory_space<hbm>>
      %dma_wait3A_76 = tpu.memref_squeeze %dma_wait3A_75 : memref<1x20000x80xf32, #tpu.memory_space<hbm>> -> memref<20000x80xf32, #tpu.memory_space<hbm>>
      %dma_wait3A_77 = arith.constant 0 : i32
      %dma_wait3A_78 = tpu.memref_slice %dma_wait3A_76[%add3A_66, %dma_wait3A_77] : memref<20000x80xf32, #tpu.memory_space<hbm>> -> memref<125x80xf32, #tpu.memory_space<hbm>>
      %dma_wait3A_79 = arith.constant 0 : i32
      %dma_wait3A_80 = tpu.memref_slice %arg6[%add3A_66, %dma_wait3A_79] : memref<20000x80xf32, #tpu.memory_space<vmem_shared>> -> memref<125x80xf32, #tpu.memory_space<vmem_shared>>
      tpu.wait_dma2 semaphore(%run_scoped3A : memref<!tpu.dma_semaphore, #tpu.memory_space<semaphore_mem>>) src(%dma_wait3A_80 : memref<125x80xf32, #tpu.memory_space<vmem_shared>>) dst(%dma_wait3A_78 : memref<125x80xf32, #tpu.memory_space<hbm>>)
      tpu.yield
    }) : () -> ()
    return
  }
}

module attributes {stable_mosaic.version = 14 : i64} {
  func.func @_enc_body(%arg0: i32, %arg1: memref<1000x6xf32, #tpu.memory_space<vmem>>, %arg2: memref<1000x11xf32, #tpu.memory_space<vmem>>, %arg3: memref<1000x768xf32, #tpu.memory_space<vmem>>, %arg4: memref<1000x768xf32, #tpu.memory_space<vmem>>, %arg5: memref<1000x768xf32, #tpu.memory_space<vmem>>, %arg6: memref<6x32xf32, #tpu.memory_space<vmem>>, %arg7: memref<1x32xf32, #tpu.memory_space<vmem>>, %arg8: memref<11x32xf32, #tpu.memory_space<vmem>>, %arg9: memref<1x32xf32, #tpu.memory_space<vmem>>, %arg10: memref<768x32xf32, #tpu.memory_space<vmem>>, %arg11: memref<1x32xf32, #tpu.memory_space<vmem>>, %arg12: memref<768x32xf32, #tpu.memory_space<vmem>>, %arg13: memref<1x32xf32, #tpu.memory_space<vmem>>, %arg14: memref<768x32xf32, #tpu.memory_space<vmem>>, %arg15: memref<1x32xf32, #tpu.memory_space<vmem>>, %arg16: memref<160x160xf32, #tpu.memory_space<vmem>>, %arg17: memref<1x160xf32, #tpu.memory_space<vmem>>, %arg18: memref<1000x160xf32, #tpu.memory_space<vmem>>) attributes {dimension_semantics = [#tpu.dimension_semantics<arbitrary>], iteration_bounds = array<i64: 10>, scalar_prefetch = 0 : i64, scratch_operands = 0 : i64, tpu.core_type = #tpu.core_type<tc>, window_params = [{transform_indices = @transform_0, window_bounds = array<i64: 1000, 6>}, {transform_indices = @transform_1, window_bounds = array<i64: 1000, 11>}, {transform_indices = @transform_2, window_bounds = array<i64: 1000, 768>}, {transform_indices = @transform_3, window_bounds = array<i64: 1000, 768>}, {transform_indices = @transform_4, window_bounds = array<i64: 1000, 768>}, {pipeline_mode = #tpu.pipeline_mode<synchronous>, transform_indices = @transform_5, window_bounds = array<i64: 6, 32>}, {pipeline_mode = #tpu.pipeline_mode<synchronous>, transform_indices = @transform_6, window_bounds = array<i64: 1, 32>}, {pipeline_mode = #tpu.pipeline_mode<synchronous>, transform_indices = @transform_7, window_bounds = array<i64: 11, 32>}, {pipeline_mode = #tpu.pipeline_mode<synchronous>, transform_indices = @transform_8, window_bounds = array<i64: 1, 32>}, {pipeline_mode = #tpu.pipeline_mode<synchronous>, transform_indices = @transform_9, window_bounds = array<i64: 768, 32>}, {pipeline_mode = #tpu.pipeline_mode<synchronous>, transform_indices = @transform_10, window_bounds = array<i64: 1, 32>}, {pipeline_mode = #tpu.pipeline_mode<synchronous>, transform_indices = @transform_11, window_bounds = array<i64: 768, 32>}, {pipeline_mode = #tpu.pipeline_mode<synchronous>, transform_indices = @transform_12, window_bounds = array<i64: 1, 32>}, {pipeline_mode = #tpu.pipeline_mode<synchronous>, transform_indices = @transform_13, window_bounds = array<i64: 768, 32>}, {pipeline_mode = #tpu.pipeline_mode<synchronous>, transform_indices = @transform_14, window_bounds = array<i64: 1, 32>}, {pipeline_mode = #tpu.pipeline_mode<synchronous>, transform_indices = @transform_15, window_bounds = array<i64: 160, 160>}, {pipeline_mode = #tpu.pipeline_mode<synchronous>, transform_indices = @transform_16, window_bounds = array<i64: 1, 160>}, {transform_indices = @transform_17, window_bounds = array<i64: 1000, 160>}]} {
    %get3A = arith.constant 0 : index
    %get3A_0 = arith.constant 0 : index
    %get3A_1 = vector.load %arg1[%get3A, %get3A_0] : memref<1000x6xf32, #tpu.memory_space<vmem>>, vector<1000x6xf32>
    %get3A_2 = arith.constant 0 : index
    %get3A_3 = arith.constant 0 : index
    %get3A_4 = vector.load %arg6[%get3A_2, %get3A_3] : memref<6x32xf32, #tpu.memory_space<vmem>>, vector<6x32xf32>
    %dot_general3A = arith.constant dense<0.000000e+00> : vector<1000x32xf32>
    %dot_general3A_5 = tpu.matmul %get3A_1, %get3A_4, %dot_general3A {dimension_numbers = #tpu.dot_dimension_numbers<[1], [0], [0], [1], [0, 0, 1, 1], [], []>, transpose_lhs_hint = false} : vector<1000x6xf32>, vector<6x32xf32>, vector<1000x32xf32> -> vector<1000x32xf32>
    %get3A_6 = arith.constant 0 : index
    %get3A_7 = arith.constant 0 : index
    %get3A_8 = vector.load %arg7[%get3A_6, %get3A_7] : memref<1x32xf32, #tpu.memory_space<vmem>>, vector<1x32xf32>
    %add3A = vector.broadcast %get3A_8 : vector<1x32xf32> to vector<1000x32xf32>
    %add3A_9 = arith.addf %dot_general3A_5, %add3A : vector<1000x32xf32>
    %ge3A = arith.constant 0.000000e+00 : f32
    %ge3A_10 = vector.broadcast %ge3A : f32 to vector<1000x32xf32>
    %ge3A_11 = arith.cmpf oge, %add3A_9, %ge3A_10 : vector<1000x32xf32>
    %mul3A = arith.constant 0.00999999977 : f32
    %mul3A_12 = vector.broadcast %mul3A : f32 to vector<1000x32xf32>
    %mul3A_13 = arith.mulf %mul3A_12, %add3A_9 : vector<1000x32xf32>
    %select_n3A = arith.select %ge3A_11, %add3A_9, %mul3A_13 : vector<1000x32xi1>, vector<1000x32xf32>
    %get3A_14 = arith.constant 0 : index
    %get3A_15 = arith.constant 0 : index
    %get3A_16 = vector.load %arg2[%get3A_14, %get3A_15] : memref<1000x11xf32, #tpu.memory_space<vmem>>, vector<1000x11xf32>
    %get3A_17 = arith.constant 0 : index
    %get3A_18 = arith.constant 0 : index
    %get3A_19 = vector.load %arg8[%get3A_17, %get3A_18] : memref<11x32xf32, #tpu.memory_space<vmem>>, vector<11x32xf32>
    %dot_general3A_20 = arith.constant dense<0.000000e+00> : vector<1000x32xf32>
    %dot_general3A_21 = tpu.matmul %get3A_16, %get3A_19, %dot_general3A_20 {dimension_numbers = #tpu.dot_dimension_numbers<[1], [0], [0], [1], [0, 0, 1, 1], [], []>, transpose_lhs_hint = false} : vector<1000x11xf32>, vector<11x32xf32>, vector<1000x32xf32> -> vector<1000x32xf32>
    %get3A_22 = arith.constant 0 : index
    %get3A_23 = arith.constant 0 : index
    %get3A_24 = vector.load %arg9[%get3A_22, %get3A_23] : memref<1x32xf32, #tpu.memory_space<vmem>>, vector<1x32xf32>
    %add3A_25 = vector.broadcast %get3A_24 : vector<1x32xf32> to vector<1000x32xf32>
    %add3A_26 = arith.addf %dot_general3A_21, %add3A_25 : vector<1000x32xf32>
    %ge3A_27 = arith.constant 0.000000e+00 : f32
    %ge3A_28 = vector.broadcast %ge3A_27 : f32 to vector<1000x32xf32>
    %ge3A_29 = arith.cmpf oge, %add3A_26, %ge3A_28 : vector<1000x32xf32>
    %mul3A_30 = arith.constant 0.00999999977 : f32
    %mul3A_31 = vector.broadcast %mul3A_30 : f32 to vector<1000x32xf32>
    %mul3A_32 = arith.mulf %mul3A_31, %add3A_26 : vector<1000x32xf32>
    %select_n3A_33 = arith.select %ge3A_29, %add3A_26, %mul3A_32 : vector<1000x32xi1>, vector<1000x32xf32>
    %get3A_34 = arith.constant 0 : index
    %get3A_35 = arith.constant 0 : index
    %get3A_36 = vector.load %arg3[%get3A_34, %get3A_35] : memref<1000x768xf32, #tpu.memory_space<vmem>>, vector<1000x768xf32>
    %get3A_37 = arith.constant 0 : index
    %get3A_38 = arith.constant 0 : index
    %get3A_39 = vector.load %arg10[%get3A_37, %get3A_38] : memref<768x32xf32, #tpu.memory_space<vmem>>, vector<768x32xf32>
    %dot_general3A_40 = arith.constant dense<0.000000e+00> : vector<1000x32xf32>
    %dot_general3A_41 = tpu.matmul %get3A_36, %get3A_39, %dot_general3A_40 {dimension_numbers = #tpu.dot_dimension_numbers<[1], [0], [0], [1], [0, 0, 1, 1], [], []>, transpose_lhs_hint = false} : vector<1000x768xf32>, vector<768x32xf32>, vector<1000x32xf32> -> vector<1000x32xf32>
    %get3A_42 = arith.constant 0 : index
    %get3A_43 = arith.constant 0 : index
    %get3A_44 = vector.load %arg11[%get3A_42, %get3A_43] : memref<1x32xf32, #tpu.memory_space<vmem>>, vector<1x32xf32>
    %add3A_45 = vector.broadcast %get3A_44 : vector<1x32xf32> to vector<1000x32xf32>
    %add3A_46 = arith.addf %dot_general3A_41, %add3A_45 : vector<1000x32xf32>
    %ge3A_47 = arith.constant 0.000000e+00 : f32
    %ge3A_48 = vector.broadcast %ge3A_47 : f32 to vector<1000x32xf32>
    %ge3A_49 = arith.cmpf oge, %add3A_46, %ge3A_48 : vector<1000x32xf32>
    %mul3A_50 = arith.constant 0.00999999977 : f32
    %mul3A_51 = vector.broadcast %mul3A_50 : f32 to vector<1000x32xf32>
    %mul3A_52 = arith.mulf %mul3A_51, %add3A_46 : vector<1000x32xf32>
    %select_n3A_53 = arith.select %ge3A_49, %add3A_46, %mul3A_52 : vector<1000x32xi1>, vector<1000x32xf32>
    %get3A_54 = arith.constant 0 : index
    %get3A_55 = arith.constant 0 : index
    %get3A_56 = vector.load %arg4[%get3A_54, %get3A_55] : memref<1000x768xf32, #tpu.memory_space<vmem>>, vector<1000x768xf32>
    %get3A_57 = arith.constant 0 : index
    %get3A_58 = arith.constant 0 : index
    %get3A_59 = vector.load %arg12[%get3A_57, %get3A_58] : memref<768x32xf32, #tpu.memory_space<vmem>>, vector<768x32xf32>
    %dot_general3A_60 = arith.constant dense<0.000000e+00> : vector<1000x32xf32>
    %dot_general3A_61 = tpu.matmul %get3A_56, %get3A_59, %dot_general3A_60 {dimension_numbers = #tpu.dot_dimension_numbers<[1], [0], [0], [1], [0, 0, 1, 1], [], []>, transpose_lhs_hint = false} : vector<1000x768xf32>, vector<768x32xf32>, vector<1000x32xf32> -> vector<1000x32xf32>
    %get3A_62 = arith.constant 0 : index
    %get3A_63 = arith.constant 0 : index
    %get3A_64 = vector.load %arg13[%get3A_62, %get3A_63] : memref<1x32xf32, #tpu.memory_space<vmem>>, vector<1x32xf32>
    %add3A_65 = vector.broadcast %get3A_64 : vector<1x32xf32> to vector<1000x32xf32>
    %add3A_66 = arith.addf %dot_general3A_61, %add3A_65 : vector<1000x32xf32>
    %ge3A_67 = arith.constant 0.000000e+00 : f32
    %ge3A_68 = vector.broadcast %ge3A_67 : f32 to vector<1000x32xf32>
    %ge3A_69 = arith.cmpf oge, %add3A_66, %ge3A_68 : vector<1000x32xf32>
    %mul3A_70 = arith.constant 0.00999999977 : f32
    %mul3A_71 = vector.broadcast %mul3A_70 : f32 to vector<1000x32xf32>
    %mul3A_72 = arith.mulf %mul3A_71, %add3A_66 : vector<1000x32xf32>
    %select_n3A_73 = arith.select %ge3A_69, %add3A_66, %mul3A_72 : vector<1000x32xi1>, vector<1000x32xf32>
    %get3A_74 = arith.constant 0 : index
    %get3A_75 = arith.constant 0 : index
    %get3A_76 = vector.load %arg5[%get3A_74, %get3A_75] : memref<1000x768xf32, #tpu.memory_space<vmem>>, vector<1000x768xf32>
    %get3A_77 = arith.constant 0 : index
    %get3A_78 = arith.constant 0 : index
    %get3A_79 = vector.load %arg14[%get3A_77, %get3A_78] : memref<768x32xf32, #tpu.memory_space<vmem>>, vector<768x32xf32>
    %dot_general3A_80 = arith.constant dense<0.000000e+00> : vector<1000x32xf32>
    %dot_general3A_81 = tpu.matmul %get3A_76, %get3A_79, %dot_general3A_80 {dimension_numbers = #tpu.dot_dimension_numbers<[1], [0], [0], [1], [0, 0, 1, 1], [], []>, transpose_lhs_hint = false} : vector<1000x768xf32>, vector<768x32xf32>, vector<1000x32xf32> -> vector<1000x32xf32>
    %get3A_82 = arith.constant 0 : index
    %get3A_83 = arith.constant 0 : index
    %get3A_84 = vector.load %arg15[%get3A_82, %get3A_83] : memref<1x32xf32, #tpu.memory_space<vmem>>, vector<1x32xf32>
    %add3A_85 = vector.broadcast %get3A_84 : vector<1x32xf32> to vector<1000x32xf32>
    %add3A_86 = arith.addf %dot_general3A_81, %add3A_85 : vector<1000x32xf32>
    %ge3A_87 = arith.constant 0.000000e+00 : f32
    %ge3A_88 = vector.broadcast %ge3A_87 : f32 to vector<1000x32xf32>
    %ge3A_89 = arith.cmpf oge, %add3A_86, %ge3A_88 : vector<1000x32xf32>
    %mul3A_90 = arith.constant 0.00999999977 : f32
    %mul3A_91 = vector.broadcast %mul3A_90 : f32 to vector<1000x32xf32>
    %mul3A_92 = arith.mulf %mul3A_91, %add3A_86 : vector<1000x32xf32>
    %select_n3A_93 = arith.select %ge3A_89, %add3A_86, %mul3A_92 : vector<1000x32xi1>, vector<1000x32xf32>
    %concatenate3A = tpu.concatenate %select_n3A, %select_n3A_33, %select_n3A_53, %select_n3A_73, %select_n3A_93 in 1 : vector<1000x32xf32>, vector<1000x32xf32>, vector<1000x32xf32>, vector<1000x32xf32>, vector<1000x32xf32> -> vector<1000x160xf32>
    %get3A_94 = arith.constant 0 : index
    %get3A_95 = arith.constant 0 : index
    %get3A_96 = vector.load %arg16[%get3A_94, %get3A_95] : memref<160x160xf32, #tpu.memory_space<vmem>>, vector<160x160xf32>
    %dot_general3A_97 = arith.constant dense<0.000000e+00> : vector<1000x160xf32>
    %dot_general3A_98 = tpu.matmul %concatenate3A, %get3A_96, %dot_general3A_97 {dimension_numbers = #tpu.dot_dimension_numbers<[1], [0], [0], [1], [0, 0, 1, 1], [], []>, transpose_lhs_hint = false} : vector<1000x160xf32>, vector<160x160xf32>, vector<1000x160xf32> -> vector<1000x160xf32>
    %get3A_99 = arith.constant 0 : index
    %get3A_100 = arith.constant 0 : index
    %get3A_101 = vector.load %arg17[%get3A_99, %get3A_100] : memref<1x160xf32, #tpu.memory_space<vmem>>, vector<1x160xf32>
    %add3A_102 = vector.broadcast %get3A_101 : vector<1x160xf32> to vector<1000x160xf32>
    %add3A_103 = arith.addf %dot_general3A_98, %add3A_102 : vector<1000x160xf32>
    %ge3A_104 = arith.constant 0.000000e+00 : f32
    %ge3A_105 = vector.broadcast %ge3A_104 : f32 to vector<1000x160xf32>
    %ge3A_106 = arith.cmpf oge, %add3A_103, %ge3A_105 : vector<1000x160xf32>
    %mul3A_107 = arith.constant 0.00999999977 : f32
    %mul3A_108 = vector.broadcast %mul3A_107 : f32 to vector<1000x160xf32>
    %mul3A_109 = arith.mulf %mul3A_108, %add3A_103 : vector<1000x160xf32>
    %select_n3A_110 = arith.select %ge3A_106, %add3A_103, %mul3A_109 : vector<1000x160xi1>, vector<1000x160xf32>
    %swap3A = arith.constant 0 : index
    %swap3A_111 = arith.constant 0 : index
    %swap3A_112 = vector.load %arg18[%swap3A, %swap3A_111] : memref<1000x160xf32, #tpu.memory_space<vmem>>, vector<1000x160xf32>
    tpu.vector_store %arg18[%swap3A, %swap3A_111], %select_n3A_110 {strides = array<i32>} : memref<1000x160xf32, #tpu.memory_space<vmem>>, vector<1000x160xf32>,
    return
  }
  func.func @transform_0(%arg0: i32) -> (i32, i32) {
    %c0_i32 = arith.constant 0 : i32
    %c0_i32_0 = arith.constant 0 : i32
    return %arg0, %c0_i32 : i32, i32
  }
  func.func @transform_1(%arg0: i32) -> (i32, i32) {
    %c0_i32 = arith.constant 0 : i32
    %c0_i32_0 = arith.constant 0 : i32
    return %arg0, %c0_i32 : i32, i32
  }
  func.func @transform_2(%arg0: i32) -> (i32, i32) {
    %c0_i32 = arith.constant 0 : i32
    %c0_i32_0 = arith.constant 0 : i32
    return %arg0, %c0_i32 : i32, i32
  }
  func.func @transform_3(%arg0: i32) -> (i32, i32) {
    %c0_i32 = arith.constant 0 : i32
    %c0_i32_0 = arith.constant 0 : i32
    return %arg0, %c0_i32 : i32, i32
  }
  func.func @transform_4(%arg0: i32) -> (i32, i32) {
    %c0_i32 = arith.constant 0 : i32
    %c0_i32_0 = arith.constant 0 : i32
    return %arg0, %c0_i32 : i32, i32
  }
  func.func @transform_5(%arg0: i32) -> (i32, i32) {
    %c0_i32 = arith.constant 0 : i32
    %c0_i32_0 = arith.constant 0 : i32
    %c0_i32_1 = arith.constant 0 : i32
    return %c0_i32, %c0_i32_0 : i32, i32
  }
  func.func @transform_6(%arg0: i32) -> (i32, i32) {
    %c0_i32 = arith.constant 0 : i32
    %c0_i32_0 = arith.constant 0 : i32
    %c0_i32_1 = arith.constant 0 : i32
    return %c0_i32, %c0_i32_0 : i32, i32
  }
  func.func @transform_7(%arg0: i32) -> (i32, i32) {
    %c0_i32 = arith.constant 0 : i32
    %c0_i32_0 = arith.constant 0 : i32
    %c0_i32_1 = arith.constant 0 : i32
    return %c0_i32, %c0_i32_0 : i32, i32
  }
  func.func @transform_8(%arg0: i32) -> (i32, i32) {
    %c0_i32 = arith.constant 0 : i32
    %c0_i32_0 = arith.constant 0 : i32
    %c0_i32_1 = arith.constant 0 : i32
    return %c0_i32, %c0_i32_0 : i32, i32
  }
  func.func @transform_9(%arg0: i32) -> (i32, i32) {
    %c0_i32 = arith.constant 0 : i32
    %c0_i32_0 = arith.constant 0 : i32
    %c0_i32_1 = arith.constant 0 : i32
    return %c0_i32, %c0_i32_0 : i32, i32
  }
  func.func @transform_10(%arg0: i32) -> (i32, i32) {
    %c0_i32 = arith.constant 0 : i32
    %c0_i32_0 = arith.constant 0 : i32
    %c0_i32_1 = arith.constant 0 : i32
    return %c0_i32, %c0_i32_0 : i32, i32
  }
  func.func @transform_11(%arg0: i32) -> (i32, i32) {
    %c0_i32 = arith.constant 0 : i32
    %c0_i32_0 = arith.constant 0 : i32
    %c0_i32_1 = arith.constant 0 : i32
    return %c0_i32, %c0_i32_0 : i32, i32
  }
  func.func @transform_12(%arg0: i32) -> (i32, i32) {
    %c0_i32 = arith.constant 0 : i32
    %c0_i32_0 = arith.constant 0 : i32
    %c0_i32_1 = arith.constant 0 : i32
    return %c0_i32, %c0_i32_0 : i32, i32
  }
  func.func @transform_13(%arg0: i32) -> (i32, i32) {
    %c0_i32 = arith.constant 0 : i32
    %c0_i32_0 = arith.constant 0 : i32
    %c0_i32_1 = arith.constant 0 : i32
    return %c0_i32, %c0_i32_0 : i32, i32
  }
  func.func @transform_14(%arg0: i32) -> (i32, i32) {
    %c0_i32 = arith.constant 0 : i32
    %c0_i32_0 = arith.constant 0 : i32
    %c0_i32_1 = arith.constant 0 : i32
    return %c0_i32, %c0_i32_0 : i32, i32
  }
  func.func @transform_15(%arg0: i32) -> (i32, i32) {
    %c0_i32 = arith.constant 0 : i32
    %c0_i32_0 = arith.constant 0 : i32
    %c0_i32_1 = arith.constant 0 : i32
    return %c0_i32, %c0_i32_0 : i32, i32
  }
  func.func @transform_16(%arg0: i32) -> (i32, i32) {
    %c0_i32 = arith.constant 0 : i32
    %c0_i32_0 = arith.constant 0 : i32
    %c0_i32_1 = arith.constant 0 : i32
    return %c0_i32, %c0_i32_0 : i32, i32
  }
  func.func @transform_17(%arg0: i32) -> (i32, i32) {
    %c0_i32 = arith.constant 0 : i32
    %c0_i32_0 = arith.constant 0 : i32
    return %arg0, %c0_i32 : i32, i32
  }
}

module attributes {stable_mosaic.version = 14 : i64} {
  func.func @_combine_body(%arg0: i32, %arg1: memref<1000x160xf32, #tpu.memory_space<vmem>>, %arg2: memref<2x2x1000x80xf32, #tpu.memory_space<vmem>>, %arg3: memref<2x2x1000x16xf32, #tpu.memory_space<vmem>>, %arg4: memref<160x160xf32, #tpu.memory_space<vmem>>, %arg5: memref<160x160xf32, #tpu.memory_space<vmem>>, %arg6: memref<160x160xf32, #tpu.memory_space<vmem>>, %arg7: memref<1x160xf32, #tpu.memory_space<vmem>>, %arg8: memref<1000x160xf32, #tpu.memory_space<vmem>>) attributes {dimension_semantics = [#tpu.dimension_semantics<arbitrary>], iteration_bounds = array<i64: 10>, scalar_prefetch = 0 : i64, scratch_operands = 0 : i64, tpu.core_type = #tpu.core_type<tc>, window_params = [{transform_indices = @transform_0, window_bounds = array<i64: 1000, 160>}, {transform_indices = @transform_1, window_bounds = array<i64: 2, 2, 1000, 80>}, {transform_indices = @transform_2, window_bounds = array<i64: 2, 2, 1000, 16>}, {pipeline_mode = #tpu.pipeline_mode<synchronous>, transform_indices = @transform_3, window_bounds = array<i64: 160, 160>}, {pipeline_mode = #tpu.pipeline_mode<synchronous>, transform_indices = @transform_4, window_bounds = array<i64: 160, 160>}, {pipeline_mode = #tpu.pipeline_mode<synchronous>, transform_indices = @transform_5, window_bounds = array<i64: 160, 160>}, {pipeline_mode = #tpu.pipeline_mode<synchronous>, transform_indices = @transform_6, window_bounds = array<i64: 1, 160>}, {transform_indices = @transform_7, window_bounds = array<i64: 1000, 160>}]} {
    %get3A = arith.constant 0 : index
    %get3A_0 = arith.constant 0 : index
    %get3A_1 = arith.constant 0 : index
    %get3A_2 = arith.constant 0 : index
    %get3A_3 = vector.load %arg2[%get3A, %get3A_0, %get3A_1, %get3A_2] : memref<2x2x1000x80xf32, #tpu.memory_space<vmem>>, vector<1x1x1000x80xf32>
    %get3A_4 = vector.shape_cast %get3A_3 : vector<1x1x1000x80xf32> to vector<1000x80xf32>
    %get3A_5 = arith.constant 1 : index
    %get3A_6 = arith.constant 0 : index
    %get3A_7 = arith.constant 0 : index
    %get3A_8 = arith.constant 0 : index
    %get3A_9 = vector.load %arg2[%get3A_5, %get3A_6, %get3A_7, %get3A_8] : memref<2x2x1000x80xf32, #tpu.memory_space<vmem>>, vector<1x1x1000x80xf32>
    %get3A_10 = vector.shape_cast %get3A_9 : vector<1x1x1000x80xf32> to vector<1000x80xf32>
    %concatenate3A = tpu.concatenate %get3A_4, %get3A_10 in 1 : vector<1000x80xf32>, vector<1000x80xf32> -> vector<1000x160xf32>
    %get3A_11 = arith.constant 0 : index
    %get3A_12 = arith.constant 1 : index
    %get3A_13 = arith.constant 0 : index
    %get3A_14 = arith.constant 0 : index
    %get3A_15 = vector.load %arg2[%get3A_11, %get3A_12, %get3A_13, %get3A_14] : memref<2x2x1000x80xf32, #tpu.memory_space<vmem>>, vector<1x1x1000x80xf32>
    %get3A_16 = vector.shape_cast %get3A_15 : vector<1x1x1000x80xf32> to vector<1000x80xf32>
    %get3A_17 = arith.constant 1 : index
    %get3A_18 = arith.constant 1 : index
    %get3A_19 = arith.constant 0 : index
    %get3A_20 = arith.constant 0 : index
    %get3A_21 = vector.load %arg2[%get3A_17, %get3A_18, %get3A_19, %get3A_20] : memref<2x2x1000x80xf32, #tpu.memory_space<vmem>>, vector<1x1x1000x80xf32>
    %get3A_22 = vector.shape_cast %get3A_21 : vector<1x1x1000x80xf32> to vector<1000x80xf32>
    %concatenate3A_23 = tpu.concatenate %get3A_16, %get3A_22 in 1 : vector<1000x80xf32>, vector<1000x80xf32> -> vector<1000x160xf32>
    %get3A_24 = arith.constant 0 : index
    %get3A_25 = arith.constant 0 : index
    %get3A_26 = arith.constant 0 : index
    %get3A_27 = arith.constant 0 : index
    %get3A_28 = vector.load %arg3[%get3A_24, %get3A_25, %get3A_26, %get3A_27] : memref<2x2x1000x16xf32, #tpu.memory_space<vmem>>, vector<1x1x1000x16xf32>
    %get3A_29 = vector.shape_cast %get3A_28 : vector<1x1x1000x16xf32> to vector<1000x16xf32>
    %reduce_max3A = arith.constant dense<0xFF800000> : vector<1000xf32>
    %reduce_max3A_30 = vector.multi_reduction <maximumf>, %get3A_29, %reduce_max3A [1] : vector<1000x16xf32> to vector<1000xf32>
    %broadcast_in_dim3A = vector.shape_cast %reduce_max3A_30 : vector<1000xf32> to vector<1000x1xf32>
    %get3A_31 = arith.constant 1 : index
    %get3A_32 = arith.constant 0 : index
    %get3A_33 = arith.constant 0 : index
    %get3A_34 = arith.constant 0 : index
    %get3A_35 = vector.load %arg3[%get3A_31, %get3A_32, %get3A_33, %get3A_34] : memref<2x2x1000x16xf32, #tpu.memory_space<vmem>>, vector<1x1x1000x16xf32>
    %get3A_36 = vector.shape_cast %get3A_35 : vector<1x1x1000x16xf32> to vector<1000x16xf32>
    %reduce_max3A_37 = arith.constant dense<0xFF800000> : vector<1000xf32>
    %reduce_max3A_38 = vector.multi_reduction <maximumf>, %get3A_36, %reduce_max3A_37 [1] : vector<1000x16xf32> to vector<1000xf32>
    %broadcast_in_dim3A_39 = vector.shape_cast %reduce_max3A_38 : vector<1000xf32> to vector<1000x1xf32>
    %add3A = arith.addf %broadcast_in_dim3A, %broadcast_in_dim3A_39 : vector<1000x1xf32>
    %get3A_40 = arith.constant 0 : index
    %get3A_41 = arith.constant 1 : index
    %get3A_42 = arith.constant 0 : index
    %get3A_43 = arith.constant 0 : index
    %get3A_44 = vector.load %arg3[%get3A_40, %get3A_41, %get3A_42, %get3A_43] : memref<2x2x1000x16xf32, #tpu.memory_space<vmem>>, vector<1x1x1000x16xf32>
    %get3A_45 = vector.shape_cast %get3A_44 : vector<1x1x1000x16xf32> to vector<1000x16xf32>
    %reduce_max3A_46 = arith.constant dense<0xFF800000> : vector<1000xf32>
    %reduce_max3A_47 = vector.multi_reduction <maximumf>, %get3A_45, %reduce_max3A_46 [1] : vector<1000x16xf32> to vector<1000xf32>
    %broadcast_in_dim3A_48 = vector.shape_cast %reduce_max3A_47 : vector<1000xf32> to vector<1000x1xf32>
    %get3A_49 = arith.constant 1 : index
    %get3A_50 = arith.constant 1 : index
    %get3A_51 = arith.constant 0 : index
    %get3A_52 = arith.constant 0 : index
    %get3A_53 = vector.load %arg3[%get3A_49, %get3A_50, %get3A_51, %get3A_52] : memref<2x2x1000x16xf32, #tpu.memory_space<vmem>>, vector<1x1x1000x16xf32>
    %get3A_54 = vector.shape_cast %get3A_53 : vector<1x1x1000x16xf32> to vector<1000x16xf32>
    %reduce_max3A_55 = arith.constant dense<0xFF800000> : vector<1000xf32>
    %reduce_max3A_56 = vector.multi_reduction <maximumf>, %get3A_54, %reduce_max3A_55 [1] : vector<1000x16xf32> to vector<1000xf32>
    %broadcast_in_dim3A_57 = vector.shape_cast %reduce_max3A_56 : vector<1000xf32> to vector<1000x1xf32>
    %add3A_58 = arith.addf %broadcast_in_dim3A_48, %broadcast_in_dim3A_57 : vector<1000x1xf32>
    %max3A = arith.constant 1.000000e+00 : f32
    %max3A_59 = vector.broadcast %max3A : f32 to vector<1000x1xf32>
    %max3A_60 = arith.maximumf %add3A, %max3A_59 : vector<1000x1xf32>
    %div3A = arith.constant 1.000000e+00 : f32
    %div3A_61 = vector.broadcast %div3A : f32 to vector<1000x1xf32>
    %div3A_62 = arith.divf %div3A_61, %max3A_60 : vector<1000x1xf32>
    %max3A_63 = arith.constant 1.000000e+00 : f32
    %max3A_64 = vector.broadcast %max3A_63 : f32 to vector<1000x1xf32>
    %max3A_65 = arith.maximumf %add3A_58, %max3A_64 : vector<1000x1xf32>
    %div3A_66 = arith.constant 1.000000e+00 : f32
    %div3A_67 = vector.broadcast %div3A_66 : f32 to vector<1000x1xf32>
    %div3A_68 = arith.divf %div3A_67, %max3A_65 : vector<1000x1xf32>
    %get3A_69 = arith.constant 0 : index
    %get3A_70 = arith.constant 0 : index
    %get3A_71 = vector.load %arg1[%get3A_69, %get3A_70] : memref<1000x160xf32, #tpu.memory_space<vmem>>, vector<1000x160xf32>
    %get3A_72 = arith.constant 0 : index
    %get3A_73 = arith.constant 0 : index
    %get3A_74 = vector.load %arg4[%get3A_72, %get3A_73] : memref<160x160xf32, #tpu.memory_space<vmem>>, vector<160x160xf32>
    %dot_general3A = arith.constant dense<0.000000e+00> : vector<1000x160xf32>
    %dot_general3A_75 = tpu.matmul %get3A_71, %get3A_74, %dot_general3A {dimension_numbers = #tpu.dot_dimension_numbers<[1], [0], [0], [1], [0, 0, 1, 1], [], []>, transpose_lhs_hint = false} : vector<1000x160xf32>, vector<160x160xf32>, vector<1000x160xf32> -> vector<1000x160xf32>
    %get3A_76 = arith.constant 0 : index
    %get3A_77 = arith.constant 0 : index
    %get3A_78 = vector.load %arg7[%get3A_76, %get3A_77] : memref<1x160xf32, #tpu.memory_space<vmem>>, vector<1x160xf32>
    %add3A_79 = vector.broadcast %get3A_78 : vector<1x160xf32> to vector<1000x160xf32>
    %add3A_80 = arith.addf %dot_general3A_75, %add3A_79 : vector<1000x160xf32>
    %get3A_81 = arith.constant 0 : index
    %get3A_82 = arith.constant 0 : index
    %get3A_83 = vector.load %arg5[%get3A_81, %get3A_82] : memref<160x160xf32, #tpu.memory_space<vmem>>, vector<160x160xf32>
    %dot_general3A_84 = arith.constant dense<0.000000e+00> : vector<1000x160xf32>
    %dot_general3A_85 = tpu.matmul %concatenate3A, %get3A_83, %dot_general3A_84 {dimension_numbers = #tpu.dot_dimension_numbers<[1], [0], [0], [1], [0, 0, 1, 1], [], []>, transpose_lhs_hint = false} : vector<1000x160xf32>, vector<160x160xf32>, vector<1000x160xf32> -> vector<1000x160xf32>
    %mul3A = vector.broadcast %div3A_62 : vector<1000x1xf32> to vector<1000x160xf32>
    %mul3A_86 = arith.mulf %dot_general3A_85, %mul3A : vector<1000x160xf32>
    %add3A_87 = arith.addf %add3A_80, %mul3A_86 : vector<1000x160xf32>
    %get3A_88 = arith.constant 0 : index
    %get3A_89 = arith.constant 0 : index
    %get3A_90 = vector.load %arg6[%get3A_88, %get3A_89] : memref<160x160xf32, #tpu.memory_space<vmem>>, vector<160x160xf32>
    %dot_general3A_91 = arith.constant dense<0.000000e+00> : vector<1000x160xf32>
    %dot_general3A_92 = tpu.matmul %concatenate3A_23, %get3A_90, %dot_general3A_91 {dimension_numbers = #tpu.dot_dimension_numbers<[1], [0], [0], [1], [0, 0, 1, 1], [], []>, transpose_lhs_hint = false} : vector<1000x160xf32>, vector<160x160xf32>, vector<1000x160xf32> -> vector<1000x160xf32>
    %mul3A_93 = vector.broadcast %div3A_68 : vector<1000x1xf32> to vector<1000x160xf32>
    %mul3A_94 = arith.mulf %dot_general3A_92, %mul3A_93 : vector<1000x160xf32>
    %add3A_95 = arith.addf %add3A_87, %mul3A_94 : vector<1000x160xf32>
    %swap3A = arith.constant 0 : index
    %swap3A_96 = arith.constant 0 : index
    %swap3A_97 = vector.load %arg8[%swap3A, %swap3A_96] : memref<1000x160xf32, #tpu.memory_space<vmem>>, vector<1000x160xf32>
    tpu.vector_store %arg8[%swap3A, %swap3A_96], %add3A_95 {strides = array<i32>} : memref<1000x160xf32, #tpu.memory_space<vmem>>, vector<1000x160xf32>,
    return
  }
  func.func @transform_0(%arg0: i32) -> (i32, i32) {
    %c0_i32 = arith.constant 0 : i32
    %c0_i32_0 = arith.constant 0 : i32
    return %arg0, %c0_i32 : i32, i32
  }
  func.func @transform_1(%arg0: i32) -> (i32, i32, i32, i32) {
    %c0_i32 = arith.constant 0 : i32
    %c0_i32_0 = arith.constant 0 : i32
    %c0_i32_1 = arith.constant 0 : i32
    %c0_i32_2 = arith.constant 0 : i32
    return %c0_i32, %c0_i32_0, %arg0, %c0_i32_1 : i32, i32, i32, i32
  }
  func.func @transform_2(%arg0: i32) -> (i32, i32, i32, i32) {
    %c0_i32 = arith.constant 0 : i32
    %c0_i32_0 = arith.constant 0 : i32
    %c0_i32_1 = arith.constant 0 : i32
    %c0_i32_2 = arith.constant 0 : i32
    return %c0_i32, %c0_i32_0, %arg0, %c0_i32_1 : i32, i32, i32, i32
  }
  func.func @transform_3(%arg0: i32) -> (i32, i32) {
    %c0_i32 = arith.constant 0 : i32
    %c0_i32_0 = arith.constant 0 : i32
    %c0_i32_1 = arith.constant 0 : i32
    return %c0_i32, %c0_i32_0 : i32, i32
  }
  func.func @transform_4(%arg0: i32) -> (i32, i32) {
    %c0_i32 = arith.constant 0 : i32
    %c0_i32_0 = arith.constant 0 : i32
    %c0_i32_1 = arith.constant 0 : i32
    return %c0_i32, %c0_i32_0 : i32, i32
  }
  func.func @transform_5(%arg0: i32) -> (i32, i32) {
    %c0_i32 = arith.constant 0 : i32
    %c0_i32_0 = arith.constant 0 : i32
    %c0_i32_1 = arith.constant 0 : i32
    return %c0_i32, %c0_i32_0 : i32, i32
  }
  func.func @transform_6(%arg0: i32) -> (i32, i32) {
    %c0_i32 = arith.constant 0 : i32
    %c0_i32_0 = arith.constant 0 : i32
    %c0_i32_1 = arith.constant 0 : i32
    return %c0_i32, %c0_i32_0 : i32, i32
  }
  func.func @transform_7(%arg0: i32) -> (i32, i32) {
    %c0_i32 = arith.constant 0 : i32
    %c0_i32_0 = arith.constant 0 : i32
    return %arg0, %c0_i32 : i32, i32
  }
}

module attributes {stable_mosaic.version = 14 : i64} {
  func.func @_final_body(%arg0: i32, %arg1: memref<1000x160xf32, #tpu.memory_space<vmem>>, %arg2: memref<2x2x1000x80xf32, #tpu.memory_space<vmem>>, %arg3: memref<2x2x1000x16xf32, #tpu.memory_space<vmem>>, %arg4: memref<160x160xf32, #tpu.memory_space<vmem>>, %arg5: memref<160x160xf32, #tpu.memory_space<vmem>>, %arg6: memref<160x160xf32, #tpu.memory_space<vmem>>, %arg7: memref<1x160xf32, #tpu.memory_space<vmem>>, %arg8: memref<160x80xf32, #tpu.memory_space<vmem>>, %arg9: memref<1x80xf32, #tpu.memory_space<vmem>>, %arg10: memref<80x2xf32, #tpu.memory_space<vmem>>, %arg11: memref<1x2xf32, #tpu.memory_space<vmem>>, %arg12: memref<1000x2xf32, #tpu.memory_space<vmem>>, %arg13: memref<1000x80xf32, #tpu.memory_space<vmem>>) attributes {dimension_semantics = [#tpu.dimension_semantics<arbitrary>], iteration_bounds = array<i64: 10>, scalar_prefetch = 0 : i64, scratch_operands = 0 : i64, tpu.core_type = #tpu.core_type<tc>, window_params = [{transform_indices = @transform_0, window_bounds = array<i64: 1000, 160>}, {transform_indices = @transform_1, window_bounds = array<i64: 2, 2, 1000, 80>}, {transform_indices = @transform_2, window_bounds = array<i64: 2, 2, 1000, 16>}, {pipeline_mode = #tpu.pipeline_mode<synchronous>, transform_indices = @transform_3, window_bounds = array<i64: 160, 160>}, {pipeline_mode = #tpu.pipeline_mode<synchronous>, transform_indices = @transform_4, window_bounds = array<i64: 160, 160>}, {pipeline_mode = #tpu.pipeline_mode<synchronous>, transform_indices = @transform_5, window_bounds = array<i64: 160, 160>}, {pipeline_mode = #tpu.pipeline_mode<synchronous>, transform_indices = @transform_6, window_bounds = array<i64: 1, 160>}, {pipeline_mode = #tpu.pipeline_mode<synchronous>, transform_indices = @transform_7, window_bounds = array<i64: 160, 80>}, {pipeline_mode = #tpu.pipeline_mode<synchronous>, transform_indices = @transform_8, window_bounds = array<i64: 1, 80>}, {pipeline_mode = #tpu.pipeline_mode<synchronous>, transform_indices = @transform_9, window_bounds = array<i64: 80, 2>}, {pipeline_mode = #tpu.pipeline_mode<synchronous>, transform_indices = @transform_10, window_bounds = array<i64: 1, 2>}, {transform_indices = @transform_11, window_bounds = array<i64: 1000, 2>}, {transform_indices = @transform_12, window_bounds = array<i64: 1000, 80>}]} {
    %get3A = arith.constant 0 : index
    %get3A_0 = arith.constant 0 : index
    %get3A_1 = arith.constant 0 : index
    %get3A_2 = arith.constant 0 : index
    %get3A_3 = vector.load %arg2[%get3A, %get3A_0, %get3A_1, %get3A_2] : memref<2x2x1000x80xf32, #tpu.memory_space<vmem>>, vector<1x1x1000x80xf32>
    %get3A_4 = vector.shape_cast %get3A_3 : vector<1x1x1000x80xf32> to vector<1000x80xf32>
    %get3A_5 = arith.constant 1 : index
    %get3A_6 = arith.constant 0 : index
    %get3A_7 = arith.constant 0 : index
    %get3A_8 = arith.constant 0 : index
    %get3A_9 = vector.load %arg2[%get3A_5, %get3A_6, %get3A_7, %get3A_8] : memref<2x2x1000x80xf32, #tpu.memory_space<vmem>>, vector<1x1x1000x80xf32>
    %get3A_10 = vector.shape_cast %get3A_9 : vector<1x1x1000x80xf32> to vector<1000x80xf32>
    %concatenate3A = tpu.concatenate %get3A_4, %get3A_10 in 1 : vector<1000x80xf32>, vector<1000x80xf32> -> vector<1000x160xf32>
    %get3A_11 = arith.constant 0 : index
    %get3A_12 = arith.constant 1 : index
    %get3A_13 = arith.constant 0 : index
    %get3A_14 = arith.constant 0 : index
    %get3A_15 = vector.load %arg2[%get3A_11, %get3A_12, %get3A_13, %get3A_14] : memref<2x2x1000x80xf32, #tpu.memory_space<vmem>>, vector<1x1x1000x80xf32>
    %get3A_16 = vector.shape_cast %get3A_15 : vector<1x1x1000x80xf32> to vector<1000x80xf32>
    %get3A_17 = arith.constant 1 : index
    %get3A_18 = arith.constant 1 : index
    %get3A_19 = arith.constant 0 : index
    %get3A_20 = arith.constant 0 : index
    %get3A_21 = vector.load %arg2[%get3A_17, %get3A_18, %get3A_19, %get3A_20] : memref<2x2x1000x80xf32, #tpu.memory_space<vmem>>, vector<1x1x1000x80xf32>
    %get3A_22 = vector.shape_cast %get3A_21 : vector<1x1x1000x80xf32> to vector<1000x80xf32>
    %concatenate3A_23 = tpu.concatenate %get3A_16, %get3A_22 in 1 : vector<1000x80xf32>, vector<1000x80xf32> -> vector<1000x160xf32>
    %get3A_24 = arith.constant 0 : index
    %get3A_25 = arith.constant 0 : index
    %get3A_26 = arith.constant 0 : index
    %get3A_27 = arith.constant 0 : index
    %get3A_28 = vector.load %arg3[%get3A_24, %get3A_25, %get3A_26, %get3A_27] : memref<2x2x1000x16xf32, #tpu.memory_space<vmem>>, vector<1x1x1000x16xf32>
    %get3A_29 = vector.shape_cast %get3A_28 : vector<1x1x1000x16xf32> to vector<1000x16xf32>
    %reduce_max3A = arith.constant dense<0xFF800000> : vector<1000xf32>
    %reduce_max3A_30 = vector.multi_reduction <maximumf>, %get3A_29, %reduce_max3A [1] : vector<1000x16xf32> to vector<1000xf32>
    %broadcast_in_dim3A = vector.shape_cast %reduce_max3A_30 : vector<1000xf32> to vector<1000x1xf32>
    %get3A_31 = arith.constant 1 : index
    %get3A_32 = arith.constant 0 : index
    %get3A_33 = arith.constant 0 : index
    %get3A_34 = arith.constant 0 : index
    %get3A_35 = vector.load %arg3[%get3A_31, %get3A_32, %get3A_33, %get3A_34] : memref<2x2x1000x16xf32, #tpu.memory_space<vmem>>, vector<1x1x1000x16xf32>
    %get3A_36 = vector.shape_cast %get3A_35 : vector<1x1x1000x16xf32> to vector<1000x16xf32>
    %reduce_max3A_37 = arith.constant dense<0xFF800000> : vector<1000xf32>
    %reduce_max3A_38 = vector.multi_reduction <maximumf>, %get3A_36, %reduce_max3A_37 [1] : vector<1000x16xf32> to vector<1000xf32>
    %broadcast_in_dim3A_39 = vector.shape_cast %reduce_max3A_38 : vector<1000xf32> to vector<1000x1xf32>
    %add3A = arith.addf %broadcast_in_dim3A, %broadcast_in_dim3A_39 : vector<1000x1xf32>
    %get3A_40 = arith.constant 0 : index
    %get3A_41 = arith.constant 1 : index
    %get3A_42 = arith.constant 0 : index
    %get3A_43 = arith.constant 0 : index
    %get3A_44 = vector.load %arg3[%get3A_40, %get3A_41, %get3A_42, %get3A_43] : memref<2x2x1000x16xf32, #tpu.memory_space<vmem>>, vector<1x1x1000x16xf32>
    %get3A_45 = vector.shape_cast %get3A_44 : vector<1x1x1000x16xf32> to vector<1000x16xf32>
    %reduce_max3A_46 = arith.constant dense<0xFF800000> : vector<1000xf32>
    %reduce_max3A_47 = vector.multi_reduction <maximumf>, %get3A_45, %reduce_max3A_46 [1] : vector<1000x16xf32> to vector<1000xf32>
    %broadcast_in_dim3A_48 = vector.shape_cast %reduce_max3A_47 : vector<1000xf32> to vector<1000x1xf32>
    %get3A_49 = arith.constant 1 : index
    %get3A_50 = arith.constant 1 : index
    %get3A_51 = arith.constant 0 : index
    %get3A_52 = arith.constant 0 : index
    %get3A_53 = vector.load %arg3[%get3A_49, %get3A_50, %get3A_51, %get3A_52] : memref<2x2x1000x16xf32, #tpu.memory_space<vmem>>, vector<1x1x1000x16xf32>
    %get3A_54 = vector.shape_cast %get3A_53 : vector<1x1x1000x16xf32> to vector<1000x16xf32>
    %reduce_max3A_55 = arith.constant dense<0xFF800000> : vector<1000xf32>
    %reduce_max3A_56 = vector.multi_reduction <maximumf>, %get3A_54, %reduce_max3A_55 [1] : vector<1000x16xf32> to vector<1000xf32>
    %broadcast_in_dim3A_57 = vector.shape_cast %reduce_max3A_56 : vector<1000xf32> to vector<1000x1xf32>
    %add3A_58 = arith.addf %broadcast_in_dim3A_48, %broadcast_in_dim3A_57 : vector<1000x1xf32>
    %max3A = arith.constant 1.000000e+00 : f32
    %max3A_59 = vector.broadcast %max3A : f32 to vector<1000x1xf32>
    %max3A_60 = arith.maximumf %add3A, %max3A_59 : vector<1000x1xf32>
    %div3A = arith.constant 1.000000e+00 : f32
    %div3A_61 = vector.broadcast %div3A : f32 to vector<1000x1xf32>
    %div3A_62 = arith.divf %div3A_61, %max3A_60 : vector<1000x1xf32>
    %max3A_63 = arith.constant 1.000000e+00 : f32
    %max3A_64 = vector.broadcast %max3A_63 : f32 to vector<1000x1xf32>
    %max3A_65 = arith.maximumf %add3A_58, %max3A_64 : vector<1000x1xf32>
    %div3A_66 = arith.constant 1.000000e+00 : f32
    %div3A_67 = vector.broadcast %div3A_66 : f32 to vector<1000x1xf32>
    %div3A_68 = arith.divf %div3A_67, %max3A_65 : vector<1000x1xf32>
    %get3A_69 = arith.constant 0 : index
    %get3A_70 = arith.constant 0 : index
    %get3A_71 = vector.load %arg1[%get3A_69, %get3A_70] : memref<1000x160xf32, #tpu.memory_space<vmem>>, vector<1000x160xf32>
    %get3A_72 = arith.constant 0 : index
    %get3A_73 = arith.constant 0 : index
    %get3A_74 = vector.load %arg4[%get3A_72, %get3A_73] : memref<160x160xf32, #tpu.memory_space<vmem>>, vector<160x160xf32>
    %dot_general3A = arith.constant dense<0.000000e+00> : vector<1000x160xf32>
    %dot_general3A_75 = tpu.matmul %get3A_71, %get3A_74, %dot_general3A {dimension_numbers = #tpu.dot_dimension_numbers<[1], [0], [0], [1], [0, 0, 1, 1], [], []>, transpose_lhs_hint = false} : vector<1000x160xf32>, vector<160x160xf32>, vector<1000x160xf32> -> vector<1000x160xf32>
    %get3A_76 = arith.constant 0 : index
    %get3A_77 = arith.constant 0 : index
    %get3A_78 = vector.load %arg7[%get3A_76, %get3A_77] : memref<1x160xf32, #tpu.memory_space<vmem>>, vector<1x160xf32>
    %add3A_79 = vector.broadcast %get3A_78 : vector<1x160xf32> to vector<1000x160xf32>
    %add3A_80 = arith.addf %dot_general3A_75, %add3A_79 : vector<1000x160xf32>
    %get3A_81 = arith.constant 0 : index
    %get3A_82 = arith.constant 0 : index
    %get3A_83 = vector.load %arg5[%get3A_81, %get3A_82] : memref<160x160xf32, #tpu.memory_space<vmem>>, vector<160x160xf32>
    %dot_general3A_84 = arith.constant dense<0.000000e+00> : vector<1000x160xf32>
    %dot_general3A_85 = tpu.matmul %concatenate3A, %get3A_83, %dot_general3A_84 {dimension_numbers = #tpu.dot_dimension_numbers<[1], [0], [0], [1], [0, 0, 1, 1], [], []>, transpose_lhs_hint = false} : vector<1000x160xf32>, vector<160x160xf32>, vector<1000x160xf32> -> vector<1000x160xf32>
    %mul3A = vector.broadcast %div3A_62 : vector<1000x1xf32> to vector<1000x160xf32>
    %mul3A_86 = arith.mulf %dot_general3A_85, %mul3A : vector<1000x160xf32>
    %add3A_87 = arith.addf %add3A_80, %mul3A_86 : vector<1000x160xf32>
    %get3A_88 = arith.constant 0 : index
    %get3A_89 = arith.constant 0 : index
    %get3A_90 = vector.load %arg6[%get3A_88, %get3A_89] : memref<160x160xf32, #tpu.memory_space<vmem>>, vector<160x160xf32>
    %dot_general3A_91 = arith.constant dense<0.000000e+00> : vector<1000x160xf32>
    %dot_general3A_92 = tpu.matmul %concatenate3A_23, %get3A_90, %dot_general3A_91 {dimension_numbers = #tpu.dot_dimension_numbers<[1], [0], [0], [1], [0, 0, 1, 1], [], []>, transpose_lhs_hint = false} : vector<1000x160xf32>, vector<160x160xf32>, vector<1000x160xf32> -> vector<1000x160xf32>
    %mul3A_93 = vector.broadcast %div3A_68 : vector<1000x1xf32> to vector<1000x160xf32>
    %mul3A_94 = arith.mulf %dot_general3A_92, %mul3A_93 : vector<1000x160xf32>
    %add3A_95 = arith.addf %add3A_87, %mul3A_94 : vector<1000x160xf32>
    %get3A_96 = arith.constant 0 : index
    %get3A_97 = arith.constant 0 : index
    %get3A_98 = vector.load %arg8[%get3A_96, %get3A_97] : memref<160x80xf32, #tpu.memory_space<vmem>>, vector<160x80xf32>
    %dot_general3A_99 = arith.constant dense<0.000000e+00> : vector<1000x80xf32>
    %dot_general3A_100 = tpu.matmul %add3A_95, %get3A_98, %dot_general3A_99 {dimension_numbers = #tpu.dot_dimension_numbers<[1], [0], [0], [1], [0, 0, 1, 1], [], []>, transpose_lhs_hint = false} : vector<1000x160xf32>, vector<160x80xf32>, vector<1000x80xf32> -> vector<1000x80xf32>
    %get3A_101 = arith.constant 0 : index
    %get3A_102 = arith.constant 0 : index
    %get3A_103 = vector.load %arg9[%get3A_101, %get3A_102] : memref<1x80xf32, #tpu.memory_space<vmem>>, vector<1x80xf32>
    %add3A_104 = vector.broadcast %get3A_103 : vector<1x80xf32> to vector<1000x80xf32>
    %add3A_105 = arith.addf %dot_general3A_100, %add3A_104 : vector<1000x80xf32>
    %ge3A = arith.constant 0.000000e+00 : f32
    %ge3A_106 = vector.broadcast %ge3A : f32 to vector<1000x80xf32>
    %ge3A_107 = arith.cmpf oge, %add3A_105, %ge3A_106 : vector<1000x80xf32>
    %mul3A_108 = arith.constant 0.00999999977 : f32
    %mul3A_109 = vector.broadcast %mul3A_108 : f32 to vector<1000x80xf32>
    %mul3A_110 = arith.mulf %mul3A_109, %add3A_105 : vector<1000x80xf32>
    %select_n3A = arith.select %ge3A_107, %add3A_105, %mul3A_110 : vector<1000x80xi1>, vector<1000x80xf32>
    %swap3A = arith.constant 0 : index
    %swap3A_111 = arith.constant 0 : index
    %swap3A_112 = vector.load %arg13[%swap3A, %swap3A_111] : memref<1000x80xf32, #tpu.memory_space<vmem>>, vector<1000x80xf32>
    tpu.vector_store %arg13[%swap3A, %swap3A_111], %select_n3A {strides = array<i32>} : memref<1000x80xf32, #tpu.memory_space<vmem>>, vector<1000x80xf32>,
    %get3A_113 = arith.constant 0 : index
    %get3A_114 = arith.constant 0 : index
    %get3A_115 = vector.load %arg10[%get3A_113, %get3A_114] : memref<80x2xf32, #tpu.memory_space<vmem>>, vector<80x2xf32>
    %dot_general3A_116 = arith.constant dense<0.000000e+00> : vector<1000x2xf32>
    %dot_general3A_117 = tpu.matmul %select_n3A, %get3A_115, %dot_general3A_116 {dimension_numbers = #tpu.dot_dimension_numbers<[1], [0], [0], [1], [0, 0, 1, 1], [], []>, transpose_lhs_hint = false} : vector<1000x80xf32>, vector<80x2xf32>, vector<1000x2xf32> -> vector<1000x2xf32>
    %get3A_118 = arith.constant 0 : index
    %get3A_119 = arith.constant 0 : index
    %get3A_120 = vector.load %arg11[%get3A_118, %get3A_119] : memref<1x2xf32, #tpu.memory_space<vmem>>, vector<1x2xf32>
    %add3A_121 = vector.broadcast %get3A_120 : vector<1x2xf32> to vector<1000x2xf32>
    %add3A_122 = arith.addf %dot_general3A_117, %add3A_121 : vector<1000x2xf32>
    %swap3A_123 = arith.constant 0 : index
    %swap3A_124 = arith.constant 0 : index
    %swap3A_125 = vector.load %arg12[%swap3A_123, %swap3A_124] : memref<1000x2xf32, #tpu.memory_space<vmem>>, vector<1000x2xf32>
    tpu.vector_store %arg12[%swap3A_123, %swap3A_124], %add3A_122 {strides = array<i32>} : memref<1000x2xf32, #tpu.memory_space<vmem>>, vector<1000x2xf32>,
    return
  }
  func.func @transform_0(%arg0: i32) -> (i32, i32) {
    %c0_i32 = arith.constant 0 : i32
    %c0_i32_0 = arith.constant 0 : i32
    return %arg0, %c0_i32 : i32, i32
  }
  func.func @transform_1(%arg0: i32) -> (i32, i32, i32, i32) {
    %c0_i32 = arith.constant 0 : i32
    %c0_i32_0 = arith.constant 0 : i32
    %c0_i32_1 = arith.constant 0 : i32
    %c0_i32_2 = arith.constant 0 : i32
    return %c0_i32, %c0_i32_0, %arg0, %c0_i32_1 : i32, i32, i32, i32
  }
  func.func @transform_2(%arg0: i32) -> (i32, i32, i32, i32) {
    %c0_i32 = arith.constant 0 : i32
    %c0_i32_0 = arith.constant 0 : i32
    %c0_i32_1 = arith.constant 0 : i32
    %c0_i32_2 = arith.constant 0 : i32
    return %c0_i32, %c0_i32_0, %arg0, %c0_i32_1 : i32, i32, i32, i32
  }
  func.func @transform_3(%arg0: i32) -> (i32, i32) {
    %c0_i32 = arith.constant 0 : i32
    %c0_i32_0 = arith.constant 0 : i32
    %c0_i32_1 = arith.constant 0 : i32
    return %c0_i32, %c0_i32_0 : i32, i32
  }
  func.func @transform_4(%arg0: i32) -> (i32, i32) {
    %c0_i32 = arith.constant 0 : i32
    %c0_i32_0 = arith.constant 0 : i32
    %c0_i32_1 = arith.constant 0 : i32
    return %c0_i32, %c0_i32_0 : i32, i32
  }
  func.func @transform_5(%arg0: i32) -> (i32, i32) {
    %c0_i32 = arith.constant 0 : i32
    %c0_i32_0 = arith.constant 0 : i32
    %c0_i32_1 = arith.constant 0 : i32
    return %c0_i32, %c0_i32_0 : i32, i32
  }
  func.func @transform_6(%arg0: i32) -> (i32, i32) {
    %c0_i32 = arith.constant 0 : i32
    %c0_i32_0 = arith.constant 0 : i32
    %c0_i32_1 = arith.constant 0 : i32
    return %c0_i32, %c0_i32_0 : i32, i32
  }
  func.func @transform_7(%arg0: i32) -> (i32, i32) {
    %c0_i32 = arith.constant 0 : i32
    %c0_i32_0 = arith.constant 0 : i32
    %c0_i32_1 = arith.constant 0 : i32
    return %c0_i32, %c0_i32_0 : i32, i32
  }
  func.func @transform_8(%arg0: i32) -> (i32, i32) {
    %c0_i32 = arith.constant 0 : i32
    %c0_i32_0 = arith.constant 0 : i32
    %c0_i32_1 = arith.constant 0 : i32
    return %c0_i32, %c0_i32_0 : i32, i32
  }
  func.func @transform_9(%arg0: i32) -> (i32, i32) {
    %c0_i32 = arith.constant 0 : i32
    %c0_i32_0 = arith.constant 0 : i32
    %c0_i32_1 = arith.constant 0 : i32
    return %c0_i32, %c0_i32_0 : i32, i32
  }
  func.func @transform_10(%arg0: i32) -> (i32, i32) {
    %c0_i32 = arith.constant 0 : i32
    %c0_i32_0 = arith.constant 0 : i32
    %c0_i32_1 = arith.constant 0 : i32
    return %c0_i32, %c0_i32_0 : i32, i32
  }
  func.func @transform_11(%arg0: i32) -> (i32, i32) {
    %c0_i32 = arith.constant 0 : i32
    %c0_i32_0 = arith.constant 0 : i32
    return %arg0, %c0_i32 : i32, i32
  }
  func.func @transform_12(%arg0: i32) -> (i32, i32) {
    %c0_i32 = arith.constant 0 : i32
    %c0_i32_0 = arith.constant 0 : i32
    return %arg0, %c0_i32 : i32, i32
  }
}

</mosaic_0001>

<sc_bundles>
// kernel: kernel.11.cloned.1.call-start
scs
__scs_entry_jumppad:
0x0: {  	(pc) =	sbr.rel $0x88, $3  }
0x1: {  	(tag) =	ssettag $0x0;
	lr =	simm.s32 $0x1  }
0x2: {  	[smem:$0x3F84] =	sst lr;
	_ =	strace $0xD0000000  }
0x3: {  	_ = 	snop  }
0x4: {  	_ = 	snop  }
0x5: {  	_ = 	snop  }
0x6: {  	_ = 	snop  }
0x7: {  	_ = 	snop  }
__scs_overlays_trampoline_lowered:
0x8: {  	[smem:$0x3F93] =	sst s0  }
0x9: {  	[smem:$0x3F94] =	sst s1  }
0xa: {  	[smem:$0x3F95] =	sst s2  }
0xb: {  	[smem:$0x3F96] =	sst s3  }
0xc: {  	[smem:$0x3F97] =	sst s4  }
0xd: {  	[smem:$0x3F98] =	sst s5  }
0xe: {  	[smem:$0x3F99] =	sst s6  }
0xf: {  	[smem:$0x3F9A] =	sst s7  }
0x10: {  	[smem:$0x3F9B] =	sst s8  }
0x11: {  	[smem:$0x3F9C] =	sst s9;
	s0 =	simm.s32 @!p0 $0x0  }
0x12: {  	s1 =	sld [smem:$0x3F82];
	s0 =	simm.s32 @p0 $0x1  }
0x13: {  	[smem:$0x3F9D] =	sst s0;
	s0 =	simm.s32 @!p1 $0x0  }
0x14: {  	s2 =	sld [smem:$0x3F81];
	s0 =	simm.s32 @p1 $0x1  }
0x15: {  	[smem:$0x3F9E] =	sst s0;
	s0 =	simm.s32 @!p2 $0x0  }
0x16: {  	s3 =	sld [smem:$0x3FDB];
	s0 =	simm.s32 @p2 $0x1  }
0x17: {  	s4 =	simm.s32 $0x1BF5;
	[smem:$0x3FA0] =	sst s0  }
0x18: {  	s0 =	sld [smem:$0x3F83];
	_ =	swait.ge [sflag:s4], $0x0  }
0x19: {  	s7 =	sld [smem:$0x3F84]  }
0x1a: {  	s8 =	sadd.s32 $0xFFFFE003, lr  }
0x1b: {  	s9 =	sadd.s32 $0xFFFFFEF7, lr;
	s5 =	simm.s32 $0xFFFFFFFF;
	p2 =	slt.u32 s8, $0xFFFFF086  }
0x1c: {  	p1 =	slt.u32 s9, $0xF7A;
	s5 =	simm.s32 @!p2 $0x0  }
0x1d: {  	s5 =	simm.s32 @p1 $0x1;
	p0 =	seq.s32 s7, s2  }
0x1e: {  	s7 =	smul.u32 @!p0 $0xF7A, s2;
	p2 =	seq.s32 @!p0 s5, $0x0  }
0x1f: {  	s9 =	smul.u32 $0xF7A, s1;
	s8 =	simm.s32 @!p0 $0x1BF5;
	p2 =	por !p2, p0  }
0x20: {  	[sflag:s8] =	ssyncset.s32 @!p0 $0xFFFFF086;
	s6 =	sadd.s32 @!p0 s3, s7;
	s7 =	simm.s32 @!p0 $0x108  }
0x21: {  	s3 =	sadd.s32 s3, s9;
	s6 =	sadd.s32 @!p0 $0x88, s6;
	s7 =	simm.s32 @p2 $0x1082  }
0x22: {  	[simem:s7], [sflag:s8] =	dma.local @!p0 [hbm:s6], $0xF7A  }
0x23: {  	s9 =	sor.u32 $0xD0000000, s2;
	s6 =	simm.s32 $0x108;
	_ =	swait.ge @!p0 [sflag:s8], $0x0  }
0x24: {  	s3 =	sadd.s32 $0x88, s3;
	s6 =	simm.s32 @!p1 $0x1082;
	[sflag:s4] =	ssyncset.s32 $0xFFFFF086  }
0x25: {  	[simem:s6], [sflag:s4] =	dma.local [hbm:s3], $0xF7A  }
0x26: {  	[smem:$0x3F84] =	sst s1;
	(tag) =	ssettag s2;
	_ =	strace s9  }
0x27: {  	s1 =	sld [smem:$0x3F94]  }
0x28: {  	s2 =	sld [smem:$0x3F95]  }
0x29: {  	s4 =	sld [smem:$0x3F97]  }
0x2a: {  	p0 =	seq.s32 s5, $0x0;
	s5 =	sld [smem:$0x3F98]  }
0x2b: {  	s6 =	sld [smem:$0x3F99]  }
0x2c: {  	s7 =	sld [smem:$0x3F9A]  }
0x2d: {  	s3 =	simm.s32 $0x108;
	s8 =	sld [smem:$0x3F9B]  }
0x2e: {  	s3 =	simm.s32 @!p0 $0x1082;
	s9 =	sld [smem:$0x3F9C]  }
0x2f: {  	lr =	sadd.s32 s0, s3;
	s0 =	sld [smem:$0x3F93]  }
0x30: {  	s3 =	sld [smem:$0x3F96]  }
0x31: {  	[smem:$0x3F9F] =	sst s10  }
0x32: {  	s10 =	sld [smem:$0x3F9D];
	_ =	sdelay $0x3  }
0x33: {  	p0 =	seq.s32 s10, $0x1;
	s10 =	sld [smem:$0x3F9F];
	_ =	sdelay $0x3  }
0x34: {  	[smem:$0x3F9F] =	sst s10  }
0x35: {  	s10 =	sld [smem:$0x3F9E];
	_ =	sdelay $0x3  }
0x36: {  	p1 =	seq.s32 s10, $0x1;
	s10 =	sld [smem:$0x3F9F];
	_ =	sdelay $0x3  }
0x37: {  	[smem:$0x3F9F] =	sst s10  }
0x38: {  	s10 =	sld [smem:$0x3FA0]  }
0x39: {  	_ = 	snop;
	(pc) =	sbr.ind lr, $3  }
0x3a: {  	_ = 	snop  }
0x3b: {  	_ = 	snop  }
0x3c: {  	p2 =	seq.s32 s10, $0x1;
	s10 =	sld [smem:$0x3F9F]  }
0x3d: {  	_ =	shalt  }
0x3e: {  	_ =	shalt  }
0x3f: {  	_ =	shalt  }
0x40: {  	_ =	shalt  }
0x41: {  	_ =	shalt  }
0x42: {  	_ =	shalt  }
0x43: {  	_ =	shalt  }
0x44: {  	_ =	shalt  }
0x45: {  	_ =	shalt  }
0x46: {  	_ =	shalt  }
0x47: {  	_ =	shalt  }
0x48: {  	_ =	shalt  }
0x49: {  	_ =	shalt  }
0x4a: {  	_ =	shalt  }
0x4b: {  	_ =	shalt  }
0x4c: {  	_ =	shalt  }
0x4d: {  	_ =	shalt  }
0x4e: {  	_ =	shalt  }
0x4f: {  	_ =	shalt  }
0x50: {  	_ =	shalt  }
0x51: {  	_ =	shalt  }
0x52: {  	_ =	shalt  }
0x53: {  	_ =	shalt  }
0x54: {  	_ =	shalt  }
0x55: {  	_ =	shalt  }
0x56: {  	_ =	shalt  }
0x57: {  	_ =	shalt  }
0x58: {  	_ =	shalt  }
0x59: {  	_ =	shalt  }
0x5a: {  	_ =	shalt  }
0x5b: {  	_ =	shalt  }
0x5c: {  	_ =	shalt  }
0x5d: {  	_ =	shalt  }
0x5e: {  	_ =	shalt  }
0x5f: {  	_ =	shalt  }
0x60: {  	_ =	shalt  }
0x61: {  	_ =	shalt  }
0x62: {  	_ =	shalt  }
0x63: {  	_ =	shalt  }
0x64: {  	_ =	shalt  }
0x65: {  	_ =	shalt  }
0x66: {  	_ =	shalt  }
0x67: {  	_ =	shalt  }
0x68: {  	_ =	shalt  }
0x69: {  	_ =	shalt  }
0x6a: {  	_ =	shalt  }
0x6b: {  	_ =	shalt  }
0x6c: {  	_ =	shalt  }
0x6d: {  	_ =	shalt  }
0x6e: {  	_ =	shalt  }
0x6f: {  	_ =	shalt  }
0x70: {  	_ =	shalt  }
0x71: {  	_ =	shalt  }
0x72: {  	_ =	shalt  }
0x73: {  	_ =	shalt  }
0x74: {  	_ =	shalt  }
0x75: {  	_ =	shalt  }
0x76: {  	_ =	shalt  }
0x77: {  	_ =	shalt  }
0x78: {  	_ =	shalt  }
0x79: {  	_ =	shalt  }
0x7a: {  	_ =	shalt  }
0x7b: {  	_ =	shalt  }
0x7c: {  	_ =	shalt  }
0x7d: {  	_ =	shalt  }
0x7e: {  	_ =	shalt  }
0x7f: {  	_ =	shalt  }
0x80: {  	_ =	shalt  }
0x81: {  	_ =	shalt  }
0x82: {  	_ =	shalt  }
0x83: {  	_ =	shalt  }
0x84: {  	_ =	shalt  }
0x85: {  	_ =	shalt  }
0x86: {  	_ =	shalt  }
0x87: {  	_ =	shalt  }
.Lfunc_end0:
.L_simem_size_0:
called_computation.1_lowered:
.L_overlay_start_0:
0x88: {  	s2 =	sld [smem:$0x3FD9]  }
0x89: {  	s3 =	sld [smem:$0x3FFE];
	_ =	sdelay $0x1  }
0x8a: {  	s1 =	srdreg.scid  }
0x8b: {  	s0 =	sand.u32 $0x1, s1  }
0x8c: {  	s14 =	sshll.u32 s0, $0xA;
	s2 =	sadd.s32 s3, s2  }
0x8d: {  	s2 =	sadd.s32 s2, s14  }
0x8e: {  	[smem:$0x3FAB] =	sst s2  }
0x8f: {  	_ = 	snop  }
0x90: {  	s2 =	sld [smem:$0x3FD0];
	_ =	sdelay $0x2  }
0x91: {  	s15 =	simm.s32 $0xB;
	s4 =	simm.s32 $0x10  }
0x92: {  	[smem:s4], [sflag:s15] =	dma.local [hbm:s2], $0x1  }
0x93: {  	_ =	swait.eq [sflag:s15], $0x1  }
0x94: {  	[sflag:s15] =	ssyncset.done $0x0  }
0x95: {  	[sflag:s15] =	ssyncadd.s32 $0xFFFFFFFF  }
0x96: {  	s16 =	sld [smem:$0x11];
	(tm) =	ssettm $0x1  }
0x97: {  	s17 =	sld [smem:$0x3FFB];
	_ =	sdelay $0x3  }
0x98: {  	_ =	strace s17  }
0x99: {  	s3 =	sld [smem:$0x3FFC];
	_ =	sdelay $0x3  }
0x9a: {  	_ =	strace s3  }
0x9b: {  	s3 =	sld [smem:$0x3FFD];
	_ =	sdelay $0x3  }
0x9c: {  	_ =	strace s3  }
0x9d: {  	_ =	strace $0x8FFFFFFF  }
0x9e: {  	s18 =	sld [smem:$0x3FDB];
	_ =	sdelay $0x1  }
0x9f: {  	s19 =	simm.s32 $_scs_section_size  }
0xa0: {  	s5 =	simm.s32 $_size__tile_overlayer_lowered;
	s6 =	simm.s32 $_tile_overlayer_lowered  }
0xa1: {  	s22 =	simm.s32 $0x1BFF;
	s21 =	sshll.u32 s6, $0x1;
	s3 =	sadd.s32 s19, s18  }
0xa2: {  	s7 =	simm.s32 $0x0;
	s20 =	sshll.u32 s5, $0x1;
	s5 =	sadd.s32 s21, s3  }
0xa3: {  	[timem:s7], [sflag:s22] =	dma.local [hbm:s5], s20  }
0xa4: {  	_ =	swait.ge [sflag:s22], s20  }
0xa5: {  	s4 =	ssub.s32 $0x0, s20;
	[sflag:s22] =	ssyncset.done $0x0  }
0xa6: {  	[sflag:s22] =	ssyncadd.s32 s4;
	_ =	sdelay $0x1  }
0xa7: {  	s23 =	simm.s32 $0x1B8B  }
0xa8: {  	_ =	swait.ge [sflag:s23], $0x1  }
0xa9: {  	[sflag:s23] =	ssyncset.done $0x0  }
0xaa: {  	s25 =	simm.s32 $0x1B8E;
	s24 =	sld [smem:$0x3FFE];
	[sflag:s23] =	ssyncadd.s32 $0xFFFFFFFF  }
0xab: {  	s26 =	simm.s32 $execute0_lowered;
	[smem:$0x3FD2] =	sst s25  }
0xac: {  	s5 =	sshll.u32 s26, $0x1;
	_ =	strace $0x80000046;
	[dreg:$0x1] =	wrdreg $0xFFFFFFFF  }
0xad: {  	s28 =	simm.s32 $_size_execute0_lowered;
	s3 =	sadd.s32 s3, s5;
	[dreg:$0x0] =	wrdreg $0x0  }
0xae: {  	s5 =	sshll.u32 s28, $0x1;
	[dreg:$0x2] =	wrdreg s3  }
0xaf: {  	[dreg:$0x3] =	wrdreg s5  }
0xb0: {  	[dreg:$0x4] =	wrdreg $0xC0  }
0xb1: {  	_ =	task [dreg:s7], $0x5FFFF  }
0xb2: {  	[dreg:$0x1] =	wrdreg $0xFFFFFFFF  }
0xb3: {  	[dreg:$0x0] =	wrdreg $0x60  }
0xb4: {  	[dreg:$0x2] =	wrdreg s24  }
0xb5: {  	[dreg:$0x3] =	wrdreg s16  }
0xb6: {  	[dreg:$0x4] =	wrdreg $0x0  }
0xb7: {  	[dreg:$0x5] =	wrdreg $0xA  }
0xb8: {  	_ =	task.clear_ibuf [dreg:s7], $0x6FFFF;
	_ =	strace $0x90000046  }
0xb9: {  	s29 =	simm.s32 $0xA;
	_ =	strace $0x80000048  }
0xba: {  	_ =	swait.ge [sflag:s29], $0x1  }
0xbb: {  	[sflag:s29] =	ssyncadd.s32 $0xFFFFFFFF  }
0xbc: {  	_ =	strace $0x90000048  }
0xbd: {  	_ =	sfence  }
0xbe: {  	s30 =	sld [smem:$0x0];
	_ =	sdelay $0x2  }
0xbf: {  	s31 =	sshll.u32 s1, $0xD;
	s1 =	sshrl.u32 s1, $0x2  }
0xc0: {  	s3 =	sand.u32 $0x4000, s31;
	s1 =	sadd.s32 s1, s30  }
0xc1: {  	s0 =	sor.u32 s3, s0;
	s1 =	sshll.u32 s1, $0x11  }
0xc2: {  	s0 =	sor.u32 s1, s0  }
0xc3: {  	s0 =	sadd.s32 $0x8F2B, s0  }
0xc4: {  	[sflag:s0] =	ssyncadd.remote.s32 $0x1  }
0xc5: {  	_ =	sfence.sel $0xFFFF  }
0xc6: {  	[dreg:$0x0] =	wrdreg $0xFFFFFFFF;
	(pc) =	sbr.abs _section_cstart, $3  }
0xc7: {  	[dreg:$0x1] =	wrdreg $0xFFFFFFFF  }
0xc8: {  	_ =	task.clear_ibuf [dreg:s7], $0x2FFFF;
	_ =	strace $0x9FFFFFFF  }
0xc9: {  	(tm) =	ssettm $0x7FFFFFFF  }
tec
execute0_lowered:
.L_overlay_start_1:
0x0: {  	(tag) =	ssettag $0x1  }
0x1: {  	s4 =	rddreg [dreg:$0x0];
	s0 =	srdreg.scid  }
0x2: {  	s1 =	rddreg [dreg:$0x1];
	s25 =	stileid.u32;
	s3 =	sand.u32 $0x1, s0  }
0x3: {  	s2 =	simm.s32 $0x0;
	s7 =	smul.u32 $0x186A0, s25;
	s5 =	ssub.s32 $0x2, s3  }
0x4: {  	[smem:$0x7FF] =	sst s2;
	s0 =	smul.u32 $0x30D40, s3;
	s6 =	sshrl.u32 s5, $0x1  }
0x5: {  	s9 =	sadd.s32 $0x4E20, s7;
	s10 =	sshrl.u32 s7, $0x3;
	s14 =	sadd.s32 $0x7530, s7  }
0x6: {  	s18 =	sadd.s32 $0x9C40, s7;
	s19 =	sadd.s32 $0xC350, s7;
	s20 =	sadd.s32 $0xEA60, s7  }
0x7: {  	s21 =	sadd.s32 $0x11170, s7;
	s22 =	sadd.s32 $0x13880, s7;
	s8 =	sadd.s32 s0, s4  }
0x8: {  	s0 =	ssub.s32 s5, s6;
	s5 =	smul.u32 $0x61A80, s25;
	s6 =	sadd.s32 $0x3E800, s8  }
0x9: {  	s12 =	sshrl.u32 s9, $0x3;
	s13 =	sshrl.u32 s14, $0x3;
	s10 =	sadd.s32 s10, s6  }
0xa: {  	s15 =	sshrl.u32 s18, $0x3;
	s12 =	sadd.s32 s12, s6;
	[dreg:$0x4] =	wrdreg s10  }
0xb: {  	s16 =	sshrl.u32 s19, $0x3;
	s13 =	sadd.s32 s13, s6;
	[dreg:$0x6] =	wrdreg s12  }
0xc: {  	s17 =	sshrl.u32 s20, $0x3;
	s15 =	sadd.s32 s15, s6;
	[dreg:$0x7] =	wrdreg s13  }
0xd: {  	s23 =	sshrl.u32 s21, $0x3;
	s16 =	sadd.s32 s16, s6;
	[dreg:$0x8] =	wrdreg s15  }
0xe: {  	s24 =	sshrl.u32 s22, $0x3;
	s17 =	sadd.s32 s17, s6;
	[dreg:$0x9] =	wrdreg s16  }
0xf: {  	s8 =	sadd.s32 $0x2710, s7;
	s23 =	sadd.s32 s23, s6;
	[dreg:$0xa] =	wrdreg s17  }
0x10: {  	s11 =	sshrl.u32 s8, $0x3;
	s24 =	sadd.s32 s24, s6;
	[dreg:$0xb] =	wrdreg s23  }
0x11: {  	s5 =	sshrl.u32 s5, $0x2;
	s10 =	sadd.s32 $0x15F90, s7;
	[dreg:$0xc] =	wrdreg s24  }
0x12: {  	s11 =	sadd.s32 s11, s6;
	s13 =	rddreg [dreg:$0x2];
	s26 =	sshrl.u32 s10, $0x3  }
0x13: {  	[dreg:$0x5] =	wrdreg s11;
	s5 =	sadd.s32 s5, s13;
	s6 =	sadd.s32 s26, s6  }
0x14: {  	s17 =	sadd.s32 s7, s13;
	[dreg:$0xd] =	wrdreg s6;
	s6 =	sadd.s32 $0x1900, s5  }
0x15: {  	s7 =	sadd.s32 $0x3200, s5;
	_ =	strace $0x80000047;
	[dreg:$0xf] =	wrdreg s6  }
0x16: {  	s11 =	sadd.s32 $0x4B00, s5;
	[dreg:$0x10] =	wrdreg s7  }
0x17: {  	s12 =	sadd.s32 $0x6400, s5;
	[dreg:$0x11] =	wrdreg s11  }
0x18: {  	s23 =	sadd.s32 $0x7D00, s5;
	[dreg:$0x12] =	wrdreg s12  }
0x19: {  	s24 =	sadd.s32 $0x9600, s5;
	[dreg:$0x13] =	wrdreg s23  }
0x1a: {  	s26 =	sadd.s32 $0xAF00, s5;
	[dreg:$0x14] =	wrdreg s24  }
0x1b: {  	s0 =	smax.u32 s0, $0x1;
	[dreg:$0x15] =	wrdreg s26  }
0x1c: {  	s28 =	simm.s32 $0x18740;
	[dreg:$0x1e] =	wrdreg s0  }
0x1d: {  	s29 =	simm.s32 $0x1D7E0;
	s6 =	sadd.s32 $0xC800, s5;
	[dreg:$0xe] =	wrdreg s17  }
0x1e: {  	s30 =	simm.s32 $0x1;
	s7 =	sadd.s32 $0xE100, s5;
	[dreg:$0x16] =	wrdreg s6  }
0x1f: {  	s31 =	simm.s32 $0x2;
	s11 =	sadd.s32 $0xFA00, s5;
	[dreg:$0x17] =	wrdreg s7  }
0x20: {  	s3 =	smul.u32 $0xFA0, s3;
	s12 =	sadd.s32 $0x11300, s5;
	[dreg:$0x18] =	wrdreg s11  }
0x21: {  	s15 =	sadd.s32 $0x3C00, s4;
	s23 =	sadd.s32 $0x12C00, s5;
	[dreg:$0x19] =	wrdreg s12  }
0x22: {  	s16 =	sadd.s32 $0x34A00, s4;
	s24 =	sadd.s32 $0x14500, s5;
	[dreg:$0x1a] =	wrdreg s23  }
0x23: {  	s4 =	simm.s32 $0x195A0;
	s26 =	sadd.s32 $0x15E00, s5;
	[dreg:$0x1b] =	wrdreg s24  }
0x24: {  	s10 =	sadd.s32 s10, s13;
	s0 =	simm.s32 $0x1A450;
	[dreg:$0x1c] =	wrdreg s26  }
0x25: {  	s6 =	sadd.s32 $0x17700, s5;
	s7 =	sadd.s32 s8, s13;
	s8 =	sadd.s32 s9, s13  }
0x26: {  	s9 =	sadd.s32 s14, s13;
	s11 =	sadd.s32 s18, s13;
	s12 =	sadd.s32 s19, s13  }
0x27: {  	s23 =	sadd.s32 s20, s13;
	[dreg:$0x1d] =	wrdreg s6;
	s14 =	sshrl.u32 s7, $0x3  }
0x28: {  	s24 =	sadd.s32 s21, s13;
	s18 =	sshrl.u32 s8, $0x3;
	[dreg:$0x1f] =	wrdreg s14  }
0x29: {  	s26 =	sadd.s32 s22, s13;
	s19 =	sshrl.u32 s9, $0x3;
	[smem:$0x7F6] =	sst s18  }
0x2a: {  	s5 =	simm.s32 $0x1A4A0;
	s20 =	sshrl.u32 s11, $0x3;
	[smem:$0x7F7] =	sst s19  }
0x2b: {  	s21 =	sshrl.u32 s12, $0x3;
	s22 =	sshrl.u32 s23, $0x3;
	[smem:$0x7F8] =	sst s20  }
0x2c: {  	s23 =	sshrl.u32 s24, $0x3;
	s24 =	sshrl.u32 s26, $0x3;
	[smem:$0x7F9] =	sst s21  }
0x2d: {  	s26 =	sshrl.u32 s10, $0x3;
	s11 =	simm.s32 $0x3;
	[smem:$0x7FA] =	sst s22  }
0x2e: {  	s6 =	simm.s32 $0x195F0;
	s7 =	simm.s32 $0x1A4F0;
	[smem:$0x7FB] =	sst s23  }
0x2f: {  	s8 =	simm.s32 $0x1A540;
	s9 =	simm.s32 $0x1A590;
	[smem:$0x7FC] =	sst s24  }
0x30: {  	[smem:$0x7FD] =	sst s26;
	s19 =	smul.u32 $0xFA, s25;
	s20 =	simm.s32 $0x1A5E0  }
0x31: {  	s21 =	simm.s32 $0x4;
	s22 =	simm.s32 $0x186A0;
	s23 =	simm.s32 $0x19640  }
0x32: {  	v0 =	vimm.f32 $0.0e+00;
	s24 =	simm.s32 $0x50;
	s25 =	simm.s32 $0x186F0;
	s26 =	simm.s32 $0x1BEE0  }
.LBB2_1:
0x33: {  	s12 =	simm.s32 $0x140;
	s10 =	simm.s32 $0x0  }
.LBB2_2:
0x34: {  	p0 =	sne.s32 s12, $0x62C0;
	[tilespmem:s10+$0x1A620] =	vst v0;
	s14 =	smov.u32 s12;
	s12 =	sadd.s32 $0x140, s12  }
.Ltmp0:
0x35: {  	[tilespmem:s10+$0x1A610] =	vst v0;
	(pc) =	sbr.rel @p0 .LBB2_2-.Ltmp0, $4  }
0x36: {  	[tilespmem:s10+$0x1A600] =	vst v0  }
0x37: {  	[tilespmem:s10+$0x1A5E0] =	vst v0  }
0x38: {  	[tilespmem:s10+$0x1A5F0] =	vst v0  }
0x39: {  	s10 =	sshra.s32 s14, $0x2  }
0x3a: {  	[tilespmem:s10+$0x1A620] =	vst v0  }
0x3b: {  	[tilespmem:s10+$0x1A610] =	vst v0  }
0x3c: {  	[tilespmem:s10+$0x1A600] =	vst v0  }
0x3d: {  	[tilespmem:s10+$0x1A5E0] =	vst v0  }
0x3e: {  	[tilespmem:s10+$0x1A5F0] =	vst v0  }
0x3f: {  	[spmem:s17] =	stream.linear.scatter [tilespmem:s20], [sflag:$0x4], $0x1900, $0x38;
	[tilespmem:$0x1F0E0] =	vst v63  }
0x40: {  	_ =	swait.ge [sflag:s21], $0x1900  }
0x41: {  	[sflag:s21] =	ssyncset.done $0x0  }
0x42: {  	s14 =	rddreg [dreg:$0xf];
	[sflag:s21] =	ssyncadd.s32 $0xFFFFE700  }
0x43: {  	[spmem:s14] =	stream.linear.scatter [tilespmem:s20], [sflag:$0x4], $0x1900, $0x38;
	[tilespmem:$0x1F0E0] =	vst v63  }
0x44: {  	_ =	swait.ge [sflag:s21], $0x1900  }
0x45: {  	[sflag:s21] =	ssyncset.done $0x0  }
0x46: {  	s17 =	rddreg [dreg:$0x10];
	[sflag:s21] =	ssyncadd.s32 $0xFFFFE700  }
0x47: {  	[spmem:s17] =	stream.linear.scatter [tilespmem:s20], [sflag:$0x4], $0x1900, $0x38;
	[tilespmem:$0x1F0E0] =	vst v63  }
0x48: {  	_ =	swait.ge [sflag:s21], $0x1900  }
0x49: {  	[sflag:s21] =	ssyncset.done $0x0  }
0x4a: {  	s18 =	rddreg [dreg:$0x11];
	[sflag:s21] =	ssyncadd.s32 $0xFFFFE700  }
0x4b: {  	[spmem:s18] =	stream.linear.scatter [tilespmem:s20], [sflag:$0x4], $0x1900, $0x38;
	[tilespmem:$0x1F0E0] =	vst v63  }
0x4c: {  	_ =	swait.ge [sflag:s21], $0x1900  }
0x4d: {  	[sflag:s21] =	ssyncset.done $0x0  }
0x4e: {  	s12 =	rddreg [dreg:$0x12];
	[sflag:s21] =	ssyncadd.s32 $0xFFFFE700  }
0x4f: {  	[spmem:s12] =	stream.linear.scatter [tilespmem:s20], [sflag:$0x4], $0x1900, $0x38;
	[tilespmem:$0x1F0E0] =	vst v63  }
0x50: {  	_ =	swait.ge [sflag:s21], $0x1900  }
0x51: {  	[sflag:s21] =	ssyncset.done $0x0  }
0x52: {  	s14 =	rddreg [dreg:$0x13];
	[sflag:s21] =	ssyncadd.s32 $0xFFFFE700  }
0x53: {  	[spmem:s14] =	stream.linear.scatter [tilespmem:s20], [sflag:$0x4], $0x1900, $0x38;
	[tilespmem:$0x1F0E0] =	vst v63  }
0x54: {  	_ =	swait.ge [sflag:s21], $0x1900  }
0x55: {  	[sflag:s21] =	ssyncset.done $0x0  }
0x56: {  	s17 =	rddreg [dreg:$0x14];
	[sflag:s21] =	ssyncadd.s32 $0xFFFFE700  }
0x57: {  	[spmem:s17] =	stream.linear.scatter [tilespmem:s20], [sflag:$0x4], $0x1900, $0x38;
	[tilespmem:$0x1F0E0] =	vst v63  }
0x58: {  	_ =	swait.ge [sflag:s21], $0x1900  }
0x59: {  	[sflag:s21] =	ssyncset.done $0x0  }
0x5a: {  	s18 =	rddreg [dreg:$0x15];
	[sflag:s21] =	ssyncadd.s32 $0xFFFFE700  }
0x5b: {  	[spmem:s18] =	stream.linear.scatter [tilespmem:s20], [sflag:$0x4], $0x1900, $0x38;
	[tilespmem:$0x1F0E0] =	vst v63  }
0x5c: {  	_ =	swait.ge [sflag:s21], $0x1900  }
0x5d: {  	[sflag:s21] =	ssyncset.done $0x0  }
0x5e: {  	s12 =	rddreg [dreg:$0x16];
	[sflag:s21] =	ssyncadd.s32 $0xFFFFE700  }
0x5f: {  	[spmem:s12] =	stream.linear.scatter [tilespmem:s20], [sflag:$0x4], $0x1900, $0x38;
	[tilespmem:$0x1F0E0] =	vst v63  }
0x60: {  	_ =	swait.ge [sflag:s21], $0x1900  }
0x61: {  	[sflag:s21] =	ssyncset.done $0x0  }
0x62: {  	s14 =	rddreg [dreg:$0x17];
	[sflag:s21] =	ssyncadd.s32 $0xFFFFE700  }
0x63: {  	[spmem:s14] =	stream.linear.scatter [tilespmem:s20], [sflag:$0x4], $0x1900, $0x38;
	[tilespmem:$0x1F0E0] =	vst v63  }
0x64: {  	_ =	swait.ge [sflag:s21], $0x1900  }
0x65: {  	[sflag:s21] =	ssyncset.done $0x0  }
0x66: {  	s17 =	rddreg [dreg:$0x18];
	[sflag:s21] =	ssyncadd.s32 $0xFFFFE700  }
0x67: {  	[spmem:s17] =	stream.linear.scatter [tilespmem:s20], [sflag:$0x4], $0x1900, $0x38;
	[tilespmem:$0x1F0E0] =	vst v63  }
0x68: {  	_ =	swait.ge [sflag:s21], $0x1900  }
0x69: {  	[sflag:s21] =	ssyncset.done $0x0  }
0x6a: {  	s18 =	rddreg [dreg:$0x19];
	[sflag:s21] =	ssyncadd.s32 $0xFFFFE700  }
0x6b: {  	[spmem:s18] =	stream.linear.scatter [tilespmem:s20], [sflag:$0x4], $0x1900, $0x38;
	[tilespmem:$0x1F0E0] =	vst v63  }
0x6c: {  	_ =	swait.ge [sflag:s21], $0x1900  }
0x6d: {  	[sflag:s21] =	ssyncset.done $0x0  }
0x6e: {  	s12 =	rddreg [dreg:$0x1a];
	[sflag:s21] =	ssyncadd.s32 $0xFFFFE700  }
0x6f: {  	[spmem:s12] =	stream.linear.scatter [tilespmem:s20], [sflag:$0x4], $0x1900, $0x38;
	[tilespmem:$0x1F0E0] =	vst v63  }
0x70: {  	_ =	swait.ge [sflag:s21], $0x1900  }
0x71: {  	[sflag:s21] =	ssyncset.done $0x0  }
0x72: {  	s14 =	rddreg [dreg:$0x1b];
	[sflag:s21] =	ssyncadd.s32 $0xFFFFE700  }
0x73: {  	[spmem:s14] =	stream.linear.scatter [tilespmem:s20], [sflag:$0x4], $0x1900, $0x38;
	[tilespmem:$0x1F0E0] =	vst v63  }
0x74: {  	_ =	swait.ge [sflag:s21], $0x1900  }
0x75: {  	[sflag:s21] =	ssyncset.done $0x0  }
0x76: {  	s17 =	rddreg [dreg:$0x1c];
	[sflag:s21] =	ssyncadd.s32 $0xFFFFE700  }
0x77: {  	[spmem:s17] =	stream.linear.scatter [tilespmem:s20], [sflag:$0x4], $0x1900, $0x38;
	[tilespmem:$0x1F0E0] =	vst v63  }
0x78: {  	_ =	swait.ge [sflag:s21], $0x1900  }
0x79: {  	[sflag:s21] =	ssyncset.done $0x0  }
0x7a: {  	s18 =	rddreg [dreg:$0x1d];
	[sflag:s21] =	ssyncadd.s32 $0xFFFFE700  }
0x7b: {  	[spmem:s18] =	stream.linear.scatter [tilespmem:s20], [sflag:$0x4], $0xFA0, $0x38;
	[tilespmem:$0x1F0E0] =	vst v63  }
0x7c: {  	_ =	swait.ge [sflag:s21], $0xFA0  }
0x7d: {  	[sflag:s21] =	ssyncset.done $0x0  }
0x7e: {  	[sflag:s21] =	ssyncadd.s32 $0xFFFFF060  }
0x7f: {  	s10 =	simm.s32 $0x0;
	s12 =	simm.s32 $0x0;
	[bflag:$0x0] =	sbarrier.arrive $0xFFFF  }
.LBB2_4:
0x80: {  	s14 =	smul.u32 $0x32, s12;
	_ =	sdelay $0x1  }
0x81: {  	s14 =	sadd.s32 s19, s14  }
0x82: {  	s18 =	sadd.s32 s3, s14  }
0x83: {  	s18 =	smul.u32 $0xA, s18;
	_ =	sdelay $0x1  }
0x84: {  	s18 =	sadd.s32 s1, s18  }
0x85: {  	[tilespmem:s22], [sflag:$0x4] =	stream.linear.gather [hbm4b:s18+s10], $0xFA0, $0x38;
	[tilespmem:$0x1F0E0] =	vst v63  }
0x86: {  	s14 =	smul.u32 $0xA, s14;
	_ =	swait.ge [sflag:s21], $0xFA0  }
0x87: {  	[sflag:s21] =	ssyncset.done $0x0  }
0x88: {  	s14 =	sadd.s32 s16, s14;
	[sflag:s21] =	ssyncadd.s32 $0xFFFFF060  }
0x89: {  	[tilespmem:s23], [sflag:$0x4] =	stream.linear.gather [hbm4b:s14+s10], $0xFA0, $0x38;
	[tilespmem:$0x1F0E0] =	vst v63  }
0x8a: {  	_ =	swait.ge [sflag:s21], $0xFA0  }
0x8b: {  	[sflag:s21] =	ssyncset.done $0x0  }
0x8c: {  	[sflag:s21] =	ssyncadd.s32 $0xFFFFF060  }
0x8d: {  	[tilespmem:s20], [sflag:$0x1] =	stream.indirect.gather [hbm4b:s15+s24], $0x50, s22, s24, $0xb8;
	[tilespmem:$0x1F0E0] =	vst v63  }
0x8e: {  	_ = 	snop  }
0x8f: {  	[tilespmem:s26], [sflag:$0x2] =	stream.indirect.gather [hbm4b:s15+s24], $0x50, s25, s24, $0xb8;
	[tilespmem:$0x1F0E0] =	vst v63  }
0x90: {  	_ = 	snop  }
0x91: {  	[tilespmem:s29], [sflag:$0x3] =	stream.indirect.gather [hbm4b:s15+s24], $0x50, s28, s24, $0xb8;
	[tilespmem:$0x1F0E0] =	vst v63  }
0x92: {  	_ =	swait.ge [sflag:s30], $0x1900  }
0x93: {  	[sflag:s30] =	ssyncset.done $0x0  }
0x94: {  	s18 =	simm.s32 $0x19640;
	[sflag:s30] =	ssyncadd.s32 $0xFFFFE700  }
0x95: {  	[spmem:s13] =	stream.indirect.scatter.add.f32 [tilespmem:s20], [sflag:$0x4], $0x50, s18, s24, $0xb8;
	[tilespmem:$0x1F0E0] =	vst v63  }
0x96: {  	_ =	swait.ge [sflag:s21], $0x1900  }
0x97: {  	[sflag:s21] =	ssyncset.done $0x0  }
0x98: {  	s17 =	simm.s32 $0x18790;
	[sflag:s21] =	ssyncadd.s32 $0xFFFFE700  }
0x99: {  	[tilespmem:s20], [sflag:$0x1] =	stream.indirect.gather [hbm4b:s15+s24], $0x50, s17, s24, $0xb8;
	[tilespmem:$0x1F0E0] =	vst v63  }
0x9a: {  	_ =	swait.ge [sflag:s31], $0x1900  }
0x9b: {  	[sflag:s31] =	ssyncset.done $0x0  }
0x9c: {  	s18 =	simm.s32 $0x19690;
	[sflag:s31] =	ssyncadd.s32 $0xFFFFE700  }
0x9d: {  	[spmem:s13] =	stream.indirect.scatter.add.f32 [tilespmem:s26], [sflag:$0x4], $0x50, s18, s24, $0xb8;
	[tilespmem:$0x1F0E0] =	vst v63  }
0x9e: {  	_ =	swait.ge [sflag:s21], $0x1900  }
0x9f: {  	[sflag:s21] =	ssyncset.done $0x0  }
0xa0: {  	s17 =	simm.s32 $0x187E0;
	[sflag:s21] =	ssyncadd.s32 $0xFFFFE700  }
0xa1: {  	[tilespmem:s26], [sflag:$0x2] =	stream.indirect.gather [hbm4b:s15+s24], $0x50, s17, s24, $0xb8;
	[tilespmem:$0x1F0E0] =	vst v63  }
0xa2: {  	_ =	swait.ge [sflag:s11], $0x1900  }
0xa3: {  	[sflag:s11] =	ssyncset.done $0x0  }
0xa4: {  	s18 =	simm.s32 $0x196E0;
	[sflag:s11] =	ssyncadd.s32 $0xFFFFE700  }
0xa5: {  	[spmem:s13] =	stream.indirect.scatter.add.f32 [tilespmem:s29], [sflag:$0x4], $0x50, s18, s24, $0xb8;
	[tilespmem:$0x1F0E0] =	vst v63  }
0xa6: {  	_ =	swait.ge [sflag:s21], $0x1900  }
0xa7: {  	[sflag:s21] =	ssyncset.done $0x0  }
0xa8: {  	s14 =	simm.s32 $0x3C0;
	s18 =	simm.s32 $0x18830;
	[sflag:s21] =	ssyncadd.s32 $0xFFFFE700  }
.LBB2_5:
0xa9: {  	[tilespmem:s29], [sflag:$0x3] =	stream.indirect.gather [hbm4b:s15+s24], $0x50, s18, s24, $0xb8;
	[tilespmem:$0x1F0E0] =	vst v63  }
0xaa: {  	s18 =	smov.u32 s14  }
0xab: {  	p0 =	sne.s32 s14, $0x3480;
	s14 =	sadd.s32 $0x3C0, s14;
	_ =	swait.ge [sflag:s30], $0x1900  }
0xac: {  	s18 =	sshra.s32 s18, $0x2;
	[sflag:s30] =	ssyncset.done $0x0  }
0xad: {  	s17 =	sadd.s32 $0x19640, s18;
	[sflag:s30] =	ssyncadd.s32 $0xFFFFE700  }
0xae: {  	[spmem:s13] =	stream.indirect.scatter.add.f32 [tilespmem:s20], [sflag:$0x4], $0x50, s17, s24, $0xb8;
	[tilespmem:$0x1F0E0] =	vst v63  }
0xaf: {  	_ =	swait.ge [sflag:s21], $0x1900  }
0xb0: {  	[sflag:s21] =	ssyncset.done $0x0  }
0xb1: {  	s17 =	sadd.s32 $0x18790, s18;
	[sflag:s21] =	ssyncadd.s32 $0xFFFFE700  }
0xb2: {  	[tilespmem:s20], [sflag:$0x1] =	stream.indirect.gather [hbm4b:s15+s24], $0x50, s17, s24, $0xb8;
	[tilespmem:$0x1F0E0] =	vst v63  }
0xb3: {  	_ =	swait.ge [sflag:s31], $0x1900  }
0xb4: {  	[sflag:s31] =	ssyncset.done $0x0  }
0xb5: {  	s17 =	sadd.s32 $0x19690, s18;
	[sflag:s31] =	ssyncadd.s32 $0xFFFFE700  }
0xb6: {  	[spmem:s13] =	stream.indirect.scatter.add.f32 [tilespmem:s26], [sflag:$0x4], $0x50, s17, s24, $0xb8;
	[tilespmem:$0x1F0E0] =	vst v63  }
0xb7: {  	_ =	swait.ge [sflag:s21], $0x1900  }
0xb8: {  	[sflag:s21] =	ssyncset.done $0x0  }
0xb9: {  	s17 =	sadd.s32 $0x187E0, s18;
	[sflag:s21] =	ssyncadd.s32 $0xFFFFE700  }
0xba: {  	[tilespmem:s26], [sflag:$0x2] =	stream.indirect.gather [hbm4b:s15+s24], $0x50, s17, s24, $0xb8;
	[tilespmem:$0x1F0E0] =	vst v63  }
0xbb: {  	_ =	swait.ge [sflag:s11], $0x1900  }
0xbc: {  	[sflag:s11] =	ssyncset.done $0x0  }
.Ltmp1:
0xbd: {  	s17 =	sadd.s32 $0x196E0, s18;
	[sflag:s11] =	ssyncadd.s32 $0xFFFFE700;
	(pc) =	sbr.rel @p0 .LBB2_5-.Ltmp1, $4  }
0xbe: {  	[spmem:s13] =	stream.indirect.scatter.add.f32 [tilespmem:s29], [sflag:$0x4], $0x50, s17, s24, $0xb8;
	[tilespmem:$0x1F0E0] =	vst v63  }
0xbf: {  	_ =	swait.ge [sflag:s21], $0x1900  }
0xc0: {  	[sflag:s21] =	ssyncset.done $0x0  }
0xc1: {  	s18 =	sadd.s32 $0x18830, s18;
	[sflag:s21] =	ssyncadd.s32 $0xFFFFE700  }
0xc2: {  	[tilespmem:s29], [sflag:$0x3] =	stream.indirect.gather [hbm4b:s15+s24], $0x50, s18, s24, $0xb8;
	[tilespmem:$0x1F0E0] =	vst v63  }
0xc3: {  	_ =	swait.ge [sflag:s30], $0x1900  }
0xc4: {  	[sflag:s30] =	ssyncset.done $0x0  }
0xc5: {  	[sflag:s30] =	ssyncadd.s32 $0xFFFFE700  }
0xc6: {  	[spmem:s13] =	stream.indirect.scatter.add.f32 [tilespmem:s20], [sflag:$0x4], $0x50, s0, s24, $0xb8;
	[tilespmem:$0x1F0E0] =	vst v63  }
0xc7: {  	_ =	swait.ge [sflag:s21], $0x1900  }
0xc8: {  	[sflag:s21] =	ssyncset.done $0x0  }
0xc9: {  	[sflag:s21] =	ssyncadd.s32 $0xFFFFE700  }
0xca: {  	[tilespmem:s20], [sflag:$0x1] =	stream.indirect.gather [hbm4b:s15+s24], $0x50, s4, s24, $0xb8;
	[tilespmem:$0x1F0E0] =	vst v63  }
0xcb: {  	_ =	swait.ge [sflag:s31], $0x1900  }
0xcc: {  	[sflag:s31] =	ssyncset.done $0x0  }
0xcd: {  	[sflag:s31] =	ssyncadd.s32 $0xFFFFE700  }
0xce: {  	[spmem:s13] =	stream.indirect.scatter.add.f32 [tilespmem:s26], [sflag:$0x4], $0x50, s5, s24, $0xb8;
	[tilespmem:$0x1F0E0] =	vst v63  }
0xcf: {  	_ =	swait.ge [sflag:s21], $0x1900  }
0xd0: {  	[sflag:s21] =	ssyncset.done $0x0  }
0xd1: {  	[sflag:s21] =	ssyncadd.s32 $0xFFFFE700  }
0xd2: {  	[tilespmem:s26], [sflag:$0x2] =	stream.indirect.gather [hbm4b:s15+s24], $0x50, s6, s24, $0xb8;
	[tilespmem:$0x1F0E0] =	vst v63  }
0xd3: {  	_ =	swait.ge [sflag:s11], $0x1900  }
0xd4: {  	[sflag:s11] =	ssyncset.done $0x0  }
0xd5: {  	[sflag:s11] =	ssyncadd.s32 $0xFFFFE700  }
0xd6: {  	[spmem:s13] =	stream.indirect.scatter.add.f32 [tilespmem:s29], [sflag:$0x4], $0x50, s7, s24, $0xb8;
	[tilespmem:$0x1F0E0] =	vst v63  }
0xd7: {  	_ =	swait.ge [sflag:s21], $0x1900  }
0xd8: {  	[sflag:s21] =	ssyncset.done $0x0  }
0xd9: {  	[sflag:s21] =	ssyncadd.s32 $0xFFFFE700  }
0xda: {  	_ =	swait.ge [sflag:s30], $0x1900  }
0xdb: {  	[sflag:s30] =	ssyncset.done $0x0  }
0xdc: {  	[sflag:s30] =	ssyncadd.s32 $0xFFFFE700  }
0xdd: {  	[spmem:s13] =	stream.indirect.scatter.add.f32 [tilespmem:s20], [sflag:$0x4], $0x50, s8, s24, $0xb8;
	[tilespmem:$0x1F0E0] =	vst v63  }
0xde: {  	_ =	swait.ge [sflag:s21], $0x1900  }
0xdf: {  	[sflag:s21] =	ssyncset.done $0x0  }
0xe0: {  	[sflag:s21] =	ssyncadd.s32 $0xFFFFE700  }
0xe1: {  	s12 =	sadd.s32 $0x1, s12;
	_ =	swait.ge [sflag:s31], $0x1900  }
0xe2: {  	p0 =	sne.s32 s12, $0x5;
	[sflag:s31] =	ssyncset.done $0x0  }
.Ltmp2:
0xe3: {  	[sflag:s31] =	ssyncadd.s32 $0xFFFFE700;
	(pc) =	sbr.rel @p0 .LBB2_4-.Ltmp2, $4  }
0xe4: {  	[spmem:s13] =	stream.indirect.scatter.add.f32 [tilespmem:s26], [sflag:$0x4], $0x50, s9, s24, $0xb8;
	[tilespmem:$0x1F0E0] =	vst v63  }
0xe5: {  	_ =	swait.ge [sflag:s21], $0x1900  }
0xe6: {  	[sflag:s21] =	ssyncset.done $0x0  }
0xe7: {  	[sflag:s21] =	ssyncadd.s32 $0xFFFFE700  }
0xe8: {  	s10 =	stileid.u32;
	[bflag:$0x0] =	sbarrier.arrive $0xFFFF  }
0xe9: {  	s10 =	sshll.u32 s10, $0x6;
	s17 =	rddreg [dreg:$0xe]  }
0xea: {  	s14 =	rddreg [dreg:$0x4];
	s10 =	sor.u32 $0x1C04, s10;
	s12 =	sshrl.u32 s17, $0x3  }
0xeb: {  	[hbm:s14], [sflag:s10] =	dma.local [spmem:s12], $0x4E2  }
0xec: {  	_ =	swait.ge [sflag:s21], $0x4E2  }
0xed: {  	[sflag:s21] =	ssyncset.done $0x0;
	s14 =	rddreg [dreg:$0x5]  }
0xee: {  	s18 =	rddreg [dreg:$0x1f];
	[sflag:s21] =	ssyncadd.s32 $0xFFFFFB1E  }
0xef: {  	[hbm:s14], [sflag:s10] =	dma.local [spmem:s18], $0x4E2  }
0xf0: {  	_ =	swait.ge [sflag:s21], $0x4E2  }
0xf1: {  	s18 =	sld [smem:$0x7F6]  }
0xf2: {  	[sflag:s21] =	ssyncset.done $0x0  }
0xf3: {  	s14 =	rddreg [dreg:$0x6];
	[sflag:s21] =	ssyncadd.s32 $0xFFFFFB1E  }
0xf4: {  	[hbm:s14], [sflag:s10] =	dma.local [spmem:s18], $0x4E2  }
0xf5: {  	_ =	swait.ge [sflag:s21], $0x4E2  }
0xf6: {  	s18 =	sld [smem:$0x7F7]  }
0xf7: {  	[sflag:s21] =	ssyncset.done $0x0  }
0xf8: {  	s14 =	rddreg [dreg:$0x7];
	[sflag:s21] =	ssyncadd.s32 $0xFFFFFB1E  }
0xf9: {  	[hbm:s14], [sflag:s10] =	dma.local [spmem:s18], $0x4E2  }
0xfa: {  	_ =	swait.ge [sflag:s21], $0x4E2  }
0xfb: {  	s18 =	sld [smem:$0x7F8]  }
0xfc: {  	[sflag:s21] =	ssyncset.done $0x0  }
0xfd: {  	s14 =	rddreg [dreg:$0x8];
	[sflag:s21] =	ssyncadd.s32 $0xFFFFFB1E  }
0xfe: {  	[hbm:s14], [sflag:s10] =	dma.local [spmem:s18], $0x4E2  }
0xff: {  	_ =	swait.ge [sflag:s21], $0x4E2  }
0x100: {  	s18 =	sld [smem:$0x7F9]  }
0x101: {  	[sflag:s21] =	ssyncset.done $0x0  }
0x102: {  	s14 =	rddreg [dreg:$0x9];
	[sflag:s21] =	ssyncadd.s32 $0xFFFFFB1E  }
0x103: {  	[hbm:s14], [sflag:s10] =	dma.local [spmem:s18], $0x4E2  }
0x104: {  	_ =	swait.ge [sflag:s21], $0x4E2  }
0x105: {  	s18 =	sld [smem:$0x7FA]  }
0x106: {  	[sflag:s21] =	ssyncset.done $0x0  }
0x107: {  	s14 =	rddreg [dreg:$0xa];
	[sflag:s21] =	ssyncadd.s32 $0xFFFFFB1E  }
0x108: {  	[hbm:s14], [sflag:s10] =	dma.local [spmem:s18], $0x4E2  }
0x109: {  	_ =	swait.ge [sflag:s21], $0x4E2  }
0x10a: {  	s18 =	sld [smem:$0x7FB]  }
0x10b: {  	[sflag:s21] =	ssyncset.done $0x0  }
0x10c: {  	s14 =	rddreg [dreg:$0xb];
	[sflag:s21] =	ssyncadd.s32 $0xFFFFFB1E  }
0x10d: {  	[hbm:s14], [sflag:s10] =	dma.local [spmem:s18], $0x4E2  }
0x10e: {  	_ =	swait.ge [sflag:s21], $0x4E2  }
0x10f: {  	s18 =	sld [smem:$0x7FC]  }
0x110: {  	[sflag:s21] =	ssyncset.done $0x0  }
0x111: {  	s14 =	rddreg [dreg:$0xc];
	[sflag:s21] =	ssyncadd.s32 $0xFFFFFB1E  }
0x112: {  	[hbm:s14], [sflag:s10] =	dma.local [spmem:s18], $0x4E2  }
0x113: {  	_ =	swait.ge [sflag:s21], $0x4E2  }
0x114: {  	s18 =	sld [smem:$0x7FD]  }
0x115: {  	[sflag:s21] =	ssyncset.done $0x0  }
0x116: {  	s14 =	rddreg [dreg:$0xd];
	[sflag:s21] =	ssyncadd.s32 $0xFFFFFB1E  }
0x117: {  	[hbm:s14], [sflag:s10] =	dma.local [spmem:s18], $0x4E2  }
0x118: {  	_ =	swait.ge [sflag:s21], $0x4E2  }
0x119: {  	s2 =	sadd.s32 $0x1, s2;
	s18 =	rddreg [dreg:$0x1e]  }
0x11a: {  	p0 =	sne.s32 s2, s18  }
.Ltmp3:
0x11b: {  	_ = 	snop;
	(pc) =	sbr.rel @p0 .LBB2_1-.Ltmp3, $3  }
0x11c: {  	_ =	sdelay $0x1  }
0x11d: {  	[sflag:s21] =	ssyncset.done $0x0  }
0x11e: {  	[sflag:s21] =	ssyncadd.s32 $0xFFFFFB1E  }
0x11f: {  	_ =	sfence.sel $0x180000  }
0x120: {  	[bflag:$0x0] =	sbarrier.arrive $0xFFFF  }
0x121: {  	_ =	strace $0x90000047  }
0x122: {  	s0 =	stileid.u32;
	[bflag:$0x2] =	sbarrier.arrive $0xFFFF  }
0x123: {  	p0 =	sne.s32 s0, $0x0;
	s0 =	rddreg [dreg:$0x3]  }
0x124: {  	s0 =	sadd.s32 @!p0 $0x100000, s0  }
0x125: {  	[sflag:s0] =	ssyncadd.tile.s32 @!p0 $0x1;
	_ =	shalt  }
.Lfunc_end2:
_tile_overlayer_lowered:
.L_overlay_start_2:
0x126: {  	(tag) =	ssettag $0x2  }
0x127: {  	s0 =	rddreg [dreg:$0x0];
	s2 =	stileid.u32  }
0x128: {  	s1 =	rddreg [dreg:$0x1];
	p0 =	sne.s32 s2, $0x0  }
0x129: {  	s3 =	rddreg [dreg:$0x2];
	[bflag:$0x3] =	sbarrier.arrive $0xFFFF;
	s2 =	simm.s32 @!p0 $0x1C04  }
0x12a: {  	[timem:s3], [sflag:s2] =	dma.local @!p0 [hbm:s0], s1  }
0x12b: {  	s0 =	simm.s32 @!p0 $0x4  }
0x12c: {  	_ =	swait.ge @!p0 [sflag:s0], s1  }
0x12d: {  	s1 =	ssub.s32 @!p0 $0x0, s1;
	[sflag:s0] =	ssyncset.done @!p0 $0x0  }
0x12e: {  	[sflag:s0] =	ssyncadd.s32 @!p0 s1  }
0x12f: {  	[bflag:$0x3] =	sbarrier.arrive $0xFFFF  }
0x130: {  	_ =	shalt  }

// kernel: kernel.14.cloned.1.call-start
scs
__scs_entry_jumppad:
0x0: {  	(pc) =	sbr.rel $0x88, $3  }
0x1: {  	(tag) =	ssettag $0x0;
	lr =	simm.s32 $0x1  }
0x2: {  	[smem:$0x3F84] =	sst lr;
	_ =	strace $0xD0000000  }
0x3: {  	_ = 	snop  }
0x4: {  	_ = 	snop  }
0x5: {  	_ = 	snop  }
0x6: {  	_ = 	snop  }
0x7: {  	_ = 	snop  }
__scs_overlays_trampoline_lowered:
0x8: {  	[smem:$0x3F93] =	sst s0  }
0x9: {  	[smem:$0x3F94] =	sst s1  }
0xa: {  	[smem:$0x3F95] =	sst s2  }
0xb: {  	[smem:$0x3F96] =	sst s3  }
0xc: {  	[smem:$0x3F97] =	sst s4  }
0xd: {  	[smem:$0x3F98] =	sst s5  }
0xe: {  	[smem:$0x3F99] =	sst s6  }
0xf: {  	[smem:$0x3F9A] =	sst s7  }
0x10: {  	[smem:$0x3F9B] =	sst s8  }
0x11: {  	[smem:$0x3F9C] =	sst s9;
	s0 =	simm.s32 @!p0 $0x0  }
0x12: {  	s1 =	sld [smem:$0x3F82];
	s0 =	simm.s32 @p0 $0x1  }
0x13: {  	[smem:$0x3F9D] =	sst s0;
	s0 =	simm.s32 @!p1 $0x0  }
0x14: {  	s2 =	sld [smem:$0x3F81];
	s0 =	simm.s32 @p1 $0x1  }
0x15: {  	[smem:$0x3F9E] =	sst s0;
	s0 =	simm.s32 @!p2 $0x0  }
0x16: {  	s3 =	sld [smem:$0x3FDB];
	s0 =	simm.s32 @p2 $0x1  }
0x17: {  	s4 =	simm.s32 $0x1BF5;
	[smem:$0x3FA0] =	sst s0  }
0x18: {  	s0 =	sld [smem:$0x3F83];
	_ =	swait.ge [sflag:s4], $0x0  }
0x19: {  	s7 =	sld [smem:$0x3F84]  }
0x1a: {  	s8 =	sadd.s32 $0xFFFFE003, lr  }
0x1b: {  	s9 =	sadd.s32 $0xFFFFFEF7, lr;
	s5 =	simm.s32 $0xFFFFFFFF;
	p2 =	slt.u32 s8, $0xFFFFF086  }
0x1c: {  	p1 =	slt.u32 s9, $0xF7A;
	s5 =	simm.s32 @!p2 $0x0  }
0x1d: {  	s5 =	simm.s32 @p1 $0x1;
	p0 =	seq.s32 s7, s2  }
0x1e: {  	s7 =	smul.u32 @!p0 $0xF7A, s2;
	p2 =	seq.s32 @!p0 s5, $0x0  }
0x1f: {  	s9 =	smul.u32 $0xF7A, s1;
	s8 =	simm.s32 @!p0 $0x1BF5;
	p2 =	por !p2, p0  }
0x20: {  	[sflag:s8] =	ssyncset.s32 @!p0 $0xFFFFF086;
	s6 =	sadd.s32 @!p0 s3, s7;
	s7 =	simm.s32 @!p0 $0x108  }
0x21: {  	s3 =	sadd.s32 s3, s9;
	s6 =	sadd.s32 @!p0 $0x88, s6;
	s7 =	simm.s32 @p2 $0x1082  }
0x22: {  	[simem:s7], [sflag:s8] =	dma.local @!p0 [hbm:s6], $0xF7A  }
0x23: {  	s9 =	sor.u32 $0xD0000000, s2;
	s6 =	simm.s32 $0x108;
	_ =	swait.ge @!p0 [sflag:s8], $0x0  }
0x24: {  	s3 =	sadd.s32 $0x88, s3;
	s6 =	simm.s32 @!p1 $0x1082;
	[sflag:s4] =	ssyncset.s32 $0xFFFFF086  }
0x25: {  	[simem:s6], [sflag:s4] =	dma.local [hbm:s3], $0xF7A  }
0x26: {  	[smem:$0x3F84] =	sst s1;
	(tag) =	ssettag s2;
	_ =	strace s9  }
0x27: {  	s1 =	sld [smem:$0x3F94]  }
0x28: {  	s2 =	sld [smem:$0x3F95]  }
0x29: {  	s4 =	sld [smem:$0x3F97]  }
0x2a: {  	p0 =	seq.s32 s5, $0x0;
	s5 =	sld [smem:$0x3F98]  }
0x2b: {  	s6 =	sld [smem:$0x3F99]  }
0x2c: {  	s7 =	sld [smem:$0x3F9A]  }
0x2d: {  	s3 =	simm.s32 $0x108;
	s8 =	sld [smem:$0x3F9B]  }
0x2e: {  	s3 =	simm.s32 @!p0 $0x1082;
	s9 =	sld [smem:$0x3F9C]  }
0x2f: {  	lr =	sadd.s32 s0, s3;
	s0 =	sld [smem:$0x3F93]  }
0x30: {  	s3 =	sld [smem:$0x3F96]  }
0x31: {  	[smem:$0x3F9F] =	sst s10  }
0x32: {  	s10 =	sld [smem:$0x3F9D];
	_ =	sdelay $0x3  }
0x33: {  	p0 =	seq.s32 s10, $0x1;
	s10 =	sld [smem:$0x3F9F];
	_ =	sdelay $0x3  }
0x34: {  	[smem:$0x3F9F] =	sst s10  }
0x35: {  	s10 =	sld [smem:$0x3F9E];
	_ =	sdelay $0x3  }
0x36: {  	p1 =	seq.s32 s10, $0x1;
	s10 =	sld [smem:$0x3F9F];
	_ =	sdelay $0x3  }
0x37: {  	[smem:$0x3F9F] =	sst s10  }
0x38: {  	s10 =	sld [smem:$0x3FA0]  }
0x39: {  	_ = 	snop;
	(pc) =	sbr.ind lr, $3  }
0x3a: {  	_ = 	snop  }
0x3b: {  	_ = 	snop  }
0x3c: {  	p2 =	seq.s32 s10, $0x1;
	s10 =	sld [smem:$0x3F9F]  }
0x3d: {  	_ =	shalt  }
0x3e: {  	_ =	shalt  }
0x3f: {  	_ =	shalt  }
0x40: {  	_ =	shalt  }
0x41: {  	_ =	shalt  }
0x42: {  	_ =	shalt  }
0x43: {  	_ =	shalt  }
0x44: {  	_ =	shalt  }
0x45: {  	_ =	shalt  }
0x46: {  	_ =	shalt  }
0x47: {  	_ =	shalt  }
0x48: {  	_ =	shalt  }
0x49: {  	_ =	shalt  }
0x4a: {  	_ =	shalt  }
0x4b: {  	_ =	shalt  }
0x4c: {  	_ =	shalt  }
0x4d: {  	_ =	shalt  }
0x4e: {  	_ =	shalt  }
0x4f: {  	_ =	shalt  }
0x50: {  	_ =	shalt  }
0x51: {  	_ =	shalt  }
0x52: {  	_ =	shalt  }
0x53: {  	_ =	shalt  }
0x54: {  	_ =	shalt  }
0x55: {  	_ =	shalt  }
0x56: {  	_ =	shalt  }
0x57: {  	_ =	shalt  }
0x58: {  	_ =	shalt  }
0x59: {  	_ =	shalt  }
0x5a: {  	_ =	shalt  }
0x5b: {  	_ =	shalt  }
0x5c: {  	_ =	shalt  }
0x5d: {  	_ =	shalt  }
0x5e: {  	_ =	shalt  }
0x5f: {  	_ =	shalt  }
0x60: {  	_ =	shalt  }
0x61: {  	_ =	shalt  }
0x62: {  	_ =	shalt  }
0x63: {  	_ =	shalt  }
0x64: {  	_ =	shalt  }
0x65: {  	_ =	shalt  }
0x66: {  	_ =	shalt  }
0x67: {  	_ =	shalt  }
0x68: {  	_ =	shalt  }
0x69: {  	_ =	shalt  }
0x6a: {  	_ =	shalt  }
0x6b: {  	_ =	shalt  }
0x6c: {  	_ =	shalt  }
0x6d: {  	_ =	shalt  }
0x6e: {  	_ =	shalt  }
0x6f: {  	_ =	shalt  }
0x70: {  	_ =	shalt  }
0x71: {  	_ =	shalt  }
0x72: {  	_ =	shalt  }
0x73: {  	_ =	shalt  }
0x74: {  	_ =	shalt  }
0x75: {  	_ =	shalt  }
0x76: {  	_ =	shalt  }
0x77: {  	_ =	shalt  }
0x78: {  	_ =	shalt  }
0x79: {  	_ =	shalt  }
0x7a: {  	_ =	shalt  }
0x7b: {  	_ =	shalt  }
0x7c: {  	_ =	shalt  }
0x7d: {  	_ =	shalt  }
0x7e: {  	_ =	shalt  }
0x7f: {  	_ =	shalt  }
0x80: {  	_ =	shalt  }
0x81: {  	_ =	shalt  }
0x82: {  	_ =	shalt  }
0x83: {  	_ =	shalt  }
0x84: {  	_ =	shalt  }
0x85: {  	_ =	shalt  }
0x86: {  	_ =	shalt  }
0x87: {  	_ =	shalt  }
.Lfunc_end0:
.L_simem_size_0:
called_computation.2_lowered:
.L_overlay_start_0:
0x88: {  	s2 =	sld [smem:$0x3FD9]  }
0x89: {  	s3 =	sld [smem:$0x3FFE];
	_ =	sdelay $0x1  }
0x8a: {  	s1 =	srdreg.scid  }
0x8b: {  	s0 =	sand.u32 $0x1, s1  }
0x8c: {  	s14 =	sshll.u32 s0, $0xA;
	s2 =	sadd.s32 s3, s2  }
0x8d: {  	s2 =	sadd.s32 s2, s14  }
0x8e: {  	[smem:$0x3FAB] =	sst s2  }
0x8f: {  	_ = 	snop  }
0x90: {  	s2 =	sld [smem:$0x3FD0];
	_ =	sdelay $0x2  }
0x91: {  	s15 =	simm.s32 $0xB;
	s4 =	simm.s32 $0x10  }
0x92: {  	[smem:s4], [sflag:s15] =	dma.local [hbm:s2], $0x1  }
0x93: {  	_ =	swait.eq [sflag:s15], $0x1  }
0x94: {  	[sflag:s15] =	ssyncset.done $0x0  }
0x95: {  	[sflag:s15] =	ssyncadd.s32 $0xFFFFFFFF  }
0x96: {  	s16 =	sld [smem:$0x11];
	(tm) =	ssettm $0x1  }
0x97: {  	s17 =	sld [smem:$0x3FFB];
	_ =	sdelay $0x3  }
0x98: {  	_ =	strace s17  }
0x99: {  	s3 =	sld [smem:$0x3FFC];
	_ =	sdelay $0x3  }
0x9a: {  	_ =	strace s3  }
0x9b: {  	s3 =	sld [smem:$0x3FFD];
	_ =	sdelay $0x3  }
0x9c: {  	_ =	strace s3  }
0x9d: {  	_ =	strace $0x8FFFFFFF  }
0x9e: {  	s18 =	sld [smem:$0x3FDB];
	_ =	sdelay $0x1  }
0x9f: {  	s19 =	simm.s32 $_scs_section_size  }
0xa0: {  	s5 =	simm.s32 $_size__tile_overlayer_lowered;
	s6 =	simm.s32 $_tile_overlayer_lowered  }
0xa1: {  	s22 =	simm.s32 $0x1BFF;
	s21 =	sshll.u32 s6, $0x1;
	s3 =	sadd.s32 s19, s18  }
0xa2: {  	s7 =	simm.s32 $0x0;
	s20 =	sshll.u32 s5, $0x1;
	s5 =	sadd.s32 s21, s3  }
0xa3: {  	[timem:s7], [sflag:s22] =	dma.local [hbm:s5], s20  }
0xa4: {  	_ =	swait.ge [sflag:s22], s20  }
0xa5: {  	s4 =	ssub.s32 $0x0, s20;
	[sflag:s22] =	ssyncset.done $0x0  }
0xa6: {  	[sflag:s22] =	ssyncadd.s32 s4;
	_ =	sdelay $0x1  }
0xa7: {  	s23 =	simm.s32 $0x1B8B  }
0xa8: {  	_ =	swait.ge [sflag:s23], $0x1  }
0xa9: {  	[sflag:s23] =	ssyncset.done $0x0  }
0xaa: {  	s25 =	simm.s32 $0x1B8E;
	s24 =	sld [smem:$0x3FFE];
	[sflag:s23] =	ssyncadd.s32 $0xFFFFFFFF  }
0xab: {  	s26 =	simm.s32 $execute0_lowered;
	[smem:$0x3FD2] =	sst s25  }
0xac: {  	s5 =	sshll.u32 s26, $0x1;
	_ =	strace $0x8000004C;
	[dreg:$0x1] =	wrdreg $0xFFFFFFFF  }
0xad: {  	s28 =	simm.s32 $_size_execute0_lowered;
	s3 =	sadd.s32 s3, s5;
	[dreg:$0x0] =	wrdreg $0x0  }
0xae: {  	s5 =	sshll.u32 s28, $0x1;
	[dreg:$0x2] =	wrdreg s3  }
0xaf: {  	[dreg:$0x3] =	wrdreg s5  }
0xb0: {  	[dreg:$0x4] =	wrdreg $0xC0  }
0xb1: {  	_ =	task [dreg:s7], $0x5FFFF  }
0xb2: {  	[dreg:$0x1] =	wrdreg $0xFFFFFFFF  }
0xb3: {  	[dreg:$0x0] =	wrdreg $0x60  }
0xb4: {  	[dreg:$0x2] =	wrdreg s24  }
0xb5: {  	[dreg:$0x3] =	wrdreg s16  }
0xb6: {  	[dreg:$0x4] =	wrdreg $0x0  }
0xb7: {  	[dreg:$0x5] =	wrdreg $0x9  }
0xb8: {  	_ =	task.clear_ibuf [dreg:s7], $0x6FFFF;
	_ =	strace $0x9000004C  }
0xb9: {  	s29 =	simm.s32 $0x9;
	_ =	strace $0x8000004E  }
0xba: {  	_ =	swait.ge [sflag:s29], $0x1  }
0xbb: {  	[sflag:s29] =	ssyncadd.s32 $0xFFFFFFFF  }
0xbc: {  	_ =	strace $0x9000004E  }
0xbd: {  	_ =	sfence  }
0xbe: {  	s30 =	sld [smem:$0x0];
	_ =	sdelay $0x2  }
0xbf: {  	s31 =	sshll.u32 s1, $0xD;
	s1 =	sshrl.u32 s1, $0x2  }
0xc0: {  	s3 =	sand.u32 $0x4000, s31;
	s1 =	sadd.s32 s1, s30  }
0xc1: {  	s0 =	sor.u32 s3, s0;
	s1 =	sshll.u32 s1, $0x11  }
0xc2: {  	s0 =	sor.u32 s1, s0  }
0xc3: {  	s0 =	sadd.s32 $0x8F2B, s0  }
0xc4: {  	[sflag:s0] =	ssyncadd.remote.s32 $0x1  }
0xc5: {  	_ =	sfence.sel $0xFFFF  }
0xc6: {  	[dreg:$0x0] =	wrdreg $0xFFFFFFFF;
	(pc) =	sbr.abs _section_cstart, $3  }
0xc7: {  	[dreg:$0x1] =	wrdreg $0xFFFFFFFF  }
0xc8: {  	_ =	task.clear_ibuf [dreg:s7], $0x2FFFF;
	_ =	strace $0x9FFFFFFF  }
0xc9: {  	(tm) =	ssettm $0x7FFFFFFF  }
tec
execute0_lowered:
.L_overlay_start_1:
0x0: {  	(tag) =	ssettag $0x1  }
0x1: {  	s4 =	rddreg [dreg:$0x0];
	s0 =	srdreg.scid  }
0x2: {  	s1 =	rddreg [dreg:$0x1];
	s25 =	stileid.u32;
	s3 =	sand.u32 $0x1, s0  }
0x3: {  	s2 =	simm.s32 $0x0;
	s7 =	smul.u32 $0x186A0, s25;
	s5 =	ssub.s32 $0x2, s3  }
0x4: {  	[smem:$0x7FF] =	sst s2;
	s0 =	smul.u32 $0x30D40, s3;
	s6 =	sshrl.u32 s5, $0x1  }
0x5: {  	s9 =	sadd.s32 $0x4E20, s7;
	s10 =	sshrl.u32 s7, $0x3;
	s14 =	sadd.s32 $0x7530, s7  }
0x6: {  	s18 =	sadd.s32 $0x9C40, s7;
	s19 =	sadd.s32 $0xC350, s7;
	s20 =	sadd.s32 $0xEA60, s7  }
0x7: {  	s21 =	sadd.s32 $0x11170, s7;
	s22 =	sadd.s32 $0x13880, s7;
	s8 =	sadd.s32 s0, s4  }
0x8: {  	s0 =	ssub.s32 s5, s6;
	s5 =	smul.u32 $0x61A80, s25;
	s6 =	sadd.s32 $0x3E800, s8  }
0x9: {  	s12 =	sshrl.u32 s9, $0x3;
	s13 =	sshrl.u32 s14, $0x3;
	s10 =	sadd.s32 s10, s6  }
0xa: {  	s15 =	sshrl.u32 s18, $0x3;
	s12 =	sadd.s32 s12, s6;
	[dreg:$0x4] =	wrdreg s10  }
0xb: {  	s16 =	sshrl.u32 s19, $0x3;
	s13 =	sadd.s32 s13, s6;
	[dreg:$0x6] =	wrdreg s12  }
0xc: {  	s17 =	sshrl.u32 s20, $0x3;
	s15 =	sadd.s32 s15, s6;
	[dreg:$0x7] =	wrdreg s13  }
0xd: {  	s23 =	sshrl.u32 s21, $0x3;
	s16 =	sadd.s32 s16, s6;
	[dreg:$0x8] =	wrdreg s15  }
0xe: {  	s24 =	sshrl.u32 s22, $0x3;
	s17 =	sadd.s32 s17, s6;
	[dreg:$0x9] =	wrdreg s16  }
0xf: {  	s8 =	sadd.s32 $0x2710, s7;
	s23 =	sadd.s32 s23, s6;
	[dreg:$0xa] =	wrdreg s17  }
0x10: {  	s11 =	sshrl.u32 s8, $0x3;
	s24 =	sadd.s32 s24, s6;
	[dreg:$0xb] =	wrdreg s23  }
0x11: {  	s5 =	sshrl.u32 s5, $0x2;
	s10 =	sadd.s32 $0x15F90, s7;
	[dreg:$0xc] =	wrdreg s24  }
0x12: {  	s11 =	sadd.s32 s11, s6;
	s13 =	rddreg [dreg:$0x2];
	s26 =	sshrl.u32 s10, $0x3  }
0x13: {  	[dreg:$0x5] =	wrdreg s11;
	s5 =	sadd.s32 s5, s13;
	s6 =	sadd.s32 s26, s6  }
0x14: {  	s17 =	sadd.s32 s7, s13;
	[dreg:$0xd] =	wrdreg s6;
	s6 =	sadd.s32 $0x1900, s5  }
0x15: {  	s7 =	sadd.s32 $0x3200, s5;
	_ =	strace $0x8000004D;
	[dreg:$0xf] =	wrdreg s6  }
0x16: {  	s11 =	sadd.s32 $0x4B00, s5;
	[dreg:$0x10] =	wrdreg s7  }
0x17: {  	s12 =	sadd.s32 $0x6400, s5;
	[dreg:$0x11] =	wrdreg s11  }
0x18: {  	s23 =	sadd.s32 $0x7D00, s5;
	[dreg:$0x12] =	wrdreg s12  }
0x19: {  	s24 =	sadd.s32 $0x9600, s5;
	[dreg:$0x13] =	wrdreg s23  }
0x1a: {  	s26 =	sadd.s32 $0xAF00, s5;
	[dreg:$0x14] =	wrdreg s24  }
0x1b: {  	s0 =	smax.u32 s0, $0x1;
	[dreg:$0x15] =	wrdreg s26  }
0x1c: {  	s28 =	simm.s32 $0x18740;
	[dreg:$0x1e] =	wrdreg s0  }
0x1d: {  	s29 =	simm.s32 $0x1D7E0;
	s6 =	sadd.s32 $0xC800, s5;
	[dreg:$0xe] =	wrdreg s17  }
0x1e: {  	s30 =	simm.s32 $0x1;
	s7 =	sadd.s32 $0xE100, s5;
	[dreg:$0x16] =	wrdreg s6  }
0x1f: {  	s31 =	simm.s32 $0x2;
	s11 =	sadd.s32 $0xFA00, s5;
	[dreg:$0x17] =	wrdreg s7  }
0x20: {  	s3 =	smul.u32 $0xFA0, s3;
	s12 =	sadd.s32 $0x11300, s5;
	[dreg:$0x18] =	wrdreg s11  }
0x21: {  	s15 =	sadd.s32 $0x3C00, s4;
	s23 =	sadd.s32 $0x12C00, s5;
	[dreg:$0x19] =	wrdreg s12  }
0x22: {  	s16 =	sadd.s32 $0x34A00, s4;
	s24 =	sadd.s32 $0x14500, s5;
	[dreg:$0x1a] =	wrdreg s23  }
0x23: {  	s4 =	simm.s32 $0x195A0;
	s26 =	sadd.s32 $0x15E00, s5;
	[dreg:$0x1b] =	wrdreg s24  }
0x24: {  	s10 =	sadd.s32 s10, s13;
	s0 =	simm.s32 $0x1A450;
	[dreg:$0x1c] =	wrdreg s26  }
0x25: {  	s6 =	sadd.s32 $0x17700, s5;
	s7 =	sadd.s32 s8, s13;
	s8 =	sadd.s32 s9, s13  }
0x26: {  	s9 =	sadd.s32 s14, s13;
	s11 =	sadd.s32 s18, s13;
	s12 =	sadd.s32 s19, s13  }
0x27: {  	s23 =	sadd.s32 s20, s13;
	[dreg:$0x1d] =	wrdreg s6;
	s14 =	sshrl.u32 s7, $0x3  }
0x28: {  	s24 =	sadd.s32 s21, s13;
	s18 =	sshrl.u32 s8, $0x3;
	[dreg:$0x1f] =	wrdreg s14  }
0x29: {  	s26 =	sadd.s32 s22, s13;
	s19 =	sshrl.u32 s9, $0x3;
	[smem:$0x7F6] =	sst s18  }
0x2a: {  	s5 =	simm.s32 $0x1A4A0;
	s20 =	sshrl.u32 s11, $0x3;
	[smem:$0x7F7] =	sst s19  }
0x2b: {  	s21 =	sshrl.u32 s12, $0x3;
	s22 =	sshrl.u32 s23, $0x3;
	[smem:$0x7F8] =	sst s20  }
0x2c: {  	s23 =	sshrl.u32 s24, $0x3;
	s24 =	sshrl.u32 s26, $0x3;
	[smem:$0x7F9] =	sst s21  }
0x2d: {  	s26 =	sshrl.u32 s10, $0x3;
	s11 =	simm.s32 $0x3;
	[smem:$0x7FA] =	sst s22  }
0x2e: {  	s6 =	simm.s32 $0x195F0;
	s7 =	simm.s32 $0x1A4F0;
	[smem:$0x7FB] =	sst s23  }
0x2f: {  	s8 =	simm.s32 $0x1A540;
	s9 =	simm.s32 $0x1A590;
	[smem:$0x7FC] =	sst s24  }
0x30: {  	[smem:$0x7FD] =	sst s26;
	s19 =	smul.u32 $0xFA, s25;
	s20 =	simm.s32 $0x1A5E0  }
0x31: {  	s21 =	simm.s32 $0x4;
	s22 =	simm.s32 $0x186A0;
	s23 =	simm.s32 $0x19640  }
0x32: {  	v0 =	vimm.f32 $0.0e+00;
	s24 =	simm.s32 $0x50;
	s25 =	simm.s32 $0x186F0;
	s26 =	simm.s32 $0x1BEE0  }
.LBB2_1:
0x33: {  	s12 =	simm.s32 $0x140;
	s10 =	simm.s32 $0x0  }
.LBB2_2:
0x34: {  	p0 =	sne.s32 s12, $0x62C0;
	[tilespmem:s10+$0x1A620] =	vst v0;
	s14 =	smov.u32 s12;
	s12 =	sadd.s32 $0x140, s12  }
.Ltmp0:
0x35: {  	[tilespmem:s10+$0x1A610] =	vst v0;
	(pc) =	sbr.rel @p0 .LBB2_2-.Ltmp0, $4  }
0x36: {  	[tilespmem:s10+$0x1A600] =	vst v0  }
0x37: {  	[tilespmem:s10+$0x1A5E0] =	vst v0  }
0x38: {  	[tilespmem:s10+$0x1A5F0] =	vst v0  }
0x39: {  	s10 =	sshra.s32 s14, $0x2  }
0x3a: {  	[tilespmem:s10+$0x1A620] =	vst v0  }
0x3b: {  	[tilespmem:s10+$0x1A610] =	vst v0  }
0x3c: {  	[tilespmem:s10+$0x1A600] =	vst v0  }
0x3d: {  	[tilespmem:s10+$0x1A5E0] =	vst v0  }
0x3e: {  	[tilespmem:s10+$0x1A5F0] =	vst v0  }
0x3f: {  	[spmem:s17] =	stream.linear.scatter [tilespmem:s20], [sflag:$0x4], $0x1900, $0x38;
	[tilespmem:$0x1F0E0] =	vst v63  }
0x40: {  	_ =	swait.ge [sflag:s21], $0x1900  }
0x41: {  	[sflag:s21] =	ssyncset.done $0x0  }
0x42: {  	s14 =	rddreg [dreg:$0xf];
	[sflag:s21] =	ssyncadd.s32 $0xFFFFE700  }
0x43: {  	[spmem:s14] =	stream.linear.scatter [tilespmem:s20], [sflag:$0x4], $0x1900, $0x38;
	[tilespmem:$0x1F0E0] =	vst v63  }
0x44: {  	_ =	swait.ge [sflag:s21], $0x1900  }
0x45: {  	[sflag:s21] =	ssyncset.done $0x0  }
0x46: {  	s17 =	rddreg [dreg:$0x10];
	[sflag:s21] =	ssyncadd.s32 $0xFFFFE700  }
0x47: {  	[spmem:s17] =	stream.linear.scatter [tilespmem:s20], [sflag:$0x4], $0x1900, $0x38;
	[tilespmem:$0x1F0E0] =	vst v63  }
0x48: {  	_ =	swait.ge [sflag:s21], $0x1900  }
0x49: {  	[sflag:s21] =	ssyncset.done $0x0  }
0x4a: {  	s18 =	rddreg [dreg:$0x11];
	[sflag:s21] =	ssyncadd.s32 $0xFFFFE700  }
0x4b: {  	[spmem:s18] =	stream.linear.scatter [tilespmem:s20], [sflag:$0x4], $0x1900, $0x38;
	[tilespmem:$0x1F0E0] =	vst v63  }
0x4c: {  	_ =	swait.ge [sflag:s21], $0x1900  }
0x4d: {  	[sflag:s21] =	ssyncset.done $0x0  }
0x4e: {  	s12 =	rddreg [dreg:$0x12];
	[sflag:s21] =	ssyncadd.s32 $0xFFFFE700  }
0x4f: {  	[spmem:s12] =	stream.linear.scatter [tilespmem:s20], [sflag:$0x4], $0x1900, $0x38;
	[tilespmem:$0x1F0E0] =	vst v63  }
0x50: {  	_ =	swait.ge [sflag:s21], $0x1900  }
0x51: {  	[sflag:s21] =	ssyncset.done $0x0  }
0x52: {  	s14 =	rddreg [dreg:$0x13];
	[sflag:s21] =	ssyncadd.s32 $0xFFFFE700  }
0x53: {  	[spmem:s14] =	stream.linear.scatter [tilespmem:s20], [sflag:$0x4], $0x1900, $0x38;
	[tilespmem:$0x1F0E0] =	vst v63  }
0x54: {  	_ =	swait.ge [sflag:s21], $0x1900  }
0x55: {  	[sflag:s21] =	ssyncset.done $0x0  }
0x56: {  	s17 =	rddreg [dreg:$0x14];
	[sflag:s21] =	ssyncadd.s32 $0xFFFFE700  }
0x57: {  	[spmem:s17] =	stream.linear.scatter [tilespmem:s20], [sflag:$0x4], $0x1900, $0x38;
	[tilespmem:$0x1F0E0] =	vst v63  }
0x58: {  	_ =	swait.ge [sflag:s21], $0x1900  }
0x59: {  	[sflag:s21] =	ssyncset.done $0x0  }
0x5a: {  	s18 =	rddreg [dreg:$0x15];
	[sflag:s21] =	ssyncadd.s32 $0xFFFFE700  }
0x5b: {  	[spmem:s18] =	stream.linear.scatter [tilespmem:s20], [sflag:$0x4], $0x1900, $0x38;
	[tilespmem:$0x1F0E0] =	vst v63  }
0x5c: {  	_ =	swait.ge [sflag:s21], $0x1900  }
0x5d: {  	[sflag:s21] =	ssyncset.done $0x0  }
0x5e: {  	s12 =	rddreg [dreg:$0x16];
	[sflag:s21] =	ssyncadd.s32 $0xFFFFE700  }
0x5f: {  	[spmem:s12] =	stream.linear.scatter [tilespmem:s20], [sflag:$0x4], $0x1900, $0x38;
	[tilespmem:$0x1F0E0] =	vst v63  }
0x60: {  	_ =	swait.ge [sflag:s21], $0x1900  }
0x61: {  	[sflag:s21] =	ssyncset.done $0x0  }
0x62: {  	s14 =	rddreg [dreg:$0x17];
	[sflag:s21] =	ssyncadd.s32 $0xFFFFE700  }
0x63: {  	[spmem:s14] =	stream.linear.scatter [tilespmem:s20], [sflag:$0x4], $0x1900, $0x38;
	[tilespmem:$0x1F0E0] =	vst v63  }
0x64: {  	_ =	swait.ge [sflag:s21], $0x1900  }
0x65: {  	[sflag:s21] =	ssyncset.done $0x0  }
0x66: {  	s17 =	rddreg [dreg:$0x18];
	[sflag:s21] =	ssyncadd.s32 $0xFFFFE700  }
0x67: {  	[spmem:s17] =	stream.linear.scatter [tilespmem:s20], [sflag:$0x4], $0x1900, $0x38;
	[tilespmem:$0x1F0E0] =	vst v63  }
0x68: {  	_ =	swait.ge [sflag:s21], $0x1900  }
0x69: {  	[sflag:s21] =	ssyncset.done $0x0  }
0x6a: {  	s18 =	rddreg [dreg:$0x19];
	[sflag:s21] =	ssyncadd.s32 $0xFFFFE700  }
0x6b: {  	[spmem:s18] =	stream.linear.scatter [tilespmem:s20], [sflag:$0x4], $0x1900, $0x38;
	[tilespmem:$0x1F0E0] =	vst v63  }
0x6c: {  	_ =	swait.ge [sflag:s21], $0x1900  }
0x6d: {  	[sflag:s21] =	ssyncset.done $0x0  }
0x6e: {  	s12 =	rddreg [dreg:$0x1a];
	[sflag:s21] =	ssyncadd.s32 $0xFFFFE700  }
0x6f: {  	[spmem:s12] =	stream.linear.scatter [tilespmem:s20], [sflag:$0x4], $0x1900, $0x38;
	[tilespmem:$0x1F0E0] =	vst v63  }
0x70: {  	_ =	swait.ge [sflag:s21], $0x1900  }
0x71: {  	[sflag:s21] =	ssyncset.done $0x0  }
0x72: {  	s14 =	rddreg [dreg:$0x1b];
	[sflag:s21] =	ssyncadd.s32 $0xFFFFE700  }
0x73: {  	[spmem:s14] =	stream.linear.scatter [tilespmem:s20], [sflag:$0x4], $0x1900, $0x38;
	[tilespmem:$0x1F0E0] =	vst v63  }
0x74: {  	_ =	swait.ge [sflag:s21], $0x1900  }
0x75: {  	[sflag:s21] =	ssyncset.done $0x0  }
0x76: {  	s17 =	rddreg [dreg:$0x1c];
	[sflag:s21] =	ssyncadd.s32 $0xFFFFE700  }
0x77: {  	[spmem:s17] =	stream.linear.scatter [tilespmem:s20], [sflag:$0x4], $0x1900, $0x38;
	[tilespmem:$0x1F0E0] =	vst v63  }
0x78: {  	_ =	swait.ge [sflag:s21], $0x1900  }
0x79: {  	[sflag:s21] =	ssyncset.done $0x0  }
0x7a: {  	s18 =	rddreg [dreg:$0x1d];
	[sflag:s21] =	ssyncadd.s32 $0xFFFFE700  }
0x7b: {  	[spmem:s18] =	stream.linear.scatter [tilespmem:s20], [sflag:$0x4], $0xFA0, $0x38;
	[tilespmem:$0x1F0E0] =	vst v63  }
0x7c: {  	_ =	swait.ge [sflag:s21], $0xFA0  }
0x7d: {  	[sflag:s21] =	ssyncset.done $0x0  }
0x7e: {  	[sflag:s21] =	ssyncadd.s32 $0xFFFFF060  }
0x7f: {  	s10 =	simm.s32 $0x0;
	s12 =	simm.s32 $0x0;
	[bflag:$0x0] =	sbarrier.arrive $0xFFFF  }
.LBB2_4:
0x80: {  	s14 =	smul.u32 $0x32, s12;
	_ =	sdelay $0x1  }
0x81: {  	s14 =	sadd.s32 s19, s14  }
0x82: {  	s18 =	sadd.s32 s3, s14  }
0x83: {  	s18 =	smul.u32 $0xA, s18;
	_ =	sdelay $0x1  }
0x84: {  	s18 =	sadd.s32 s1, s18  }
0x85: {  	[tilespmem:s22], [sflag:$0x4] =	stream.linear.gather [hbm4b:s18+s10], $0xFA0, $0x38;
	[tilespmem:$0x1F0E0] =	vst v63  }
0x86: {  	s14 =	smul.u32 $0xA, s14;
	_ =	swait.ge [sflag:s21], $0xFA0  }
0x87: {  	[sflag:s21] =	ssyncset.done $0x0  }
0x88: {  	s14 =	sadd.s32 s16, s14;
	[sflag:s21] =	ssyncadd.s32 $0xFFFFF060  }
0x89: {  	[tilespmem:s23], [sflag:$0x4] =	stream.linear.gather [hbm4b:s14+s10], $0xFA0, $0x38;
	[tilespmem:$0x1F0E0] =	vst v63  }
0x8a: {  	_ =	swait.ge [sflag:s21], $0xFA0  }
0x8b: {  	[sflag:s21] =	ssyncset.done $0x0  }
0x8c: {  	[sflag:s21] =	ssyncadd.s32 $0xFFFFF060  }
0x8d: {  	[tilespmem:s20], [sflag:$0x1] =	stream.indirect.gather [hbm4b:s15+s24], $0x50, s22, s24, $0xb8;
	[tilespmem:$0x1F0E0] =	vst v63  }
0x8e: {  	_ = 	snop  }
0x8f: {  	[tilespmem:s26], [sflag:$0x2] =	stream.indirect.gather [hbm4b:s15+s24], $0x50, s25, s24, $0xb8;
	[tilespmem:$0x1F0E0] =	vst v63  }
0x90: {  	_ = 	snop  }
0x91: {  	[tilespmem:s29], [sflag:$0x3] =	stream.indirect.gather [hbm4b:s15+s24], $0x50, s28, s24, $0xb8;
	[tilespmem:$0x1F0E0] =	vst v63  }
0x92: {  	_ =	swait.ge [sflag:s30], $0x1900  }
0x93: {  	[sflag:s30] =	ssyncset.done $0x0  }
0x94: {  	s18 =	simm.s32 $0x19640;
	[sflag:s30] =	ssyncadd.s32 $0xFFFFE700  }
0x95: {  	[spmem:s13] =	stream.indirect.scatter.add.f32 [tilespmem:s20], [sflag:$0x4], $0x50, s18, s24, $0xb8;
	[tilespmem:$0x1F0E0] =	vst v63  }
0x96: {  	_ =	swait.ge [sflag:s21], $0x1900  }
0x97: {  	[sflag:s21] =	ssyncset.done $0x0  }
0x98: {  	s17 =	simm.s32 $0x18790;
	[sflag:s21] =	ssyncadd.s32 $0xFFFFE700  }
0x99: {  	[tilespmem:s20], [sflag:$0x1] =	stream.indirect.gather [hbm4b:s15+s24], $0x50, s17, s24, $0xb8;
	[tilespmem:$0x1F0E0] =	vst v63  }
0x9a: {  	_ =	swait.ge [sflag:s31], $0x1900  }
0x9b: {  	[sflag:s31] =	ssyncset.done $0x0  }
0x9c: {  	s18 =	simm.s32 $0x19690;
	[sflag:s31] =	ssyncadd.s32 $0xFFFFE700  }
0x9d: {  	[spmem:s13] =	stream.indirect.scatter.add.f32 [tilespmem:s26], [sflag:$0x4], $0x50, s18, s24, $0xb8;
	[tilespmem:$0x1F0E0] =	vst v63  }
0x9e: {  	_ =	swait.ge [sflag:s21], $0x1900  }
0x9f: {  	[sflag:s21] =	ssyncset.done $0x0  }
0xa0: {  	s17 =	simm.s32 $0x187E0;
	[sflag:s21] =	ssyncadd.s32 $0xFFFFE700  }
0xa1: {  	[tilespmem:s26], [sflag:$0x2] =	stream.indirect.gather [hbm4b:s15+s24], $0x50, s17, s24, $0xb8;
	[tilespmem:$0x1F0E0] =	vst v63  }
0xa2: {  	_ =	swait.ge [sflag:s11], $0x1900  }
0xa3: {  	[sflag:s11] =	ssyncset.done $0x0  }
0xa4: {  	s18 =	simm.s32 $0x196E0;
	[sflag:s11] =	ssyncadd.s32 $0xFFFFE700  }
0xa5: {  	[spmem:s13] =	stream.indirect.scatter.add.f32 [tilespmem:s29], [sflag:$0x4], $0x50, s18, s24, $0xb8;
	[tilespmem:$0x1F0E0] =	vst v63  }
0xa6: {  	_ =	swait.ge [sflag:s21], $0x1900  }
0xa7: {  	[sflag:s21] =	ssyncset.done $0x0  }
0xa8: {  	s14 =	simm.s32 $0x3C0;
	s18 =	simm.s32 $0x18830;
	[sflag:s21] =	ssyncadd.s32 $0xFFFFE700  }
.LBB2_5:
0xa9: {  	[tilespmem:s29], [sflag:$0x3] =	stream.indirect.gather [hbm4b:s15+s24], $0x50, s18, s24, $0xb8;
	[tilespmem:$0x1F0E0] =	vst v63  }
0xaa: {  	s18 =	smov.u32 s14  }
0xab: {  	p0 =	sne.s32 s14, $0x3480;
	s14 =	sadd.s32 $0x3C0, s14;
	_ =	swait.ge [sflag:s30], $0x1900  }
0xac: {  	s18 =	sshra.s32 s18, $0x2;
	[sflag:s30] =	ssyncset.done $0x0  }
0xad: {  	s17 =	sadd.s32 $0x19640, s18;
	[sflag:s30] =	ssyncadd.s32 $0xFFFFE700  }
0xae: {  	[spmem:s13] =	stream.indirect.scatter.add.f32 [tilespmem:s20], [sflag:$0x4], $0x50, s17, s24, $0xb8;
	[tilespmem:$0x1F0E0] =	vst v63  }
0xaf: {  	_ =	swait.ge [sflag:s21], $0x1900  }
0xb0: {  	[sflag:s21] =	ssyncset.done $0x0  }
0xb1: {  	s17 =	sadd.s32 $0x18790, s18;
	[sflag:s21] =	ssyncadd.s32 $0xFFFFE700  }
0xb2: {  	[tilespmem:s20], [sflag:$0x1] =	stream.indirect.gather [hbm4b:s15+s24], $0x50, s17, s24, $0xb8;
	[tilespmem:$0x1F0E0] =	vst v63  }
0xb3: {  	_ =	swait.ge [sflag:s31], $0x1900  }
0xb4: {  	[sflag:s31] =	ssyncset.done $0x0  }
0xb5: {  	s17 =	sadd.s32 $0x19690, s18;
	[sflag:s31] =	ssyncadd.s32 $0xFFFFE700  }
0xb6: {  	[spmem:s13] =	stream.indirect.scatter.add.f32 [tilespmem:s26], [sflag:$0x4], $0x50, s17, s24, $0xb8;
	[tilespmem:$0x1F0E0] =	vst v63  }
0xb7: {  	_ =	swait.ge [sflag:s21], $0x1900  }
0xb8: {  	[sflag:s21] =	ssyncset.done $0x0  }
0xb9: {  	s17 =	sadd.s32 $0x187E0, s18;
	[sflag:s21] =	ssyncadd.s32 $0xFFFFE700  }
0xba: {  	[tilespmem:s26], [sflag:$0x2] =	stream.indirect.gather [hbm4b:s15+s24], $0x50, s17, s24, $0xb8;
	[tilespmem:$0x1F0E0] =	vst v63  }
0xbb: {  	_ =	swait.ge [sflag:s11], $0x1900  }
0xbc: {  	[sflag:s11] =	ssyncset.done $0x0  }
.Ltmp1:
0xbd: {  	s17 =	sadd.s32 $0x196E0, s18;
	[sflag:s11] =	ssyncadd.s32 $0xFFFFE700;
	(pc) =	sbr.rel @p0 .LBB2_5-.Ltmp1, $4  }
0xbe: {  	[spmem:s13] =	stream.indirect.scatter.add.f32 [tilespmem:s29], [sflag:$0x4], $0x50, s17, s24, $0xb8;
	[tilespmem:$0x1F0E0] =	vst v63  }
0xbf: {  	_ =	swait.ge [sflag:s21], $0x1900  }
0xc0: {  	[sflag:s21] =	ssyncset.done $0x0  }
0xc1: {  	s18 =	sadd.s32 $0x18830, s18;
	[sflag:s21] =	ssyncadd.s32 $0xFFFFE700  }
0xc2: {  	[tilespmem:s29], [sflag:$0x3] =	stream.indirect.gather [hbm4b:s15+s24], $0x50, s18, s24, $0xb8;
	[tilespmem:$0x1F0E0] =	vst v63  }
0xc3: {  	_ =	swait.ge [sflag:s30], $0x1900  }
0xc4: {  	[sflag:s30] =	ssyncset.done $0x0  }
0xc5: {  	[sflag:s30] =	ssyncadd.s32 $0xFFFFE700  }
0xc6: {  	[spmem:s13] =	stream.indirect.scatter.add.f32 [tilespmem:s20], [sflag:$0x4], $0x50, s0, s24, $0xb8;
	[tilespmem:$0x1F0E0] =	vst v63  }
0xc7: {  	_ =	swait.ge [sflag:s21], $0x1900  }
0xc8: {  	[sflag:s21] =	ssyncset.done $0x0  }
0xc9: {  	[sflag:s21] =	ssyncadd.s32 $0xFFFFE700  }
0xca: {  	[tilespmem:s20], [sflag:$0x1] =	stream.indirect.gather [hbm4b:s15+s24], $0x50, s4, s24, $0xb8;
	[tilespmem:$0x1F0E0] =	vst v63  }
0xcb: {  	_ =	swait.ge [sflag:s31], $0x1900  }
0xcc: {  	[sflag:s31] =	ssyncset.done $0x0  }
0xcd: {  	[sflag:s31] =	ssyncadd.s32 $0xFFFFE700  }
0xce: {  	[spmem:s13] =	stream.indirect.scatter.add.f32 [tilespmem:s26], [sflag:$0x4], $0x50, s5, s24, $0xb8;
	[tilespmem:$0x1F0E0] =	vst v63  }
0xcf: {  	_ =	swait.ge [sflag:s21], $0x1900  }
0xd0: {  	[sflag:s21] =	ssyncset.done $0x0  }
0xd1: {  	[sflag:s21] =	ssyncadd.s32 $0xFFFFE700  }
0xd2: {  	[tilespmem:s26], [sflag:$0x2] =	stream.indirect.gather [hbm4b:s15+s24], $0x50, s6, s24, $0xb8;
	[tilespmem:$0x1F0E0] =	vst v63  }
0xd3: {  	_ =	swait.ge [sflag:s11], $0x1900  }
0xd4: {  	[sflag:s11] =	ssyncset.done $0x0  }
0xd5: {  	[sflag:s11] =	ssyncadd.s32 $0xFFFFE700  }
0xd6: {  	[spmem:s13] =	stream.indirect.scatter.add.f32 [tilespmem:s29], [sflag:$0x4], $0x50, s7, s24, $0xb8;
	[tilespmem:$0x1F0E0] =	vst v63  }
0xd7: {  	_ =	swait.ge [sflag:s21], $0x1900  }
0xd8: {  	[sflag:s21] =	ssyncset.done $0x0  }
0xd9: {  	[sflag:s21] =	ssyncadd.s32 $0xFFFFE700  }
0xda: {  	_ =	swait.ge [sflag:s30], $0x1900  }
0xdb: {  	[sflag:s30] =	ssyncset.done $0x0  }
0xdc: {  	[sflag:s30] =	ssyncadd.s32 $0xFFFFE700  }
0xdd: {  	[spmem:s13] =	stream.indirect.scatter.add.f32 [tilespmem:s20], [sflag:$0x4], $0x50, s8, s24, $0xb8;
	[tilespmem:$0x1F0E0] =	vst v63  }
0xde: {  	_ =	swait.ge [sflag:s21], $0x1900  }
0xdf: {  	[sflag:s21] =	ssyncset.done $0x0  }
0xe0: {  	[sflag:s21] =	ssyncadd.s32 $0xFFFFE700  }
0xe1: {  	s12 =	sadd.s32 $0x1, s12;
	_ =	swait.ge [sflag:s31], $0x1900  }
0xe2: {  	p0 =	sne.s32 s12, $0x5;
	[sflag:s31] =	ssyncset.done $0x0  }
.Ltmp2:
0xe3: {  	[sflag:s31] =	ssyncadd.s32 $0xFFFFE700;
	(pc) =	sbr.rel @p0 .LBB2_4-.Ltmp2, $4  }
0xe4: {  	[spmem:s13] =	stream.indirect.scatter.add.f32 [tilespmem:s26], [sflag:$0x4], $0x50, s9, s24, $0xb8;
	[tilespmem:$0x1F0E0] =	vst v63  }
0xe5: {  	_ =	swait.ge [sflag:s21], $0x1900  }
0xe6: {  	[sflag:s21] =	ssyncset.done $0x0  }
0xe7: {  	[sflag:s21] =	ssyncadd.s32 $0xFFFFE700  }
0xe8: {  	s10 =	stileid.u32;
	[bflag:$0x0] =	sbarrier.arrive $0xFFFF  }
0xe9: {  	s10 =	sshll.u32 s10, $0x6;
	s17 =	rddreg [dreg:$0xe]  }
0xea: {  	s14 =	rddreg [dreg:$0x4];
	s10 =	sor.u32 $0x1C04, s10;
	s12 =	sshrl.u32 s17, $0x3  }
0xeb: {  	[hbm:s14], [sflag:s10] =	dma.local [spmem:s12], $0x4E2  }
0xec: {  	_ =	swait.ge [sflag:s21], $0x4E2  }
0xed: {  	[sflag:s21] =	ssyncset.done $0x0;
	s14 =	rddreg [dreg:$0x5]  }
0xee: {  	s18 =	rddreg [dreg:$0x1f];
	[sflag:s21] =	ssyncadd.s32 $0xFFFFFB1E  }
0xef: {  	[hbm:s14], [sflag:s10] =	dma.local [spmem:s18], $0x4E2  }
0xf0: {  	_ =	swait.ge [sflag:s21], $0x4E2  }
0xf1: {  	s18 =	sld [smem:$0x7F6]  }
0xf2: {  	[sflag:s21] =	ssyncset.done $0x0  }
0xf3: {  	s14 =	rddreg [dreg:$0x6];
	[sflag:s21] =	ssyncadd.s32 $0xFFFFFB1E  }
0xf4: {  	[hbm:s14], [sflag:s10] =	dma.local [spmem:s18], $0x4E2  }
0xf5: {  	_ =	swait.ge [sflag:s21], $0x4E2  }
0xf6: {  	s18 =	sld [smem:$0x7F7]  }
0xf7: {  	[sflag:s21] =	ssyncset.done $0x0  }
0xf8: {  	s14 =	rddreg [dreg:$0x7];
	[sflag:s21] =	ssyncadd.s32 $0xFFFFFB1E  }
0xf9: {  	[hbm:s14], [sflag:s10] =	dma.local [spmem:s18], $0x4E2  }
0xfa: {  	_ =	swait.ge [sflag:s21], $0x4E2  }
0xfb: {  	s18 =	sld [smem:$0x7F8]  }
0xfc: {  	[sflag:s21] =	ssyncset.done $0x0  }
0xfd: {  	s14 =	rddreg [dreg:$0x8];
	[sflag:s21] =	ssyncadd.s32 $0xFFFFFB1E  }
0xfe: {  	[hbm:s14], [sflag:s10] =	dma.local [spmem:s18], $0x4E2  }
0xff: {  	_ =	swait.ge [sflag:s21], $0x4E2  }
0x100: {  	s18 =	sld [smem:$0x7F9]  }
0x101: {  	[sflag:s21] =	ssyncset.done $0x0  }
0x102: {  	s14 =	rddreg [dreg:$0x9];
	[sflag:s21] =	ssyncadd.s32 $0xFFFFFB1E  }
0x103: {  	[hbm:s14], [sflag:s10] =	dma.local [spmem:s18], $0x4E2  }
0x104: {  	_ =	swait.ge [sflag:s21], $0x4E2  }
0x105: {  	s18 =	sld [smem:$0x7FA]  }
0x106: {  	[sflag:s21] =	ssyncset.done $0x0  }
0x107: {  	s14 =	rddreg [dreg:$0xa];
	[sflag:s21] =	ssyncadd.s32 $0xFFFFFB1E  }
0x108: {  	[hbm:s14], [sflag:s10] =	dma.local [spmem:s18], $0x4E2  }
0x109: {  	_ =	swait.ge [sflag:s21], $0x4E2  }
0x10a: {  	s18 =	sld [smem:$0x7FB]  }
0x10b: {  	[sflag:s21] =	ssyncset.done $0x0  }
0x10c: {  	s14 =	rddreg [dreg:$0xb];
	[sflag:s21] =	ssyncadd.s32 $0xFFFFFB1E  }
0x10d: {  	[hbm:s14], [sflag:s10] =	dma.local [spmem:s18], $0x4E2  }
0x10e: {  	_ =	swait.ge [sflag:s21], $0x4E2  }
0x10f: {  	s18 =	sld [smem:$0x7FC]  }
0x110: {  	[sflag:s21] =	ssyncset.done $0x0  }
0x111: {  	s14 =	rddreg [dreg:$0xc];
	[sflag:s21] =	ssyncadd.s32 $0xFFFFFB1E  }
0x112: {  	[hbm:s14], [sflag:s10] =	dma.local [spmem:s18], $0x4E2  }
0x113: {  	_ =	swait.ge [sflag:s21], $0x4E2  }
0x114: {  	s18 =	sld [smem:$0x7FD]  }
0x115: {  	[sflag:s21] =	ssyncset.done $0x0  }
0x116: {  	s14 =	rddreg [dreg:$0xd];
	[sflag:s21] =	ssyncadd.s32 $0xFFFFFB1E  }
0x117: {  	[hbm:s14], [sflag:s10] =	dma.local [spmem:s18], $0x4E2  }
0x118: {  	_ =	swait.ge [sflag:s21], $0x4E2  }
0x119: {  	s2 =	sadd.s32 $0x1, s2;
	s18 =	rddreg [dreg:$0x1e]  }
0x11a: {  	p0 =	sne.s32 s2, s18  }
.Ltmp3:
0x11b: {  	_ = 	snop;
	(pc) =	sbr.rel @p0 .LBB2_1-.Ltmp3, $3  }
0x11c: {  	_ =	sdelay $0x1  }
0x11d: {  	[sflag:s21] =	ssyncset.done $0x0  }
0x11e: {  	[sflag:s21] =	ssyncadd.s32 $0xFFFFFB1E  }
0x11f: {  	_ =	sfence.sel $0x180000  }
0x120: {  	[bflag:$0x0] =	sbarrier.arrive $0xFFFF  }
0x121: {  	_ =	strace $0x9000004D  }
0x122: {  	s0 =	stileid.u32;
	[bflag:$0x2] =	sbarrier.arrive $0xFFFF  }
0x123: {  	p0 =	sne.s32 s0, $0x0;
	s0 =	rddreg [dreg:$0x3]  }
0x124: {  	s0 =	sadd.s32 @!p0 $0x100000, s0  }
0x125: {  	[sflag:s0] =	ssyncadd.tile.s32 @!p0 $0x1;
	_ =	shalt  }
.Lfunc_end2:
_tile_overlayer_lowered:
.L_overlay_start_2:
0x126: {  	(tag) =	ssettag $0x2  }
0x127: {  	s0 =	rddreg [dreg:$0x0];
	s2 =	stileid.u32  }
0x128: {  	s1 =	rddreg [dreg:$0x1];
	p0 =	sne.s32 s2, $0x0  }
0x129: {  	s3 =	rddreg [dreg:$0x2];
	[bflag:$0x3] =	sbarrier.arrive $0xFFFF;
	s2 =	simm.s32 @!p0 $0x1C04  }
0x12a: {  	[timem:s3], [sflag:s2] =	dma.local @!p0 [hbm:s0], s1  }
0x12b: {  	s0 =	simm.s32 @!p0 $0x4  }
0x12c: {  	_ =	swait.ge @!p0 [sflag:s0], s1  }
0x12d: {  	s1 =	ssub.s32 @!p0 $0x0, s1;
	[sflag:s0] =	ssyncset.done @!p0 $0x0  }
0x12e: {  	[sflag:s0] =	ssyncadd.s32 @!p0 s1  }
0x12f: {  	[bflag:$0x3] =	sbarrier.arrive $0xFFFF  }
0x130: {  	_ =	shalt  }

// kernel: kernel.8.cloned.1.call-start
scs
__scs_entry_jumppad:
0x0: {  	(pc) =	sbr.rel $0x88, $3  }
0x1: {  	(tag) =	ssettag $0x0;
	lr =	simm.s32 $0x1  }
0x2: {  	[smem:$0x3F84] =	sst lr;
	_ =	strace $0xD0000000  }
0x3: {  	_ = 	snop  }
0x4: {  	_ = 	snop  }
0x5: {  	_ = 	snop  }
0x6: {  	_ = 	snop  }
0x7: {  	_ = 	snop  }
__scs_overlays_trampoline_lowered:
0x8: {  	[smem:$0x3F93] =	sst s0  }
0x9: {  	[smem:$0x3F94] =	sst s1  }
0xa: {  	[smem:$0x3F95] =	sst s2  }
0xb: {  	[smem:$0x3F96] =	sst s3  }
0xc: {  	[smem:$0x3F97] =	sst s4  }
0xd: {  	[smem:$0x3F98] =	sst s5  }
0xe: {  	[smem:$0x3F99] =	sst s6  }
0xf: {  	[smem:$0x3F9A] =	sst s7  }
0x10: {  	[smem:$0x3F9B] =	sst s8  }
0x11: {  	[smem:$0x3F9C] =	sst s9;
	s0 =	simm.s32 @!p0 $0x0  }
0x12: {  	s1 =	sld [smem:$0x3F82];
	s0 =	simm.s32 @p0 $0x1  }
0x13: {  	[smem:$0x3F9D] =	sst s0;
	s0 =	simm.s32 @!p1 $0x0  }
0x14: {  	s2 =	sld [smem:$0x3F81];
	s0 =	simm.s32 @p1 $0x1  }
0x15: {  	[smem:$0x3F9E] =	sst s0;
	s0 =	simm.s32 @!p2 $0x0  }
0x16: {  	s3 =	sld [smem:$0x3FDB];
	s0 =	simm.s32 @p2 $0x1  }
0x17: {  	s4 =	simm.s32 $0x1BF5;
	[smem:$0x3FA0] =	sst s0  }
0x18: {  	s0 =	sld [smem:$0x3F83];
	_ =	swait.ge [sflag:s4], $0x0  }
0x19: {  	s7 =	sld [smem:$0x3F84]  }
0x1a: {  	s8 =	sadd.s32 $0xFFFFE003, lr  }
0x1b: {  	s9 =	sadd.s32 $0xFFFFFEF7, lr;
	s5 =	simm.s32 $0xFFFFFFFF;
	p2 =	slt.u32 s8, $0xFFFFF086  }
0x1c: {  	p1 =	slt.u32 s9, $0xF7A;
	s5 =	simm.s32 @!p2 $0x0  }
0x1d: {  	s5 =	simm.s32 @p1 $0x1;
	p0 =	seq.s32 s7, s2  }
0x1e: {  	s7 =	smul.u32 @!p0 $0xF7A, s2;
	p2 =	seq.s32 @!p0 s5, $0x0  }
0x1f: {  	s9 =	smul.u32 $0xF7A, s1;
	s8 =	simm.s32 @!p0 $0x1BF5;
	p2 =	por !p2, p0  }
0x20: {  	[sflag:s8] =	ssyncset.s32 @!p0 $0xFFFFF086;
	s6 =	sadd.s32 @!p0 s3, s7;
	s7 =	simm.s32 @!p0 $0x108  }
0x21: {  	s3 =	sadd.s32 s3, s9;
	s6 =	sadd.s32 @!p0 $0x88, s6;
	s7 =	simm.s32 @p2 $0x1082  }
0x22: {  	[simem:s7], [sflag:s8] =	dma.local @!p0 [hbm:s6], $0xF7A  }
0x23: {  	s9 =	sor.u32 $0xD0000000, s2;
	s6 =	simm.s32 $0x108;
	_ =	swait.ge @!p0 [sflag:s8], $0x0  }
0x24: {  	s3 =	sadd.s32 $0x88, s3;
	s6 =	simm.s32 @!p1 $0x1082;
	[sflag:s4] =	ssyncset.s32 $0xFFFFF086  }
0x25: {  	[simem:s6], [sflag:s4] =	dma.local [hbm:s3], $0xF7A  }
0x26: {  	[smem:$0x3F84] =	sst s1;
	(tag) =	ssettag s2;
	_ =	strace s9  }
0x27: {  	s1 =	sld [smem:$0x3F94]  }
0x28: {  	s2 =	sld [smem:$0x3F95]  }
0x29: {  	s4 =	sld [smem:$0x3F97]  }
0x2a: {  	p0 =	seq.s32 s5, $0x0;
	s5 =	sld [smem:$0x3F98]  }
0x2b: {  	s6 =	sld [smem:$0x3F99]  }
0x2c: {  	s7 =	sld [smem:$0x3F9A]  }
0x2d: {  	s3 =	simm.s32 $0x108;
	s8 =	sld [smem:$0x3F9B]  }
0x2e: {  	s3 =	simm.s32 @!p0 $0x1082;
	s9 =	sld [smem:$0x3F9C]  }
0x2f: {  	lr =	sadd.s32 s0, s3;
	s0 =	sld [smem:$0x3F93]  }
0x30: {  	s3 =	sld [smem:$0x3F96]  }
0x31: {  	[smem:$0x3F9F] =	sst s10  }
0x32: {  	s10 =	sld [smem:$0x3F9D];
	_ =	sdelay $0x3  }
0x33: {  	p0 =	seq.s32 s10, $0x1;
	s10 =	sld [smem:$0x3F9F];
	_ =	sdelay $0x3  }
0x34: {  	[smem:$0x3F9F] =	sst s10  }
0x35: {  	s10 =	sld [smem:$0x3F9E];
	_ =	sdelay $0x3  }
0x36: {  	p1 =	seq.s32 s10, $0x1;
	s10 =	sld [smem:$0x3F9F];
	_ =	sdelay $0x3  }
0x37: {  	[smem:$0x3F9F] =	sst s10  }
0x38: {  	s10 =	sld [smem:$0x3FA0]  }
0x39: {  	_ = 	snop;
	(pc) =	sbr.ind lr, $3  }
0x3a: {  	_ = 	snop  }
0x3b: {  	_ = 	snop  }
0x3c: {  	p2 =	seq.s32 s10, $0x1;
	s10 =	sld [smem:$0x3F9F]  }
0x3d: {  	_ =	shalt  }
0x3e: {  	_ =	shalt  }
0x3f: {  	_ =	shalt  }
0x40: {  	_ =	shalt  }
0x41: {  	_ =	shalt  }
0x42: {  	_ =	shalt  }
0x43: {  	_ =	shalt  }
0x44: {  	_ =	shalt  }
0x45: {  	_ =	shalt  }
0x46: {  	_ =	shalt  }
0x47: {  	_ =	shalt  }
0x48: {  	_ =	shalt  }
0x49: {  	_ =	shalt  }
0x4a: {  	_ =	shalt  }
0x4b: {  	_ =	shalt  }
0x4c: {  	_ =	shalt  }
0x4d: {  	_ =	shalt  }
0x4e: {  	_ =	shalt  }
0x4f: {  	_ =	shalt  }
0x50: {  	_ =	shalt  }
0x51: {  	_ =	shalt  }
0x52: {  	_ =	shalt  }
0x53: {  	_ =	shalt  }
0x54: {  	_ =	shalt  }
0x55: {  	_ =	shalt  }
0x56: {  	_ =	shalt  }
0x57: {  	_ =	shalt  }
0x58: {  	_ =	shalt  }
0x59: {  	_ =	shalt  }
0x5a: {  	_ =	shalt  }
0x5b: {  	_ =	shalt  }
0x5c: {  	_ =	shalt  }
0x5d: {  	_ =	shalt  }
0x5e: {  	_ =	shalt  }
0x5f: {  	_ =	shalt  }
0x60: {  	_ =	shalt  }
0x61: {  	_ =	shalt  }
0x62: {  	_ =	shalt  }
0x63: {  	_ =	shalt  }
0x64: {  	_ =	shalt  }
0x65: {  	_ =	shalt  }
0x66: {  	_ =	shalt  }
0x67: {  	_ =	shalt  }
0x68: {  	_ =	shalt  }
0x69: {  	_ =	shalt  }
0x6a: {  	_ =	shalt  }
0x6b: {  	_ =	shalt  }
0x6c: {  	_ =	shalt  }
0x6d: {  	_ =	shalt  }
0x6e: {  	_ =	shalt  }
0x6f: {  	_ =	shalt  }
0x70: {  	_ =	shalt  }
0x71: {  	_ =	shalt  }
0x72: {  	_ =	shalt  }
0x73: {  	_ =	shalt  }
0x74: {  	_ =	shalt  }
0x75: {  	_ =	shalt  }
0x76: {  	_ =	shalt  }
0x77: {  	_ =	shalt  }
0x78: {  	_ =	shalt  }
0x79: {  	_ =	shalt  }
0x7a: {  	_ =	shalt  }
0x7b: {  	_ =	shalt  }
0x7c: {  	_ =	shalt  }
0x7d: {  	_ =	shalt  }
0x7e: {  	_ =	shalt  }
0x7f: {  	_ =	shalt  }
0x80: {  	_ =	shalt  }
0x81: {  	_ =	shalt  }
0x82: {  	_ =	shalt  }
0x83: {  	_ =	shalt  }
0x84: {  	_ =	shalt  }
0x85: {  	_ =	shalt  }
0x86: {  	_ =	shalt  }
0x87: {  	_ =	shalt  }
.Lfunc_end0:
.L_simem_size_0:
called_computation_lowered:
.L_overlay_start_0:
0x88: {  	s2 =	sld [smem:$0x3FD9]  }
0x89: {  	s3 =	sld [smem:$0x3FFE];
	_ =	sdelay $0x1  }
0x8a: {  	s1 =	srdreg.scid  }
0x8b: {  	s0 =	sand.u32 $0x1, s1  }
0x8c: {  	s17 =	sshll.u32 s0, $0xA;
	s2 =	sadd.s32 s3, s2  }
0x8d: {  	s2 =	sadd.s32 s2, s17  }
0x8e: {  	[smem:$0x3FAB] =	sst s2  }
0x8f: {  	_ = 	snop  }
0x90: {  	(tm) =	ssettm $0x1  }
0x91: {  	s18 =	sld [smem:$0x3FFB];
	_ =	sdelay $0x3  }
0x92: {  	_ =	strace s18  }
0x93: {  	s2 =	sld [smem:$0x3FFC];
	_ =	sdelay $0x3  }
0x94: {  	_ =	strace s2  }
0x95: {  	s2 =	sld [smem:$0x3FFD];
	_ =	sdelay $0x3  }
0x96: {  	_ =	strace s2  }
0x97: {  	_ =	strace $0x8FFFFFFF  }
0x98: {  	s19 =	sld [smem:$0x3FDB];
	_ =	sdelay $0x1  }
0x99: {  	s20 =	simm.s32 $_scs_section_size  }
0x9a: {  	s4 =	simm.s32 $_size__tile_overlayer_lowered;
	s5 =	simm.s32 $_tile_overlayer_lowered  }
0x9b: {  	s6 =	simm.s32 $0x1BFF;
	s21 =	sshll.u32 s5, $0x1;
	s3 =	sadd.s32 s20, s19  }
0x9c: {  	s22 =	simm.s32 $0x0;
	s4 =	sshll.u32 s4, $0x1;
	s5 =	sadd.s32 s21, s3  }
0x9d: {  	[timem:s22], [sflag:s6] =	dma.local [hbm:s5], s4  }
0x9e: {  	_ =	swait.ge [sflag:s6], s4  }
0x9f: {  	s4 =	ssub.s32 $0x0, s4;
	[sflag:s6] =	ssyncset.done $0x0  }
0xa0: {  	[sflag:s6] =	ssyncadd.s32 s4;
	_ =	sdelay $0x1  }
0xa1: {  	s23 =	simm.s32 $0x1B8B  }
0xa2: {  	_ =	swait.ge [sflag:s23], $0x1  }
0xa3: {  	[sflag:s23] =	ssyncset.done $0x0  }
0xa4: {  	[sflag:s23] =	ssyncadd.s32 $0xFFFFFFFF  }
0xa5: {  	s4 =	sld [smem:$0x0]  }
0xa6: {  	s5 =	sand.u32 $0xFFFFFFFE, s1  }
0xa7: {  	p0 =	sne.s32 s1, s5  }
0xa8: {  	s5 =	sshll.u32 @p0 s5, $0xE  }
0xa9: {  	s5 =	sadd.s32 @p0 $0x11B8D, s5;
	s6 =	sshll.u32 @p0 s4, $0x11  }
0xaa: {  	s5 =	sor.u32 @p0 s6, s5  }
0xab: {  	[sflag:s5] =	ssyncadd.remote.s32 @p0 $0x1;
	_ =	sdelay $0x1  }
0xac: {  	s5 =	simm.s32 @p0 $0x1B8D  }
0xad: {  	_ =	swait.eq @p0 [sflag:s5], $0x1  }
0xae: {  	[sflag:s5] =	ssyncadd.s32 @p0 $0xFFFFFFFF  }
0xaf: {  	s6 =	sshll.u32 @!p0 s1, $0xE  }
0xb0: {  	s6 =	sor.u32 @!p0 $0x4000, s6;
	s5 =	simm.s32 @!p0 $0x1B8D  }
0xb1: {  	s4 =	sshll.u32 @!p0 s4, $0x11;
	s6 =	sadd.s32 @!p0 $0x11B8D, s6;
	_ =	swait.eq @!p0 [sflag:s5], $0x1  }
0xb2: {  	s4 =	sor.u32 @!p0 s4, s6;
	[sflag:s5] =	ssyncadd.s32 @!p0 $0xFFFFFFFF  }
0xb3: {  	s25 =	simm.s32 $0x1B8E;
	s24 =	sld [smem:$0x3FFE];
	[sflag:s4] =	ssyncadd.remote.s32 @!p0 $0x1  }
0xb4: {  	s26 =	simm.s32 $execute0_lowered;
	[smem:$0x3FD2] =	sst s25  }
0xb5: {  	s5 =	sshll.u32 s26, $0x1;
	_ =	strace $0x80000049;
	[dreg:$0x1] =	wrdreg $0xFFFFFFFF  }
0xb6: {  	s28 =	simm.s32 $_size_execute0_lowered;
	s3 =	sadd.s32 s3, s5;
	[dreg:$0x0] =	wrdreg $0x0  }
0xb7: {  	s5 =	sshll.u32 s28, $0x1;
	[dreg:$0x2] =	wrdreg s3  }
0xb8: {  	[dreg:$0x3] =	wrdreg s5  }
0xb9: {  	[dreg:$0x4] =	wrdreg $0xC0  }
0xba: {  	_ =	task [dreg:s22], $0x5FFFF  }
0xbb: {  	[dreg:$0x1] =	wrdreg $0xFFFFFFFF  }
0xbc: {  	[dreg:$0x0] =	wrdreg $0x60  }
0xbd: {  	[dreg:$0x2] =	wrdreg s24  }
0xbe: {  	[dreg:$0x3] =	wrdreg $0x0  }
0xbf: {  	[dreg:$0x4] =	wrdreg $0x9  }
0xc0: {  	_ =	task.clear_ibuf [dreg:s22], $0x5FFFF;
	_ =	strace $0x90000049  }
0xc1: {  	s29 =	simm.s32 $0x9;
	_ =	strace $0x8000004B  }
0xc2: {  	_ =	swait.ge [sflag:s29], $0x1  }
0xc3: {  	[sflag:s29] =	ssyncadd.s32 $0xFFFFFFFF  }
0xc4: {  	_ =	strace $0x9000004B  }
0xc5: {  	_ =	sfence  }
0xc6: {  	s30 =	sld [smem:$0x0];
	_ =	sdelay $0x2  }
0xc7: {  	s31 =	sshll.u32 s1, $0xD;
	s1 =	sshrl.u32 s1, $0x2  }
0xc8: {  	s4 =	sand.u32 $0x4000, s31;
	s1 =	sadd.s32 s1, s30  }
0xc9: {  	s0 =	sor.u32 s4, s0;
	s1 =	sshll.u32 s1, $0x11  }
0xca: {  	s0 =	sor.u32 s1, s0  }
0xcb: {  	s0 =	sadd.s32 $0x8F2B, s0  }
0xcc: {  	[sflag:s0] =	ssyncadd.remote.s32 $0x1  }
0xcd: {  	_ =	sfence.sel $0xFFFF  }
0xce: {  	[dreg:$0x0] =	wrdreg $0xFFFFFFFF;
	(pc) =	sbr.abs _section_cstart, $3  }
0xcf: {  	[dreg:$0x1] =	wrdreg $0xFFFFFFFF  }
0xd0: {  	_ =	task.clear_ibuf [dreg:s22], $0x2FFFF;
	_ =	strace $0x9FFFFFFF  }
0xd1: {  	(tm) =	ssettm $0x7FFFFFFF  }
tec
execute0_lowered:
.L_overlay_start_1:
0x0: {  	(tag) =	ssettag $0x1  }
0x1: {  	s8 =	stileid.u32  }
0x2: {  	s0 =	srdreg.scid;
	s2 =	smul.u32 $0x2710, s8  }
0x3: {  	s0 =	sand.u32 $0x1, s0;
	s7 =	smul.u32 $0x4E20, s8  }
0x4: {  	s1 =	smul.u32 $0x27100, s0  }
0x5: {  	s20 =	smul.u32 $0x13880, s8  }
0x6: {  	s5 =	smul.u32 $0x9C40, s0;
	s0 =	ssub.s32 $0x2, s0;
	s1 =	sadd.s32 s2, s1  }
0x7: {  	s3 =	rddreg [dreg:$0x0];
	s6 =	sshrl.u32 s0, $0x1;
	s1 =	smulhi.u32 $0xCCCCCCCD, s1  }
0x8: {  	s24 =	sadd.s32 $0x7D0, s7;
	s25 =	sshrl.u32 s7, $0x3;
	s10 =	sadd.s32 $0xFA0, s7  }
0x9: {  	s12 =	sadd.s32 $0x1770, s7;
	s13 =	sadd.s32 $0x1F40, s7;
	s4 =	sshrl.u32 s1, $0x6  }
0xa: {  	s16 =	sadd.s32 $0x2710, s7;
	s22 =	sshrl.u32 s20, $0x2;
	s4 =	smul.u32 $0x50, s4  }
0xb: {  	s2 =	simm.s32 $0x0;
	s0 =	ssub.s32 s0, s6;
	[dreg:$0x12] =	wrdreg s24  }
0xc: {  	s9 =	sshrl.u32 s24, $0x3;
	s11 =	sshrl.u32 s10, $0x3;
	s4 =	sshrl.u32 s4, $0x3  }
0xd: {  	[smem:$0x7FF] =	sst s2;
	s31 =	sadd.s32 s4, s3;
	s3 =	sadd.s32 s5, s3  }
0xe: {  	s14 =	sshrl.u32 s12, $0x3;
	[dreg:$0x11] =	wrdreg s0;
	s3 =	sadd.s32 $0xA0400, s3  }
0xf: {  	s15 =	sshrl.u32 s13, $0x3;
	s1 =	rddreg [dreg:$0x1];
	s8 =	sadd.s32 s25, s3  }
0x10: {  	s17 =	sshrl.u32 s16, $0x3;
	s26 =	sadd.s32 s9, s3;
	[dreg:$0x3] =	wrdreg s8  }
0x11: {  	s6 =	sadd.s32 $0x2EE0, s7;
	s9 =	sadd.s32 s11, s3;
	[dreg:$0x4] =	wrdreg s26  }
0x12: {  	s18 =	sshrl.u32 s6, $0x3;
	s11 =	sadd.s32 s14, s3;
	[dreg:$0x5] =	wrdreg s9  }
0x13: {  	s4 =	sadd.s32 $0x36B0, s7;
	s14 =	sadd.s32 s15, s3;
	[dreg:$0x6] =	wrdreg s11  }
0x14: {  	s5 =	sadd.s32 $0x3E80, s7;
	s15 =	sadd.s32 s17, s3;
	[dreg:$0x7] =	wrdreg s14  }
0x15: {  	s19 =	sshrl.u32 s4, $0x3;
	s17 =	sadd.s32 s18, s3;
	[dreg:$0x8] =	wrdreg s15  }
0x16: {  	s21 =	sshrl.u32 s5, $0x3;
	s18 =	sadd.s32 s19, s3;
	[dreg:$0x9] =	wrdreg s17  }
0x17: {  	s0 =	sadd.s32 $0x4650, s7;
	s19 =	sadd.s32 s21, s3;
	[dreg:$0xa] =	wrdreg s18  }
0x18: {  	s31 =	sadd.s32 $0x34A00, s31;
	s21 =	sshrl.u32 s0, $0x3;
	[dreg:$0xb] =	wrdreg s19  }
0x19: {  	s3 =	sadd.s32 s21, s3;
	s14 =	sadd.s32 s7, s1;
	s8 =	sadd.s32 s10, s1  }
0x1a: {  	s10 =	sadd.s32 s12, s1;
	s11 =	sadd.s32 s13, s1;
	s12 =	sadd.s32 s16, s1  }
0x1b: {  	s13 =	sadd.s32 s6, s1;
	s15 =	sadd.s32 s4, s1;
	s16 =	sadd.s32 s5, s1  }
0x1c: {  	s17 =	sadd.s32 s0, s1;
	[dreg:$0xc] =	wrdreg s3;
	s3 =	sadd.s32 s22, s1  }
0x1d: {  	s4 =	sshrl.u32 s10, $0x3;
	s5 =	sshrl.u32 s11, $0x3;
	s6 =	sshrl.u32 s12, $0x3  }
0x1e: {  	s10 =	sshrl.u32 s16, $0x3;
	s11 =	sshrl.u32 s17, $0x3;
	s12 =	simm.s32 $0x7530  }
0x1f: {  	_ =	strace $0x8000004A;
	s23 =	sadd.s32 $0x500, s3;
	s24 =	sadd.s32 $0xA00, s3  }
0x20: {  	s25 =	sadd.s32 $0xF00, s3;
	s26 =	sadd.s32 $0x1400, s3;
	[dreg:$0xd] =	wrdreg s23  }
0x21: {  	s19 =	sadd.s32 $0x1900, s3;
	s20 =	sadd.s32 $0x1E00, s3;
	[dreg:$0xe] =	wrdreg s24  }
0x22: {  	s21 =	sadd.s32 $0x2300, s3;
	s22 =	sadd.s32 $0x2800, s3;
	[dreg:$0xf] =	wrdreg s25  }
0x23: {  	s28 =	sadd.s32 $0x4100, s3;
	s29 =	sadd.s32 $0x4600, s3;
	[dreg:$0x10] =	wrdreg s26  }
0x24: {  	s30 =	sadd.s32 $0x4B00, s3;
	s23 =	sadd.s32 $0x2D00, s3;
	s7 =	rddreg [dreg:$0x12]  }
0x25: {  	s24 =	sadd.s32 $0x3200, s3;
	s25 =	sadd.s32 $0x3700, s3;
	s18 =	rddreg [dreg:$0x11]  }
0x26: {  	s26 =	sadd.s32 $0x3C00, s3;
	s3 =	sadd.s32 s7, s1;
	s9 =	smax.u32 s18, $0x1  }
0x27: {  	s7 =	sshrl.u32 s13, $0x3;
	s13 =	simm.s32 $0x1;
	s0 =	sshrl.u32 s3, $0x3  }
0x28: {  	v0 =	vimm.f32 $0.0e+00;
	v1 =	vimm.f32 $1.000000000e+00;
	s3 =	sshrl.u32 s8, $0x3;
	s8 =	sshrl.u32 s15, $0x3;
	s15 =	simm.s32 $0x50  }
.LBB2_1:
0x29: {  	s16 =	simm.s32 $0x40;
	s17 =	simm.s32 $0x0  }
.LBB2_2:
0x2a: {  	p0 =	sne.s32 s16, $0x13C0;
	[tilespmem:s17+$0x7530] =	vst v0;
	s17 =	smov.u32 s16;
	s16 =	sadd.s32 $0x40, s16  }
.Ltmp0:
0x2b: {  	(pc) =	sbr.rel @p0 .LBB2_2-.Ltmp0, $2  }
0x2c: {  	_ =	sdelay $0x2  }
0x2d: {  	s17 =	sshra.s32 s17, $0x2  }
0x2e: {  	[tilespmem:s17+$0x7530] =	vst v0  }
0x2f: {  	[spmem:s14] =	stream.linear.scatter [tilespmem:s12], [sflag:$0x1], $0x500, $0x38;
	[tilespmem:$0x7A30] =	vst v63  }
0x30: {  	_ =	swait.ge [sflag:s13], $0x500  }
0x31: {  	[sflag:s13] =	ssyncset.done $0x0  }
0x32: {  	s16 =	rddreg [dreg:$0xd];
	[sflag:s13] =	ssyncadd.s32 $0xFFFFFB00  }
0x33: {  	[spmem:s16] =	stream.linear.scatter [tilespmem:s12], [sflag:$0x1], $0x500, $0x38;
	[tilespmem:$0x7A30] =	vst v63  }
0x34: {  	_ =	swait.ge [sflag:s13], $0x500  }
0x35: {  	[sflag:s13] =	ssyncset.done $0x0  }
0x36: {  	s18 =	rddreg [dreg:$0xe];
	[sflag:s13] =	ssyncadd.s32 $0xFFFFFB00  }
0x37: {  	[spmem:s18] =	stream.linear.scatter [tilespmem:s12], [sflag:$0x1], $0x500, $0x38;
	[tilespmem:$0x7A30] =	vst v63  }
0x38: {  	_ =	swait.ge [sflag:s13], $0x500  }
0x39: {  	[sflag:s13] =	ssyncset.done $0x0  }
0x3a: {  	s17 =	rddreg [dreg:$0xf];
	[sflag:s13] =	ssyncadd.s32 $0xFFFFFB00  }
0x3b: {  	[spmem:s17] =	stream.linear.scatter [tilespmem:s12], [sflag:$0x1], $0x500, $0x38;
	[tilespmem:$0x7A30] =	vst v63  }
0x3c: {  	_ =	swait.ge [sflag:s13], $0x500  }
0x3d: {  	[sflag:s13] =	ssyncset.done $0x0  }
0x3e: {  	s18 =	rddreg [dreg:$0x10];
	[sflag:s13] =	ssyncadd.s32 $0xFFFFFB00  }
0x3f: {  	[spmem:s18] =	stream.linear.scatter [tilespmem:s12], [sflag:$0x1], $0x500, $0x38;
	[tilespmem:$0x7A30] =	vst v63  }
0x40: {  	_ =	swait.ge [sflag:s13], $0x500  }
0x41: {  	[sflag:s13] =	ssyncset.done $0x0  }
0x42: {  	[sflag:s13] =	ssyncadd.s32 $0xFFFFFB00  }
0x43: {  	[spmem:s19] =	stream.linear.scatter [tilespmem:s12], [sflag:$0x1], $0x500, $0x38;
	[tilespmem:$0x7A30] =	vst v63  }
0x44: {  	_ =	swait.ge [sflag:s13], $0x500  }
0x45: {  	[sflag:s13] =	ssyncset.done $0x0  }
0x46: {  	[sflag:s13] =	ssyncadd.s32 $0xFFFFFB00  }
0x47: {  	[spmem:s20] =	stream.linear.scatter [tilespmem:s12], [sflag:$0x1], $0x500, $0x38;
	[tilespmem:$0x7A30] =	vst v63  }
0x48: {  	_ =	swait.ge [sflag:s13], $0x500  }
0x49: {  	[sflag:s13] =	ssyncset.done $0x0  }
0x4a: {  	[sflag:s13] =	ssyncadd.s32 $0xFFFFFB00  }
0x4b: {  	[spmem:s21] =	stream.linear.scatter [tilespmem:s12], [sflag:$0x1], $0x500, $0x38;
	[tilespmem:$0x7A30] =	vst v63  }
0x4c: {  	_ =	swait.ge [sflag:s13], $0x500  }
0x4d: {  	[sflag:s13] =	ssyncset.done $0x0  }
0x4e: {  	[sflag:s13] =	ssyncadd.s32 $0xFFFFFB00  }
0x4f: {  	[spmem:s22] =	stream.linear.scatter [tilespmem:s12], [sflag:$0x1], $0x500, $0x38;
	[tilespmem:$0x7A30] =	vst v63  }
0x50: {  	_ =	swait.ge [sflag:s13], $0x500  }
0x51: {  	[sflag:s13] =	ssyncset.done $0x0  }
0x52: {  	[sflag:s13] =	ssyncadd.s32 $0xFFFFFB00  }
0x53: {  	[spmem:s23] =	stream.linear.scatter [tilespmem:s12], [sflag:$0x1], $0x500, $0x38;
	[tilespmem:$0x7A30] =	vst v63  }
0x54: {  	_ =	swait.ge [sflag:s13], $0x500  }
0x55: {  	[sflag:s13] =	ssyncset.done $0x0  }
0x56: {  	[sflag:s13] =	ssyncadd.s32 $0xFFFFFB00  }
0x57: {  	[spmem:s24] =	stream.linear.scatter [tilespmem:s12], [sflag:$0x1], $0x500, $0x38;
	[tilespmem:$0x7A30] =	vst v63  }
0x58: {  	_ =	swait.ge [sflag:s13], $0x500  }
0x59: {  	[sflag:s13] =	ssyncset.done $0x0  }
0x5a: {  	[sflag:s13] =	ssyncadd.s32 $0xFFFFFB00  }
0x5b: {  	[spmem:s25] =	stream.linear.scatter [tilespmem:s12], [sflag:$0x1], $0x500, $0x38;
	[tilespmem:$0x7A30] =	vst v63  }
0x5c: {  	_ =	swait.ge [sflag:s13], $0x500  }
0x5d: {  	[sflag:s13] =	ssyncset.done $0x0  }
0x5e: {  	[sflag:s13] =	ssyncadd.s32 $0xFFFFFB00  }
0x5f: {  	[spmem:s26] =	stream.linear.scatter [tilespmem:s12], [sflag:$0x1], $0x500, $0x38;
	[tilespmem:$0x7A30] =	vst v63  }
0x60: {  	_ =	swait.ge [sflag:s13], $0x500  }
0x61: {  	[sflag:s13] =	ssyncset.done $0x0  }
0x62: {  	[sflag:s13] =	ssyncadd.s32 $0xFFFFFB00  }
0x63: {  	[spmem:s28] =	stream.linear.scatter [tilespmem:s12], [sflag:$0x1], $0x500, $0x38;
	[tilespmem:$0x7A30] =	vst v63  }
0x64: {  	_ =	swait.ge [sflag:s13], $0x500  }
0x65: {  	[sflag:s13] =	ssyncset.done $0x0  }
0x66: {  	[sflag:s13] =	ssyncadd.s32 $0xFFFFFB00  }
0x67: {  	[spmem:s29] =	stream.linear.scatter [tilespmem:s12], [sflag:$0x1], $0x500, $0x38;
	[tilespmem:$0x7A30] =	vst v63  }
0x68: {  	_ =	swait.ge [sflag:s13], $0x500  }
0x69: {  	[sflag:s13] =	ssyncset.done $0x0  }
0x6a: {  	[sflag:s13] =	ssyncadd.s32 $0xFFFFFB00  }
0x6b: {  	[spmem:s30] =	stream.linear.scatter [tilespmem:s12], [sflag:$0x1], $0x320, $0x38;
	[tilespmem:$0x7A30] =	vst v63  }
0x6c: {  	_ =	swait.ge [sflag:s13], $0x320  }
0x6d: {  	[sflag:s13] =	ssyncset.done $0x0  }
0x6e: {  	s16 =	simm.s32 $0x40;
	s17 =	simm.s32 $0x0;
	[sflag:s13] =	ssyncadd.s32 $0xFFFFFCE0  }
.LBB2_4:
0x6f: {  	p0 =	sne.s32 s16, $0x13C0;
	[tilespmem:s17+$0x7530] =	vst v1;
	s17 =	smov.u32 s16;
	s16 =	sadd.s32 $0x40, s16  }
.Ltmp1:
0x70: {  	(pc) =	sbr.rel @p0 .LBB2_4-.Ltmp1, $2  }
0x71: {  	_ =	sdelay $0x2  }
0x72: {  	s17 =	sshra.s32 s17, $0x2  }
0x73: {  	[tilespmem:s17+$0x7530] =	vst v1  }
0x74: {  	s16 =	simm.s32 $0x0;
	s18 =	simm.s32 $0x4E20;
	[bflag:$0x0] =	sbarrier.arrive $0xFFFF  }
0x75: {  	[tilespmem:s18], [sflag:$0x1] =	stream.linear.gather [hbm4b:s31+s16], $0x2710, $0x38;
	[tilespmem:$0x7A30] =	vst v63  }
0x76: {  	_ =	swait.ge [sflag:s13], $0x2710  }
0x77: {  	[sflag:s13] =	ssyncset.done $0x0  }
0x78: {  	s18 =	simm.s32 $0x4E20;
	[sflag:s13] =	ssyncadd.s32 $0xFFFFD8F0  }
0x79: {  	[spmem:s1] =	stream.indirect.scatter.add.f32 [tilespmem:s12], [sflag:$0x1], $0x10, s18, s15, $0xb8;
	[tilespmem:$0x7A30] =	vst v63  }
0x7a: {  	s16 =	simm.s32 $0x140;
	_ =	swait.ge [sflag:s13], $0x500  }
.LBB2_6:
0x7b: {  	s17 =	sshra.s32 s16, $0x2;
	[sflag:s13] =	ssyncset.done $0x0;
	p0 =	sne.s32 s16, $0x9B00  }
.Ltmp2:
0x7c: {  	s17 =	sadd.s32 $0x4E20, s17;
	[sflag:s13] =	ssyncadd.s32 $0xFFFFFB00;
	(pc) =	sbr.rel @p0 .LBB2_6-.Ltmp2, $3  }
0x7d: {  	[spmem:s1] =	stream.indirect.scatter.add.f32 [tilespmem:s12], [sflag:$0x1], $0x10, s17, s15, $0xb8;
	[tilespmem:$0x7A30] =	vst v63  }
0x7e: {  	s16 =	sadd.s32 $0x140, s16;
	_ =	sdelay $0x1  }
0x7f: {  	_ =	swait.ge [sflag:s13], $0x500  }
0x80: {  	[sflag:s13] =	ssyncset.done $0x0  }
0x81: {  	s16 =	stileid.u32;
	[sflag:s13] =	ssyncadd.s32 $0xFFFFFB00  }
0x82: {  	s16 =	sshll.u32 s16, $0x6;
	[bflag:$0x0] =	sbarrier.arrive $0xFFFF  }
0x83: {  	s17 =	sshrl.u32 s14, $0x3;
	s16 =	sor.u32 $0x1C01, s16;
	s18 =	rddreg [dreg:$0x3]  }
0x84: {  	[hbm:s18], [sflag:s16] =	dma.local [spmem:s17], $0xFA  }
0x85: {  	_ =	swait.ge [sflag:s13], $0xFA  }
0x86: {  	[sflag:s13] =	ssyncset.done $0x0  }
0x87: {  	s18 =	rddreg [dreg:$0x4];
	[sflag:s13] =	ssyncadd.s32 $0xFFFFFF06  }
0x88: {  	[hbm:s18], [sflag:s16] =	dma.local [spmem:s0], $0xFA  }
0x89: {  	_ =	swait.ge [sflag:s13], $0xFA  }
0x8a: {  	[sflag:s13] =	ssyncset.done $0x0  }
0x8b: {  	s18 =	rddreg [dreg:$0x5];
	[sflag:s13] =	ssyncadd.s32 $0xFFFFFF06  }
0x8c: {  	[hbm:s18], [sflag:s16] =	dma.local [spmem:s3], $0xFA  }
0x8d: {  	_ =	swait.ge [sflag:s13], $0xFA  }
0x8e: {  	[sflag:s13] =	ssyncset.done $0x0  }
0x8f: {  	s18 =	rddreg [dreg:$0x6];
	[sflag:s13] =	ssyncadd.s32 $0xFFFFFF06  }
0x90: {  	[hbm:s18], [sflag:s16] =	dma.local [spmem:s4], $0xFA  }
0x91: {  	_ =	swait.ge [sflag:s13], $0xFA  }
0x92: {  	[sflag:s13] =	ssyncset.done $0x0  }
0x93: {  	s18 =	rddreg [dreg:$0x7];
	[sflag:s13] =	ssyncadd.s32 $0xFFFFFF06  }
0x94: {  	[hbm:s18], [sflag:s16] =	dma.local [spmem:s5], $0xFA  }
0x95: {  	_ =	swait.ge [sflag:s13], $0xFA  }
0x96: {  	[sflag:s13] =	ssyncset.done $0x0  }
0x97: {  	s18 =	rddreg [dreg:$0x8];
	[sflag:s13] =	ssyncadd.s32 $0xFFFFFF06  }
0x98: {  	[hbm:s18], [sflag:s16] =	dma.local [spmem:s6], $0xFA  }
0x99: {  	_ =	swait.ge [sflag:s13], $0xFA  }
0x9a: {  	[sflag:s13] =	ssyncset.done $0x0  }
0x9b: {  	s18 =	rddreg [dreg:$0x9];
	[sflag:s13] =	ssyncadd.s32 $0xFFFFFF06  }
0x9c: {  	[hbm:s18], [sflag:s16] =	dma.local [spmem:s7], $0xFA  }
0x9d: {  	_ =	swait.ge [sflag:s13], $0xFA  }
0x9e: {  	[sflag:s13] =	ssyncset.done $0x0  }
0x9f: {  	s18 =	rddreg [dreg:$0xa];
	[sflag:s13] =	ssyncadd.s32 $0xFFFFFF06  }
0xa0: {  	[hbm:s18], [sflag:s16] =	dma.local [spmem:s8], $0xFA  }
0xa1: {  	_ =	swait.ge [sflag:s13], $0xFA  }
0xa2: {  	[sflag:s13] =	ssyncset.done $0x0  }
0xa3: {  	s18 =	rddreg [dreg:$0xb];
	[sflag:s13] =	ssyncadd.s32 $0xFFFFFF06  }
0xa4: {  	[hbm:s18], [sflag:s16] =	dma.local [spmem:s10], $0xFA  }
0xa5: {  	s2 =	sadd.s32 $0x1, s2;
	_ =	swait.ge [sflag:s13], $0xFA  }
0xa6: {  	p0 =	sne.s32 s2, s9;
	[sflag:s13] =	ssyncset.done $0x0  }
.Ltmp3:
0xa7: {  	s18 =	rddreg [dreg:$0xc];
	[sflag:s13] =	ssyncadd.s32 $0xFFFFFF06;
	(pc) =	sbr.rel @p0 .LBB2_1-.Ltmp3, $4  }
0xa8: {  	[hbm:s18], [sflag:s16] =	dma.local [spmem:s11], $0xFA  }
0xa9: {  	_ =	swait.ge [sflag:s13], $0xFA  }
0xaa: {  	[sflag:s13] =	ssyncset.done $0x0  }
0xab: {  	[sflag:s13] =	ssyncadd.s32 $0xFFFFFF06  }
0xac: {  	_ =	sfence.sel $0x180000  }
0xad: {  	[bflag:$0x0] =	sbarrier.arrive $0xFFFF  }
0xae: {  	_ =	strace $0x9000004A  }
0xaf: {  	s0 =	stileid.u32;
	[bflag:$0x2] =	sbarrier.arrive $0xFFFF  }
0xb0: {  	p0 =	sne.s32 s0, $0x0;
	s0 =	rddreg [dreg:$0x2]  }
0xb1: {  	s0 =	sadd.s32 @!p0 $0x100000, s0  }
0xb2: {  	[sflag:s0] =	ssyncadd.tile.s32 @!p0 $0x1;
	_ =	shalt  }
.Lfunc_end2:
_tile_overlayer_lowered:
.L_overlay_start_2:
0xb3: {  	(tag) =	ssettag $0x2  }
0xb4: {  	s0 =	rddreg [dreg:$0x0];
	s2 =	stileid.u32  }
0xb5: {  	s1 =	rddreg [dreg:$0x1];
	p0 =	sne.s32 s2, $0x0  }
0xb6: {  	s3 =	rddreg [dreg:$0x2];
	[bflag:$0x3] =	sbarrier.arrive $0xFFFF;
	s2 =	simm.s32 @!p0 $0x1C01  }
0xb7: {  	[timem:s3], [sflag:s2] =	dma.local @!p0 [hbm:s0], s1  }
0xb8: {  	s0 =	simm.s32 @!p0 $0x1  }
0xb9: {  	_ =	swait.ge @!p0 [sflag:s0], s1  }
0xba: {  	s1 =	ssub.s32 @!p0 $0x0, s1;
	[sflag:s0] =	ssyncset.done @!p0 $0x0  }
0xbb: {  	[sflag:s0] =	ssyncadd.s32 @!p0 s1  }
0xbc: {  	[bflag:$0x3] =	sbarrier.arrive $0xFFFF  }
0xbd: {  	_ =	shalt  }

</sc_bundles>
